<compile_context>
chip_gen: v7x
topology: tpu7x:2x2x1
jax: 0.10.2.dev20260603
libtpu: 0.0.44.dev20260713+nightly
codegen_flags: <defaults>
</compile_context>

<pallas_src>
import functools

import jax
import jax.numpy as jnp
from jax import lax
from jax.experimental import pallas as pl
from jax.experimental.pallas import tpu as pltpu
from jax.experimental.pallas import tpu_sc as plsc

N = 10000
E = 320000
D = 128
T = 4
TI = 32
TO = 32
DELTA = 1.0

NPAD = 10240
E2 = 327680
KC = 128
RPT = NPAD // 16
EPW = E2 // 32


def _bf16_round(a):
    u = jax.lax.bitcast_convert_type(a, jnp.uint32)
    r = u + jnp.uint32(0x7FFF) + ((u >> 16) & jnp.uint32(1))
    return jax.lax.bitcast_convert_type(r & jnp.uint32(0xFFFF0000), jnp.float32)


def _seg_sum_sc():
    mesh = plsc.VectorSubcoreMesh(core_axis_name="c", subcore_axis_name="s")

    @functools.partial(
        pl.kernel, mesh=mesh,
        out_type=jax.ShapeDtypeStruct((2, NPAD, 128), jnp.float32),
        scratch_types=[
            pltpu.VMEM((KC,), jnp.int32),
            pltpu.VMEM((KC,), jnp.int32),
            pltpu.VMEM((KC, 128), jnp.float32),
            pltpu.VMEM_SHARED((NPAD, 128), jnp.float32),
            pltpu.SemaphoreType.DMA,
        ],
    )
    def k(tab_hbm, idx_hbm, dst_hbm, zeros_hbm, out_hbm, idx_v, dst_v, rows_v, acc, sem):
        c = lax.axis_index("c")
        s = lax.axis_index("s")
        rows0 = s * RPT
        pltpu.sync_copy(zeros_hbm.at[pl.ds(rows0, RPT)], acc.at[pl.ds(rows0, RPT)])
        plsc.subcore_barrier()
        ebase = (c * 16 + s) * EPW

        def body(i, carry):
            base = ebase + i * KC
            pltpu.sync_copy(idx_hbm.at[pl.ds(base, KC)], idx_v)
            pltpu.sync_copy(dst_hbm.at[pl.ds(base, KC)], dst_v)
            pltpu.async_copy(tab_hbm.at[idx_v], rows_v, sem).wait()
            pltpu.sync_copy(rows_v, acc.at[dst_v], add=True)
            return carry

        lax.fori_loop(0, EPW // KC, body, 0)
        plsc.subcore_barrier()
        pltpu.sync_copy(acc.at[pl.ds(rows0, RPT)], out_hbm.at[c, pl.ds(rows0, RPT)])

    return k


_SEG_SUM_SC = _seg_sum_sc()


def _ggc_segment_sum(HT, gpad, dst_p, zeros_pad):
    out = _SEG_SUM_SC(HT, gpad, dst_p, zeros_pad)
    return (out[0, :N, :] + out[1, :N, :])


def kernel(feats, edge_index, edge_feat, etypes, Mw, Mb, Uw, Ub, gamma, beta,
           mix_w, mix_b, Lw, Lb, Wih, Whh, bih, bhh):
    src = edge_index[0]
    dst = edge_index[1]

    deg = jax.ops.segment_sum(jnp.ones((E,), jnp.float32), dst, num_segments=N)
    degc = jnp.maximum(deg, 1.0)[:, None]
    has = (deg > 0)[:, None]
    logd = jnp.log(deg + 1.0)[:, None]
    amp_f = logd / DELTA
    att_f = jnp.where(logd > 0, DELTA / jnp.where(logd > 0, logd, 1.0), 0.0)

    fb = _bf16_round(feats)
    HP = jax.lax.Precision.HIGHEST
    HA = jnp.concatenate(
        [jax.lax.dot(fb[:, t * TI:(t + 1) * TI], _bf16_round(Mw[t][:, :TI].T),
                     precision=HP) for t in range(T)], axis=-1)
    HB = jnp.concatenate(
        [jax.lax.dot(fb[:, t * TI:(t + 1) * TI], _bf16_round(Mw[t][:, TI:2 * TI].T),
                     precision=HP) for t in range(T)], axis=-1)
    cvec = _bf16_round(jnp.concatenate([Mw[t][:, 2 * TI] for t in range(T)], axis=0))
    bias = Mb.reshape(-1)

    efb = _bf16_round(edge_feat[:, 0:1])
    msg = HA[src] + HB[dst] + efb * cvec[None, :] + bias[None, :]
    eye_p = jnp.pad(jnp.arange(E, dtype=jnp.int32), (0, E2 - E))
    dst_p = jnp.pad(dst, (0, E2 - E), constant_values=NPAD - 1)
    zeros_pad = jnp.zeros((NPAD, 128), jnp.float32)
    s_out = _SEG_SUM_SC(msg, eye_p, dst_p, zeros_pad)
    s_f = s_out[0, :N, :] + s_out[1, :N, :]
    q_out = _SEG_SUM_SC(msg * msg, eye_p, dst_p, zeros_pad)
    ssq_f = q_out[0, :N, :] + q_out[1, :N, :]
    mx_f = jnp.where(has, jax.ops.segment_max(msg, dst, num_segments=N), 0.0)
    mn_f = jnp.where(has, -jax.ops.segment_max(-msg, dst, num_segments=N), 0.0)
    mean_f = s_f / degc
    var_f = jax.nn.relu(ssq_f / degc - mean_f * mean_f)
    std_f = jnp.sqrt(var_f + 1e-30)

    tower_outs = []
    for t in range(T):
        sl = slice(t * TI, (t + 1) * TI)
        h = feats[:, sl]
        agg = jnp.concatenate([s_f[:, sl], mean_f[:, sl], mx_f[:, sl],
                               mn_f[:, sl], std_f[:, sl]], axis=-1)
        h_neigh = jnp.concatenate([agg, agg * amp_f, agg * att_f], axis=-1)
        u_in = jnp.concatenate([h, h_neigh], axis=-1)
        out = u_in @ Uw[t].T + Ub[t]
        bm = jnp.mean(out, axis=0)
        bv = jnp.var(out, axis=0)
        out = gamma[t] * (out - bm) / jnp.sqrt(bv + 1e-5) + beta[t]
        tower_outs.append(out)
    h_cat = jnp.concatenate(tower_outs, axis=-1)
    emb1 = jax.nn.leaky_relu(h_cat @ mix_w.T + mix_b, negative_slope=0.01)

    h = emb1
    gidx = etypes * N + src
    gpad = jnp.pad(gidx, (0, E2 - E))
    for _ in range(2):
        H0 = h @ Lw[0].T + Lb[0]
        H1 = h @ Lw[1].T + Lb[1]
        HT = jnp.concatenate([H0, H1], axis=0)
        a = _ggc_segment_sum(HT, gpad, dst_p, zeros_pad)
        gi = a @ Wih.T + bih
        gh = h @ Whh.T + bhh
        ir, iz, inn = jnp.split(gi, 3, axis=-1)
        hr, hz, hn = jnp.split(gh, 3, axis=-1)
        r = jax.nn.sigmoid(ir + hr)
        z = jax.nn.sigmoid(iz + hz)
        n = jnp.tanh(inn + r * hn)
        h = (1.0 - z) * n + z * h
    return (emb1, h)

# --- scband reference (transcript-rebuilt; emitter-appended) ---
"""Pipeline reference for scband-pna-4260607557863 (READ-ONLY COPY).

The authoritative reference and input builder live on the scoring server;
editing this copy changes nothing except your own understanding.
"""

import jax, jax.numpy as jnp
import numpy as np

N = 10000
E = 320000
D_IN = 128
D_OUT = 128
T = 4
TI = D_IN // T
TO = D_OUT // T
EFS = 1
DELTA = 1.0


def setup_inputs(seed: int = 0):
    key = jax.random.key(seed)
    ks = jax.random.split(key, 12)
    feats = jax.random.normal(ks[0], (N, D_IN), dtype=jnp.float32)
    edge_index = jax.random.randint(ks[1], (2, E), 0, N, dtype=jnp.int32)
    edge_feat = jax.random.normal(ks[2], (E, EFS), dtype=jnp.float32)
    etypes = jax.random.randint(ks[3], (E,), 0, 2, dtype=jnp.int32)

    def lin(k, shape, fan_in):
        return jax.random.normal(k, shape, dtype=jnp.float32) / np.sqrt(fan_in)

    Mw = lin(ks[4], (T, TI, 2 * TI + EFS), 2 * TI + EFS)
    Mb = jnp.zeros((T, TI), jnp.float32)
    Uw = lin(ks[5], (T, TO, 16 * TI), 16 * TI)
    Ub = jnp.zeros((T, TO), jnp.float32)
    gamma = jnp.ones((T, TO), jnp.float32)
    beta = jnp.zeros((T, TO), jnp.float32)
    mix_w = lin(ks[6], (D_OUT, D_OUT), D_OUT)
    mix_b = jnp.zeros((D_OUT,), jnp.float32)
    Lw = lin(ks[7], (2, D_OUT, D_OUT), D_OUT)
    Lb = jnp.zeros((2, D_OUT), jnp.float32)
    Wih = lin(ks[8], (3 * D_OUT, D_OUT), D_OUT)
    Whh = lin(ks[9], (3 * D_OUT, D_OUT), D_OUT)
    bih = jnp.zeros((3 * D_OUT,), jnp.float32)
    bhh = jnp.zeros((3 * D_OUT,), jnp.float32)
    return {"feats": feats, "edge_index": edge_index, "edge_feat": edge_feat, "etypes": etypes,
            "Mw": Mw, "Mb": Mb, "Uw": Uw, "Ub": Ub, "gamma": gamma, "beta": beta,
            "mix_w": mix_w, "mix_b": mix_b, "Lw": Lw, "Lb": Lb,
            "Wih": Wih, "Whh": Whh, "bih": bih, "bhh": bhh}


def reference(feats, edge_index, edge_feat, etypes, Mw, Mb, Uw, Ub, gamma, beta, mix_w, mix_b, Lw, Lb, Wih, Whh, bih, bhh):
    src = edge_index[0]
    dst = edge_index[1]
    # --- PNAConv layer (4 towers; aggregators sum/mean/max/min/std; scalers identity/amp/att) ---
    deg = jax.ops.segment_sum(jnp.ones((E,), jnp.float32), dst, num_segments=N)
    degc = jnp.maximum(deg, 1.0)[:, None]
    has = (deg > 0)[:, None]
    logd = jnp.log(deg + 1.0)[:, None]
    amp_f = logd / DELTA
    att_f = jnp.where(logd > 0, DELTA / jnp.where(logd > 0, logd, 1.0), 0.0)
    tower_outs = []
    for t in range(T):
        h = feats[:, t * TI:(t + 1) * TI]
        f = jnp.concatenate([h[src], h[dst], edge_feat], axis=-1)
        msg = f @ Mw[t].T + Mb[t]
        s = jax.ops.segment_sum(msg, dst, num_segments=N)
        ssq = jax.ops.segment_sum(msg * msg, dst, num_segments=N)
        mean = s / degc
        var = jax.nn.relu(ssq / degc - mean * mean)
        std = jnp.sqrt(var + 1e-30)
        mx = jnp.where(has, jax.ops.segment_max(msg, dst, num_segments=N), 0.0)
        mn = jnp.where(has, -jax.ops.segment_max(-msg, dst, num_segments=N), 0.0)
        agg = jnp.concatenate([s, mean, mx, mn, std], axis=-1)
        h_neigh = jnp.concatenate([agg, agg * amp_f, agg * att_f], axis=-1)
        u_in = jnp.concatenate([h, h_neigh], axis=-1)
        out = u_in @ Uw[t].T + Ub[t]
        bm = jnp.mean(out, axis=0)
        bv = jnp.var(out, axis=0)
        out = gamma[t] * (out - bm) / jnp.sqrt(bv + 1e-5) + beta[t]
        tower_outs.append(out)
    h_cat = jnp.concatenate(tower_outs, axis=-1)
    emb1 = jax.nn.leaky_relu(h_cat @ mix_w.T + mix_b, negative_slope=0.01)
    # --- GatedGraphConv layer (n_steps=2, n_etypes=2, GRUCell) ---
    h = emb1
    for _ in range(2):
        hs = h[src]
        m0 = hs @ Lw[0].T + Lb[0]
        m1 = hs @ Lw[1].T + Lb[1]
        msg = jnp.where((etypes == 0)[:, None], m0, m1)
        a = jax.ops.segment_sum(msg, dst, num_segments=N)
        gi = a @ Wih.T + bih
        gh = h @ Whh.T + bhh
        ir, iz, inn = jnp.split(gi, 3, axis=-1)
        hr, hz, hn = jnp.split(gh, 3, axis=-1)
        r = jax.nn.sigmoid(ir + hr)
        z = jax.nn.sigmoid(iz + hz)
        n = jnp.tanh(inn + r * hn)
        h = (1.0 - z) * n + z * h
    return (emb1, h)

if __name__ == "__main__":
    import jax
    _d = setup_inputs()
    print(jax.jit(kernel)(*tuple(_d.values())))

</pallas_src>

<mosaic_0001>
#map = affine_map<(d0, d1) -> (0, 0)>
#map1 = affine_map<(d0, d1) -> (0)>
#map2 = affine_map<(d0, d1) -> (0, 0, 0)>
module attributes {stable_mosaic.version = 14 : i64} {
  func.func @k(%arg0: i32, %arg1: i32, %arg2: memref<320000x128xf32, #tpu.memory_space<hbm>>, %arg3: memref<327680xi32, #tpu.memory_space<hbm>>, %arg4: memref<327680xi32, #tpu.memory_space<hbm>>, %arg5: memref<10240x128xf32, #tpu.memory_space<hbm>>, %arg6: memref<2x10240x128xf32, #tpu.memory_space<hbm>>, %arg7: memref<128xi32, #tpu.memory_space<vmem>>, %arg8: memref<128xi32, #tpu.memory_space<vmem>>, %arg9: memref<128x128xf32, #tpu.memory_space<vmem>>, %arg10: memref<10240x128xf32, #tpu.memory_space<vmem_shared>>, %arg11: memref<!tpu.dma_semaphore, #tpu.memory_space<semaphore_mem>>) attributes {dimension_semantics = [#tpu.dimension_semantics<core_parallel>, #tpu.dimension_semantics<subcore_parallel>], iteration_bounds = array<i64: 2, 16>, scalar_prefetch = 0 : i64, scratch_operands = 5 : i64, tpu.core_type = #tpu.core_type<sc_vector_subcore>, window_params = [{transform_indices = #map}, {transform_indices = #map1}, {transform_indices = #map1}, {transform_indices = #map}, {transform_indices = #map2}]} {
    %mul3A = arith.constant 640 : i32
    %mul3A_0 = arith.muli %arg1, %mul3A : i32
    "tpu.region"() ({
      %run_scoped3A = tpu.sem_alloc : memref<!tpu.dma_semaphore, #tpu.memory_space<semaphore_mem>>
      %dma_start3A = arith.constant 0 : i32
      %dma_start3A_11 = tpu.memref_slice %arg10[%mul3A_0, %dma_start3A] : memref<10240x128xf32, #tpu.memory_space<vmem_shared>> -> memref<640x128xf32, #tpu.memory_space<vmem_shared>>
      %dma_start3A_12 = arith.constant 0 : i32
      %dma_start3A_13 = tpu.memref_slice %arg5[%mul3A_0, %dma_start3A_12] : memref<10240x128xf32, #tpu.memory_space<hbm>> -> memref<640x128xf32, #tpu.memory_space<hbm>>
      tpu.enqueue_dma source(%dma_start3A_13 : memref<640x128xf32, #tpu.memory_space<hbm>>) target(%dma_start3A_11 : memref<640x128xf32, #tpu.memory_space<vmem_shared>>) target_semaphore(%run_scoped3A : memref<!tpu.dma_semaphore, #tpu.memory_space<semaphore_mem>>)
      %dma_wait3A = arith.constant 0 : i32
      %dma_wait3A_14 = tpu.memref_slice %arg10[%mul3A_0, %dma_wait3A] : memref<10240x128xf32, #tpu.memory_space<vmem_shared>> -> memref<640x128xf32, #tpu.memory_space<vmem_shared>>
      %dma_wait3A_15 = arith.constant 0 : i32
      %dma_wait3A_16 = tpu.memref_slice %arg5[%mul3A_0, %dma_wait3A_15] : memref<10240x128xf32, #tpu.memory_space<hbm>> -> memref<640x128xf32, #tpu.memory_space<hbm>>
      tpu.wait_dma2 semaphore(%run_scoped3A : memref<!tpu.dma_semaphore, #tpu.memory_space<semaphore_mem>>) src(%dma_wait3A_16 : memref<640x128xf32, #tpu.memory_space<hbm>>) dst(%dma_wait3A_14 : memref<640x128xf32, #tpu.memory_space<vmem_shared>>)
      tpu.yield
    }) : () -> ()
    %barrier3A = arith.constant 0 : index
    tpu.barrier barrier_id(%barrier3A)
    %mul3A_1 = arith.constant 16 : i32
    %mul3A_2 = arith.muli %arg0, %mul3A_1 : i32
    %add3A = arith.addi %mul3A_2, %arg1 : i32
    %mul3A_3 = arith.constant 10240 : i32
    %mul3A_4 = arith.muli %add3A, %mul3A_3 : i32
    %scan3A = arith.constant 0 : i32
    %scan3A_5 = arith.constant 0 : i32
    %scan3A_6 = arith.constant 80 : i32
    %scan3A_7 = arith.addi %scan3A_5, %scan3A_6 : i32
    %scan3A_8 = arith.constant 1 : i32
    scf.for %scan3A_11 = %scan3A_5 to %scan3A_7 step %scan3A_8  : i32 {
      %mul3A_12 = arith.constant 128 : i32
      %mul3A_13 = arith.muli %scan3A_11, %mul3A_12 : i32
      %add3A_14 = arith.addi %mul3A_4, %mul3A_13 : i32
      "tpu.region"() ({
        %run_scoped3A = tpu.sem_alloc : memref<!tpu.dma_semaphore, #tpu.memory_space<semaphore_mem>>
        %dma_start3A_19 = tpu.memref_slice %arg3[%add3A_14] : memref<327680xi32, #tpu.memory_space<hbm>> -> memref<128xi32, #tpu.memory_space<hbm>>
        %dma_start3A_20 = tpu.memref_slice %arg3[%add3A_14] : memref<327680xi32, #tpu.memory_space<hbm>> -> memref<128xi32, #tpu.memory_space<hbm>>
        tpu.enqueue_dma source(%dma_start3A_20 : memref<128xi32, #tpu.memory_space<hbm>>) target(%arg7 : memref<128xi32, #tpu.memory_space<vmem>>) target_semaphore(%run_scoped3A : memref<!tpu.dma_semaphore, #tpu.memory_space<semaphore_mem>>)
        %dma_wait3A_21 = tpu.memref_slice %arg3[%add3A_14] : memref<327680xi32, #tpu.memory_space<hbm>> -> memref<128xi32, #tpu.memory_space<hbm>>
        %dma_wait3A_22 = tpu.memref_slice %arg3[%add3A_14] : memref<327680xi32, #tpu.memory_space<hbm>> -> memref<128xi32, #tpu.memory_space<hbm>>
        tpu.wait_dma2 semaphore(%run_scoped3A : memref<!tpu.dma_semaphore, #tpu.memory_space<semaphore_mem>>) src(%dma_wait3A_22 : memref<128xi32, #tpu.memory_space<hbm>>) dst(%arg7 : memref<128xi32, #tpu.memory_space<vmem>>)
        tpu.yield
      }) : () -> ()
      "tpu.region"() ({
        %run_scoped3A = tpu.sem_alloc : memref<!tpu.dma_semaphore, #tpu.memory_space<semaphore_mem>>
        %dma_start3A_19 = tpu.memref_slice %arg4[%add3A_14] : memref<327680xi32, #tpu.memory_space<hbm>> -> memref<128xi32, #tpu.memory_space<hbm>>
        %dma_start3A_20 = tpu.memref_slice %arg4[%add3A_14] : memref<327680xi32, #tpu.memory_space<hbm>> -> memref<128xi32, #tpu.memory_space<hbm>>
        tpu.enqueue_dma source(%dma_start3A_20 : memref<128xi32, #tpu.memory_space<hbm>>) target(%arg8 : memref<128xi32, #tpu.memory_space<vmem>>) target_semaphore(%run_scoped3A : memref<!tpu.dma_semaphore, #tpu.memory_space<semaphore_mem>>)
        %dma_wait3A_21 = tpu.memref_slice %arg4[%add3A_14] : memref<327680xi32, #tpu.memory_space<hbm>> -> memref<128xi32, #tpu.memory_space<hbm>>
        %dma_wait3A_22 = tpu.memref_slice %arg4[%add3A_14] : memref<327680xi32, #tpu.memory_space<hbm>> -> memref<128xi32, #tpu.memory_space<hbm>>
        tpu.wait_dma2 semaphore(%run_scoped3A : memref<!tpu.dma_semaphore, #tpu.memory_space<semaphore_mem>>) src(%dma_wait3A_22 : memref<128xi32, #tpu.memory_space<hbm>>) dst(%arg8 : memref<128xi32, #tpu.memory_space<vmem>>)
        tpu.yield
      }) : () -> ()
      %dma_start3A = arith.constant 0 : i32
      %dma_start3A_15 = arith.constant 0 : i32
      %dma_start3A_16 = tpu.memref_slice %arg2[%dma_start3A, %dma_start3A_15] : memref<320000x128xf32, #tpu.memory_space<hbm>> -> memref<320000x128xf32, #tpu.memory_space<hbm>>
      tpu.enqueue_indirect_dma source(%dma_start3A_16 : memref<320000x128xf32, #tpu.memory_space<hbm>>) target(%arg9 : memref<128x128xf32, #tpu.memory_space<vmem>>) offsets(%arg7 : memref<128xi32, #tpu.memory_space<vmem>>) semaphore(%arg11 : memref<!tpu.dma_semaphore, #tpu.memory_space<semaphore_mem>>)
      %dma_wait3A = arith.constant 0 : i32
      %dma_wait3A_17 = arith.constant 0 : i32
      %dma_wait3A_18 = tpu.memref_slice %arg2[%dma_wait3A, %dma_wait3A_17] : memref<320000x128xf32, #tpu.memory_space<hbm>> -> memref<320000x128xf32, #tpu.memory_space<hbm>>
      tpu.wait_indirect_dma semaphore(%arg11 : memref<!tpu.dma_semaphore, #tpu.memory_space<semaphore_mem>>) src(%dma_wait3A_18 : memref<320000x128xf32, #tpu.memory_space<hbm>>) dst(%arg9 : memref<128x128xf32, #tpu.memory_space<vmem>>)
      "tpu.region"() ({
        %run_scoped3A = tpu.sem_alloc : memref<!tpu.dma_semaphore, #tpu.memory_space<semaphore_mem>>
        %dma_start3A_19 = arith.constant 0 : i32
        %dma_start3A_20 = arith.constant 0 : i32
        %dma_start3A_21 = tpu.memref_slice %arg10[%dma_start3A_19, %dma_start3A_20] : memref<10240x128xf32, #tpu.memory_space<vmem_shared>> -> memref<10240x128xf32, #tpu.memory_space<vmem_shared>>
        tpu.enqueue_indirect_dma source(%arg9 : memref<128x128xf32, #tpu.memory_space<vmem>>) target(%dma_start3A_21 : memref<10240x128xf32, #tpu.memory_space<vmem_shared>>) offsets(%arg8 : memref<128xi32, #tpu.memory_space<vmem>>) semaphore(%run_scoped3A : memref<!tpu.dma_semaphore, #tpu.memory_space<semaphore_mem>>) {add = true}
        %dma_wait3A_22 = arith.constant 0 : i32
        %dma_wait3A_23 = arith.constant 0 : i32
        %dma_wait3A_24 = tpu.memref_slice %arg10[%dma_wait3A_22, %dma_wait3A_23] : memref<10240x128xf32, #tpu.memory_space<vmem_shared>> -> memref<10240x128xf32, #tpu.memory_space<vmem_shared>>
        tpu.wait_indirect_dma semaphore(%run_scoped3A : memref<!tpu.dma_semaphore, #tpu.memory_space<semaphore_mem>>) src(%arg9 : memref<128x128xf32, #tpu.memory_space<vmem>>) dst(%dma_wait3A_24 : memref<10240x128xf32, #tpu.memory_space<vmem_shared>>)
        tpu.yield
      }) : () -> ()
    }
    %scan3A_9 = arith.constant 80 : i32
    %barrier3A_10 = arith.constant 0 : index
    tpu.barrier barrier_id(%barrier3A_10)
    "tpu.region"() ({
      %run_scoped3A = tpu.sem_alloc : memref<!tpu.dma_semaphore, #tpu.memory_space<semaphore_mem>>
      %dma_start3A = arith.constant 0 : i32
      %dma_start3A_11 = tpu.memref_slice %arg6[%arg0, %mul3A_0, %dma_start3A] : memref<2x10240x128xf32, #tpu.memory_space<hbm>> -> memref<1x640x128xf32, #tpu.memory_space<hbm>>
      %dma_start3A_12 = tpu.memref_squeeze %dma_start3A_11 : memref<1x640x128xf32, #tpu.memory_space<hbm>> -> memref<640x128xf32, #tpu.memory_space<hbm>>
      %dma_start3A_13 = arith.constant 0 : i32
      %dma_start3A_14 = tpu.memref_slice %arg10[%mul3A_0, %dma_start3A_13] : memref<10240x128xf32, #tpu.memory_space<vmem_shared>> -> memref<640x128xf32, #tpu.memory_space<vmem_shared>>
      tpu.enqueue_dma source(%dma_start3A_14 : memref<640x128xf32, #tpu.memory_space<vmem_shared>>) target(%dma_start3A_12 : memref<640x128xf32, #tpu.memory_space<hbm>>) target_semaphore(%run_scoped3A : memref<!tpu.dma_semaphore, #tpu.memory_space<semaphore_mem>>)
      %dma_wait3A = arith.constant 0 : i32
      %dma_wait3A_15 = tpu.memref_slice %arg6[%arg0, %mul3A_0, %dma_wait3A] : memref<2x10240x128xf32, #tpu.memory_space<hbm>> -> memref<1x640x128xf32, #tpu.memory_space<hbm>>
      %dma_wait3A_16 = tpu.memref_squeeze %dma_wait3A_15 : memref<1x640x128xf32, #tpu.memory_space<hbm>> -> memref<640x128xf32, #tpu.memory_space<hbm>>
      %dma_wait3A_17 = arith.constant 0 : i32
      %dma_wait3A_18 = tpu.memref_slice %arg10[%mul3A_0, %dma_wait3A_17] : memref<10240x128xf32, #tpu.memory_space<vmem_shared>> -> memref<640x128xf32, #tpu.memory_space<vmem_shared>>
      tpu.wait_dma2 semaphore(%run_scoped3A : memref<!tpu.dma_semaphore, #tpu.memory_space<semaphore_mem>>) src(%dma_wait3A_18 : memref<640x128xf32, #tpu.memory_space<vmem_shared>>) dst(%dma_wait3A_16 : memref<640x128xf32, #tpu.memory_space<hbm>>)
      tpu.yield
    }) : () -> ()
    return
  }
}

#map = affine_map<(d0, d1) -> (0, 0)>
#map1 = affine_map<(d0, d1) -> (0)>
#map2 = affine_map<(d0, d1) -> (0, 0, 0)>
module attributes {stable_mosaic.version = 14 : i64} {
  func.func @k(%arg0: i32, %arg1: i32, %arg2: memref<320000x128xf32, #tpu.memory_space<hbm>>, %arg3: memref<327680xi32, #tpu.memory_space<hbm>>, %arg4: memref<327680xi32, #tpu.memory_space<hbm>>, %arg5: memref<10240x128xf32, #tpu.memory_space<hbm>>, %arg6: memref<2x10240x128xf32, #tpu.memory_space<hbm>>, %arg7: memref<128xi32, #tpu.memory_space<vmem>>, %arg8: memref<128xi32, #tpu.memory_space<vmem>>, %arg9: memref<128x128xf32, #tpu.memory_space<vmem>>, %arg10: memref<10240x128xf32, #tpu.memory_space<vmem_shared>>, %arg11: memref<!tpu.dma_semaphore, #tpu.memory_space<semaphore_mem>>) attributes {dimension_semantics = [#tpu.dimension_semantics<core_parallel>, #tpu.dimension_semantics<subcore_parallel>], iteration_bounds = array<i64: 2, 16>, scalar_prefetch = 0 : i64, scratch_operands = 5 : i64, tpu.core_type = #tpu.core_type<sc_vector_subcore>, window_params = [{transform_indices = #map}, {transform_indices = #map1}, {transform_indices = #map1}, {transform_indices = #map}, {transform_indices = #map2}]} {
    %mul3A = arith.constant 640 : i32
    %mul3A_0 = arith.muli %arg1, %mul3A : i32
    "tpu.region"() ({
      %run_scoped3A = tpu.sem_alloc : memref<!tpu.dma_semaphore, #tpu.memory_space<semaphore_mem>>
      %dma_start3A = arith.constant 0 : i32
      %dma_start3A_11 = tpu.memref_slice %arg10[%mul3A_0, %dma_start3A] : memref<10240x128xf32, #tpu.memory_space<vmem_shared>> -> memref<640x128xf32, #tpu.memory_space<vmem_shared>>
      %dma_start3A_12 = arith.constant 0 : i32
      %dma_start3A_13 = tpu.memref_slice %arg5[%mul3A_0, %dma_start3A_12] : memref<10240x128xf32, #tpu.memory_space<hbm>> -> memref<640x128xf32, #tpu.memory_space<hbm>>
      tpu.enqueue_dma source(%dma_start3A_13 : memref<640x128xf32, #tpu.memory_space<hbm>>) target(%dma_start3A_11 : memref<640x128xf32, #tpu.memory_space<vmem_shared>>) target_semaphore(%run_scoped3A : memref<!tpu.dma_semaphore, #tpu.memory_space<semaphore_mem>>)
      %dma_wait3A = arith.constant 0 : i32
      %dma_wait3A_14 = tpu.memref_slice %arg10[%mul3A_0, %dma_wait3A] : memref<10240x128xf32, #tpu.memory_space<vmem_shared>> -> memref<640x128xf32, #tpu.memory_space<vmem_shared>>
      %dma_wait3A_15 = arith.constant 0 : i32
      %dma_wait3A_16 = tpu.memref_slice %arg5[%mul3A_0, %dma_wait3A_15] : memref<10240x128xf32, #tpu.memory_space<hbm>> -> memref<640x128xf32, #tpu.memory_space<hbm>>
      tpu.wait_dma2 semaphore(%run_scoped3A : memref<!tpu.dma_semaphore, #tpu.memory_space<semaphore_mem>>) src(%dma_wait3A_16 : memref<640x128xf32, #tpu.memory_space<hbm>>) dst(%dma_wait3A_14 : memref<640x128xf32, #tpu.memory_space<vmem_shared>>)
      tpu.yield
    }) : () -> ()
    %barrier3A = arith.constant 0 : index
    tpu.barrier barrier_id(%barrier3A)
    %mul3A_1 = arith.constant 16 : i32
    %mul3A_2 = arith.muli %arg0, %mul3A_1 : i32
    %add3A = arith.addi %mul3A_2, %arg1 : i32
    %mul3A_3 = arith.constant 10240 : i32
    %mul3A_4 = arith.muli %add3A, %mul3A_3 : i32
    %scan3A = arith.constant 0 : i32
    %scan3A_5 = arith.constant 0 : i32
    %scan3A_6 = arith.constant 80 : i32
    %scan3A_7 = arith.addi %scan3A_5, %scan3A_6 : i32
    %scan3A_8 = arith.constant 1 : i32
    scf.for %scan3A_11 = %scan3A_5 to %scan3A_7 step %scan3A_8  : i32 {
      %mul3A_12 = arith.constant 128 : i32
      %mul3A_13 = arith.muli %scan3A_11, %mul3A_12 : i32
      %add3A_14 = arith.addi %mul3A_4, %mul3A_13 : i32
      "tpu.region"() ({
        %run_scoped3A = tpu.sem_alloc : memref<!tpu.dma_semaphore, #tpu.memory_space<semaphore_mem>>
        %dma_start3A_19 = tpu.memref_slice %arg3[%add3A_14] : memref<327680xi32, #tpu.memory_space<hbm>> -> memref<128xi32, #tpu.memory_space<hbm>>
        %dma_start3A_20 = tpu.memref_slice %arg3[%add3A_14] : memref<327680xi32, #tpu.memory_space<hbm>> -> memref<128xi32, #tpu.memory_space<hbm>>
        tpu.enqueue_dma source(%dma_start3A_20 : memref<128xi32, #tpu.memory_space<hbm>>) target(%arg7 : memref<128xi32, #tpu.memory_space<vmem>>) target_semaphore(%run_scoped3A : memref<!tpu.dma_semaphore, #tpu.memory_space<semaphore_mem>>)
        %dma_wait3A_21 = tpu.memref_slice %arg3[%add3A_14] : memref<327680xi32, #tpu.memory_space<hbm>> -> memref<128xi32, #tpu.memory_space<hbm>>
        %dma_wait3A_22 = tpu.memref_slice %arg3[%add3A_14] : memref<327680xi32, #tpu.memory_space<hbm>> -> memref<128xi32, #tpu.memory_space<hbm>>
        tpu.wait_dma2 semaphore(%run_scoped3A : memref<!tpu.dma_semaphore, #tpu.memory_space<semaphore_mem>>) src(%dma_wait3A_22 : memref<128xi32, #tpu.memory_space<hbm>>) dst(%arg7 : memref<128xi32, #tpu.memory_space<vmem>>)
        tpu.yield
      }) : () -> ()
      "tpu.region"() ({
        %run_scoped3A = tpu.sem_alloc : memref<!tpu.dma_semaphore, #tpu.memory_space<semaphore_mem>>
        %dma_start3A_19 = tpu.memref_slice %arg4[%add3A_14] : memref<327680xi32, #tpu.memory_space<hbm>> -> memref<128xi32, #tpu.memory_space<hbm>>
        %dma_start3A_20 = tpu.memref_slice %arg4[%add3A_14] : memref<327680xi32, #tpu.memory_space<hbm>> -> memref<128xi32, #tpu.memory_space<hbm>>
        tpu.enqueue_dma source(%dma_start3A_20 : memref<128xi32, #tpu.memory_space<hbm>>) target(%arg8 : memref<128xi32, #tpu.memory_space<vmem>>) target_semaphore(%run_scoped3A : memref<!tpu.dma_semaphore, #tpu.memory_space<semaphore_mem>>)
        %dma_wait3A_21 = tpu.memref_slice %arg4[%add3A_14] : memref<327680xi32, #tpu.memory_space<hbm>> -> memref<128xi32, #tpu.memory_space<hbm>>
        %dma_wait3A_22 = tpu.memref_slice %arg4[%add3A_14] : memref<327680xi32, #tpu.memory_space<hbm>> -> memref<128xi32, #tpu.memory_space<hbm>>
        tpu.wait_dma2 semaphore(%run_scoped3A : memref<!tpu.dma_semaphore, #tpu.memory_space<semaphore_mem>>) src(%dma_wait3A_22 : memref<128xi32, #tpu.memory_space<hbm>>) dst(%arg8 : memref<128xi32, #tpu.memory_space<vmem>>)
        tpu.yield
      }) : () -> ()
      %dma_start3A = arith.constant 0 : i32
      %dma_start3A_15 = arith.constant 0 : i32
      %dma_start3A_16 = tpu.memref_slice %arg2[%dma_start3A, %dma_start3A_15] : memref<320000x128xf32, #tpu.memory_space<hbm>> -> memref<320000x128xf32, #tpu.memory_space<hbm>>
      tpu.enqueue_indirect_dma source(%dma_start3A_16 : memref<320000x128xf32, #tpu.memory_space<hbm>>) target(%arg9 : memref<128x128xf32, #tpu.memory_space<vmem>>) offsets(%arg7 : memref<128xi32, #tpu.memory_space<vmem>>) semaphore(%arg11 : memref<!tpu.dma_semaphore, #tpu.memory_space<semaphore_mem>>)
      %dma_wait3A = arith.constant 0 : i32
      %dma_wait3A_17 = arith.constant 0 : i32
      %dma_wait3A_18 = tpu.memref_slice %arg2[%dma_wait3A, %dma_wait3A_17] : memref<320000x128xf32, #tpu.memory_space<hbm>> -> memref<320000x128xf32, #tpu.memory_space<hbm>>
      tpu.wait_indirect_dma semaphore(%arg11 : memref<!tpu.dma_semaphore, #tpu.memory_space<semaphore_mem>>) src(%dma_wait3A_18 : memref<320000x128xf32, #tpu.memory_space<hbm>>) dst(%arg9 : memref<128x128xf32, #tpu.memory_space<vmem>>)
      "tpu.region"() ({
        %run_scoped3A = tpu.sem_alloc : memref<!tpu.dma_semaphore, #tpu.memory_space<semaphore_mem>>
        %dma_start3A_19 = arith.constant 0 : i32
        %dma_start3A_20 = arith.constant 0 : i32
        %dma_start3A_21 = tpu.memref_slice %arg10[%dma_start3A_19, %dma_start3A_20] : memref<10240x128xf32, #tpu.memory_space<vmem_shared>> -> memref<10240x128xf32, #tpu.memory_space<vmem_shared>>
        tpu.enqueue_indirect_dma source(%arg9 : memref<128x128xf32, #tpu.memory_space<vmem>>) target(%dma_start3A_21 : memref<10240x128xf32, #tpu.memory_space<vmem_shared>>) offsets(%arg8 : memref<128xi32, #tpu.memory_space<vmem>>) semaphore(%run_scoped3A : memref<!tpu.dma_semaphore, #tpu.memory_space<semaphore_mem>>) {add = true}
        %dma_wait3A_22 = arith.constant 0 : i32
        %dma_wait3A_23 = arith.constant 0 : i32
        %dma_wait3A_24 = tpu.memref_slice %arg10[%dma_wait3A_22, %dma_wait3A_23] : memref<10240x128xf32, #tpu.memory_space<vmem_shared>> -> memref<10240x128xf32, #tpu.memory_space<vmem_shared>>
        tpu.wait_indirect_dma semaphore(%run_scoped3A : memref<!tpu.dma_semaphore, #tpu.memory_space<semaphore_mem>>) src(%arg9 : memref<128x128xf32, #tpu.memory_space<vmem>>) dst(%dma_wait3A_24 : memref<10240x128xf32, #tpu.memory_space<vmem_shared>>)
        tpu.yield
      }) : () -> ()
    }
    %scan3A_9 = arith.constant 80 : i32
    %barrier3A_10 = arith.constant 0 : index
    tpu.barrier barrier_id(%barrier3A_10)
    "tpu.region"() ({
      %run_scoped3A = tpu.sem_alloc : memref<!tpu.dma_semaphore, #tpu.memory_space<semaphore_mem>>
      %dma_start3A = arith.constant 0 : i32
      %dma_start3A_11 = tpu.memref_slice %arg6[%arg0, %mul3A_0, %dma_start3A] : memref<2x10240x128xf32, #tpu.memory_space<hbm>> -> memref<1x640x128xf32, #tpu.memory_space<hbm>>
      %dma_start3A_12 = tpu.memref_squeeze %dma_start3A_11 : memref<1x640x128xf32, #tpu.memory_space<hbm>> -> memref<640x128xf32, #tpu.memory_space<hbm>>
      %dma_start3A_13 = arith.constant 0 : i32
      %dma_start3A_14 = tpu.memref_slice %arg10[%mul3A_0, %dma_start3A_13] : memref<10240x128xf32, #tpu.memory_space<vmem_shared>> -> memref<640x128xf32, #tpu.memory_space<vmem_shared>>
      tpu.enqueue_dma source(%dma_start3A_14 : memref<640x128xf32, #tpu.memory_space<vmem_shared>>) target(%dma_start3A_12 : memref<640x128xf32, #tpu.memory_space<hbm>>) target_semaphore(%run_scoped3A : memref<!tpu.dma_semaphore, #tpu.memory_space<semaphore_mem>>)
      %dma_wait3A = arith.constant 0 : i32
      %dma_wait3A_15 = tpu.memref_slice %arg6[%arg0, %mul3A_0, %dma_wait3A] : memref<2x10240x128xf32, #tpu.memory_space<hbm>> -> memref<1x640x128xf32, #tpu.memory_space<hbm>>
      %dma_wait3A_16 = tpu.memref_squeeze %dma_wait3A_15 : memref<1x640x128xf32, #tpu.memory_space<hbm>> -> memref<640x128xf32, #tpu.memory_space<hbm>>
      %dma_wait3A_17 = arith.constant 0 : i32
      %dma_wait3A_18 = tpu.memref_slice %arg10[%mul3A_0, %dma_wait3A_17] : memref<10240x128xf32, #tpu.memory_space<vmem_shared>> -> memref<640x128xf32, #tpu.memory_space<vmem_shared>>
      tpu.wait_dma2 semaphore(%run_scoped3A : memref<!tpu.dma_semaphore, #tpu.memory_space<semaphore_mem>>) src(%dma_wait3A_18 : memref<640x128xf32, #tpu.memory_space<vmem_shared>>) dst(%dma_wait3A_16 : memref<640x128xf32, #tpu.memory_space<hbm>>)
      tpu.yield
    }) : () -> ()
    return
  }
}

#map = affine_map<(d0, d1) -> (0, 0)>
#map1 = affine_map<(d0, d1) -> (0)>
#map2 = affine_map<(d0, d1) -> (0, 0, 0)>
module attributes {stable_mosaic.version = 14 : i64} {
  func.func @k(%arg0: i32, %arg1: i32, %arg2: memref<20000x128xf32, #tpu.memory_space<hbm>>, %arg3: memref<327680xi32, #tpu.memory_space<hbm>>, %arg4: memref<327680xi32, #tpu.memory_space<hbm>>, %arg5: memref<10240x128xf32, #tpu.memory_space<hbm>>, %arg6: memref<2x10240x128xf32, #tpu.memory_space<hbm>>, %arg7: memref<128xi32, #tpu.memory_space<vmem>>, %arg8: memref<128xi32, #tpu.memory_space<vmem>>, %arg9: memref<128x128xf32, #tpu.memory_space<vmem>>, %arg10: memref<10240x128xf32, #tpu.memory_space<vmem_shared>>, %arg11: memref<!tpu.dma_semaphore, #tpu.memory_space<semaphore_mem>>) attributes {dimension_semantics = [#tpu.dimension_semantics<core_parallel>, #tpu.dimension_semantics<subcore_parallel>], iteration_bounds = array<i64: 2, 16>, scalar_prefetch = 0 : i64, scratch_operands = 5 : i64, tpu.core_type = #tpu.core_type<sc_vector_subcore>, window_params = [{transform_indices = #map}, {transform_indices = #map1}, {transform_indices = #map1}, {transform_indices = #map}, {transform_indices = #map2}]} {
    %mul3A = arith.constant 640 : i32
    %mul3A_0 = arith.muli %arg1, %mul3A : i32
    "tpu.region"() ({
      %run_scoped3A = tpu.sem_alloc : memref<!tpu.dma_semaphore, #tpu.memory_space<semaphore_mem>>
      %dma_start3A = arith.constant 0 : i32
      %dma_start3A_11 = tpu.memref_slice %arg10[%mul3A_0, %dma_start3A] : memref<10240x128xf32, #tpu.memory_space<vmem_shared>> -> memref<640x128xf32, #tpu.memory_space<vmem_shared>>
      %dma_start3A_12 = arith.constant 0 : i32
      %dma_start3A_13 = tpu.memref_slice %arg5[%mul3A_0, %dma_start3A_12] : memref<10240x128xf32, #tpu.memory_space<hbm>> -> memref<640x128xf32, #tpu.memory_space<hbm>>
      tpu.enqueue_dma source(%dma_start3A_13 : memref<640x128xf32, #tpu.memory_space<hbm>>) target(%dma_start3A_11 : memref<640x128xf32, #tpu.memory_space<vmem_shared>>) target_semaphore(%run_scoped3A : memref<!tpu.dma_semaphore, #tpu.memory_space<semaphore_mem>>)
      %dma_wait3A = arith.constant 0 : i32
      %dma_wait3A_14 = tpu.memref_slice %arg10[%mul3A_0, %dma_wait3A] : memref<10240x128xf32, #tpu.memory_space<vmem_shared>> -> memref<640x128xf32, #tpu.memory_space<vmem_shared>>
      %dma_wait3A_15 = arith.constant 0 : i32
      %dma_wait3A_16 = tpu.memref_slice %arg5[%mul3A_0, %dma_wait3A_15] : memref<10240x128xf32, #tpu.memory_space<hbm>> -> memref<640x128xf32, #tpu.memory_space<hbm>>
      tpu.wait_dma2 semaphore(%run_scoped3A : memref<!tpu.dma_semaphore, #tpu.memory_space<semaphore_mem>>) src(%dma_wait3A_16 : memref<640x128xf32, #tpu.memory_space<hbm>>) dst(%dma_wait3A_14 : memref<640x128xf32, #tpu.memory_space<vmem_shared>>)
      tpu.yield
    }) : () -> ()
    %barrier3A = arith.constant 0 : index
    tpu.barrier barrier_id(%barrier3A)
    %mul3A_1 = arith.constant 16 : i32
    %mul3A_2 = arith.muli %arg0, %mul3A_1 : i32
    %add3A = arith.addi %mul3A_2, %arg1 : i32
    %mul3A_3 = arith.constant 10240 : i32
    %mul3A_4 = arith.muli %add3A, %mul3A_3 : i32
    %scan3A = arith.constant 0 : i32
    %scan3A_5 = arith.constant 0 : i32
    %scan3A_6 = arith.constant 80 : i32
    %scan3A_7 = arith.addi %scan3A_5, %scan3A_6 : i32
    %scan3A_8 = arith.constant 1 : i32
    scf.for %scan3A_11 = %scan3A_5 to %scan3A_7 step %scan3A_8  : i32 {
      %mul3A_12 = arith.constant 128 : i32
      %mul3A_13 = arith.muli %scan3A_11, %mul3A_12 : i32
      %add3A_14 = arith.addi %mul3A_4, %mul3A_13 : i32
      "tpu.region"() ({
        %run_scoped3A = tpu.sem_alloc : memref<!tpu.dma_semaphore, #tpu.memory_space<semaphore_mem>>
        %dma_start3A_19 = tpu.memref_slice %arg3[%add3A_14] : memref<327680xi32, #tpu.memory_space<hbm>> -> memref<128xi32, #tpu.memory_space<hbm>>
        %dma_start3A_20 = tpu.memref_slice %arg3[%add3A_14] : memref<327680xi32, #tpu.memory_space<hbm>> -> memref<128xi32, #tpu.memory_space<hbm>>
        tpu.enqueue_dma source(%dma_start3A_20 : memref<128xi32, #tpu.memory_space<hbm>>) target(%arg7 : memref<128xi32, #tpu.memory_space<vmem>>) target_semaphore(%run_scoped3A : memref<!tpu.dma_semaphore, #tpu.memory_space<semaphore_mem>>)
        %dma_wait3A_21 = tpu.memref_slice %arg3[%add3A_14] : memref<327680xi32, #tpu.memory_space<hbm>> -> memref<128xi32, #tpu.memory_space<hbm>>
        %dma_wait3A_22 = tpu.memref_slice %arg3[%add3A_14] : memref<327680xi32, #tpu.memory_space<hbm>> -> memref<128xi32, #tpu.memory_space<hbm>>
        tpu.wait_dma2 semaphore(%run_scoped3A : memref<!tpu.dma_semaphore, #tpu.memory_space<semaphore_mem>>) src(%dma_wait3A_22 : memref<128xi32, #tpu.memory_space<hbm>>) dst(%arg7 : memref<128xi32, #tpu.memory_space<vmem>>)
        tpu.yield
      }) : () -> ()
      "tpu.region"() ({
        %run_scoped3A = tpu.sem_alloc : memref<!tpu.dma_semaphore, #tpu.memory_space<semaphore_mem>>
        %dma_start3A_19 = tpu.memref_slice %arg4[%add3A_14] : memref<327680xi32, #tpu.memory_space<hbm>> -> memref<128xi32, #tpu.memory_space<hbm>>
        %dma_start3A_20 = tpu.memref_slice %arg4[%add3A_14] : memref<327680xi32, #tpu.memory_space<hbm>> -> memref<128xi32, #tpu.memory_space<hbm>>
        tpu.enqueue_dma source(%dma_start3A_20 : memref<128xi32, #tpu.memory_space<hbm>>) target(%arg8 : memref<128xi32, #tpu.memory_space<vmem>>) target_semaphore(%run_scoped3A : memref<!tpu.dma_semaphore, #tpu.memory_space<semaphore_mem>>)
        %dma_wait3A_21 = tpu.memref_slice %arg4[%add3A_14] : memref<327680xi32, #tpu.memory_space<hbm>> -> memref<128xi32, #tpu.memory_space<hbm>>
        %dma_wait3A_22 = tpu.memref_slice %arg4[%add3A_14] : memref<327680xi32, #tpu.memory_space<hbm>> -> memref<128xi32, #tpu.memory_space<hbm>>
        tpu.wait_dma2 semaphore(%run_scoped3A : memref<!tpu.dma_semaphore, #tpu.memory_space<semaphore_mem>>) src(%dma_wait3A_22 : memref<128xi32, #tpu.memory_space<hbm>>) dst(%arg8 : memref<128xi32, #tpu.memory_space<vmem>>)
        tpu.yield
      }) : () -> ()
      %dma_start3A = arith.constant 0 : i32
      %dma_start3A_15 = arith.constant 0 : i32
      %dma_start3A_16 = tpu.memref_slice %arg2[%dma_start3A, %dma_start3A_15] : memref<20000x128xf32, #tpu.memory_space<hbm>> -> memref<20000x128xf32, #tpu.memory_space<hbm>>
      tpu.enqueue_indirect_dma source(%dma_start3A_16 : memref<20000x128xf32, #tpu.memory_space<hbm>>) target(%arg9 : memref<128x128xf32, #tpu.memory_space<vmem>>) offsets(%arg7 : memref<128xi32, #tpu.memory_space<vmem>>) semaphore(%arg11 : memref<!tpu.dma_semaphore, #tpu.memory_space<semaphore_mem>>)
      %dma_wait3A = arith.constant 0 : i32
      %dma_wait3A_17 = arith.constant 0 : i32
      %dma_wait3A_18 = tpu.memref_slice %arg2[%dma_wait3A, %dma_wait3A_17] : memref<20000x128xf32, #tpu.memory_space<hbm>> -> memref<20000x128xf32, #tpu.memory_space<hbm>>
      tpu.wait_indirect_dma semaphore(%arg11 : memref<!tpu.dma_semaphore, #tpu.memory_space<semaphore_mem>>) src(%dma_wait3A_18 : memref<20000x128xf32, #tpu.memory_space<hbm>>) dst(%arg9 : memref<128x128xf32, #tpu.memory_space<vmem>>)
      "tpu.region"() ({
        %run_scoped3A = tpu.sem_alloc : memref<!tpu.dma_semaphore, #tpu.memory_space<semaphore_mem>>
        %dma_start3A_19 = arith.constant 0 : i32
        %dma_start3A_20 = arith.constant 0 : i32
        %dma_start3A_21 = tpu.memref_slice %arg10[%dma_start3A_19, %dma_start3A_20] : memref<10240x128xf32, #tpu.memory_space<vmem_shared>> -> memref<10240x128xf32, #tpu.memory_space<vmem_shared>>
        tpu.enqueue_indirect_dma source(%arg9 : memref<128x128xf32, #tpu.memory_space<vmem>>) target(%dma_start3A_21 : memref<10240x128xf32, #tpu.memory_space<vmem_shared>>) offsets(%arg8 : memref<128xi32, #tpu.memory_space<vmem>>) semaphore(%run_scoped3A : memref<!tpu.dma_semaphore, #tpu.memory_space<semaphore_mem>>) {add = true}
        %dma_wait3A_22 = arith.constant 0 : i32
        %dma_wait3A_23 = arith.constant 0 : i32
        %dma_wait3A_24 = tpu.memref_slice %arg10[%dma_wait3A_22, %dma_wait3A_23] : memref<10240x128xf32, #tpu.memory_space<vmem_shared>> -> memref<10240x128xf32, #tpu.memory_space<vmem_shared>>
        tpu.wait_indirect_dma semaphore(%run_scoped3A : memref<!tpu.dma_semaphore, #tpu.memory_space<semaphore_mem>>) src(%arg9 : memref<128x128xf32, #tpu.memory_space<vmem>>) dst(%dma_wait3A_24 : memref<10240x128xf32, #tpu.memory_space<vmem_shared>>)
        tpu.yield
      }) : () -> ()
    }
    %scan3A_9 = arith.constant 80 : i32
    %barrier3A_10 = arith.constant 0 : index
    tpu.barrier barrier_id(%barrier3A_10)
    "tpu.region"() ({
      %run_scoped3A = tpu.sem_alloc : memref<!tpu.dma_semaphore, #tpu.memory_space<semaphore_mem>>
      %dma_start3A = arith.constant 0 : i32
      %dma_start3A_11 = tpu.memref_slice %arg6[%arg0, %mul3A_0, %dma_start3A] : memref<2x10240x128xf32, #tpu.memory_space<hbm>> -> memref<1x640x128xf32, #tpu.memory_space<hbm>>
      %dma_start3A_12 = tpu.memref_squeeze %dma_start3A_11 : memref<1x640x128xf32, #tpu.memory_space<hbm>> -> memref<640x128xf32, #tpu.memory_space<hbm>>
      %dma_start3A_13 = arith.constant 0 : i32
      %dma_start3A_14 = tpu.memref_slice %arg10[%mul3A_0, %dma_start3A_13] : memref<10240x128xf32, #tpu.memory_space<vmem_shared>> -> memref<640x128xf32, #tpu.memory_space<vmem_shared>>
      tpu.enqueue_dma source(%dma_start3A_14 : memref<640x128xf32, #tpu.memory_space<vmem_shared>>) target(%dma_start3A_12 : memref<640x128xf32, #tpu.memory_space<hbm>>) target_semaphore(%run_scoped3A : memref<!tpu.dma_semaphore, #tpu.memory_space<semaphore_mem>>)
      %dma_wait3A = arith.constant 0 : i32
      %dma_wait3A_15 = tpu.memref_slice %arg6[%arg0, %mul3A_0, %dma_wait3A] : memref<2x10240x128xf32, #tpu.memory_space<hbm>> -> memref<1x640x128xf32, #tpu.memory_space<hbm>>
      %dma_wait3A_16 = tpu.memref_squeeze %dma_wait3A_15 : memref<1x640x128xf32, #tpu.memory_space<hbm>> -> memref<640x128xf32, #tpu.memory_space<hbm>>
      %dma_wait3A_17 = arith.constant 0 : i32
      %dma_wait3A_18 = tpu.memref_slice %arg10[%mul3A_0, %dma_wait3A_17] : memref<10240x128xf32, #tpu.memory_space<vmem_shared>> -> memref<640x128xf32, #tpu.memory_space<vmem_shared>>
      tpu.wait_dma2 semaphore(%run_scoped3A : memref<!tpu.dma_semaphore, #tpu.memory_space<semaphore_mem>>) src(%dma_wait3A_18 : memref<640x128xf32, #tpu.memory_space<vmem_shared>>) dst(%dma_wait3A_16 : memref<640x128xf32, #tpu.memory_space<hbm>>)
      tpu.yield
    }) : () -> ()
    return
  }
}

#map = affine_map<(d0, d1) -> (0, 0)>
#map1 = affine_map<(d0, d1) -> (0)>
#map2 = affine_map<(d0, d1) -> (0, 0, 0)>
module attributes {stable_mosaic.version = 14 : i64} {
  func.func @k(%arg0: i32, %arg1: i32, %arg2: memref<20000x128xf32, #tpu.memory_space<hbm>>, %arg3: memref<327680xi32, #tpu.memory_space<hbm>>, %arg4: memref<327680xi32, #tpu.memory_space<hbm>>, %arg5: memref<10240x128xf32, #tpu.memory_space<hbm>>, %arg6: memref<2x10240x128xf32, #tpu.memory_space<hbm>>, %arg7: memref<128xi32, #tpu.memory_space<vmem>>, %arg8: memref<128xi32, #tpu.memory_space<vmem>>, %arg9: memref<128x128xf32, #tpu.memory_space<vmem>>, %arg10: memref<10240x128xf32, #tpu.memory_space<vmem_shared>>, %arg11: memref<!tpu.dma_semaphore, #tpu.memory_space<semaphore_mem>>) attributes {dimension_semantics = [#tpu.dimension_semantics<core_parallel>, #tpu.dimension_semantics<subcore_parallel>], iteration_bounds = array<i64: 2, 16>, scalar_prefetch = 0 : i64, scratch_operands = 5 : i64, tpu.core_type = #tpu.core_type<sc_vector_subcore>, window_params = [{transform_indices = #map}, {transform_indices = #map1}, {transform_indices = #map1}, {transform_indices = #map}, {transform_indices = #map2}]} {
    %mul3A = arith.constant 640 : i32
    %mul3A_0 = arith.muli %arg1, %mul3A : i32
    "tpu.region"() ({
      %run_scoped3A = tpu.sem_alloc : memref<!tpu.dma_semaphore, #tpu.memory_space<semaphore_mem>>
      %dma_start3A = arith.constant 0 : i32
      %dma_start3A_11 = tpu.memref_slice %arg10[%mul3A_0, %dma_start3A] : memref<10240x128xf32, #tpu.memory_space<vmem_shared>> -> memref<640x128xf32, #tpu.memory_space<vmem_shared>>
      %dma_start3A_12 = arith.constant 0 : i32
      %dma_start3A_13 = tpu.memref_slice %arg5[%mul3A_0, %dma_start3A_12] : memref<10240x128xf32, #tpu.memory_space<hbm>> -> memref<640x128xf32, #tpu.memory_space<hbm>>
      tpu.enqueue_dma source(%dma_start3A_13 : memref<640x128xf32, #tpu.memory_space<hbm>>) target(%dma_start3A_11 : memref<640x128xf32, #tpu.memory_space<vmem_shared>>) target_semaphore(%run_scoped3A : memref<!tpu.dma_semaphore, #tpu.memory_space<semaphore_mem>>)
      %dma_wait3A = arith.constant 0 : i32
      %dma_wait3A_14 = tpu.memref_slice %arg10[%mul3A_0, %dma_wait3A] : memref<10240x128xf32, #tpu.memory_space<vmem_shared>> -> memref<640x128xf32, #tpu.memory_space<vmem_shared>>
      %dma_wait3A_15 = arith.constant 0 : i32
      %dma_wait3A_16 = tpu.memref_slice %arg5[%mul3A_0, %dma_wait3A_15] : memref<10240x128xf32, #tpu.memory_space<hbm>> -> memref<640x128xf32, #tpu.memory_space<hbm>>
      tpu.wait_dma2 semaphore(%run_scoped3A : memref<!tpu.dma_semaphore, #tpu.memory_space<semaphore_mem>>) src(%dma_wait3A_16 : memref<640x128xf32, #tpu.memory_space<hbm>>) dst(%dma_wait3A_14 : memref<640x128xf32, #tpu.memory_space<vmem_shared>>)
      tpu.yield
    }) : () -> ()
    %barrier3A = arith.constant 0 : index
    tpu.barrier barrier_id(%barrier3A)
    %mul3A_1 = arith.constant 16 : i32
    %mul3A_2 = arith.muli %arg0, %mul3A_1 : i32
    %add3A = arith.addi %mul3A_2, %arg1 : i32
    %mul3A_3 = arith.constant 10240 : i32
    %mul3A_4 = arith.muli %add3A, %mul3A_3 : i32
    %scan3A = arith.constant 0 : i32
    %scan3A_5 = arith.constant 0 : i32
    %scan3A_6 = arith.constant 80 : i32
    %scan3A_7 = arith.addi %scan3A_5, %scan3A_6 : i32
    %scan3A_8 = arith.constant 1 : i32
    scf.for %scan3A_11 = %scan3A_5 to %scan3A_7 step %scan3A_8  : i32 {
      %mul3A_12 = arith.constant 128 : i32
      %mul3A_13 = arith.muli %scan3A_11, %mul3A_12 : i32
      %add3A_14 = arith.addi %mul3A_4, %mul3A_13 : i32
      "tpu.region"() ({
        %run_scoped3A = tpu.sem_alloc : memref<!tpu.dma_semaphore, #tpu.memory_space<semaphore_mem>>
        %dma_start3A_19 = tpu.memref_slice %arg3[%add3A_14] : memref<327680xi32, #tpu.memory_space<hbm>> -> memref<128xi32, #tpu.memory_space<hbm>>
        %dma_start3A_20 = tpu.memref_slice %arg3[%add3A_14] : memref<327680xi32, #tpu.memory_space<hbm>> -> memref<128xi32, #tpu.memory_space<hbm>>
        tpu.enqueue_dma source(%dma_start3A_20 : memref<128xi32, #tpu.memory_space<hbm>>) target(%arg7 : memref<128xi32, #tpu.memory_space<vmem>>) target_semaphore(%run_scoped3A : memref<!tpu.dma_semaphore, #tpu.memory_space<semaphore_mem>>)
        %dma_wait3A_21 = tpu.memref_slice %arg3[%add3A_14] : memref<327680xi32, #tpu.memory_space<hbm>> -> memref<128xi32, #tpu.memory_space<hbm>>
        %dma_wait3A_22 = tpu.memref_slice %arg3[%add3A_14] : memref<327680xi32, #tpu.memory_space<hbm>> -> memref<128xi32, #tpu.memory_space<hbm>>
        tpu.wait_dma2 semaphore(%run_scoped3A : memref<!tpu.dma_semaphore, #tpu.memory_space<semaphore_mem>>) src(%dma_wait3A_22 : memref<128xi32, #tpu.memory_space<hbm>>) dst(%arg7 : memref<128xi32, #tpu.memory_space<vmem>>)
        tpu.yield
      }) : () -> ()
      "tpu.region"() ({
        %run_scoped3A = tpu.sem_alloc : memref<!tpu.dma_semaphore, #tpu.memory_space<semaphore_mem>>
        %dma_start3A_19 = tpu.memref_slice %arg4[%add3A_14] : memref<327680xi32, #tpu.memory_space<hbm>> -> memref<128xi32, #tpu.memory_space<hbm>>
        %dma_start3A_20 = tpu.memref_slice %arg4[%add3A_14] : memref<327680xi32, #tpu.memory_space<hbm>> -> memref<128xi32, #tpu.memory_space<hbm>>
        tpu.enqueue_dma source(%dma_start3A_20 : memref<128xi32, #tpu.memory_space<hbm>>) target(%arg8 : memref<128xi32, #tpu.memory_space<vmem>>) target_semaphore(%run_scoped3A : memref<!tpu.dma_semaphore, #tpu.memory_space<semaphore_mem>>)
        %dma_wait3A_21 = tpu.memref_slice %arg4[%add3A_14] : memref<327680xi32, #tpu.memory_space<hbm>> -> memref<128xi32, #tpu.memory_space<hbm>>
        %dma_wait3A_22 = tpu.memref_slice %arg4[%add3A_14] : memref<327680xi32, #tpu.memory_space<hbm>> -> memref<128xi32, #tpu.memory_space<hbm>>
        tpu.wait_dma2 semaphore(%run_scoped3A : memref<!tpu.dma_semaphore, #tpu.memory_space<semaphore_mem>>) src(%dma_wait3A_22 : memref<128xi32, #tpu.memory_space<hbm>>) dst(%arg8 : memref<128xi32, #tpu.memory_space<vmem>>)
        tpu.yield
      }) : () -> ()
      %dma_start3A = arith.constant 0 : i32
      %dma_start3A_15 = arith.constant 0 : i32
      %dma_start3A_16 = tpu.memref_slice %arg2[%dma_start3A, %dma_start3A_15] : memref<20000x128xf32, #tpu.memory_space<hbm>> -> memref<20000x128xf32, #tpu.memory_space<hbm>>
      tpu.enqueue_indirect_dma source(%dma_start3A_16 : memref<20000x128xf32, #tpu.memory_space<hbm>>) target(%arg9 : memref<128x128xf32, #tpu.memory_space<vmem>>) offsets(%arg7 : memref<128xi32, #tpu.memory_space<vmem>>) semaphore(%arg11 : memref<!tpu.dma_semaphore, #tpu.memory_space<semaphore_mem>>)
      %dma_wait3A = arith.constant 0 : i32
      %dma_wait3A_17 = arith.constant 0 : i32
      %dma_wait3A_18 = tpu.memref_slice %arg2[%dma_wait3A, %dma_wait3A_17] : memref<20000x128xf32, #tpu.memory_space<hbm>> -> memref<20000x128xf32, #tpu.memory_space<hbm>>
      tpu.wait_indirect_dma semaphore(%arg11 : memref<!tpu.dma_semaphore, #tpu.memory_space<semaphore_mem>>) src(%dma_wait3A_18 : memref<20000x128xf32, #tpu.memory_space<hbm>>) dst(%arg9 : memref<128x128xf32, #tpu.memory_space<vmem>>)
      "tpu.region"() ({
        %run_scoped3A = tpu.sem_alloc : memref<!tpu.dma_semaphore, #tpu.memory_space<semaphore_mem>>
        %dma_start3A_19 = arith.constant 0 : i32
        %dma_start3A_20 = arith.constant 0 : i32
        %dma_start3A_21 = tpu.memref_slice %arg10[%dma_start3A_19, %dma_start3A_20] : memref<10240x128xf32, #tpu.memory_space<vmem_shared>> -> memref<10240x128xf32, #tpu.memory_space<vmem_shared>>
        tpu.enqueue_indirect_dma source(%arg9 : memref<128x128xf32, #tpu.memory_space<vmem>>) target(%dma_start3A_21 : memref<10240x128xf32, #tpu.memory_space<vmem_shared>>) offsets(%arg8 : memref<128xi32, #tpu.memory_space<vmem>>) semaphore(%run_scoped3A : memref<!tpu.dma_semaphore, #tpu.memory_space<semaphore_mem>>) {add = true}
        %dma_wait3A_22 = arith.constant 0 : i32
        %dma_wait3A_23 = arith.constant 0 : i32
        %dma_wait3A_24 = tpu.memref_slice %arg10[%dma_wait3A_22, %dma_wait3A_23] : memref<10240x128xf32, #tpu.memory_space<vmem_shared>> -> memref<10240x128xf32, #tpu.memory_space<vmem_shared>>
        tpu.wait_indirect_dma semaphore(%run_scoped3A : memref<!tpu.dma_semaphore, #tpu.memory_space<semaphore_mem>>) src(%arg9 : memref<128x128xf32, #tpu.memory_space<vmem>>) dst(%dma_wait3A_24 : memref<10240x128xf32, #tpu.memory_space<vmem_shared>>)
        tpu.yield
      }) : () -> ()
    }
    %scan3A_9 = arith.constant 80 : i32
    %barrier3A_10 = arith.constant 0 : index
    tpu.barrier barrier_id(%barrier3A_10)
    "tpu.region"() ({
      %run_scoped3A = tpu.sem_alloc : memref<!tpu.dma_semaphore, #tpu.memory_space<semaphore_mem>>
      %dma_start3A = arith.constant 0 : i32
      %dma_start3A_11 = tpu.memref_slice %arg6[%arg0, %mul3A_0, %dma_start3A] : memref<2x10240x128xf32, #tpu.memory_space<hbm>> -> memref<1x640x128xf32, #tpu.memory_space<hbm>>
      %dma_start3A_12 = tpu.memref_squeeze %dma_start3A_11 : memref<1x640x128xf32, #tpu.memory_space<hbm>> -> memref<640x128xf32, #tpu.memory_space<hbm>>
      %dma_start3A_13 = arith.constant 0 : i32
      %dma_start3A_14 = tpu.memref_slice %arg10[%mul3A_0, %dma_start3A_13] : memref<10240x128xf32, #tpu.memory_space<vmem_shared>> -> memref<640x128xf32, #tpu.memory_space<vmem_shared>>
      tpu.enqueue_dma source(%dma_start3A_14 : memref<640x128xf32, #tpu.memory_space<vmem_shared>>) target(%dma_start3A_12 : memref<640x128xf32, #tpu.memory_space<hbm>>) target_semaphore(%run_scoped3A : memref<!tpu.dma_semaphore, #tpu.memory_space<semaphore_mem>>)
      %dma_wait3A = arith.constant 0 : i32
      %dma_wait3A_15 = tpu.memref_slice %arg6[%arg0, %mul3A_0, %dma_wait3A] : memref<2x10240x128xf32, #tpu.memory_space<hbm>> -> memref<1x640x128xf32, #tpu.memory_space<hbm>>
      %dma_wait3A_16 = tpu.memref_squeeze %dma_wait3A_15 : memref<1x640x128xf32, #tpu.memory_space<hbm>> -> memref<640x128xf32, #tpu.memory_space<hbm>>
      %dma_wait3A_17 = arith.constant 0 : i32
      %dma_wait3A_18 = tpu.memref_slice %arg10[%mul3A_0, %dma_wait3A_17] : memref<10240x128xf32, #tpu.memory_space<vmem_shared>> -> memref<640x128xf32, #tpu.memory_space<vmem_shared>>
      tpu.wait_dma2 semaphore(%run_scoped3A : memref<!tpu.dma_semaphore, #tpu.memory_space<semaphore_mem>>) src(%dma_wait3A_18 : memref<640x128xf32, #tpu.memory_space<vmem_shared>>) dst(%dma_wait3A_16 : memref<640x128xf32, #tpu.memory_space<hbm>>)
      tpu.yield
    }) : () -> ()
    return
  }
}

</mosaic_0001>

<sc_bundles>
// kernel: kernel.12.cloned.1.call-start
scs
__scs_entry_jumppad:
0x0: {  	(pc) =	sbr.rel $0x88, $3  }
0x1: {  	(tag) =	ssettag $0x0;
	lr =	simm.s32 $0x1  }
0x2: {  	[smem:$0x3F8F] =	sst lr;
	_ =	strace $0xD0000000  }
0x3: {  	_ = 	snop  }
0x4: {  	_ = 	snop  }
0x5: {  	_ = 	snop  }
0x6: {  	_ = 	snop  }
0x7: {  	_ = 	snop  }
__scs_overlays_trampoline_lowered:
0x8: {  	[smem:$0x3F9E] =	sst s0  }
0x9: {  	[smem:$0x3F9F] =	sst s1  }
0xa: {  	[smem:$0x3FA0] =	sst s2  }
0xb: {  	[smem:$0x3FA1] =	sst s3  }
0xc: {  	[smem:$0x3FA2] =	sst s4  }
0xd: {  	[smem:$0x3FA3] =	sst s5  }
0xe: {  	[smem:$0x3FA4] =	sst s6  }
0xf: {  	[smem:$0x3FA5] =	sst s7  }
0x10: {  	[smem:$0x3FA6] =	sst s8  }
0x11: {  	[smem:$0x3FA7] =	sst s9;
	s0 =	simm.s32 @!p0 $0x0  }
0x12: {  	s1 =	sld [smem:$0x3F8D];
	s0 =	simm.s32 @p0 $0x1  }
0x13: {  	[smem:$0x3FA8] =	sst s0;
	s0 =	simm.s32 @!p1 $0x0  }
0x14: {  	s2 =	sld [smem:$0x3F8C];
	s0 =	simm.s32 @p1 $0x1  }
0x15: {  	[smem:$0x3FA9] =	sst s0;
	s0 =	simm.s32 @!p2 $0x0  }
0x16: {  	s3 =	sld [smem:$0x3FDB];
	s0 =	simm.s32 @p2 $0x1  }
0x17: {  	s4 =	simm.s32 $0x1BF5;
	[smem:$0x3FAB] =	sst s0  }
0x18: {  	s0 =	sld [smem:$0x3F8E];
	_ =	swait.ge [sflag:s4], $0x0  }
0x19: {  	s7 =	sld [smem:$0x3F8F]  }
0x1a: {  	s8 =	sadd.s32 $0xFFFFE003, lr  }
0x1b: {  	s9 =	sadd.s32 $0xFFFFFEF7, lr;
	s5 =	simm.s32 $0xFFFFFFFF;
	p2 =	slt.u32 s8, $0xFFFFF086  }
0x1c: {  	p1 =	slt.u32 s9, $0xF7A;
	s5 =	simm.s32 @!p2 $0x0  }
0x1d: {  	s5 =	simm.s32 @p1 $0x1;
	p0 =	seq.s32 s7, s2  }
0x1e: {  	s7 =	smul.u32 @!p0 $0xF7A, s2;
	p2 =	seq.s32 @!p0 s5, $0x0  }
0x1f: {  	s9 =	smul.u32 $0xF7A, s1;
	s8 =	simm.s32 @!p0 $0x1BF5;
	p2 =	por !p2, p0  }
0x20: {  	[sflag:s8] =	ssyncset.s32 @!p0 $0xFFFFF086;
	s6 =	sadd.s32 @!p0 s3, s7;
	s7 =	simm.s32 @!p0 $0x108  }
0x21: {  	s3 =	sadd.s32 s3, s9;
	s6 =	sadd.s32 @!p0 $0x88, s6;
	s7 =	simm.s32 @p2 $0x1082  }
0x22: {  	[simem:s7], [sflag:s8] =	dma.local @!p0 [hbm:s6], $0xF7A  }
0x23: {  	s9 =	sor.u32 $0xD0000000, s2;
	s6 =	simm.s32 $0x108;
	_ =	swait.ge @!p0 [sflag:s8], $0x0  }
0x24: {  	s3 =	sadd.s32 $0x88, s3;
	s6 =	simm.s32 @!p1 $0x1082;
	[sflag:s4] =	ssyncset.s32 $0xFFFFF086  }
0x25: {  	[simem:s6], [sflag:s4] =	dma.local [hbm:s3], $0xF7A  }
0x26: {  	[smem:$0x3F8F] =	sst s1;
	(tag) =	ssettag s2;
	_ =	strace s9  }
0x27: {  	s1 =	sld [smem:$0x3F9F]  }
0x28: {  	s2 =	sld [smem:$0x3FA0]  }
0x29: {  	s4 =	sld [smem:$0x3FA2]  }
0x2a: {  	p0 =	seq.s32 s5, $0x0;
	s5 =	sld [smem:$0x3FA3]  }
0x2b: {  	s6 =	sld [smem:$0x3FA4]  }
0x2c: {  	s7 =	sld [smem:$0x3FA5]  }
0x2d: {  	s3 =	simm.s32 $0x108;
	s8 =	sld [smem:$0x3FA6]  }
0x2e: {  	s3 =	simm.s32 @!p0 $0x1082;
	s9 =	sld [smem:$0x3FA7]  }
0x2f: {  	lr =	sadd.s32 s0, s3;
	s0 =	sld [smem:$0x3F9E]  }
0x30: {  	s3 =	sld [smem:$0x3FA1]  }
0x31: {  	[smem:$0x3FAA] =	sst s10  }
0x32: {  	s10 =	sld [smem:$0x3FA8];
	_ =	sdelay $0x3  }
0x33: {  	p0 =	seq.s32 s10, $0x1;
	s10 =	sld [smem:$0x3FAA];
	_ =	sdelay $0x3  }
0x34: {  	[smem:$0x3FAA] =	sst s10  }
0x35: {  	s10 =	sld [smem:$0x3FA9];
	_ =	sdelay $0x3  }
0x36: {  	p1 =	seq.s32 s10, $0x1;
	s10 =	sld [smem:$0x3FAA];
	_ =	sdelay $0x3  }
0x37: {  	[smem:$0x3FAA] =	sst s10  }
0x38: {  	s10 =	sld [smem:$0x3FAB]  }
0x39: {  	_ = 	snop;
	(pc) =	sbr.ind lr, $3  }
0x3a: {  	_ = 	snop  }
0x3b: {  	_ = 	snop  }
0x3c: {  	p2 =	seq.s32 s10, $0x1;
	s10 =	sld [smem:$0x3FAA]  }
0x3d: {  	_ =	shalt  }
0x3e: {  	_ =	shalt  }
0x3f: {  	_ =	shalt  }
0x40: {  	_ =	shalt  }
0x41: {  	_ =	shalt  }
0x42: {  	_ =	shalt  }
0x43: {  	_ =	shalt  }
0x44: {  	_ =	shalt  }
0x45: {  	_ =	shalt  }
0x46: {  	_ =	shalt  }
0x47: {  	_ =	shalt  }
0x48: {  	_ =	shalt  }
0x49: {  	_ =	shalt  }
0x4a: {  	_ =	shalt  }
0x4b: {  	_ =	shalt  }
0x4c: {  	_ =	shalt  }
0x4d: {  	_ =	shalt  }
0x4e: {  	_ =	shalt  }
0x4f: {  	_ =	shalt  }
0x50: {  	_ =	shalt  }
0x51: {  	_ =	shalt  }
0x52: {  	_ =	shalt  }
0x53: {  	_ =	shalt  }
0x54: {  	_ =	shalt  }
0x55: {  	_ =	shalt  }
0x56: {  	_ =	shalt  }
0x57: {  	_ =	shalt  }
0x58: {  	_ =	shalt  }
0x59: {  	_ =	shalt  }
0x5a: {  	_ =	shalt  }
0x5b: {  	_ =	shalt  }
0x5c: {  	_ =	shalt  }
0x5d: {  	_ =	shalt  }
0x5e: {  	_ =	shalt  }
0x5f: {  	_ =	shalt  }
0x60: {  	_ =	shalt  }
0x61: {  	_ =	shalt  }
0x62: {  	_ =	shalt  }
0x63: {  	_ =	shalt  }
0x64: {  	_ =	shalt  }
0x65: {  	_ =	shalt  }
0x66: {  	_ =	shalt  }
0x67: {  	_ =	shalt  }
0x68: {  	_ =	shalt  }
0x69: {  	_ =	shalt  }
0x6a: {  	_ =	shalt  }
0x6b: {  	_ =	shalt  }
0x6c: {  	_ =	shalt  }
0x6d: {  	_ =	shalt  }
0x6e: {  	_ =	shalt  }
0x6f: {  	_ =	shalt  }
0x70: {  	_ =	shalt  }
0x71: {  	_ =	shalt  }
0x72: {  	_ =	shalt  }
0x73: {  	_ =	shalt  }
0x74: {  	_ =	shalt  }
0x75: {  	_ =	shalt  }
0x76: {  	_ =	shalt  }
0x77: {  	_ =	shalt  }
0x78: {  	_ =	shalt  }
0x79: {  	_ =	shalt  }
0x7a: {  	_ =	shalt  }
0x7b: {  	_ =	shalt  }
0x7c: {  	_ =	shalt  }
0x7d: {  	_ =	shalt  }
0x7e: {  	_ =	shalt  }
0x7f: {  	_ =	shalt  }
0x80: {  	_ =	shalt  }
0x81: {  	_ =	shalt  }
0x82: {  	_ =	shalt  }
0x83: {  	_ =	shalt  }
0x84: {  	_ =	shalt  }
0x85: {  	_ =	shalt  }
0x86: {  	_ =	shalt  }
0x87: {  	_ =	shalt  }
.Lfunc_end0:
.L_simem_size_0:
called_computation.5_lowered:
.L_overlay_start_0:
0x88: {  	s2 =	sld [smem:$0x3FD9]  }
0x89: {  	s3 =	sld [smem:$0x3FFE];
	_ =	sdelay $0x1  }
0x8a: {  	s1 =	srdreg.scid  }
0x8b: {  	s0 =	sand.u32 $0x1, s1  }
0x8c: {  	s16 =	sshll.u32 s0, $0xA;
	s2 =	sadd.s32 s3, s2  }
0x8d: {  	s2 =	sadd.s32 s2, s16  }
0x8e: {  	[smem:$0x3FB6] =	sst s2  }
0x8f: {  	_ = 	snop  }
0x90: {  	(tm) =	ssettm $0x1  }
0x91: {  	s17 =	sld [smem:$0x3FFB];
	_ =	sdelay $0x3  }
0x92: {  	_ =	strace s17  }
0x93: {  	s2 =	sld [smem:$0x3FFC];
	_ =	sdelay $0x3  }
0x94: {  	_ =	strace s2  }
0x95: {  	s2 =	sld [smem:$0x3FFD];
	_ =	sdelay $0x3  }
0x96: {  	_ =	strace s2  }
0x97: {  	_ =	strace $0x8FFFFFFF  }
0x98: {  	s18 =	sld [smem:$0x3FDB];
	_ =	sdelay $0x1  }
0x99: {  	s19 =	simm.s32 $_scs_section_size  }
0x9a: {  	s4 =	simm.s32 $_size__tile_overlayer_lowered;
	s5 =	simm.s32 $_tile_overlayer_lowered  }
0x9b: {  	s22 =	simm.s32 $0x1BFF;
	s21 =	sshll.u32 s5, $0x1;
	s2 =	sadd.s32 s19, s18  }
0x9c: {  	s6 =	simm.s32 $0x0;
	s20 =	sshll.u32 s4, $0x1;
	s4 =	sadd.s32 s21, s2  }
0x9d: {  	[timem:s6], [sflag:s22] =	dma.local [hbm:s4], s20  }
0x9e: {  	_ =	swait.ge [sflag:s22], s20  }
0x9f: {  	s3 =	ssub.s32 $0x0, s20;
	[sflag:s22] =	ssyncset.done $0x0  }
0xa0: {  	[sflag:s22] =	ssyncadd.s32 s3;
	_ =	sdelay $0x1  }
0xa1: {  	s23 =	simm.s32 $0x1B8B  }
0xa2: {  	_ =	swait.ge [sflag:s23], $0x1  }
0xa3: {  	[sflag:s23] =	ssyncset.done $0x0  }
0xa4: {  	s25 =	simm.s32 $0x1B8E;
	s24 =	sld [smem:$0x3FFE];
	[sflag:s23] =	ssyncadd.s32 $0xFFFFFFFF  }
0xa5: {  	s26 =	simm.s32 $execute0_lowered;
	[smem:$0x3FD2] =	sst s25  }
0xa6: {  	s4 =	sshll.u32 s26, $0x1;
	_ =	strace $0x8000005B;
	[dreg:$0x1] =	wrdreg $0xFFFFFFFF  }
0xa7: {  	s28 =	simm.s32 $_size_execute0_lowered;
	s2 =	sadd.s32 s2, s4;
	[dreg:$0x0] =	wrdreg $0x0  }
0xa8: {  	s4 =	sshll.u32 s28, $0x1;
	[dreg:$0x2] =	wrdreg s2  }
0xa9: {  	[dreg:$0x3] =	wrdreg s4  }
0xaa: {  	[dreg:$0x4] =	wrdreg $0xC0  }
0xab: {  	_ =	task [dreg:s6], $0x5FFFF  }
0xac: {  	[dreg:$0x1] =	wrdreg $0xFFFFFFFF  }
0xad: {  	[dreg:$0x0] =	wrdreg $0x60  }
0xae: {  	[dreg:$0x2] =	wrdreg s24  }
0xaf: {  	[dreg:$0x3] =	wrdreg $0x41000  }
0xb0: {  	[dreg:$0x4] =	wrdreg $0x9  }
0xb1: {  	_ =	task.clear_ibuf [dreg:s6], $0x5FFFF;
	_ =	strace $0x9000005B  }
0xb2: {  	s29 =	simm.s32 $0x9;
	_ =	strace $0x8000005D  }
0xb3: {  	_ =	swait.ge [sflag:s29], $0x1  }
0xb4: {  	[sflag:s29] =	ssyncadd.s32 $0xFFFFFFFF  }
0xb5: {  	_ =	strace $0x9000005D  }
0xb6: {  	_ =	sfence  }
0xb7: {  	s30 =	sld [smem:$0x0];
	_ =	sdelay $0x2  }
0xb8: {  	s31 =	sshll.u32 s1, $0xD;
	s1 =	sshrl.u32 s1, $0x2  }
0xb9: {  	s3 =	sand.u32 $0x4000, s31;
	s1 =	sadd.s32 s1, s30  }
0xba: {  	s0 =	sor.u32 s3, s0;
	s1 =	sshll.u32 s1, $0x11  }
0xbb: {  	s0 =	sor.u32 s1, s0  }
0xbc: {  	s0 =	sadd.s32 $0x8F2B, s0  }
0xbd: {  	[sflag:s0] =	ssyncadd.remote.s32 $0x1  }
0xbe: {  	_ =	sfence.sel $0xFFFF  }
0xbf: {  	[dreg:$0x0] =	wrdreg $0xFFFFFFFF;
	(pc) =	sbr.abs _section_cstart, $3  }
0xc0: {  	[dreg:$0x1] =	wrdreg $0xFFFFFFFF  }
0xc1: {  	_ =	task.clear_ibuf [dreg:s6], $0x2FFFF;
	_ =	strace $0x9FFFFFFF  }
0xc2: {  	(tm) =	ssettm $0x7FFFFFFF  }
0xc3: {  	_ =	shalt  }
tec
execute0_lowered:
.L_overlay_start_1:
0x0: {  	(tag) =	ssettag $0x1  }
0x1: {  	s5 =	rddreg [dreg:$0x0];
	s0 =	srdreg.scid  }
0x2: {  	s2 =	rddreg [dreg:$0x1];
	s1 =	stileid.u32  }
0x3: {  	s3 =	simm.s32 $0x0;
	s13 =	simm.s32 $0x80;
	s8 =	smul.u32 $0x14000, s1  }
0x4: {  	s14 =	simm.s32 $0x100;
	s15 =	simm.s32 $0x1;
	s26 =	smul.u32 $0x50000, s1  }
0x5: {  	s6 =	sand.u32 $0x1, s0;
	s0 =	rddreg [dreg:$0x2];
	s30 =	smul.u32 $0x500, s1  }
0x6: {  	s16 =	simm.s32 $0x0;
	[smem:$0x7FF] =	sst s3;
	s7 =	smul.u32 $0x5000, s6  }
0x7: {  	s4 =	sadd.s32 $0xD200, s5;
	s31 =	sshll.u32 s1, $0x6;
	s9 =	smul.u32 $0x140000, s6  }
0x8: {  	_ =	strace $0x8000005C;
	s6 =	ssub.s32 $0x2, s6;
	s25 =	sshrl.u32 s8, $0x3  }
0x9: {  	s28 =	sshrl.u32 s6, $0x1;
	s29 =	sshrl.u32 s26, $0x2;
	s10 =	sadd.s32 s7, s5  }
0xa: {  	s8 =	sadd.s32 s8, s9;
	s7 =	sadd.s32 s25, s5;
	s11 =	ssub.s32 s6, s28  }
0xb: {  	s12 =	sadd.s32 s29, s2;
	s6 =	sor.u32 $0x1C02, s31;
	s8 =	sshrl.u32 s8, $0x3  }
0xc: {  	s10 =	sadd.s32 s30, s10;
	s8 =	sadd.s32 s8, s5;
	s5 =	sadd.s32 $0xF33A00, s7  }
0xd: {  	s9 =	sadd.s32 $0xF15A00, s10;
	s10 =	sadd.s32 $0x3200, s10;
	s7 =	sadd.s32 $0x5B400, s8  }
0xe: {  	s8 =	smax.u32 s11, $0x1;
	s11 =	sshrl.u32 s12, $0x3;
	s12 =	simm.s32 $0x2  }
.LBB2_1:
0xf: {  	[spmem:s11], [sflag:s6] =	dma.local [hbm:s5], $0x2800  }
0x10: {  	_ =	swait.ge [sflag:s12], $0x2800  }
0x11: {  	[sflag:s12] =	ssyncset.done $0x0  }
0x12: {  	[sflag:s12] =	ssyncadd.s32 $0xFFFFD800  }
0x13: {  	s17 =	sadd.s32 $0x0, s10;
	[bflag:$0x0] =	sbarrier.arrive $0xFFFF  }
0x14: {  	[tilespmem:s3], [sflag:$0x2] =	stream.linear.gather [hbm4b:s17+s3], $0x80, $0x38;
	[tilespmem:$0x18100] =	vst v63  }
0x15: {  	_ =	swait.ge [sflag:s12], $0x80  }
0x16: {  	[sflag:s12] =	ssyncset.done $0x0  }
0x17: {  	s31 =	sadd.s32 $0x0, s9;
	[sflag:s12] =	ssyncadd.s32 $0xFFFFFF80  }
0x18: {  	[tilespmem:s13], [sflag:$0x2] =	stream.linear.gather [hbm4b:s31+s3], $0x80, $0x38;
	[tilespmem:$0x18100] =	vst v63  }
0x19: {  	_ =	swait.ge [sflag:s12], $0x80  }
0x1a: {  	[sflag:s12] =	ssyncset.done $0x0  }
0x1b: {  	[sflag:s12] =	ssyncadd.s32 $0xFFFFFF80  }
0x1c: {  	[tilespmem:s14], [sflag:$0x1] =	stream.indirect.gather [hbm4b:s4+s13], $0x80, s3, s13, $0xb8;
	[tilespmem:$0x18100] =	vst v63  }
0x1d: {  	_ =	swait.ge [sflag:s15], $0x4000  }
0x1e: {  	[sflag:s15] =	ssyncset.done $0x0  }
0x1f: {  	[sflag:s15] =	ssyncadd.s32 $0xFFFFC000  }
0x20: {  	[spmem:s2] =	stream.indirect.scatter.add.f32 [tilespmem:s14], [sflag:$0x2], $0x80, s13, s13, $0xb8;
	[tilespmem:$0x18100] =	vst v63  }
0x21: {  	_ =	swait.ge [sflag:s12], $0x4000  }
0x22: {  	s18 =	simm.s32 $0x20;
	s17 =	simm.s32 $0x10;
	[sflag:s12] =	ssyncset.done $0x0  }
.LBB2_2:
0x23: {  	s19 =	sadd.s32 s17, s10  }
0x24: {  	[sflag:s12] =	ssyncadd.s32 $0xFFFFC000;
	s20 =	smov.u32 s18;
	s21 =	sadd.s32 $0x10, s18  }
0x25: {  	[tilespmem:s3], [sflag:$0x2] =	stream.linear.gather [hbm4b:s19+s3], $0x80, $0x38;
	[tilespmem:$0x18100] =	vst v63  }
0x26: {  	p0 =	sne.s32 s18, $0x4F0;
	_ =	swait.ge [sflag:s12], $0x80  }
0x27: {  	[sflag:s12] =	ssyncset.done $0x0  }
0x28: {  	s18 =	sadd.s32 s17, s9;
	s17 =	smov.u32 s20;
	[sflag:s12] =	ssyncadd.s32 $0xFFFFFF80  }
0x29: {  	[tilespmem:s13], [sflag:$0x2] =	stream.linear.gather [hbm4b:s18+s3], $0x80, $0x38;
	[tilespmem:$0x18100] =	vst v63  }
0x2a: {  	_ =	swait.ge [sflag:s12], $0x80  }
0x2b: {  	[sflag:s12] =	ssyncset.done $0x0  }
0x2c: {  	[sflag:s12] =	ssyncadd.s32 $0xFFFFFF80  }
0x2d: {  	[tilespmem:s14], [sflag:$0x1] =	stream.indirect.gather [hbm4b:s4+s13], $0x80, s3, s13, $0xb8;
	[tilespmem:$0x18100] =	vst v63  }
0x2e: {  	_ =	swait.ge [sflag:s15], $0x4000  }
.Ltmp0:
0x2f: {  	[sflag:s15] =	ssyncset.done $0x0;
	(pc) =	sbr.rel @p0 .LBB2_2-.Ltmp0, $4  }
0x30: {  	[sflag:s15] =	ssyncadd.s32 $0xFFFFC000  }
0x31: {  	[spmem:s2] =	stream.indirect.scatter.add.f32 [tilespmem:s14], [sflag:$0x2], $0x80, s13, s13, $0xb8;
	[tilespmem:$0x18100] =	vst v63  }
0x32: {  	_ =	swait.ge [sflag:s12], $0x4000  }
0x33: {  	s18 =	smov.u32 s21;
	[sflag:s12] =	ssyncset.done $0x0  }
0x34: {  	s18 =	sadd.s32 s17, s10;
	[sflag:s12] =	ssyncadd.s32 $0xFFFFC000  }
0x35: {  	[tilespmem:s3], [sflag:$0x2] =	stream.linear.gather [hbm4b:s18+s3], $0x80, $0x38;
	[tilespmem:$0x18100] =	vst v63  }
0x36: {  	_ =	swait.ge [sflag:s12], $0x80  }
0x37: {  	[sflag:s12] =	ssyncset.done $0x0  }
0x38: {  	s31 =	sadd.s32 s17, s9;
	[sflag:s12] =	ssyncadd.s32 $0xFFFFFF80  }
0x39: {  	[tilespmem:s13], [sflag:$0x2] =	stream.linear.gather [hbm4b:s31+s3], $0x80, $0x38;
	[tilespmem:$0x18100] =	vst v63  }
0x3a: {  	_ =	swait.ge [sflag:s12], $0x80  }
0x3b: {  	[sflag:s12] =	ssyncset.done $0x0  }
0x3c: {  	[sflag:s12] =	ssyncadd.s32 $0xFFFFFF80  }
0x3d: {  	[tilespmem:s14], [sflag:$0x1] =	stream.indirect.gather [hbm4b:s4+s13], $0x80, s3, s13, $0xb8;
	[tilespmem:$0x18100] =	vst v63  }
0x3e: {  	_ =	swait.ge [sflag:s15], $0x4000  }
0x3f: {  	[sflag:s15] =	ssyncset.done $0x0  }
0x40: {  	[sflag:s15] =	ssyncadd.s32 $0xFFFFC000  }
0x41: {  	[spmem:s2] =	stream.indirect.scatter.add.f32 [tilespmem:s14], [sflag:$0x2], $0x80, s13, s13, $0xb8;
	[tilespmem:$0x18100] =	vst v63  }
0x42: {  	_ =	swait.ge [sflag:s12], $0x4000  }
0x43: {  	s16 =	sadd.s32 $0x1, s16;
	[sflag:s12] =	ssyncset.done $0x0  }
0x44: {  	p0 =	sne.s32 s16, s8;
	[sflag:s12] =	ssyncadd.s32 $0xFFFFC000  }
.Ltmp1:
0x45: {  	[bflag:$0x0] =	sbarrier.arrive $0xFFFF;
	(pc) =	sbr.rel @p0 .LBB2_1-.Ltmp1, $4  }
0x46: {  	[hbm:s7], [sflag:s6] =	dma.local [spmem:s11], $0x2800  }
0x47: {  	_ =	swait.ge [sflag:s12], $0x2800  }
0x48: {  	[sflag:s12] =	ssyncset.done $0x0  }
0x49: {  	[sflag:s12] =	ssyncadd.s32 $0xFFFFD800  }
0x4a: {  	_ =	sfence.sel $0x180000  }
0x4b: {  	[bflag:$0x0] =	sbarrier.arrive $0xFFFF  }
0x4c: {  	p0 =	sne.s32 s1, $0x0;
	_ =	strace $0x9000005C  }
0x4d: {  	s0 =	sadd.s32 @!p0 $0x100000, s0;
	[bflag:$0x2] =	sbarrier.arrive $0xFFFF  }
0x4e: {  	[sflag:s0] =	ssyncadd.tile.s32 @!p0 $0x1;
	_ =	shalt  }
.Lfunc_end2:
_tile_overlayer_lowered:
.L_overlay_start_2:
0x4f: {  	(tag) =	ssettag $0x2  }
0x50: {  	s0 =	rddreg [dreg:$0x0];
	s2 =	stileid.u32  }
0x51: {  	s1 =	rddreg [dreg:$0x1];
	p0 =	sne.s32 s2, $0x0  }
0x52: {  	s3 =	rddreg [dreg:$0x2];
	[bflag:$0x3] =	sbarrier.arrive $0xFFFF;
	s2 =	simm.s32 @!p0 $0x1C02  }
0x53: {  	[timem:s3], [sflag:s2] =	dma.local @!p0 [hbm:s0], s1  }
0x54: {  	s0 =	simm.s32 @!p0 $0x2  }
0x55: {  	_ =	swait.ge @!p0 [sflag:s0], s1  }
0x56: {  	s1 =	ssub.s32 @!p0 $0x0, s1;
	[sflag:s0] =	ssyncset.done @!p0 $0x0  }
0x57: {  	[sflag:s0] =	ssyncadd.s32 @!p0 s1  }
0x58: {  	[bflag:$0x3] =	sbarrier.arrive $0xFFFF  }
0x59: {  	_ =	shalt  }

// kernel: kernel.15.cloned.1.call-start
scs
__scs_entry_jumppad:
0x0: {  	(pc) =	sbr.rel $0x88, $3  }
0x1: {  	(tag) =	ssettag $0x0;
	lr =	simm.s32 $0x1  }
0x2: {  	[smem:$0x3F8F] =	sst lr;
	_ =	strace $0xD0000000  }
0x3: {  	_ = 	snop  }
0x4: {  	_ = 	snop  }
0x5: {  	_ = 	snop  }
0x6: {  	_ = 	snop  }
0x7: {  	_ = 	snop  }
__scs_overlays_trampoline_lowered:
0x8: {  	[smem:$0x3F9E] =	sst s0  }
0x9: {  	[smem:$0x3F9F] =	sst s1  }
0xa: {  	[smem:$0x3FA0] =	sst s2  }
0xb: {  	[smem:$0x3FA1] =	sst s3  }
0xc: {  	[smem:$0x3FA2] =	sst s4  }
0xd: {  	[smem:$0x3FA3] =	sst s5  }
0xe: {  	[smem:$0x3FA4] =	sst s6  }
0xf: {  	[smem:$0x3FA5] =	sst s7  }
0x10: {  	[smem:$0x3FA6] =	sst s8  }
0x11: {  	[smem:$0x3FA7] =	sst s9;
	s0 =	simm.s32 @!p0 $0x0  }
0x12: {  	s1 =	sld [smem:$0x3F8D];
	s0 =	simm.s32 @p0 $0x1  }
0x13: {  	[smem:$0x3FA8] =	sst s0;
	s0 =	simm.s32 @!p1 $0x0  }
0x14: {  	s2 =	sld [smem:$0x3F8C];
	s0 =	simm.s32 @p1 $0x1  }
0x15: {  	[smem:$0x3FA9] =	sst s0;
	s0 =	simm.s32 @!p2 $0x0  }
0x16: {  	s3 =	sld [smem:$0x3FDB];
	s0 =	simm.s32 @p2 $0x1  }
0x17: {  	s4 =	simm.s32 $0x1BF5;
	[smem:$0x3FAB] =	sst s0  }
0x18: {  	s0 =	sld [smem:$0x3F8E];
	_ =	swait.ge [sflag:s4], $0x0  }
0x19: {  	s7 =	sld [smem:$0x3F8F]  }
0x1a: {  	s8 =	sadd.s32 $0xFFFFE003, lr  }
0x1b: {  	s9 =	sadd.s32 $0xFFFFFEF7, lr;
	s5 =	simm.s32 $0xFFFFFFFF;
	p2 =	slt.u32 s8, $0xFFFFF086  }
0x1c: {  	p1 =	slt.u32 s9, $0xF7A;
	s5 =	simm.s32 @!p2 $0x0  }
0x1d: {  	s5 =	simm.s32 @p1 $0x1;
	p0 =	seq.s32 s7, s2  }
0x1e: {  	s7 =	smul.u32 @!p0 $0xF7A, s2;
	p2 =	seq.s32 @!p0 s5, $0x0  }
0x1f: {  	s9 =	smul.u32 $0xF7A, s1;
	s8 =	simm.s32 @!p0 $0x1BF5;
	p2 =	por !p2, p0  }
0x20: {  	[sflag:s8] =	ssyncset.s32 @!p0 $0xFFFFF086;
	s6 =	sadd.s32 @!p0 s3, s7;
	s7 =	simm.s32 @!p0 $0x108  }
0x21: {  	s3 =	sadd.s32 s3, s9;
	s6 =	sadd.s32 @!p0 $0x88, s6;
	s7 =	simm.s32 @p2 $0x1082  }
0x22: {  	[simem:s7], [sflag:s8] =	dma.local @!p0 [hbm:s6], $0xF7A  }
0x23: {  	s9 =	sor.u32 $0xD0000000, s2;
	s6 =	simm.s32 $0x108;
	_ =	swait.ge @!p0 [sflag:s8], $0x0  }
0x24: {  	s3 =	sadd.s32 $0x88, s3;
	s6 =	simm.s32 @!p1 $0x1082;
	[sflag:s4] =	ssyncset.s32 $0xFFFFF086  }
0x25: {  	[simem:s6], [sflag:s4] =	dma.local [hbm:s3], $0xF7A  }
0x26: {  	[smem:$0x3F8F] =	sst s1;
	(tag) =	ssettag s2;
	_ =	strace s9  }
0x27: {  	s1 =	sld [smem:$0x3F9F]  }
0x28: {  	s2 =	sld [smem:$0x3FA0]  }
0x29: {  	s4 =	sld [smem:$0x3FA2]  }
0x2a: {  	p0 =	seq.s32 s5, $0x0;
	s5 =	sld [smem:$0x3FA3]  }
0x2b: {  	s6 =	sld [smem:$0x3FA4]  }
0x2c: {  	s7 =	sld [smem:$0x3FA5]  }
0x2d: {  	s3 =	simm.s32 $0x108;
	s8 =	sld [smem:$0x3FA6]  }
0x2e: {  	s3 =	simm.s32 @!p0 $0x1082;
	s9 =	sld [smem:$0x3FA7]  }
0x2f: {  	lr =	sadd.s32 s0, s3;
	s0 =	sld [smem:$0x3F9E]  }
0x30: {  	s3 =	sld [smem:$0x3FA1]  }
0x31: {  	[smem:$0x3FAA] =	sst s10  }
0x32: {  	s10 =	sld [smem:$0x3FA8];
	_ =	sdelay $0x3  }
0x33: {  	p0 =	seq.s32 s10, $0x1;
	s10 =	sld [smem:$0x3FAA];
	_ =	sdelay $0x3  }
0x34: {  	[smem:$0x3FAA] =	sst s10  }
0x35: {  	s10 =	sld [smem:$0x3FA9];
	_ =	sdelay $0x3  }
0x36: {  	p1 =	seq.s32 s10, $0x1;
	s10 =	sld [smem:$0x3FAA];
	_ =	sdelay $0x3  }
0x37: {  	[smem:$0x3FAA] =	sst s10  }
0x38: {  	s10 =	sld [smem:$0x3FAB]  }
0x39: {  	_ = 	snop;
	(pc) =	sbr.ind lr, $3  }
0x3a: {  	_ = 	snop  }
0x3b: {  	_ = 	snop  }
0x3c: {  	p2 =	seq.s32 s10, $0x1;
	s10 =	sld [smem:$0x3FAA]  }
0x3d: {  	_ =	shalt  }
0x3e: {  	_ =	shalt  }
0x3f: {  	_ =	shalt  }
0x40: {  	_ =	shalt  }
0x41: {  	_ =	shalt  }
0x42: {  	_ =	shalt  }
0x43: {  	_ =	shalt  }
0x44: {  	_ =	shalt  }
0x45: {  	_ =	shalt  }
0x46: {  	_ =	shalt  }
0x47: {  	_ =	shalt  }
0x48: {  	_ =	shalt  }
0x49: {  	_ =	shalt  }
0x4a: {  	_ =	shalt  }
0x4b: {  	_ =	shalt  }
0x4c: {  	_ =	shalt  }
0x4d: {  	_ =	shalt  }
0x4e: {  	_ =	shalt  }
0x4f: {  	_ =	shalt  }
0x50: {  	_ =	shalt  }
0x51: {  	_ =	shalt  }
0x52: {  	_ =	shalt  }
0x53: {  	_ =	shalt  }
0x54: {  	_ =	shalt  }
0x55: {  	_ =	shalt  }
0x56: {  	_ =	shalt  }
0x57: {  	_ =	shalt  }
0x58: {  	_ =	shalt  }
0x59: {  	_ =	shalt  }
0x5a: {  	_ =	shalt  }
0x5b: {  	_ =	shalt  }
0x5c: {  	_ =	shalt  }
0x5d: {  	_ =	shalt  }
0x5e: {  	_ =	shalt  }
0x5f: {  	_ =	shalt  }
0x60: {  	_ =	shalt  }
0x61: {  	_ =	shalt  }
0x62: {  	_ =	shalt  }
0x63: {  	_ =	shalt  }
0x64: {  	_ =	shalt  }
0x65: {  	_ =	shalt  }
0x66: {  	_ =	shalt  }
0x67: {  	_ =	shalt  }
0x68: {  	_ =	shalt  }
0x69: {  	_ =	shalt  }
0x6a: {  	_ =	shalt  }
0x6b: {  	_ =	shalt  }
0x6c: {  	_ =	shalt  }
0x6d: {  	_ =	shalt  }
0x6e: {  	_ =	shalt  }
0x6f: {  	_ =	shalt  }
0x70: {  	_ =	shalt  }
0x71: {  	_ =	shalt  }
0x72: {  	_ =	shalt  }
0x73: {  	_ =	shalt  }
0x74: {  	_ =	shalt  }
0x75: {  	_ =	shalt  }
0x76: {  	_ =	shalt  }
0x77: {  	_ =	shalt  }
0x78: {  	_ =	shalt  }
0x79: {  	_ =	shalt  }
0x7a: {  	_ =	shalt  }
0x7b: {  	_ =	shalt  }
0x7c: {  	_ =	shalt  }
0x7d: {  	_ =	shalt  }
0x7e: {  	_ =	shalt  }
0x7f: {  	_ =	shalt  }
0x80: {  	_ =	shalt  }
0x81: {  	_ =	shalt  }
0x82: {  	_ =	shalt  }
0x83: {  	_ =	shalt  }
0x84: {  	_ =	shalt  }
0x85: {  	_ =	shalt  }
0x86: {  	_ =	shalt  }
0x87: {  	_ =	shalt  }
.Lfunc_end0:
.L_simem_size_0:
called_computation.6_lowered:
.L_overlay_start_0:
0x88: {  	s2 =	sld [smem:$0x3FD9]  }
0x89: {  	s3 =	sld [smem:$0x3FFE];
	_ =	sdelay $0x1  }
0x8a: {  	s1 =	srdreg.scid  }
0x8b: {  	s0 =	sand.u32 $0x1, s1  }
0x8c: {  	s16 =	sshll.u32 s0, $0xA;
	s2 =	sadd.s32 s3, s2  }
0x8d: {  	s2 =	sadd.s32 s2, s16  }
0x8e: {  	[smem:$0x3FB6] =	sst s2  }
0x8f: {  	_ = 	snop  }
0x90: {  	(tm) =	ssettm $0x1  }
0x91: {  	s17 =	sld [smem:$0x3FFB];
	_ =	sdelay $0x3  }
0x92: {  	_ =	strace s17  }
0x93: {  	s2 =	sld [smem:$0x3FFC];
	_ =	sdelay $0x3  }
0x94: {  	_ =	strace s2  }
0x95: {  	s2 =	sld [smem:$0x3FFD];
	_ =	sdelay $0x3  }
0x96: {  	_ =	strace s2  }
0x97: {  	_ =	strace $0x8FFFFFFF  }
0x98: {  	s18 =	sld [smem:$0x3FDB];
	_ =	sdelay $0x1  }
0x99: {  	s19 =	simm.s32 $_scs_section_size  }
0x9a: {  	s4 =	simm.s32 $_size__tile_overlayer_lowered;
	s5 =	simm.s32 $_tile_overlayer_lowered  }
0x9b: {  	s22 =	simm.s32 $0x1BFF;
	s21 =	sshll.u32 s5, $0x1;
	s2 =	sadd.s32 s19, s18  }
0x9c: {  	s6 =	simm.s32 $0x0;
	s20 =	sshll.u32 s4, $0x1;
	s4 =	sadd.s32 s21, s2  }
0x9d: {  	[timem:s6], [sflag:s22] =	dma.local [hbm:s4], s20  }
0x9e: {  	_ =	swait.ge [sflag:s22], s20  }
0x9f: {  	s3 =	ssub.s32 $0x0, s20;
	[sflag:s22] =	ssyncset.done $0x0  }
0xa0: {  	[sflag:s22] =	ssyncadd.s32 s3;
	_ =	sdelay $0x1  }
0xa1: {  	s23 =	simm.s32 $0x1B8B  }
0xa2: {  	_ =	swait.ge [sflag:s23], $0x1  }
0xa3: {  	[sflag:s23] =	ssyncset.done $0x0  }
0xa4: {  	s25 =	simm.s32 $0x1B8E;
	s24 =	sld [smem:$0x3FFE];
	[sflag:s23] =	ssyncadd.s32 $0xFFFFFFFF  }
0xa5: {  	s26 =	simm.s32 $execute0_lowered;
	[smem:$0x3FD2] =	sst s25  }
0xa6: {  	s4 =	sshll.u32 s26, $0x1;
	_ =	strace $0x8000005E;
	[dreg:$0x1] =	wrdreg $0xFFFFFFFF  }
0xa7: {  	s28 =	simm.s32 $_size_execute0_lowered;
	s2 =	sadd.s32 s2, s4;
	[dreg:$0x0] =	wrdreg $0x0  }
0xa8: {  	s4 =	sshll.u32 s28, $0x1;
	[dreg:$0x2] =	wrdreg s2  }
0xa9: {  	[dreg:$0x3] =	wrdreg s4  }
0xaa: {  	[dreg:$0x4] =	wrdreg $0xC0  }
0xab: {  	_ =	task [dreg:s6], $0x5FFFF  }
0xac: {  	[dreg:$0x1] =	wrdreg $0xFFFFFFFF  }
0xad: {  	[dreg:$0x0] =	wrdreg $0x60  }
0xae: {  	[dreg:$0x2] =	wrdreg s24  }
0xaf: {  	[dreg:$0x3] =	wrdreg $0x41000  }
0xb0: {  	[dreg:$0x4] =	wrdreg $0x9  }
0xb1: {  	_ =	task.clear_ibuf [dreg:s6], $0x5FFFF;
	_ =	strace $0x9000005E  }
0xb2: {  	s29 =	simm.s32 $0x9;
	_ =	strace $0x80000060  }
0xb3: {  	_ =	swait.ge [sflag:s29], $0x1  }
0xb4: {  	[sflag:s29] =	ssyncadd.s32 $0xFFFFFFFF  }
0xb5: {  	_ =	strace $0x90000060  }
0xb6: {  	_ =	sfence  }
0xb7: {  	s30 =	sld [smem:$0x0];
	_ =	sdelay $0x2  }
0xb8: {  	s31 =	sshll.u32 s1, $0xD;
	s1 =	sshrl.u32 s1, $0x2  }
0xb9: {  	s3 =	sand.u32 $0x4000, s31;
	s1 =	sadd.s32 s1, s30  }
0xba: {  	s0 =	sor.u32 s3, s0;
	s1 =	sshll.u32 s1, $0x11  }
0xbb: {  	s0 =	sor.u32 s1, s0  }
0xbc: {  	s0 =	sadd.s32 $0x8F2B, s0  }
0xbd: {  	[sflag:s0] =	ssyncadd.remote.s32 $0x1  }
0xbe: {  	_ =	sfence.sel $0xFFFF  }
0xbf: {  	[dreg:$0x0] =	wrdreg $0xFFFFFFFF;
	(pc) =	sbr.abs _section_cstart, $3  }
0xc0: {  	[dreg:$0x1] =	wrdreg $0xFFFFFFFF  }
0xc1: {  	_ =	task.clear_ibuf [dreg:s6], $0x2FFFF;
	_ =	strace $0x9FFFFFFF  }
0xc2: {  	(tm) =	ssettm $0x7FFFFFFF  }
0xc3: {  	_ =	shalt  }
tec
execute0_lowered:
.L_overlay_start_1:
0x0: {  	(tag) =	ssettag $0x1  }
0x1: {  	s5 =	rddreg [dreg:$0x0];
	s0 =	srdreg.scid  }
0x2: {  	s2 =	rddreg [dreg:$0x1];
	s1 =	stileid.u32  }
0x3: {  	s3 =	simm.s32 $0x0;
	s13 =	simm.s32 $0x80;
	s8 =	smul.u32 $0x14000, s1  }
0x4: {  	s14 =	simm.s32 $0x100;
	s15 =	simm.s32 $0x1;
	s26 =	smul.u32 $0x50000, s1  }
0x5: {  	s6 =	sand.u32 $0x1, s0;
	s0 =	rddreg [dreg:$0x2];
	s30 =	smul.u32 $0x500, s1  }
0x6: {  	s16 =	simm.s32 $0x0;
	[smem:$0x7FF] =	sst s3;
	s7 =	smul.u32 $0x5000, s6  }
0x7: {  	s4 =	sadd.s32 $0xD200, s5;
	s31 =	sshll.u32 s1, $0x6;
	s9 =	smul.u32 $0x140000, s6  }
0x8: {  	_ =	strace $0x8000005F;
	s6 =	ssub.s32 $0x2, s6;
	s25 =	sshrl.u32 s8, $0x3  }
0x9: {  	s28 =	sshrl.u32 s6, $0x1;
	s29 =	sshrl.u32 s26, $0x2;
	s10 =	sadd.s32 s7, s5  }
0xa: {  	s8 =	sadd.s32 s8, s9;
	s7 =	sadd.s32 s25, s5;
	s11 =	ssub.s32 s6, s28  }
0xb: {  	s12 =	sadd.s32 s29, s2;
	s6 =	sor.u32 $0x1C02, s31;
	s8 =	sshrl.u32 s8, $0x3  }
0xc: {  	s10 =	sadd.s32 s30, s10;
	s8 =	sadd.s32 s8, s5;
	s5 =	sadd.s32 $0xF33A00, s7  }
0xd: {  	s9 =	sadd.s32 $0xF15A00, s10;
	s10 =	sadd.s32 $0x3200, s10;
	s7 =	sadd.s32 $0x5B400, s8  }
0xe: {  	s8 =	smax.u32 s11, $0x1;
	s11 =	sshrl.u32 s12, $0x3;
	s12 =	simm.s32 $0x2  }
.LBB2_1:
0xf: {  	[spmem:s11], [sflag:s6] =	dma.local [hbm:s5], $0x2800  }
0x10: {  	_ =	swait.ge [sflag:s12], $0x2800  }
0x11: {  	[sflag:s12] =	ssyncset.done $0x0  }
0x12: {  	[sflag:s12] =	ssyncadd.s32 $0xFFFFD800  }
0x13: {  	s17 =	sadd.s32 $0x0, s10;
	[bflag:$0x0] =	sbarrier.arrive $0xFFFF  }
0x14: {  	[tilespmem:s3], [sflag:$0x2] =	stream.linear.gather [hbm4b:s17+s3], $0x80, $0x38;
	[tilespmem:$0x18100] =	vst v63  }
0x15: {  	_ =	swait.ge [sflag:s12], $0x80  }
0x16: {  	[sflag:s12] =	ssyncset.done $0x0  }
0x17: {  	s31 =	sadd.s32 $0x0, s9;
	[sflag:s12] =	ssyncadd.s32 $0xFFFFFF80  }
0x18: {  	[tilespmem:s13], [sflag:$0x2] =	stream.linear.gather [hbm4b:s31+s3], $0x80, $0x38;
	[tilespmem:$0x18100] =	vst v63  }
0x19: {  	_ =	swait.ge [sflag:s12], $0x80  }
0x1a: {  	[sflag:s12] =	ssyncset.done $0x0  }
0x1b: {  	[sflag:s12] =	ssyncadd.s32 $0xFFFFFF80  }
0x1c: {  	[tilespmem:s14], [sflag:$0x1] =	stream.indirect.gather [hbm4b:s4+s13], $0x80, s3, s13, $0xb8;
	[tilespmem:$0x18100] =	vst v63  }
0x1d: {  	_ =	swait.ge [sflag:s15], $0x4000  }
0x1e: {  	[sflag:s15] =	ssyncset.done $0x0  }
0x1f: {  	[sflag:s15] =	ssyncadd.s32 $0xFFFFC000  }
0x20: {  	[spmem:s2] =	stream.indirect.scatter.add.f32 [tilespmem:s14], [sflag:$0x2], $0x80, s13, s13, $0xb8;
	[tilespmem:$0x18100] =	vst v63  }
0x21: {  	_ =	swait.ge [sflag:s12], $0x4000  }
0x22: {  	s18 =	simm.s32 $0x20;
	s17 =	simm.s32 $0x10;
	[sflag:s12] =	ssyncset.done $0x0  }
.LBB2_2:
0x23: {  	s19 =	sadd.s32 s17, s10  }
0x24: {  	[sflag:s12] =	ssyncadd.s32 $0xFFFFC000;
	s20 =	smov.u32 s18;
	s21 =	sadd.s32 $0x10, s18  }
0x25: {  	[tilespmem:s3], [sflag:$0x2] =	stream.linear.gather [hbm4b:s19+s3], $0x80, $0x38;
	[tilespmem:$0x18100] =	vst v63  }
0x26: {  	p0 =	sne.s32 s18, $0x4F0;
	_ =	swait.ge [sflag:s12], $0x80  }
0x27: {  	[sflag:s12] =	ssyncset.done $0x0  }
0x28: {  	s18 =	sadd.s32 s17, s9;
	s17 =	smov.u32 s20;
	[sflag:s12] =	ssyncadd.s32 $0xFFFFFF80  }
0x29: {  	[tilespmem:s13], [sflag:$0x2] =	stream.linear.gather [hbm4b:s18+s3], $0x80, $0x38;
	[tilespmem:$0x18100] =	vst v63  }
0x2a: {  	_ =	swait.ge [sflag:s12], $0x80  }
0x2b: {  	[sflag:s12] =	ssyncset.done $0x0  }
0x2c: {  	[sflag:s12] =	ssyncadd.s32 $0xFFFFFF80  }
0x2d: {  	[tilespmem:s14], [sflag:$0x1] =	stream.indirect.gather [hbm4b:s4+s13], $0x80, s3, s13, $0xb8;
	[tilespmem:$0x18100] =	vst v63  }
0x2e: {  	_ =	swait.ge [sflag:s15], $0x4000  }
.Ltmp0:
0x2f: {  	[sflag:s15] =	ssyncset.done $0x0;
	(pc) =	sbr.rel @p0 .LBB2_2-.Ltmp0, $4  }
0x30: {  	[sflag:s15] =	ssyncadd.s32 $0xFFFFC000  }
0x31: {  	[spmem:s2] =	stream.indirect.scatter.add.f32 [tilespmem:s14], [sflag:$0x2], $0x80, s13, s13, $0xb8;
	[tilespmem:$0x18100] =	vst v63  }
0x32: {  	_ =	swait.ge [sflag:s12], $0x4000  }
0x33: {  	s18 =	smov.u32 s21;
	[sflag:s12] =	ssyncset.done $0x0  }
0x34: {  	s18 =	sadd.s32 s17, s10;
	[sflag:s12] =	ssyncadd.s32 $0xFFFFC000  }
0x35: {  	[tilespmem:s3], [sflag:$0x2] =	stream.linear.gather [hbm4b:s18+s3], $0x80, $0x38;
	[tilespmem:$0x18100] =	vst v63  }
0x36: {  	_ =	swait.ge [sflag:s12], $0x80  }
0x37: {  	[sflag:s12] =	ssyncset.done $0x0  }
0x38: {  	s31 =	sadd.s32 s17, s9;
	[sflag:s12] =	ssyncadd.s32 $0xFFFFFF80  }
0x39: {  	[tilespmem:s13], [sflag:$0x2] =	stream.linear.gather [hbm4b:s31+s3], $0x80, $0x38;
	[tilespmem:$0x18100] =	vst v63  }
0x3a: {  	_ =	swait.ge [sflag:s12], $0x80  }
0x3b: {  	[sflag:s12] =	ssyncset.done $0x0  }
0x3c: {  	[sflag:s12] =	ssyncadd.s32 $0xFFFFFF80  }
0x3d: {  	[tilespmem:s14], [sflag:$0x1] =	stream.indirect.gather [hbm4b:s4+s13], $0x80, s3, s13, $0xb8;
	[tilespmem:$0x18100] =	vst v63  }
0x3e: {  	_ =	swait.ge [sflag:s15], $0x4000  }
0x3f: {  	[sflag:s15] =	ssyncset.done $0x0  }
0x40: {  	[sflag:s15] =	ssyncadd.s32 $0xFFFFC000  }
0x41: {  	[spmem:s2] =	stream.indirect.scatter.add.f32 [tilespmem:s14], [sflag:$0x2], $0x80, s13, s13, $0xb8;
	[tilespmem:$0x18100] =	vst v63  }
0x42: {  	_ =	swait.ge [sflag:s12], $0x4000  }
0x43: {  	s16 =	sadd.s32 $0x1, s16;
	[sflag:s12] =	ssyncset.done $0x0  }
0x44: {  	p0 =	sne.s32 s16, s8;
	[sflag:s12] =	ssyncadd.s32 $0xFFFFC000  }
.Ltmp1:
0x45: {  	[bflag:$0x0] =	sbarrier.arrive $0xFFFF;
	(pc) =	sbr.rel @p0 .LBB2_1-.Ltmp1, $4  }
0x46: {  	[hbm:s7], [sflag:s6] =	dma.local [spmem:s11], $0x2800  }
0x47: {  	_ =	swait.ge [sflag:s12], $0x2800  }
0x48: {  	[sflag:s12] =	ssyncset.done $0x0  }
0x49: {  	[sflag:s12] =	ssyncadd.s32 $0xFFFFD800  }
0x4a: {  	_ =	sfence.sel $0x180000  }
0x4b: {  	[bflag:$0x0] =	sbarrier.arrive $0xFFFF  }
0x4c: {  	p0 =	sne.s32 s1, $0x0;
	_ =	strace $0x9000005F  }
0x4d: {  	s0 =	sadd.s32 @!p0 $0x100000, s0;
	[bflag:$0x2] =	sbarrier.arrive $0xFFFF  }
0x4e: {  	[sflag:s0] =	ssyncadd.tile.s32 @!p0 $0x1;
	_ =	shalt  }
.Lfunc_end2:
_tile_overlayer_lowered:
.L_overlay_start_2:
0x4f: {  	(tag) =	ssettag $0x2  }
0x50: {  	s0 =	rddreg [dreg:$0x0];
	s2 =	stileid.u32  }
0x51: {  	s1 =	rddreg [dreg:$0x1];
	p0 =	sne.s32 s2, $0x0  }
0x52: {  	s3 =	rddreg [dreg:$0x2];
	[bflag:$0x3] =	sbarrier.arrive $0xFFFF;
	s2 =	simm.s32 @!p0 $0x1C02  }
0x53: {  	[timem:s3], [sflag:s2] =	dma.local @!p0 [hbm:s0], s1  }
0x54: {  	s0 =	simm.s32 @!p0 $0x2  }
0x55: {  	_ =	swait.ge @!p0 [sflag:s0], s1  }
0x56: {  	s1 =	ssub.s32 @!p0 $0x0, s1;
	[sflag:s0] =	ssyncset.done @!p0 $0x0  }
0x57: {  	[sflag:s0] =	ssyncadd.s32 @!p0 s1  }
0x58: {  	[bflag:$0x3] =	sbarrier.arrive $0xFFFF  }
0x59: {  	_ =	shalt  }

// kernel: kernel.6.cloned.1.call-start
scs
__scs_entry_jumppad:
0x0: {  	(pc) =	sbr.rel $0x88, $3  }
0x1: {  	(tag) =	ssettag $0x0;
	lr =	simm.s32 $0x1  }
0x2: {  	[smem:$0x3F8F] =	sst lr;
	_ =	strace $0xD0000000  }
0x3: {  	_ = 	snop  }
0x4: {  	_ = 	snop  }
0x5: {  	_ = 	snop  }
0x6: {  	_ = 	snop  }
0x7: {  	_ = 	snop  }
__scs_overlays_trampoline_lowered:
0x8: {  	[smem:$0x3F9E] =	sst s0  }
0x9: {  	[smem:$0x3F9F] =	sst s1  }
0xa: {  	[smem:$0x3FA0] =	sst s2  }
0xb: {  	[smem:$0x3FA1] =	sst s3  }
0xc: {  	[smem:$0x3FA2] =	sst s4  }
0xd: {  	[smem:$0x3FA3] =	sst s5  }
0xe: {  	[smem:$0x3FA4] =	sst s6  }
0xf: {  	[smem:$0x3FA5] =	sst s7  }
0x10: {  	[smem:$0x3FA6] =	sst s8  }
0x11: {  	[smem:$0x3FA7] =	sst s9;
	s0 =	simm.s32 @!p0 $0x0  }
0x12: {  	s1 =	sld [smem:$0x3F8D];
	s0 =	simm.s32 @p0 $0x1  }
0x13: {  	[smem:$0x3FA8] =	sst s0;
	s0 =	simm.s32 @!p1 $0x0  }
0x14: {  	s2 =	sld [smem:$0x3F8C];
	s0 =	simm.s32 @p1 $0x1  }
0x15: {  	[smem:$0x3FA9] =	sst s0;
	s0 =	simm.s32 @!p2 $0x0  }
0x16: {  	s3 =	sld [smem:$0x3FDB];
	s0 =	simm.s32 @p2 $0x1  }
0x17: {  	s4 =	simm.s32 $0x1BF5;
	[smem:$0x3FAB] =	sst s0  }
0x18: {  	s0 =	sld [smem:$0x3F8E];
	_ =	swait.ge [sflag:s4], $0x0  }
0x19: {  	s7 =	sld [smem:$0x3F8F]  }
0x1a: {  	s8 =	sadd.s32 $0xFFFFE003, lr  }
0x1b: {  	s9 =	sadd.s32 $0xFFFFFEF7, lr;
	s5 =	simm.s32 $0xFFFFFFFF;
	p2 =	slt.u32 s8, $0xFFFFF086  }
0x1c: {  	p1 =	slt.u32 s9, $0xF7A;
	s5 =	simm.s32 @!p2 $0x0  }
0x1d: {  	s5 =	simm.s32 @p1 $0x1;
	p0 =	seq.s32 s7, s2  }
0x1e: {  	s7 =	smul.u32 @!p0 $0xF7A, s2;
	p2 =	seq.s32 @!p0 s5, $0x0  }
0x1f: {  	s9 =	smul.u32 $0xF7A, s1;
	s8 =	simm.s32 @!p0 $0x1BF5;
	p2 =	por !p2, p0  }
0x20: {  	[sflag:s8] =	ssyncset.s32 @!p0 $0xFFFFF086;
	s6 =	sadd.s32 @!p0 s3, s7;
	s7 =	simm.s32 @!p0 $0x108  }
0x21: {  	s3 =	sadd.s32 s3, s9;
	s6 =	sadd.s32 @!p0 $0x88, s6;
	s7 =	simm.s32 @p2 $0x1082  }
0x22: {  	[simem:s7], [sflag:s8] =	dma.local @!p0 [hbm:s6], $0xF7A  }
0x23: {  	s9 =	sor.u32 $0xD0000000, s2;
	s6 =	simm.s32 $0x108;
	_ =	swait.ge @!p0 [sflag:s8], $0x0  }
0x24: {  	s3 =	sadd.s32 $0x88, s3;
	s6 =	simm.s32 @!p1 $0x1082;
	[sflag:s4] =	ssyncset.s32 $0xFFFFF086  }
0x25: {  	[simem:s6], [sflag:s4] =	dma.local [hbm:s3], $0xF7A  }
0x26: {  	[smem:$0x3F8F] =	sst s1;
	(tag) =	ssettag s2;
	_ =	strace s9  }
0x27: {  	s1 =	sld [smem:$0x3F9F]  }
0x28: {  	s2 =	sld [smem:$0x3FA0]  }
0x29: {  	s4 =	sld [smem:$0x3FA2]  }
0x2a: {  	p0 =	seq.s32 s5, $0x0;
	s5 =	sld [smem:$0x3FA3]  }
0x2b: {  	s6 =	sld [smem:$0x3FA4]  }
0x2c: {  	s7 =	sld [smem:$0x3FA5]  }
0x2d: {  	s3 =	simm.s32 $0x108;
	s8 =	sld [smem:$0x3FA6]  }
0x2e: {  	s3 =	simm.s32 @!p0 $0x1082;
	s9 =	sld [smem:$0x3FA7]  }
0x2f: {  	lr =	sadd.s32 s0, s3;
	s0 =	sld [smem:$0x3F9E]  }
0x30: {  	s3 =	sld [smem:$0x3FA1]  }
0x31: {  	[smem:$0x3FAA] =	sst s10  }
0x32: {  	s10 =	sld [smem:$0x3FA8];
	_ =	sdelay $0x3  }
0x33: {  	p0 =	seq.s32 s10, $0x1;
	s10 =	sld [smem:$0x3FAA];
	_ =	sdelay $0x3  }
0x34: {  	[smem:$0x3FAA] =	sst s10  }
0x35: {  	s10 =	sld [smem:$0x3FA9];
	_ =	sdelay $0x3  }
0x36: {  	p1 =	seq.s32 s10, $0x1;
	s10 =	sld [smem:$0x3FAA];
	_ =	sdelay $0x3  }
0x37: {  	[smem:$0x3FAA] =	sst s10  }
0x38: {  	s10 =	sld [smem:$0x3FAB]  }
0x39: {  	_ = 	snop;
	(pc) =	sbr.ind lr, $3  }
0x3a: {  	_ = 	snop  }
0x3b: {  	_ = 	snop  }
0x3c: {  	p2 =	seq.s32 s10, $0x1;
	s10 =	sld [smem:$0x3FAA]  }
0x3d: {  	_ =	shalt  }
0x3e: {  	_ =	shalt  }
0x3f: {  	_ =	shalt  }
0x40: {  	_ =	shalt  }
0x41: {  	_ =	shalt  }
0x42: {  	_ =	shalt  }
0x43: {  	_ =	shalt  }
0x44: {  	_ =	shalt  }
0x45: {  	_ =	shalt  }
0x46: {  	_ =	shalt  }
0x47: {  	_ =	shalt  }
0x48: {  	_ =	shalt  }
0x49: {  	_ =	shalt  }
0x4a: {  	_ =	shalt  }
0x4b: {  	_ =	shalt  }
0x4c: {  	_ =	shalt  }
0x4d: {  	_ =	shalt  }
0x4e: {  	_ =	shalt  }
0x4f: {  	_ =	shalt  }
0x50: {  	_ =	shalt  }
0x51: {  	_ =	shalt  }
0x52: {  	_ =	shalt  }
0x53: {  	_ =	shalt  }
0x54: {  	_ =	shalt  }
0x55: {  	_ =	shalt  }
0x56: {  	_ =	shalt  }
0x57: {  	_ =	shalt  }
0x58: {  	_ =	shalt  }
0x59: {  	_ =	shalt  }
0x5a: {  	_ =	shalt  }
0x5b: {  	_ =	shalt  }
0x5c: {  	_ =	shalt  }
0x5d: {  	_ =	shalt  }
0x5e: {  	_ =	shalt  }
0x5f: {  	_ =	shalt  }
0x60: {  	_ =	shalt  }
0x61: {  	_ =	shalt  }
0x62: {  	_ =	shalt  }
0x63: {  	_ =	shalt  }
0x64: {  	_ =	shalt  }
0x65: {  	_ =	shalt  }
0x66: {  	_ =	shalt  }
0x67: {  	_ =	shalt  }
0x68: {  	_ =	shalt  }
0x69: {  	_ =	shalt  }
0x6a: {  	_ =	shalt  }
0x6b: {  	_ =	shalt  }
0x6c: {  	_ =	shalt  }
0x6d: {  	_ =	shalt  }
0x6e: {  	_ =	shalt  }
0x6f: {  	_ =	shalt  }
0x70: {  	_ =	shalt  }
0x71: {  	_ =	shalt  }
0x72: {  	_ =	shalt  }
0x73: {  	_ =	shalt  }
0x74: {  	_ =	shalt  }
0x75: {  	_ =	shalt  }
0x76: {  	_ =	shalt  }
0x77: {  	_ =	shalt  }
0x78: {  	_ =	shalt  }
0x79: {  	_ =	shalt  }
0x7a: {  	_ =	shalt  }
0x7b: {  	_ =	shalt  }
0x7c: {  	_ =	shalt  }
0x7d: {  	_ =	shalt  }
0x7e: {  	_ =	shalt  }
0x7f: {  	_ =	shalt  }
0x80: {  	_ =	shalt  }
0x81: {  	_ =	shalt  }
0x82: {  	_ =	shalt  }
0x83: {  	_ =	shalt  }
0x84: {  	_ =	shalt  }
0x85: {  	_ =	shalt  }
0x86: {  	_ =	shalt  }
0x87: {  	_ =	shalt  }
.Lfunc_end0:
.L_simem_size_0:
called_computation.3_lowered:
.L_overlay_start_0:
0x88: {  	s2 =	sld [smem:$0x3FD9]  }
0x89: {  	s3 =	sld [smem:$0x3FFE];
	_ =	sdelay $0x1  }
0x8a: {  	s1 =	srdreg.scid  }
0x8b: {  	s0 =	sand.u32 $0x1, s1  }
0x8c: {  	s17 =	sshll.u32 s0, $0xA;
	s2 =	sadd.s32 s3, s2  }
0x8d: {  	s2 =	sadd.s32 s2, s17  }
0x8e: {  	[smem:$0x3FB6] =	sst s2  }
0x8f: {  	_ = 	snop  }
0x90: {  	(tm) =	ssettm $0x1  }
0x91: {  	s18 =	sld [smem:$0x3FFB];
	_ =	sdelay $0x3  }
0x92: {  	_ =	strace s18  }
0x93: {  	s2 =	sld [smem:$0x3FFC];
	_ =	sdelay $0x3  }
0x94: {  	_ =	strace s2  }
0x95: {  	s2 =	sld [smem:$0x3FFD];
	_ =	sdelay $0x3  }
0x96: {  	_ =	strace s2  }
0x97: {  	_ =	strace $0x8FFFFFFF  }
0x98: {  	s19 =	sld [smem:$0x3FDB];
	_ =	sdelay $0x1  }
0x99: {  	s20 =	simm.s32 $_scs_section_size  }
0x9a: {  	s4 =	simm.s32 $_size__tile_overlayer_lowered;
	s5 =	simm.s32 $_tile_overlayer_lowered  }
0x9b: {  	s6 =	simm.s32 $0x1BFF;
	s21 =	sshll.u32 s5, $0x1;
	s3 =	sadd.s32 s20, s19  }
0x9c: {  	s22 =	simm.s32 $0x0;
	s4 =	sshll.u32 s4, $0x1;
	s5 =	sadd.s32 s21, s3  }
0x9d: {  	[timem:s22], [sflag:s6] =	dma.local [hbm:s5], s4  }
0x9e: {  	_ =	swait.ge [sflag:s6], s4  }
0x9f: {  	s4 =	ssub.s32 $0x0, s4;
	[sflag:s6] =	ssyncset.done $0x0  }
0xa0: {  	[sflag:s6] =	ssyncadd.s32 s4;
	_ =	sdelay $0x1  }
0xa1: {  	s23 =	simm.s32 $0x1B8B  }
0xa2: {  	_ =	swait.ge [sflag:s23], $0x1  }
0xa3: {  	[sflag:s23] =	ssyncset.done $0x0  }
0xa4: {  	[sflag:s23] =	ssyncadd.s32 $0xFFFFFFFF  }
0xa5: {  	s4 =	sld [smem:$0x0]  }
0xa6: {  	s5 =	sand.u32 $0xFFFFFFFE, s1  }
0xa7: {  	p0 =	sne.s32 s1, s5  }
0xa8: {  	s5 =	sshll.u32 @p0 s5, $0xE  }
0xa9: {  	s5 =	sadd.s32 @p0 $0x11B8D, s5;
	s6 =	sshll.u32 @p0 s4, $0x11  }
0xaa: {  	s5 =	sor.u32 @p0 s6, s5  }
0xab: {  	[sflag:s5] =	ssyncadd.remote.s32 @p0 $0x1;
	_ =	sdelay $0x1  }
0xac: {  	s5 =	simm.s32 @p0 $0x1B8D  }
0xad: {  	_ =	swait.eq @p0 [sflag:s5], $0x1  }
0xae: {  	[sflag:s5] =	ssyncadd.s32 @p0 $0xFFFFFFFF  }
0xaf: {  	s6 =	sshll.u32 @!p0 s1, $0xE  }
0xb0: {  	s6 =	sor.u32 @!p0 $0x4000, s6;
	s5 =	simm.s32 @!p0 $0x1B8D  }
0xb1: {  	s4 =	sshll.u32 @!p0 s4, $0x11;
	s6 =	sadd.s32 @!p0 $0x11B8D, s6;
	_ =	swait.eq @!p0 [sflag:s5], $0x1  }
0xb2: {  	s4 =	sor.u32 @!p0 s4, s6;
	[sflag:s5] =	ssyncadd.s32 @!p0 $0xFFFFFFFF  }
0xb3: {  	s25 =	simm.s32 $0x1B8E;
	s24 =	sld [smem:$0x3FFE];
	[sflag:s4] =	ssyncadd.remote.s32 @!p0 $0x1  }
0xb4: {  	s26 =	simm.s32 $execute0_lowered;
	[smem:$0x3FD2] =	sst s25  }
0xb5: {  	s5 =	sshll.u32 s26, $0x1;
	_ =	strace $0x80000058;
	[dreg:$0x1] =	wrdreg $0xFFFFFFFF  }
0xb6: {  	s28 =	simm.s32 $_size_execute0_lowered;
	s3 =	sadd.s32 s3, s5;
	[dreg:$0x0] =	wrdreg $0x0  }
0xb7: {  	s5 =	sshll.u32 s28, $0x1;
	[dreg:$0x2] =	wrdreg s3  }
0xb8: {  	[dreg:$0x3] =	wrdreg s5  }
0xb9: {  	[dreg:$0x4] =	wrdreg $0xC0  }
0xba: {  	_ =	task [dreg:s22], $0x5FFFF  }
0xbb: {  	[dreg:$0x1] =	wrdreg $0xFFFFFFFF  }
0xbc: {  	[dreg:$0x0] =	wrdreg $0x60  }
0xbd: {  	[dreg:$0x2] =	wrdreg s24  }
0xbe: {  	[dreg:$0x3] =	wrdreg $0x41000  }
0xbf: {  	[dreg:$0x4] =	wrdreg $0xE  }
0xc0: {  	_ =	task.clear_ibuf [dreg:s22], $0x5FFFF;
	_ =	strace $0x90000058  }
0xc1: {  	s29 =	simm.s32 $0xE;
	_ =	strace $0x8000005A  }
0xc2: {  	_ =	swait.ge [sflag:s29], $0x1  }
0xc3: {  	[sflag:s29] =	ssyncadd.s32 $0xFFFFFFFF  }
0xc4: {  	_ =	strace $0x9000005A  }
0xc5: {  	_ =	sfence  }
0xc6: {  	s30 =	sld [smem:$0x0];
	_ =	sdelay $0x2  }
0xc7: {  	s31 =	sshll.u32 s1, $0xD;
	s1 =	sshrl.u32 s1, $0x2  }
0xc8: {  	s4 =	sand.u32 $0x4000, s31;
	s1 =	sadd.s32 s1, s30  }
0xc9: {  	s0 =	sor.u32 s4, s0;
	s1 =	sshll.u32 s1, $0x11  }
0xca: {  	s0 =	sor.u32 s1, s0  }
0xcb: {  	s0 =	sadd.s32 $0x8F2B, s0  }
0xcc: {  	[sflag:s0] =	ssyncadd.remote.s32 $0x1  }
0xcd: {  	_ =	sfence.sel $0xFFFF  }
0xce: {  	[dreg:$0x0] =	wrdreg $0xFFFFFFFF;
	(pc) =	sbr.abs _section_cstart, $3  }
0xcf: {  	[dreg:$0x1] =	wrdreg $0xFFFFFFFF  }
0xd0: {  	_ =	task.clear_ibuf [dreg:s22], $0x2FFFF;
	_ =	strace $0x9FFFFFFF  }
0xd1: {  	(tm) =	ssettm $0x7FFFFFFF  }
tec
execute0_lowered:
.L_overlay_start_1:
0x0: {  	(tag) =	ssettag $0x1  }
0x1: {  	s5 =	rddreg [dreg:$0x0];
	s0 =	srdreg.scid  }
0x2: {  	s2 =	rddreg [dreg:$0x1];
	s1 =	stileid.u32  }
0x3: {  	s3 =	simm.s32 $0x0;
	s13 =	simm.s32 $0x80;
	s8 =	smul.u32 $0x14000, s1  }
0x4: {  	s14 =	simm.s32 $0x100;
	s15 =	simm.s32 $0x1;
	s26 =	smul.u32 $0x50000, s1  }
0x5: {  	s6 =	sand.u32 $0x1, s0;
	s0 =	rddreg [dreg:$0x2];
	s30 =	smul.u32 $0x500, s1  }
0x6: {  	s16 =	simm.s32 $0x0;
	[smem:$0x7FF] =	sst s3;
	s7 =	smul.u32 $0x5000, s6  }
0x7: {  	s4 =	sadd.s32 $0x52A800, s5;
	s31 =	sshll.u32 s1, $0x6;
	s9 =	smul.u32 $0x140000, s6  }
0x8: {  	_ =	strace $0x80000059;
	s6 =	ssub.s32 $0x2, s6;
	s25 =	sshrl.u32 s8, $0x3  }
0x9: {  	s28 =	sshrl.u32 s6, $0x1;
	s29 =	sshrl.u32 s26, $0x2;
	s10 =	sadd.s32 s7, s5  }
0xa: {  	s8 =	sadd.s32 s8, s9;
	s7 =	sadd.s32 s25, s5;
	s11 =	ssub.s32 s6, s28  }
0xb: {  	s6 =	sor.u32 $0x1C02, s31;
	s8 =	sshrl.u32 s8, $0x3;
	s10 =	sadd.s32 s30, s10  }
0xc: {  	s8 =	sadd.s32 s8, s5;
	s5 =	sadd.s32 $0xF33A00, s7;
	s9 =	sadd.s32 $0xF15A00, s10  }
0xd: {  	s12 =	sadd.s32 s29, s2;
	s10 =	sadd.s32 $0xF1FA00, s10;
	s7 =	sadd.s32 $0xFABA00, s8  }
0xe: {  	s8 =	smax.u32 s11, $0x1;
	s11 =	sshrl.u32 s12, $0x3;
	s12 =	simm.s32 $0x2  }
.LBB2_1:
0xf: {  	[spmem:s11], [sflag:s6] =	dma.local [hbm:s5], $0x2800  }
0x10: {  	_ =	swait.ge [sflag:s12], $0x2800  }
0x11: {  	[sflag:s12] =	ssyncset.done $0x0  }
0x12: {  	[sflag:s12] =	ssyncadd.s32 $0xFFFFD800  }
0x13: {  	s17 =	sadd.s32 $0x0, s10;
	[bflag:$0x0] =	sbarrier.arrive $0xFFFF  }
0x14: {  	[tilespmem:s3], [sflag:$0x2] =	stream.linear.gather [hbm4b:s17+s3], $0x80, $0x38;
	[tilespmem:$0x18100] =	vst v63  }
0x15: {  	_ =	swait.ge [sflag:s12], $0x80  }
0x16: {  	[sflag:s12] =	ssyncset.done $0x0  }
0x17: {  	s31 =	sadd.s32 $0x0, s9;
	[sflag:s12] =	ssyncadd.s32 $0xFFFFFF80  }
0x18: {  	[tilespmem:s13], [sflag:$0x2] =	stream.linear.gather [hbm4b:s31+s3], $0x80, $0x38;
	[tilespmem:$0x18100] =	vst v63  }
0x19: {  	_ =	swait.ge [sflag:s12], $0x80  }
0x1a: {  	[sflag:s12] =	ssyncset.done $0x0  }
0x1b: {  	[sflag:s12] =	ssyncadd.s32 $0xFFFFFF80  }
0x1c: {  	[tilespmem:s14], [sflag:$0x1] =	stream.indirect.gather [hbm4b:s4+s13], $0x80, s3, s13, $0xb8;
	[tilespmem:$0x18100] =	vst v63  }
0x1d: {  	_ =	swait.ge [sflag:s15], $0x4000  }
0x1e: {  	[sflag:s15] =	ssyncset.done $0x0  }
0x1f: {  	[sflag:s15] =	ssyncadd.s32 $0xFFFFC000  }
0x20: {  	[spmem:s2] =	stream.indirect.scatter.add.f32 [tilespmem:s14], [sflag:$0x2], $0x80, s13, s13, $0xb8;
	[tilespmem:$0x18100] =	vst v63  }
0x21: {  	_ =	swait.ge [sflag:s12], $0x4000  }
0x22: {  	s18 =	simm.s32 $0x20;
	s17 =	simm.s32 $0x10;
	[sflag:s12] =	ssyncset.done $0x0  }
.LBB2_2:
0x23: {  	s19 =	sadd.s32 s17, s10  }
0x24: {  	[sflag:s12] =	ssyncadd.s32 $0xFFFFC000;
	s20 =	smov.u32 s18;
	s21 =	sadd.s32 $0x10, s18  }
0x25: {  	[tilespmem:s3], [sflag:$0x2] =	stream.linear.gather [hbm4b:s19+s3], $0x80, $0x38;
	[tilespmem:$0x18100] =	vst v63  }
0x26: {  	p0 =	sne.s32 s18, $0x4F0;
	_ =	swait.ge [sflag:s12], $0x80  }
0x27: {  	[sflag:s12] =	ssyncset.done $0x0  }
0x28: {  	s18 =	sadd.s32 s17, s9;
	s17 =	smov.u32 s20;
	[sflag:s12] =	ssyncadd.s32 $0xFFFFFF80  }
0x29: {  	[tilespmem:s13], [sflag:$0x2] =	stream.linear.gather [hbm4b:s18+s3], $0x80, $0x38;
	[tilespmem:$0x18100] =	vst v63  }
0x2a: {  	_ =	swait.ge [sflag:s12], $0x80  }
0x2b: {  	[sflag:s12] =	ssyncset.done $0x0  }
0x2c: {  	[sflag:s12] =	ssyncadd.s32 $0xFFFFFF80  }
0x2d: {  	[tilespmem:s14], [sflag:$0x1] =	stream.indirect.gather [hbm4b:s4+s13], $0x80, s3, s13, $0xb8;
	[tilespmem:$0x18100] =	vst v63  }
0x2e: {  	_ =	swait.ge [sflag:s15], $0x4000  }
.Ltmp0:
0x2f: {  	[sflag:s15] =	ssyncset.done $0x0;
	(pc) =	sbr.rel @p0 .LBB2_2-.Ltmp0, $4  }
0x30: {  	[sflag:s15] =	ssyncadd.s32 $0xFFFFC000  }
0x31: {  	[spmem:s2] =	stream.indirect.scatter.add.f32 [tilespmem:s14], [sflag:$0x2], $0x80, s13, s13, $0xb8;
	[tilespmem:$0x18100] =	vst v63  }
0x32: {  	_ =	swait.ge [sflag:s12], $0x4000  }
0x33: {  	s18 =	smov.u32 s21;
	[sflag:s12] =	ssyncset.done $0x0  }
0x34: {  	s18 =	sadd.s32 s17, s10;
	[sflag:s12] =	ssyncadd.s32 $0xFFFFC000  }
0x35: {  	[tilespmem:s3], [sflag:$0x2] =	stream.linear.gather [hbm4b:s18+s3], $0x80, $0x38;
	[tilespmem:$0x18100] =	vst v63  }
0x36: {  	_ =	swait.ge [sflag:s12], $0x80  }
0x37: {  	[sflag:s12] =	ssyncset.done $0x0  }
0x38: {  	s31 =	sadd.s32 s17, s9;
	[sflag:s12] =	ssyncadd.s32 $0xFFFFFF80  }
0x39: {  	[tilespmem:s13], [sflag:$0x2] =	stream.linear.gather [hbm4b:s31+s3], $0x80, $0x38;
	[tilespmem:$0x18100] =	vst v63  }
0x3a: {  	_ =	swait.ge [sflag:s12], $0x80  }
0x3b: {  	[sflag:s12] =	ssyncset.done $0x0  }
0x3c: {  	[sflag:s12] =	ssyncadd.s32 $0xFFFFFF80  }
0x3d: {  	[tilespmem:s14], [sflag:$0x1] =	stream.indirect.gather [hbm4b:s4+s13], $0x80, s3, s13, $0xb8;
	[tilespmem:$0x18100] =	vst v63  }
0x3e: {  	_ =	swait.ge [sflag:s15], $0x4000  }
0x3f: {  	[sflag:s15] =	ssyncset.done $0x0  }
0x40: {  	[sflag:s15] =	ssyncadd.s32 $0xFFFFC000  }
0x41: {  	[spmem:s2] =	stream.indirect.scatter.add.f32 [tilespmem:s14], [sflag:$0x2], $0x80, s13, s13, $0xb8;
	[tilespmem:$0x18100] =	vst v63  }
0x42: {  	_ =	swait.ge [sflag:s12], $0x4000  }
0x43: {  	s16 =	sadd.s32 $0x1, s16;
	[sflag:s12] =	ssyncset.done $0x0  }
0x44: {  	p0 =	sne.s32 s16, s8;
	[sflag:s12] =	ssyncadd.s32 $0xFFFFC000  }
.Ltmp1:
0x45: {  	[bflag:$0x0] =	sbarrier.arrive $0xFFFF;
	(pc) =	sbr.rel @p0 .LBB2_1-.Ltmp1, $4  }
0x46: {  	[hbm:s7], [sflag:s6] =	dma.local [spmem:s11], $0x2800  }
0x47: {  	_ =	swait.ge [sflag:s12], $0x2800  }
0x48: {  	[sflag:s12] =	ssyncset.done $0x0  }
0x49: {  	[sflag:s12] =	ssyncadd.s32 $0xFFFFD800  }
0x4a: {  	_ =	sfence.sel $0x180000  }
0x4b: {  	[bflag:$0x0] =	sbarrier.arrive $0xFFFF  }
0x4c: {  	p0 =	sne.s32 s1, $0x0;
	_ =	strace $0x90000059  }
0x4d: {  	s0 =	sadd.s32 @!p0 $0x100000, s0;
	[bflag:$0x2] =	sbarrier.arrive $0xFFFF  }
0x4e: {  	[sflag:s0] =	ssyncadd.tile.s32 @!p0 $0x1;
	_ =	shalt  }
.Lfunc_end2:
_tile_overlayer_lowered:
.L_overlay_start_2:
0x4f: {  	(tag) =	ssettag $0x2  }
0x50: {  	s0 =	rddreg [dreg:$0x0];
	s2 =	stileid.u32  }
0x51: {  	s1 =	rddreg [dreg:$0x1];
	p0 =	sne.s32 s2, $0x0  }
0x52: {  	s3 =	rddreg [dreg:$0x2];
	[bflag:$0x3] =	sbarrier.arrive $0xFFFF;
	s2 =	simm.s32 @!p0 $0x1C02  }
0x53: {  	[timem:s3], [sflag:s2] =	dma.local @!p0 [hbm:s0], s1  }
0x54: {  	s0 =	simm.s32 @!p0 $0x2  }
0x55: {  	_ =	swait.ge @!p0 [sflag:s0], s1  }
0x56: {  	s1 =	ssub.s32 @!p0 $0x0, s1;
	[sflag:s0] =	ssyncset.done @!p0 $0x0  }
0x57: {  	[sflag:s0] =	ssyncadd.s32 @!p0 s1  }
0x58: {  	[bflag:$0x3] =	sbarrier.arrive $0xFFFF  }
0x59: {  	_ =	shalt  }

// kernel: kernel.9.cloned.1.call-start
scs
__scs_entry_jumppad:
0x0: {  	(pc) =	sbr.rel $0x88, $3  }
0x1: {  	(tag) =	ssettag $0x0;
	lr =	simm.s32 $0x1  }
0x2: {  	[smem:$0x3F8F] =	sst lr;
	_ =	strace $0xD0000000  }
0x3: {  	_ = 	snop  }
0x4: {  	_ = 	snop  }
0x5: {  	_ = 	snop  }
0x6: {  	_ = 	snop  }
0x7: {  	_ = 	snop  }
__scs_overlays_trampoline_lowered:
0x8: {  	[smem:$0x3F9E] =	sst s0  }
0x9: {  	[smem:$0x3F9F] =	sst s1  }
0xa: {  	[smem:$0x3FA0] =	sst s2  }
0xb: {  	[smem:$0x3FA1] =	sst s3  }
0xc: {  	[smem:$0x3FA2] =	sst s4  }
0xd: {  	[smem:$0x3FA3] =	sst s5  }
0xe: {  	[smem:$0x3FA4] =	sst s6  }
0xf: {  	[smem:$0x3FA5] =	sst s7  }
0x10: {  	[smem:$0x3FA6] =	sst s8  }
0x11: {  	[smem:$0x3FA7] =	sst s9;
	s0 =	simm.s32 @!p0 $0x0  }
0x12: {  	s1 =	sld [smem:$0x3F8D];
	s0 =	simm.s32 @p0 $0x1  }
0x13: {  	[smem:$0x3FA8] =	sst s0;
	s0 =	simm.s32 @!p1 $0x0  }
0x14: {  	s2 =	sld [smem:$0x3F8C];
	s0 =	simm.s32 @p1 $0x1  }
0x15: {  	[smem:$0x3FA9] =	sst s0;
	s0 =	simm.s32 @!p2 $0x0  }
0x16: {  	s3 =	sld [smem:$0x3FDB];
	s0 =	simm.s32 @p2 $0x1  }
0x17: {  	s4 =	simm.s32 $0x1BF5;
	[smem:$0x3FAB] =	sst s0  }
0x18: {  	s0 =	sld [smem:$0x3F8E];
	_ =	swait.ge [sflag:s4], $0x0  }
0x19: {  	s7 =	sld [smem:$0x3F8F]  }
0x1a: {  	s8 =	sadd.s32 $0xFFFFE003, lr  }
0x1b: {  	s9 =	sadd.s32 $0xFFFFFEF7, lr;
	s5 =	simm.s32 $0xFFFFFFFF;
	p2 =	slt.u32 s8, $0xFFFFF086  }
0x1c: {  	p1 =	slt.u32 s9, $0xF7A;
	s5 =	simm.s32 @!p2 $0x0  }
0x1d: {  	s5 =	simm.s32 @p1 $0x1;
	p0 =	seq.s32 s7, s2  }
0x1e: {  	s7 =	smul.u32 @!p0 $0xF7A, s2;
	p2 =	seq.s32 @!p0 s5, $0x0  }
0x1f: {  	s9 =	smul.u32 $0xF7A, s1;
	s8 =	simm.s32 @!p0 $0x1BF5;
	p2 =	por !p2, p0  }
0x20: {  	[sflag:s8] =	ssyncset.s32 @!p0 $0xFFFFF086;
	s6 =	sadd.s32 @!p0 s3, s7;
	s7 =	simm.s32 @!p0 $0x108  }
0x21: {  	s3 =	sadd.s32 s3, s9;
	s6 =	sadd.s32 @!p0 $0x88, s6;
	s7 =	simm.s32 @p2 $0x1082  }
0x22: {  	[simem:s7], [sflag:s8] =	dma.local @!p0 [hbm:s6], $0xF7A  }
0x23: {  	s9 =	sor.u32 $0xD0000000, s2;
	s6 =	simm.s32 $0x108;
	_ =	swait.ge @!p0 [sflag:s8], $0x0  }
0x24: {  	s3 =	sadd.s32 $0x88, s3;
	s6 =	simm.s32 @!p1 $0x1082;
	[sflag:s4] =	ssyncset.s32 $0xFFFFF086  }
0x25: {  	[simem:s6], [sflag:s4] =	dma.local [hbm:s3], $0xF7A  }
0x26: {  	[smem:$0x3F8F] =	sst s1;
	(tag) =	ssettag s2;
	_ =	strace s9  }
0x27: {  	s1 =	sld [smem:$0x3F9F]  }
0x28: {  	s2 =	sld [smem:$0x3FA0]  }
0x29: {  	s4 =	sld [smem:$0x3FA2]  }
0x2a: {  	p0 =	seq.s32 s5, $0x0;
	s5 =	sld [smem:$0x3FA3]  }
0x2b: {  	s6 =	sld [smem:$0x3FA4]  }
0x2c: {  	s7 =	sld [smem:$0x3FA5]  }
0x2d: {  	s3 =	simm.s32 $0x108;
	s8 =	sld [smem:$0x3FA6]  }
0x2e: {  	s3 =	simm.s32 @!p0 $0x1082;
	s9 =	sld [smem:$0x3FA7]  }
0x2f: {  	lr =	sadd.s32 s0, s3;
	s0 =	sld [smem:$0x3F9E]  }
0x30: {  	s3 =	sld [smem:$0x3FA1]  }
0x31: {  	[smem:$0x3FAA] =	sst s10  }
0x32: {  	s10 =	sld [smem:$0x3FA8];
	_ =	sdelay $0x3  }
0x33: {  	p0 =	seq.s32 s10, $0x1;
	s10 =	sld [smem:$0x3FAA];
	_ =	sdelay $0x3  }
0x34: {  	[smem:$0x3FAA] =	sst s10  }
0x35: {  	s10 =	sld [smem:$0x3FA9];
	_ =	sdelay $0x3  }
0x36: {  	p1 =	seq.s32 s10, $0x1;
	s10 =	sld [smem:$0x3FAA];
	_ =	sdelay $0x3  }
0x37: {  	[smem:$0x3FAA] =	sst s10  }
0x38: {  	s10 =	sld [smem:$0x3FAB]  }
0x39: {  	_ = 	snop;
	(pc) =	sbr.ind lr, $3  }
0x3a: {  	_ = 	snop  }
0x3b: {  	_ = 	snop  }
0x3c: {  	p2 =	seq.s32 s10, $0x1;
	s10 =	sld [smem:$0x3FAA]  }
0x3d: {  	_ =	shalt  }
0x3e: {  	_ =	shalt  }
0x3f: {  	_ =	shalt  }
0x40: {  	_ =	shalt  }
0x41: {  	_ =	shalt  }
0x42: {  	_ =	shalt  }
0x43: {  	_ =	shalt  }
0x44: {  	_ =	shalt  }
0x45: {  	_ =	shalt  }
0x46: {  	_ =	shalt  }
0x47: {  	_ =	shalt  }
0x48: {  	_ =	shalt  }
0x49: {  	_ =	shalt  }
0x4a: {  	_ =	shalt  }
0x4b: {  	_ =	shalt  }
0x4c: {  	_ =	shalt  }
0x4d: {  	_ =	shalt  }
0x4e: {  	_ =	shalt  }
0x4f: {  	_ =	shalt  }
0x50: {  	_ =	shalt  }
0x51: {  	_ =	shalt  }
0x52: {  	_ =	shalt  }
0x53: {  	_ =	shalt  }
0x54: {  	_ =	shalt  }
0x55: {  	_ =	shalt  }
0x56: {  	_ =	shalt  }
0x57: {  	_ =	shalt  }
0x58: {  	_ =	shalt  }
0x59: {  	_ =	shalt  }
0x5a: {  	_ =	shalt  }
0x5b: {  	_ =	shalt  }
0x5c: {  	_ =	shalt  }
0x5d: {  	_ =	shalt  }
0x5e: {  	_ =	shalt  }
0x5f: {  	_ =	shalt  }
0x60: {  	_ =	shalt  }
0x61: {  	_ =	shalt  }
0x62: {  	_ =	shalt  }
0x63: {  	_ =	shalt  }
0x64: {  	_ =	shalt  }
0x65: {  	_ =	shalt  }
0x66: {  	_ =	shalt  }
0x67: {  	_ =	shalt  }
0x68: {  	_ =	shalt  }
0x69: {  	_ =	shalt  }
0x6a: {  	_ =	shalt  }
0x6b: {  	_ =	shalt  }
0x6c: {  	_ =	shalt  }
0x6d: {  	_ =	shalt  }
0x6e: {  	_ =	shalt  }
0x6f: {  	_ =	shalt  }
0x70: {  	_ =	shalt  }
0x71: {  	_ =	shalt  }
0x72: {  	_ =	shalt  }
0x73: {  	_ =	shalt  }
0x74: {  	_ =	shalt  }
0x75: {  	_ =	shalt  }
0x76: {  	_ =	shalt  }
0x77: {  	_ =	shalt  }
0x78: {  	_ =	shalt  }
0x79: {  	_ =	shalt  }
0x7a: {  	_ =	shalt  }
0x7b: {  	_ =	shalt  }
0x7c: {  	_ =	shalt  }
0x7d: {  	_ =	shalt  }
0x7e: {  	_ =	shalt  }
0x7f: {  	_ =	shalt  }
0x80: {  	_ =	shalt  }
0x81: {  	_ =	shalt  }
0x82: {  	_ =	shalt  }
0x83: {  	_ =	shalt  }
0x84: {  	_ =	shalt  }
0x85: {  	_ =	shalt  }
0x86: {  	_ =	shalt  }
0x87: {  	_ =	shalt  }
.Lfunc_end0:
.L_simem_size_0:
called_computation.4_lowered:
.L_overlay_start_0:
0x88: {  	s2 =	sld [smem:$0x3FD9]  }
0x89: {  	s3 =	sld [smem:$0x3FFE];
	_ =	sdelay $0x1  }
0x8a: {  	s1 =	srdreg.scid  }
0x8b: {  	s0 =	sand.u32 $0x1, s1  }
0x8c: {  	s17 =	sshll.u32 s0, $0xA;
	s2 =	sadd.s32 s3, s2  }
0x8d: {  	s2 =	sadd.s32 s2, s17  }
0x8e: {  	[smem:$0x3FB6] =	sst s2  }
0x8f: {  	_ = 	snop  }
0x90: {  	(tm) =	ssettm $0x1  }
0x91: {  	s18 =	sld [smem:$0x3FFB];
	_ =	sdelay $0x3  }
0x92: {  	_ =	strace s18  }
0x93: {  	s2 =	sld [smem:$0x3FFC];
	_ =	sdelay $0x3  }
0x94: {  	_ =	strace s2  }
0x95: {  	s2 =	sld [smem:$0x3FFD];
	_ =	sdelay $0x3  }
0x96: {  	_ =	strace s2  }
0x97: {  	_ =	strace $0x8FFFFFFF  }
0x98: {  	s19 =	sld [smem:$0x3FDB];
	_ =	sdelay $0x1  }
0x99: {  	s20 =	simm.s32 $_scs_section_size  }
0x9a: {  	s4 =	simm.s32 $_size__tile_overlayer_lowered;
	s5 =	simm.s32 $_tile_overlayer_lowered  }
0x9b: {  	s6 =	simm.s32 $0x1BFF;
	s21 =	sshll.u32 s5, $0x1;
	s3 =	sadd.s32 s20, s19  }
0x9c: {  	s22 =	simm.s32 $0x0;
	s4 =	sshll.u32 s4, $0x1;
	s5 =	sadd.s32 s21, s3  }
0x9d: {  	[timem:s22], [sflag:s6] =	dma.local [hbm:s5], s4  }
0x9e: {  	_ =	swait.ge [sflag:s6], s4  }
0x9f: {  	s4 =	ssub.s32 $0x0, s4;
	[sflag:s6] =	ssyncset.done $0x0  }
0xa0: {  	[sflag:s6] =	ssyncadd.s32 s4;
	_ =	sdelay $0x1  }
0xa1: {  	s23 =	simm.s32 $0x1B8B  }
0xa2: {  	_ =	swait.ge [sflag:s23], $0x1  }
0xa3: {  	[sflag:s23] =	ssyncset.done $0x0  }
0xa4: {  	[sflag:s23] =	ssyncadd.s32 $0xFFFFFFFF  }
0xa5: {  	s4 =	sld [smem:$0x0]  }
0xa6: {  	s5 =	sand.u32 $0xFFFFFFFE, s1  }
0xa7: {  	p0 =	sne.s32 s1, s5  }
0xa8: {  	s5 =	sshll.u32 @p0 s5, $0xE  }
0xa9: {  	s5 =	sadd.s32 @p0 $0x11B8D, s5;
	s6 =	sshll.u32 @p0 s4, $0x11  }
0xaa: {  	s5 =	sor.u32 @p0 s6, s5  }
0xab: {  	[sflag:s5] =	ssyncadd.remote.s32 @p0 $0x1;
	_ =	sdelay $0x1  }
0xac: {  	s5 =	simm.s32 @p0 $0x1B8D  }
0xad: {  	_ =	swait.eq @p0 [sflag:s5], $0x1  }
0xae: {  	[sflag:s5] =	ssyncadd.s32 @p0 $0xFFFFFFFF  }
0xaf: {  	s6 =	sshll.u32 @!p0 s1, $0xE  }
0xb0: {  	s6 =	sor.u32 @!p0 $0x4000, s6;
	s5 =	simm.s32 @!p0 $0x1B8D  }
0xb1: {  	s4 =	sshll.u32 @!p0 s4, $0x11;
	s6 =	sadd.s32 @!p0 $0x11B8D, s6;
	_ =	swait.eq @!p0 [sflag:s5], $0x1  }
0xb2: {  	s4 =	sor.u32 @!p0 s4, s6;
	[sflag:s5] =	ssyncadd.s32 @!p0 $0xFFFFFFFF  }
0xb3: {  	s25 =	simm.s32 $0x1B8E;
	s24 =	sld [smem:$0x3FFE];
	[sflag:s4] =	ssyncadd.remote.s32 @!p0 $0x1  }
0xb4: {  	s26 =	simm.s32 $execute0_lowered;
	[smem:$0x3FD2] =	sst s25  }
0xb5: {  	s5 =	sshll.u32 s26, $0x1;
	_ =	strace $0x80000055;
	[dreg:$0x1] =	wrdreg $0xFFFFFFFF  }
0xb6: {  	s28 =	simm.s32 $_size_execute0_lowered;
	s3 =	sadd.s32 s3, s5;
	[dreg:$0x0] =	wrdreg $0x0  }
0xb7: {  	s5 =	sshll.u32 s28, $0x1;
	[dreg:$0x2] =	wrdreg s3  }
0xb8: {  	[dreg:$0x3] =	wrdreg s5  }
0xb9: {  	[dreg:$0x4] =	wrdreg $0xC0  }
0xba: {  	_ =	task [dreg:s22], $0x5FFFF  }
0xbb: {  	[dreg:$0x1] =	wrdreg $0xFFFFFFFF  }
0xbc: {  	[dreg:$0x0] =	wrdreg $0x60  }
0xbd: {  	[dreg:$0x2] =	wrdreg s24  }
0xbe: {  	[dreg:$0x3] =	wrdreg $0x41000  }
0xbf: {  	[dreg:$0x4] =	wrdreg $0xF  }
0xc0: {  	_ =	task.clear_ibuf [dreg:s22], $0x5FFFF;
	_ =	strace $0x90000055  }
0xc1: {  	s29 =	simm.s32 $0xF;
	_ =	strace $0x80000057  }
0xc2: {  	_ =	swait.ge [sflag:s29], $0x1  }
0xc3: {  	[sflag:s29] =	ssyncadd.s32 $0xFFFFFFFF  }
0xc4: {  	_ =	strace $0x90000057  }
0xc5: {  	_ =	sfence  }
0xc6: {  	s30 =	sld [smem:$0x0];
	_ =	sdelay $0x2  }
0xc7: {  	s31 =	sshll.u32 s1, $0xD;
	s1 =	sshrl.u32 s1, $0x2  }
0xc8: {  	s4 =	sand.u32 $0x4000, s31;
	s1 =	sadd.s32 s1, s30  }
0xc9: {  	s0 =	sor.u32 s4, s0;
	s1 =	sshll.u32 s1, $0x11  }
0xca: {  	s0 =	sor.u32 s1, s0  }
0xcb: {  	s0 =	sadd.s32 $0x8F2B, s0  }
0xcc: {  	[sflag:s0] =	ssyncadd.remote.s32 $0x1  }
0xcd: {  	_ =	sfence.sel $0xFFFF  }
0xce: {  	[dreg:$0x0] =	wrdreg $0xFFFFFFFF;
	(pc) =	sbr.abs _section_cstart, $3  }
0xcf: {  	[dreg:$0x1] =	wrdreg $0xFFFFFFFF  }
0xd0: {  	_ =	task.clear_ibuf [dreg:s22], $0x2FFFF;
	_ =	strace $0x9FFFFFFF  }
0xd1: {  	(tm) =	ssettm $0x7FFFFFFF  }
tec
execute0_lowered:
.L_overlay_start_1:
0x0: {  	(tag) =	ssettag $0x1  }
0x1: {  	s5 =	rddreg [dreg:$0x0];
	s0 =	srdreg.scid  }
0x2: {  	s2 =	rddreg [dreg:$0x1];
	s1 =	stileid.u32  }
0x3: {  	s3 =	simm.s32 $0x0;
	s13 =	simm.s32 $0x80;
	s8 =	smul.u32 $0x14000, s1  }
0x4: {  	s14 =	simm.s32 $0x100;
	s15 =	simm.s32 $0x1;
	s26 =	smul.u32 $0x50000, s1  }
0x5: {  	s6 =	sand.u32 $0x1, s0;
	s0 =	rddreg [dreg:$0x2];
	s30 =	smul.u32 $0x500, s1  }
0x6: {  	s16 =	simm.s32 $0x0;
	[smem:$0x7FF] =	sst s3;
	s7 =	smul.u32 $0x5000, s6  }
0x7: {  	s4 =	sadd.s32 $0x48800, s5;
	s31 =	sshll.u32 s1, $0x6;
	s9 =	smul.u32 $0x140000, s6  }
0x8: {  	_ =	strace $0x80000056;
	s6 =	ssub.s32 $0x2, s6;
	s25 =	sshrl.u32 s8, $0x3  }
0x9: {  	s28 =	sshrl.u32 s6, $0x1;
	s29 =	sshrl.u32 s26, $0x2;
	s10 =	sadd.s32 s7, s5  }
0xa: {  	s8 =	sadd.s32 s8, s9;
	s7 =	sadd.s32 s25, s5;
	s11 =	ssub.s32 s6, s28  }
0xb: {  	s6 =	sor.u32 $0x1C02, s31;
	s8 =	sshrl.u32 s8, $0x3;
	s10 =	sadd.s32 s30, s10  }
0xc: {  	s8 =	sadd.s32 s8, s5;
	s5 =	sadd.s32 $0xF33A00, s7;
	s9 =	sadd.s32 $0xF15A00, s10  }
0xd: {  	s12 =	sadd.s32 s29, s2;
	s10 =	sadd.s32 $0xF29A00, s10;
	s7 =	sadd.s32 $0xF5BA00, s8  }
0xe: {  	s8 =	smax.u32 s11, $0x1;
	s11 =	sshrl.u32 s12, $0x3;
	s12 =	simm.s32 $0x2  }
.LBB2_1:
0xf: {  	[spmem:s11], [sflag:s6] =	dma.local [hbm:s5], $0x2800  }
0x10: {  	_ =	swait.ge [sflag:s12], $0x2800  }
0x11: {  	[sflag:s12] =	ssyncset.done $0x0  }
0x12: {  	[sflag:s12] =	ssyncadd.s32 $0xFFFFD800  }
0x13: {  	s17 =	sadd.s32 $0x0, s10;
	[bflag:$0x0] =	sbarrier.arrive $0xFFFF  }
0x14: {  	[tilespmem:s3], [sflag:$0x2] =	stream.linear.gather [hbm4b:s17+s3], $0x80, $0x38;
	[tilespmem:$0x18100] =	vst v63  }
0x15: {  	_ =	swait.ge [sflag:s12], $0x80  }
0x16: {  	[sflag:s12] =	ssyncset.done $0x0  }
0x17: {  	s31 =	sadd.s32 $0x0, s9;
	[sflag:s12] =	ssyncadd.s32 $0xFFFFFF80  }
0x18: {  	[tilespmem:s13], [sflag:$0x2] =	stream.linear.gather [hbm4b:s31+s3], $0x80, $0x38;
	[tilespmem:$0x18100] =	vst v63  }
0x19: {  	_ =	swait.ge [sflag:s12], $0x80  }
0x1a: {  	[sflag:s12] =	ssyncset.done $0x0  }
0x1b: {  	[sflag:s12] =	ssyncadd.s32 $0xFFFFFF80  }
0x1c: {  	[tilespmem:s14], [sflag:$0x1] =	stream.indirect.gather [hbm4b:s4+s13], $0x80, s3, s13, $0xb8;
	[tilespmem:$0x18100] =	vst v63  }
0x1d: {  	_ =	swait.ge [sflag:s15], $0x4000  }
0x1e: {  	[sflag:s15] =	ssyncset.done $0x0  }
0x1f: {  	[sflag:s15] =	ssyncadd.s32 $0xFFFFC000  }
0x20: {  	[spmem:s2] =	stream.indirect.scatter.add.f32 [tilespmem:s14], [sflag:$0x2], $0x80, s13, s13, $0xb8;
	[tilespmem:$0x18100] =	vst v63  }
0x21: {  	_ =	swait.ge [sflag:s12], $0x4000  }
0x22: {  	s18 =	simm.s32 $0x20;
	s17 =	simm.s32 $0x10;
	[sflag:s12] =	ssyncset.done $0x0  }
.LBB2_2:
0x23: {  	s19 =	sadd.s32 s17, s10  }
0x24: {  	[sflag:s12] =	ssyncadd.s32 $0xFFFFC000;
	s20 =	smov.u32 s18;
	s21 =	sadd.s32 $0x10, s18  }
0x25: {  	[tilespmem:s3], [sflag:$0x2] =	stream.linear.gather [hbm4b:s19+s3], $0x80, $0x38;
	[tilespmem:$0x18100] =	vst v63  }
0x26: {  	p0 =	sne.s32 s18, $0x4F0;
	_ =	swait.ge [sflag:s12], $0x80  }
0x27: {  	[sflag:s12] =	ssyncset.done $0x0  }
0x28: {  	s18 =	sadd.s32 s17, s9;
	s17 =	smov.u32 s20;
	[sflag:s12] =	ssyncadd.s32 $0xFFFFFF80  }
0x29: {  	[tilespmem:s13], [sflag:$0x2] =	stream.linear.gather [hbm4b:s18+s3], $0x80, $0x38;
	[tilespmem:$0x18100] =	vst v63  }
0x2a: {  	_ =	swait.ge [sflag:s12], $0x80  }
0x2b: {  	[sflag:s12] =	ssyncset.done $0x0  }
0x2c: {  	[sflag:s12] =	ssyncadd.s32 $0xFFFFFF80  }
0x2d: {  	[tilespmem:s14], [sflag:$0x1] =	stream.indirect.gather [hbm4b:s4+s13], $0x80, s3, s13, $0xb8;
	[tilespmem:$0x18100] =	vst v63  }
0x2e: {  	_ =	swait.ge [sflag:s15], $0x4000  }
.Ltmp0:
0x2f: {  	[sflag:s15] =	ssyncset.done $0x0;
	(pc) =	sbr.rel @p0 .LBB2_2-.Ltmp0, $4  }
0x30: {  	[sflag:s15] =	ssyncadd.s32 $0xFFFFC000  }
0x31: {  	[spmem:s2] =	stream.indirect.scatter.add.f32 [tilespmem:s14], [sflag:$0x2], $0x80, s13, s13, $0xb8;
	[tilespmem:$0x18100] =	vst v63  }
0x32: {  	_ =	swait.ge [sflag:s12], $0x4000  }
0x33: {  	s18 =	smov.u32 s21;
	[sflag:s12] =	ssyncset.done $0x0  }
0x34: {  	s18 =	sadd.s32 s17, s10;
	[sflag:s12] =	ssyncadd.s32 $0xFFFFC000  }
0x35: {  	[tilespmem:s3], [sflag:$0x2] =	stream.linear.gather [hbm4b:s18+s3], $0x80, $0x38;
	[tilespmem:$0x18100] =	vst v63  }
0x36: {  	_ =	swait.ge [sflag:s12], $0x80  }
0x37: {  	[sflag:s12] =	ssyncset.done $0x0  }
0x38: {  	s31 =	sadd.s32 s17, s9;
	[sflag:s12] =	ssyncadd.s32 $0xFFFFFF80  }
0x39: {  	[tilespmem:s13], [sflag:$0x2] =	stream.linear.gather [hbm4b:s31+s3], $0x80, $0x38;
	[tilespmem:$0x18100] =	vst v63  }
0x3a: {  	_ =	swait.ge [sflag:s12], $0x80  }
0x3b: {  	[sflag:s12] =	ssyncset.done $0x0  }
0x3c: {  	[sflag:s12] =	ssyncadd.s32 $0xFFFFFF80  }
0x3d: {  	[tilespmem:s14], [sflag:$0x1] =	stream.indirect.gather [hbm4b:s4+s13], $0x80, s3, s13, $0xb8;
	[tilespmem:$0x18100] =	vst v63  }
0x3e: {  	_ =	swait.ge [sflag:s15], $0x4000  }
0x3f: {  	[sflag:s15] =	ssyncset.done $0x0  }
0x40: {  	[sflag:s15] =	ssyncadd.s32 $0xFFFFC000  }
0x41: {  	[spmem:s2] =	stream.indirect.scatter.add.f32 [tilespmem:s14], [sflag:$0x2], $0x80, s13, s13, $0xb8;
	[tilespmem:$0x18100] =	vst v63  }
0x42: {  	_ =	swait.ge [sflag:s12], $0x4000  }
0x43: {  	s16 =	sadd.s32 $0x1, s16;
	[sflag:s12] =	ssyncset.done $0x0  }
0x44: {  	p0 =	sne.s32 s16, s8;
	[sflag:s12] =	ssyncadd.s32 $0xFFFFC000  }
.Ltmp1:
0x45: {  	[bflag:$0x0] =	sbarrier.arrive $0xFFFF;
	(pc) =	sbr.rel @p0 .LBB2_1-.Ltmp1, $4  }
0x46: {  	[hbm:s7], [sflag:s6] =	dma.local [spmem:s11], $0x2800  }
0x47: {  	_ =	swait.ge [sflag:s12], $0x2800  }
0x48: {  	[sflag:s12] =	ssyncset.done $0x0  }
0x49: {  	[sflag:s12] =	ssyncadd.s32 $0xFFFFD800  }
0x4a: {  	_ =	sfence.sel $0x180000  }
0x4b: {  	[bflag:$0x0] =	sbarrier.arrive $0xFFFF  }
0x4c: {  	p0 =	sne.s32 s1, $0x0;
	_ =	strace $0x90000056  }
0x4d: {  	s0 =	sadd.s32 @!p0 $0x100000, s0;
	[bflag:$0x2] =	sbarrier.arrive $0xFFFF  }
0x4e: {  	[sflag:s0] =	ssyncadd.tile.s32 @!p0 $0x1;
	_ =	shalt  }
.Lfunc_end2:
_tile_overlayer_lowered:
.L_overlay_start_2:
0x4f: {  	(tag) =	ssettag $0x2  }
0x50: {  	s0 =	rddreg [dreg:$0x0];
	s2 =	stileid.u32  }
0x51: {  	s1 =	rddreg [dreg:$0x1];
	p0 =	sne.s32 s2, $0x0  }
0x52: {  	s3 =	rddreg [dreg:$0x2];
	[bflag:$0x3] =	sbarrier.arrive $0xFFFF;
	s2 =	simm.s32 @!p0 $0x1C02  }
0x53: {  	[timem:s3], [sflag:s2] =	dma.local @!p0 [hbm:s0], s1  }
0x54: {  	s0 =	simm.s32 @!p0 $0x2  }
0x55: {  	_ =	swait.ge @!p0 [sflag:s0], s1  }
0x56: {  	s1 =	ssub.s32 @!p0 $0x0, s1;
	[sflag:s0] =	ssyncset.done @!p0 $0x0  }
0x57: {  	[sflag:s0] =	ssyncadd.s32 @!p0 s1  }
0x58: {  	[bflag:$0x3] =	sbarrier.arrive $0xFFFF  }
0x59: {  	_ =	shalt  }

// kernel: scatter_offload_async_start.1
scs
__scs_entry_jumppad:
0x0: {  	(pc) =	sbr.rel $0x88, $3  }
0x1: {  	(tag) =	ssettag $0x0;
	lr =	simm.s32 $0x1  }
0x2: {  	[smem:$0x3F8F] =	sst lr;
	_ =	strace $0xD0000000  }
0x3: {  	_ = 	snop  }
0x4: {  	_ = 	snop  }
0x5: {  	_ = 	snop  }
0x6: {  	_ = 	snop  }
0x7: {  	_ = 	snop  }
__scs_overlays_trampoline_lowered:
0x8: {  	[smem:$0x3F9E] =	sst s0  }
0x9: {  	[smem:$0x3F9F] =	sst s1  }
0xa: {  	[smem:$0x3FA0] =	sst s2  }
0xb: {  	[smem:$0x3FA1] =	sst s3  }
0xc: {  	[smem:$0x3FA2] =	sst s4  }
0xd: {  	[smem:$0x3FA3] =	sst s5  }
0xe: {  	[smem:$0x3FA4] =	sst s6  }
0xf: {  	[smem:$0x3FA5] =	sst s7  }
0x10: {  	[smem:$0x3FA6] =	sst s8  }
0x11: {  	[smem:$0x3FA7] =	sst s9;
	s0 =	simm.s32 @!p0 $0x0  }
0x12: {  	s1 =	sld [smem:$0x3F8D];
	s0 =	simm.s32 @p0 $0x1  }
0x13: {  	[smem:$0x3FA8] =	sst s0;
	s0 =	simm.s32 @!p1 $0x0  }
0x14: {  	s2 =	sld [smem:$0x3F8C];
	s0 =	simm.s32 @p1 $0x1  }
0x15: {  	[smem:$0x3FA9] =	sst s0;
	s0 =	simm.s32 @!p2 $0x0  }
0x16: {  	s3 =	sld [smem:$0x3FDB];
	s0 =	simm.s32 @p2 $0x1  }
0x17: {  	s4 =	simm.s32 $0x1BF5;
	[smem:$0x3FAB] =	sst s0  }
0x18: {  	s0 =	sld [smem:$0x3F8E];
	_ =	swait.ge [sflag:s4], $0x0  }
0x19: {  	s7 =	sld [smem:$0x3F8F]  }
0x1a: {  	s8 =	sadd.s32 $0xFFFFE003, lr  }
0x1b: {  	s9 =	sadd.s32 $0xFFFFFEF7, lr;
	s5 =	simm.s32 $0xFFFFFFFF;
	p2 =	slt.u32 s8, $0xFFFFF086  }
0x1c: {  	p1 =	slt.u32 s9, $0xF7A;
	s5 =	simm.s32 @!p2 $0x0  }
0x1d: {  	s5 =	simm.s32 @p1 $0x1;
	p0 =	seq.s32 s7, s2  }
0x1e: {  	s7 =	smul.u32 @!p0 $0xF7A, s2;
	p2 =	seq.s32 @!p0 s5, $0x0  }
0x1f: {  	s9 =	smul.u32 $0xF7A, s1;
	s8 =	simm.s32 @!p0 $0x1BF5;
	p2 =	por !p2, p0  }
0x20: {  	[sflag:s8] =	ssyncset.s32 @!p0 $0xFFFFF086;
	s6 =	sadd.s32 @!p0 s3, s7;
	s7 =	simm.s32 @!p0 $0x108  }
0x21: {  	s3 =	sadd.s32 s3, s9;
	s6 =	sadd.s32 @!p0 $0x88, s6;
	s7 =	simm.s32 @p2 $0x1082  }
0x22: {  	[simem:s7], [sflag:s8] =	dma.local @!p0 [hbm:s6], $0xF7A  }
0x23: {  	s9 =	sor.u32 $0xD0000000, s2;
	s6 =	simm.s32 $0x108;
	_ =	swait.ge @!p0 [sflag:s8], $0x0  }
0x24: {  	s3 =	sadd.s32 $0x88, s3;
	s6 =	simm.s32 @!p1 $0x1082;
	[sflag:s4] =	ssyncset.s32 $0xFFFFF086  }
0x25: {  	[simem:s6], [sflag:s4] =	dma.local [hbm:s3], $0xF7A  }
0x26: {  	[smem:$0x3F8F] =	sst s1;
	(tag) =	ssettag s2;
	_ =	strace s9  }
0x27: {  	s1 =	sld [smem:$0x3F9F]  }
0x28: {  	s2 =	sld [smem:$0x3FA0]  }
0x29: {  	s4 =	sld [smem:$0x3FA2]  }
0x2a: {  	p0 =	seq.s32 s5, $0x0;
	s5 =	sld [smem:$0x3FA3]  }
0x2b: {  	s6 =	sld [smem:$0x3FA4]  }
0x2c: {  	s7 =	sld [smem:$0x3FA5]  }
0x2d: {  	s3 =	simm.s32 $0x108;
	s8 =	sld [smem:$0x3FA6]  }
0x2e: {  	s3 =	simm.s32 @!p0 $0x1082;
	s9 =	sld [smem:$0x3FA7]  }
0x2f: {  	lr =	sadd.s32 s0, s3;
	s0 =	sld [smem:$0x3F9E]  }
0x30: {  	s3 =	sld [smem:$0x3FA1]  }
0x31: {  	[smem:$0x3FAA] =	sst s10  }
0x32: {  	s10 =	sld [smem:$0x3FA8];
	_ =	sdelay $0x3  }
0x33: {  	p0 =	seq.s32 s10, $0x1;
	s10 =	sld [smem:$0x3FAA];
	_ =	sdelay $0x3  }
0x34: {  	[smem:$0x3FAA] =	sst s10  }
0x35: {  	s10 =	sld [smem:$0x3FA9];
	_ =	sdelay $0x3  }
0x36: {  	p1 =	seq.s32 s10, $0x1;
	s10 =	sld [smem:$0x3FAA];
	_ =	sdelay $0x3  }
0x37: {  	[smem:$0x3FAA] =	sst s10  }
0x38: {  	s10 =	sld [smem:$0x3FAB]  }
0x39: {  	_ = 	snop;
	(pc) =	sbr.ind lr, $3  }
0x3a: {  	_ = 	snop  }
0x3b: {  	_ = 	snop  }
0x3c: {  	p2 =	seq.s32 s10, $0x1;
	s10 =	sld [smem:$0x3FAA]  }
0x3d: {  	_ =	shalt  }
0x3e: {  	_ =	shalt  }
0x3f: {  	_ =	shalt  }
0x40: {  	_ =	shalt  }
0x41: {  	_ =	shalt  }
0x42: {  	_ =	shalt  }
0x43: {  	_ =	shalt  }
0x44: {  	_ =	shalt  }
0x45: {  	_ =	shalt  }
0x46: {  	_ =	shalt  }
0x47: {  	_ =	shalt  }
0x48: {  	_ =	shalt  }
0x49: {  	_ =	shalt  }
0x4a: {  	_ =	shalt  }
0x4b: {  	_ =	shalt  }
0x4c: {  	_ =	shalt  }
0x4d: {  	_ =	shalt  }
0x4e: {  	_ =	shalt  }
0x4f: {  	_ =	shalt  }
0x50: {  	_ =	shalt  }
0x51: {  	_ =	shalt  }
0x52: {  	_ =	shalt  }
0x53: {  	_ =	shalt  }
0x54: {  	_ =	shalt  }
0x55: {  	_ =	shalt  }
0x56: {  	_ =	shalt  }
0x57: {  	_ =	shalt  }
0x58: {  	_ =	shalt  }
0x59: {  	_ =	shalt  }
0x5a: {  	_ =	shalt  }
0x5b: {  	_ =	shalt  }
0x5c: {  	_ =	shalt  }
0x5d: {  	_ =	shalt  }
0x5e: {  	_ =	shalt  }
0x5f: {  	_ =	shalt  }
0x60: {  	_ =	shalt  }
0x61: {  	_ =	shalt  }
0x62: {  	_ =	shalt  }
0x63: {  	_ =	shalt  }
0x64: {  	_ =	shalt  }
0x65: {  	_ =	shalt  }
0x66: {  	_ =	shalt  }
0x67: {  	_ =	shalt  }
0x68: {  	_ =	shalt  }
0x69: {  	_ =	shalt  }
0x6a: {  	_ =	shalt  }
0x6b: {  	_ =	shalt  }
0x6c: {  	_ =	shalt  }
0x6d: {  	_ =	shalt  }
0x6e: {  	_ =	shalt  }
0x6f: {  	_ =	shalt  }
0x70: {  	_ =	shalt  }
0x71: {  	_ =	shalt  }
0x72: {  	_ =	shalt  }
0x73: {  	_ =	shalt  }
0x74: {  	_ =	shalt  }
0x75: {  	_ =	shalt  }
0x76: {  	_ =	shalt  }
0x77: {  	_ =	shalt  }
0x78: {  	_ =	shalt  }
0x79: {  	_ =	shalt  }
0x7a: {  	_ =	shalt  }
0x7b: {  	_ =	shalt  }
0x7c: {  	_ =	shalt  }
0x7d: {  	_ =	shalt  }
0x7e: {  	_ =	shalt  }
0x7f: {  	_ =	shalt  }
0x80: {  	_ =	shalt  }
0x81: {  	_ =	shalt  }
0x82: {  	_ =	shalt  }
0x83: {  	_ =	shalt  }
0x84: {  	_ =	shalt  }
0x85: {  	_ =	shalt  }
0x86: {  	_ =	shalt  }
0x87: {  	_ =	shalt  }
.Lfunc_end0:
.L_simem_size_0:
called_computation.1_lowered:
.L_overlay_start_0:
0x88: {  	s2 =	sld [smem:$0x3FD9]  }
0x89: {  	s3 =	sld [smem:$0x3FFE];
	_ =	sdelay $0x1  }
0x8a: {  	s1 =	srdreg.scid  }
0x8b: {  	s0 =	sand.u32 $0x1, s1  }
0x8c: {  	s12 =	sshll.u32 s0, $0xA;
	s2 =	sadd.s32 s3, s2  }
0x8d: {  	s2 =	sadd.s32 s2, s12  }
0x8e: {  	[smem:$0x3FB6] =	sst s2  }
0x8f: {  	_ = 	snop  }
0x90: {  	s2 =	sld [smem:$0x3FD0];
	_ =	sdelay $0x2  }
0x91: {  	s13 =	simm.s32 $0x10  }
0x92: {  	[smem:s13], [sflag:s13] =	dma.local [hbm:s2], $0x1  }
0x93: {  	_ =	swait.eq [sflag:s13], $0x1  }
0x94: {  	[sflag:s13] =	ssyncset.done $0x0  }
0x95: {  	[sflag:s13] =	ssyncadd.s32 $0xFFFFFFFF  }
0x96: {  	s3 =	sld [smem:$0x10]  }
0x97: {  	s5 =	sld [smem:$0x11];
	(tm) =	ssettm $0x1  }
0x98: {  	s14 =	sld [smem:$0x3FFB];
	_ =	sdelay $0x3  }
0x99: {  	_ =	strace s14  }
0x9a: {  	s2 =	sld [smem:$0x3FFC];
	_ =	sdelay $0x3  }
0x9b: {  	_ =	strace s2  }
0x9c: {  	s2 =	sld [smem:$0x3FFD];
	_ =	sdelay $0x3  }
0x9d: {  	_ =	strace s2  }
0x9e: {  	_ =	strace $0x8FFFFFFF  }
0x9f: {  	s15 =	sld [smem:$0x3FDB];
	_ =	sdelay $0x1  }
0xa0: {  	s4 =	simm.s32 $_scs_section_size  }
0xa1: {  	s6 =	simm.s32 $_size__tile_overlayer_lowered;
	s7 =	simm.s32 $_tile_overlayer_lowered  }
0xa2: {  	s19 =	simm.s32 $0x1BFF;
	s17 =	sshll.u32 s7, $0x1;
	s8 =	sadd.s32 s4, s15  }
0xa3: {  	s20 =	simm.s32 $0x0;
	s16 =	sshll.u32 s6, $0x1;
	s18 =	sadd.s32 s17, s8  }
0xa4: {  	[timem:s20], [sflag:s19] =	dma.local [hbm:s18], s16  }
0xa5: {  	_ =	swait.ge [sflag:s19], s16  }
0xa6: {  	s4 =	ssub.s32 $0x0, s16;
	[sflag:s19] =	ssyncset.done $0x0  }
0xa7: {  	[sflag:s19] =	ssyncadd.s32 s4;
	_ =	sdelay $0x1  }
0xa8: {  	s21 =	simm.s32 $0x1B8B  }
0xa9: {  	_ =	swait.ge [sflag:s21], $0x1  }
0xaa: {  	[sflag:s21] =	ssyncset.done $0x0  }
0xab: {  	[sflag:s21] =	ssyncadd.s32 $0xFFFFFFFF  }
0xac: {  	s4 =	sld [smem:$0x0]  }
0xad: {  	s6 =	sand.u32 $0xFFFFFFFE, s1  }
0xae: {  	p0 =	sne.s32 s1, s6  }
0xaf: {  	s6 =	sshll.u32 @p0 s6, $0xE  }
0xb0: {  	s7 =	sadd.s32 @p0 $0x11B8D, s6;
	s9 =	sshll.u32 @p0 s4, $0x11  }
0xb1: {  	s7 =	sor.u32 @p0 s9, s7  }
0xb2: {  	[sflag:s7] =	ssyncadd.remote.s32 @p0 $0x1;
	_ =	sdelay $0x1  }
0xb3: {  	s7 =	simm.s32 @p0 $0x1B8D  }
0xb4: {  	_ =	swait.eq @p0 [sflag:s7], $0x1  }
0xb5: {  	[sflag:s7] =	ssyncadd.s32 @p0 $0xFFFFFFFF  }
0xb6: {  	s9 =	sshll.u32 @!p0 s1, $0xE  }
0xb7: {  	s9 =	sor.u32 @!p0 $0x4000, s9;
	s7 =	simm.s32 @!p0 $0x1B8D  }
0xb8: {  	s11 =	sshll.u32 @!p0 s4, $0x11;
	s10 =	sadd.s32 @!p0 $0x11B8D, s9;
	_ =	swait.eq @!p0 [sflag:s7], $0x1  }
0xb9: {  	[sflag:s7] =	ssyncadd.s32 @!p0 $0xFFFFFFFF;
	s7 =	sor.u32 @!p0 s11, s10  }
0xba: {  	s23 =	simm.s32 $0x1B8E;
	s22 =	sld [smem:$0x3FFE];
	[sflag:s7] =	ssyncadd.remote.s32 @!p0 $0x1  }
0xbb: {  	s24 =	simm.s32 $execute0_lowered;
	[smem:$0x3FD2] =	sst s23  }
0xbc: {  	s10 =	sshll.u32 s24, $0x1;
	_ =	strace $0x8000004F;
	[dreg:$0x1] =	wrdreg $0xFFFFFFFF  }
0xbd: {  	s25 =	simm.s32 $_size_execute0_lowered;
	s10 =	sadd.s32 s8, s10;
	[dreg:$0x0] =	wrdreg $0x0  }
0xbe: {  	s11 =	sshll.u32 s25, $0x1;
	[dreg:$0x2] =	wrdreg s10  }
0xbf: {  	[dreg:$0x3] =	wrdreg s11  }
0xc0: {  	[dreg:$0x4] =	wrdreg $0xC0  }
0xc1: {  	s26 =	simm.s32 $execute1_lowered;
	_ =	task [dreg:s20], $0x5FFFF  }
0xc2: {  	s10 =	sshll.u32 s26, $0x1;
	[dreg:$0x1] =	wrdreg $0xFFFFFFFF  }
0xc3: {  	s8 =	sadd.s32 s8, s10;
	[dreg:$0x0] =	wrdreg $0x60  }
0xc4: {  	[dreg:$0x2] =	wrdreg s8  }
0xc5: {  	[dreg:$0x3] =	wrdreg s5  }
0xc6: {  	[dreg:$0x4] =	wrdreg s3  }
0xc7: {  	[dreg:$0x5] =	wrdreg $0xA  }
0xc8: {  	_ =	task.clear_ibuf [dreg:s20], $0x6FFFF;
	_ =	strace $0x9000004F  }
0xc9: {  	s28 =	simm.s32 $0xA;
	_ =	strace $0x80000051  }
0xca: {  	_ =	swait.ge [sflag:s28], $0x1  }
0xcb: {  	[sflag:s28] =	ssyncadd.s32 $0xFFFFFFFF  }
0xcc: {  	_ =	strace $0x90000051  }
0xcd: {  	s5 =	sld [smem:$0x0];
	_ =	sdelay $0x3  }
0xce: {  	s6 =	sadd.s32 @p0 $0x11BF3, s6;
	s8 =	sshll.u32 @p0 s5, $0x11  }
0xcf: {  	s6 =	sor.u32 @p0 s8, s6  }
0xd0: {  	[sflag:s6] =	ssyncadd.remote.s32 @p0 $0x1;
	_ =	sdelay $0x1  }
0xd1: {  	s6 =	simm.s32 @p0 $0x1BF3  }
0xd2: {  	_ =	swait.eq @p0 [sflag:s6], $0x1  }
0xd3: {  	[sflag:s6] =	ssyncadd.s32 @p0 $0xFFFFFFFF;
	_ =	sdelay $0x1  }
0xd4: {  	s6 =	simm.s32 @!p0 $0x1BF3  }
0xd5: {  	s5 =	sshll.u32 @!p0 s5, $0x11;
	s8 =	sadd.s32 @!p0 $0x11BF3, s9;
	_ =	swait.eq @!p0 [sflag:s6], $0x1  }
0xd6: {  	s5 =	sor.u32 @!p0 s5, s8;
	[sflag:s6] =	ssyncadd.s32 @!p0 $0xFFFFFFFF  }
0xd7: {  	[sflag:s5] =	ssyncadd.remote.s32 @!p0 $0x1  }
0xd8: {  	_ =	strace $0x80000052;
	[dreg:$0x1] =	wrdreg $0xFFFFFFFF  }
0xd9: {  	[dreg:$0x0] =	wrdreg $0x2030  }
0xda: {  	[dreg:$0x2] =	wrdreg s3  }
0xdb: {  	[dreg:$0x3] =	wrdreg s22  }
0xdc: {  	[dreg:$0x4] =	wrdreg s1  }
0xdd: {  	[dreg:$0x5] =	wrdreg s4  }
0xde: {  	[dreg:$0x6] =	wrdreg $0xB  }
0xdf: {  	_ =	task.clear_ibuf [dreg:s20], $0x7FFFF;
	_ =	strace $0x90000052  }
0xe0: {  	s29 =	simm.s32 $0xB;
	_ =	strace $0x80000054  }
0xe1: {  	_ =	swait.ge [sflag:s29], $0x1  }
0xe2: {  	[sflag:s29] =	ssyncadd.s32 $0xFFFFFFFF  }
0xe3: {  	_ =	strace $0x90000054  }
0xe4: {  	_ =	sfence  }
0xe5: {  	s30 =	sld [smem:$0x0];
	_ =	sdelay $0x2  }
0xe6: {  	s31 =	sshll.u32 s1, $0xD;
	s1 =	sshrl.u32 s1, $0x2  }
0xe7: {  	s4 =	sand.u32 $0x4000, s31;
	s1 =	sadd.s32 s1, s30  }
0xe8: {  	s0 =	sor.u32 s4, s0;
	s1 =	sshll.u32 s1, $0x11  }
0xe9: {  	s0 =	sor.u32 s1, s0  }
0xea: {  	s0 =	sadd.s32 $0x8F2B, s0  }
0xeb: {  	[sflag:s0] =	ssyncadd.remote.s32 $0x1  }
0xec: {  	_ =	sfence.sel $0xFFFF  }
0xed: {  	[dreg:$0x0] =	wrdreg $0xFFFFFFFF;
	(pc) =	sbr.abs _section_cstart, $3  }
0xee: {  	[dreg:$0x1] =	wrdreg $0xFFFFFFFF  }
0xef: {  	_ =	task.clear_ibuf [dreg:s20], $0x2FFFF;
	_ =	strace $0x9FFFFFFF  }
0xf0: {  	(tm) =	ssettm $0x7FFFFFFF  }
0xf1: {  	_ =	shalt  }
tec
execute0_lowered:
.L_overlay_start_1:
0x0: {  	(tag) =	ssettag $0x1  }
0x1: {  	s4 =	rddreg [dreg:$0x0]  }
0x2: {  	s2 =	rddreg [dreg:$0x1]  }
0x3: {  	s3 =	rddreg [dreg:$0x2]  }
0x4: {  	s0 =	rddreg [dreg:$0x3];
	s5 =	stileid.u32;
	[bflag:$0x3] =	sbarrier.arrive $0xFFFF  }
0x5: {  	s1 =	simm.s32 $_size_execute1_lowered;
	s29 =	srdreg.scid;
	p0 =	sne.s32 s5, $0x0  }
0x6: {  	s1 =	sshll.u32 s1, $0x1;
	s6 =	simm.s32 @!p0 $0x1C3F;
	s7 =	simm.s32 @!p0 $0x4060  }
0x7: {  	[timem:s7], [sflag:s6] =	dma.local @!p0 [hbm:s4], s1  }
0x8: {  	s31 =	simm.s32 $0x2;
	s8 =	simm.s32 $0x0;
	s4 =	sshll.u32 s29, $0x7  }
.Ltmp0:
0x9: {  	s5 =	sshll.u32 s5, $0x8;
	s4 =	sand.u32 $0x80, s4;
	(pc) =	sbr.rel .LBB2_1-.Ltmp0, $4  }
0xa: {  	s12 =	simm.s32 $0x0;
	s10 =	simm.s32 $0x0;
	s4 =	sor.u32 s5, s4  }
0xb: {  	_ =	strace $0x80000050;
	s5 =	simm.s32 $0x1;
	s30 =	ssub.s32 $0x2700, s4  }
0xc: {  	s11 =	simm.s32 $0x0;
	[sflag:s5] =	ssyncpa.u1 $0x0;
	s6 =	sshrl.u32 s30, $0xC  }
0xd: {  	s9 =	smov.u32 s4;
	[sflag:s31] =	ssyncpa.u1 $0x0;
	s7 =	sadd.s32 $0x2, s6  }
.LBB2_4:
0xe: {  	_ = 	snop  }
.LBB2_7:
0xf: {  	_ =	sdelay $0x3  }
0x10: {  	[tilespmem:v0+s16+$0x0 ss:$0x1] =	vst.idx.msk @p1 $0xffff, v2  }
0x11: {  	v56 =	vld.idx.msk [tilespmem:v1+s15+$0x0 ss:$0x1], $0xffff;
	s24 =	sor.u32 $0x70, s15;
	[tilespmem:v0+s17+$0x0 ss:$0x1] =	vst.idx.msk @p1 $0xffff, v4  }
0x12: {  	s25 =	sor.u32 $0x10, s15;
	[tilespmem:v0+s18+$0x0 ss:$0x1] =	vst.idx.msk @p1 $0xffff, v3;
	v57 =	vld.idx.msk [tilespmem:v1+s24+$0x0 ss:$0x1], $0xffff  }
0x13: {  	s26 =	sor.u32 $0x20, s15;
	[tilespmem:v0+s19+$0x0 ss:$0x1] =	vst.idx.msk @p1 $0xffff, v5;
	v58 =	vld.idx.msk [tilespmem:v1+s25+$0x0 ss:$0x1], $0xffff  }
0x14: {  	s28 =	sor.u32 $0x30, s15;
	[tilespmem:v0+s20+$0x0 ss:$0x1] =	vst.idx.msk @p1 $0xffff, v6;
	v59 =	vld.idx.msk [tilespmem:v1+s26+$0x0 ss:$0x1], $0xffff  }
0x15: {  	s29 =	sor.u32 $0x40, s15;
	[tilespmem:v0+s21+$0x0 ss:$0x1] =	vst.idx.msk @p1 $0xffff, v7;
	v60 =	vld.idx.msk [tilespmem:v1+s28+$0x0 ss:$0x1], $0xffff  }
0x16: {  	s30 =	sor.u32 $0x50, s15;
	v61 =	vld.idx.msk [tilespmem:v1+s29+$0x0 ss:$0x1], $0xffff;
	[tilespmem:v0+s15+$0x0 ss:$0x1] =	vst.idx.msk $0xffff, v56  }
0x17: {  	s31 =	sor.u32 $0x60, s15;
	v62 =	vld.idx.msk [tilespmem:v1+s30+$0x0 ss:$0x1], $0xffff;
	[tilespmem:v0+s24+$0x0 ss:$0x1] =	vst.idx.msk $0xffff, v57  }
0x18: {  	v63 =	vld.idx.msk [tilespmem:v1+s31+$0x0 ss:$0x1], $0xffff;
	[tilespmem:v0+s25+$0x0 ss:$0x1] =	vst.idx.msk $0xffff, v58  }
0x19: {  	[tilespmem:v0+s26+$0x0 ss:$0x1] =	vst.idx.msk $0xffff, v59  }
0x1a: {  	[tilespmem:v0+s28+$0x0 ss:$0x1] =	vst.idx.msk $0xffff, v60  }
0x1b: {  	[tilespmem:v0+s29+$0x0 ss:$0x1] =	vst.idx.msk $0xffff, v61  }
0x1c: {  	[tilespmem:v0+s30+$0x0 ss:$0x1] =	vst.idx.msk $0xffff, v62  }
0x1d: {  	[tilespmem:v0+s31+$0x0 ss:$0x1] =	vst.idx.msk $0xffff, v63  }
.LBB2_8:
0x1e: {  	s15 =	sand.u32 $0x1FFFFFF, s10  }
0x1f: {  	s16 =	smulhi.u32 $0x1A36E2F, s15;
	_ =	sdelay $0x1  }
0x20: {  	s16 =	sshrl.u32 s16, $0x6  }
0x21: {  	s16 =	smul.u32 $0x2710, s16;
	_ =	sdelay $0x1  }
0x22: {  	s15 =	ssub.s32 s15, s16  }
0x23: {  	s15 =	sshll.u32 s15, $0x4  }
0x24: {  	s15 =	sadd.s32 s3, s15  }
0x25: {  	[hbm4b:s15+s8] =	stream.linear.scatter [tilespmem:s14], [sflag:$0x2], s13, $0x38;
	[tilespmem:$0x10000] =	vst v63  }
.LBB2_9:
0x26: {  	p1 =	slt.u32 s11, $0x2  }
0x27: {  	p2 =	sgt.s32 @!p1 s12, $0x2690  }
0x28: {  	s13 =	smov.u32 s12;
	s14 =	sshra.s32 @!p1 s12, $0x1F;
	p2 =	por !p2, p1  }
0x29: {  	s12 =	sand.u32 @!p1 s14, s12;
	s13 =	simm.s32 @p2 $0x2690  }
0x2a: {  	s12 =	ssub.s32 @!p1 s13, s12  }
0x2b: {  	s12 =	sadd.s32 @!p1 $0xFFFFD970, s12  }
0x2c: {  	s13 =	sshll.u32 @!p1 s12, $0x9  }
0x2d: {  	p2 =	sgt.s32 @!p1 s12, $0x7F;
	s12 =	ssub.s32 @!p1 $0x10000, s13  }
0x2e: {  	s14 =	sadd.s32 $0x1000, s9;
	p2 =	por !p2, p1;
	s12 =	sshrl.u32 @!p1 s12, $0x2  }
0x2f: {  	s12 =	simm.s32 @!p2 $0x0;
	p2 =	sgt.s32 s14, $0x270F  }
0x30: {  	s14 =	smov.u32 @p2 s4;
	p2 =	sne.s32 s11, s7  }
.Ltmp1:
0x31: {  	_ = 	snop;
	(pc) =	sbr.rel @!p2 .LBB2_10-.Ltmp1, $4  }
0x32: {  	s13 =	simm.s32 @!p1 $0x2  }
0x33: {  	_ =	swait.ge @!p1 [sflag:s13], s12;
	s15 =	ssub.s32 @!p1 $0x0, s12  }
0x34: {  	s12 =	smov.u32 s10;
	s11 =	sadd.s32 $0x1, s11;
	[sflag:s13] =	ssyncset.done @!p1 $0x0  }
0x35: {  	s10 =	smov.u32 s9;
	s9 =	smov.u32 s14;
	[sflag:s13] =	ssyncadd.s32 @!p1 s15  }
.LBB2_1:
0x36: {  	p1 =	sgt.u32 s11, s6  }
0x37: {  	s13 =	sand.u32 @!p1 $0x1FFFFFF, s9  }
0x38: {  	p2 =	sgt.s32 @!p1 s9, $0x2690;
	s14 =	smulhi.u32 @!p1 $0x1A36E2F, s13  }
0x39: {  	s15 =	smov.u32 s9;
	s16 =	sshra.s32 @!p1 s9, $0x1F;
	p2 =	por !p2, p1  }
0x3a: {  	s16 =	sand.u32 @!p1 s16, s9;
	s15 =	simm.s32 @p2 $0x2690;
	s14 =	sshrl.u32 @!p1 s14, $0x6  }
0x3b: {  	s15 =	ssub.s32 @!p1 s15, s16;
	s14 =	smul.u32 @!p1 $0x2710, s14  }
0x3c: {  	s16 =	sxor.u32 @!p1 $0xFFFFFFFF, s11;
	s15 =	sadd.s32 @!p1 $0xFFFFD970, s15  }
0x3d: {  	s16 =	sshll.u32 @!p1 s16, $0xE;
	s13 =	ssub.s32 @!p1 s13, s14;
	s14 =	sshll.u32 @!p1 s15, $0x9  }
0x3e: {  	s16 =	sand.u32 @!p1 $0x4000, s16;
	p2 =	sgt.s32 @!p1 s15, $0x7F;
	s14 =	ssub.s32 @!p1 $0x10000, s14  }
0x3f: {  	p2 =	por !p2, p1;
	s13 =	sshll.u32 @!p1 s13, $0x4;
	s14 =	sshrl.u32 @!p1 s14, $0x2  }
0x40: {  	s15 =	simm.s32 @!p1 $0x0;
	s13 =	sadd.s32 @!p1 s2, s13;
	s14 =	simm.s32 @!p2 $0x0  }
0x41: {  	[tilespmem:s16], [sflag:$0x1] =	stream.linear.gather @!p1 [hbm4b:s13+s15], s14, $0x38;
	[tilespmem:$0x10000] =	vst v63  }
0x42: {  	p1 =	seq.s32 s11, $0x0  }
0x43: {  	p2 =	sge.u32 @!p1 s11, s7  }
0x44: {  	p1 =	por p1, p2  }
.Ltmp2:
0x45: {  	_ = 	snop;
	(pc) =	sbr.rel @p1 .LBB2_9-.Ltmp2, $1  }
0x46: {  	_ =	sdelay $0x3  }
0x47: {  	p1 =	sgt.s32 s10, $0x2690;
	s13 =	smov.u32 s10;
	s14 =	sshra.s32 s10, $0x1F  }
0x48: {  	s13 =	simm.s32 @!p1 $0x2690;
	s14 =	sand.u32 s14, s10  }
0x49: {  	s13 =	ssub.s32 s13, s14  }
0x4a: {  	s13 =	sadd.s32 $0xFFFFD970, s13  }
0x4b: {  	s31 =	sshll.u32 s13, $0x9  }
0x4c: {  	s14 =	ssub.s32 $0x10000, s31  }
0x4d: {  	p1 =	sgt.s32 s13, $0x7F;
	s13 =	sshrl.u32 s14, $0x2;
	s14 =	sadd.s32 $0x80, s10  }
0x4e: {  	s13 =	simm.s32 @p1 $0x0;
	p1 =	slt.s32 s14, $0x2710  }
0x4f: {  	s14 =	simm.s32 @!p1 $0x2710  }
0x50: {  	s16 =	ssub.s32 s14, s10  }
0x51: {  	p1 =	slt.s32 s16, $0x1  }
.Ltmp3:
0x52: {  	_ = 	snop;
	(pc) =	sbr.rel @p1 .LBB2_8-.Ltmp3, $4  }
0x53: {  	_ = 	snop  }
0x54: {  	s15 =	sshll.u32 s11, $0xE;
	_ =	swait.ge [sflag:s5], s13  }
0x55: {  	s15 =	sand.u32 $0x4000, s15;
	s17 =	ssub.s32 $0x0, s13;
	[sflag:s5] =	ssyncset.done $0x0  }
0x56: {  	s14 =	sor.u32 $0x8000, s15;
	[sflag:s5] =	ssyncadd.s32 s17  }
0x57: {  	p2 =	sne.s32 s16, $0x1  }
.Ltmp4:
0x58: {  	v1 =	vmov s15;
	v0 =	vmov s14;
	(pc) =	sbr.rel @!p2 .LBB2_4-.Ltmp4, $3  }
0x59: {  	_ =	sdelay $0x1  }
0x5a: {  	s17 =	simm.s32 $0x0  }
0x5b: {  	s23 =	sadd.s32 $0xFFFFFFFF, s16;
	p1 =	por $0x0, $0x0;
	s15 =	sand.u32 $0x3F80, s17  }
0x5c: {  	_ =	sdelay $0x3  }
0x5d: {  	v6 =	vld.idx.msk [tilespmem:v1+s15+$0x0 ss:$0x1], $0xffff;
	s24 =	sor.u32 $0x70, s15  }
0x5e: {  	s16 =	sor.u32 $0x10, s15;
	v8 =	vld.idx.msk [tilespmem:v1+s24+$0x0 ss:$0x1], $0xffff  }
0x5f: {  	s17 =	sor.u32 $0x20, s15;
	p2 =	sne.s32 s23, $0x1;
	v2 =	vld.idx.msk [tilespmem:v1+s16+$0x0 ss:$0x1], $0xffff  }
.Ltmp5:
0x60: {  	s18 =	sor.u32 $0x30, s15;
	v4 =	vld.idx.msk [tilespmem:v1+s17+$0x0 ss:$0x1], $0xffff;
	(pc) =	sbr.rel @!p2 .LBB2_7-.Ltmp5, $4  }
0x61: {  	s19 =	sor.u32 $0x40, s15;
	v3 =	vld.idx.msk [tilespmem:v1+s18+$0x0 ss:$0x1], $0xffff  }
0x62: {  	s21 =	sor.u32 $0x60, s15;
	v5 =	vld.idx.msk [tilespmem:v1+s19+$0x0 ss:$0x1], $0xffff  }
0x63: {  	s20 =	sor.u32 $0x50, s15;
	s22 =	simm.s32 $0x80;
	v7 =	vld.idx.msk [tilespmem:v1+s21+$0x0 ss:$0x1], $0xffff;
	[tilespmem:v0+s15+$0x0 ss:$0x1] =	vst.idx.msk $0xffff, v6  }
0x64: {  	s23 =	sadd.s32 $0xFFFFFFFF, s23;
	p1 =	por $0x1, $0x1;
	v6 =	vld.idx.msk [tilespmem:v1+s20+$0x0 ss:$0x1], $0xffff;
	s15 =	sand.u32 $0x3F80, s22;
	[tilespmem:v0+s24+$0x0 ss:$0x1] =	vst.idx.msk $0xffff, v8  }
.LBB2_6:
0x65: {  	p2 =	sne.s32 s23, $0x1;
	v8 =	vld.idx.msk [tilespmem:v1+s15+$0x0 ss:$0x1], $0xffff;
	s24 =	sor.u32 $0x70, s15;
	[tilespmem:v0+s16+$0x0 ss:$0x1] =	vst.idx.msk $0xffff, v2;
	s16 =	sor.u32 $0x10, s15  }
0x66: {  	s25 =	sor.u32 $0x30, s15;
	s26 =	sor.u32 $0x40, s15;
	v9 =	vld.idx.msk [tilespmem:v1+s24+$0x0 ss:$0x1], $0xffff;
	[tilespmem:v0+s17+$0x0 ss:$0x1] =	vst.idx.msk $0xffff, v4;
	s17 =	sor.u32 $0x20, s15  }
0x67: {  	s28 =	sor.u32 $0x50, s15;
	s29 =	sor.u32 $0x60, s15;
	v2 =	vld.idx.msk [tilespmem:v1+s16+$0x0 ss:$0x1], $0xffff;
	[tilespmem:v0+s18+$0x0 ss:$0x1] =	vst.idx.msk $0xffff, v3;
	s18 =	smov.u32 s25  }
.Ltmp6:
0x68: {  	v4 =	vld.idx.msk [tilespmem:v1+s17+$0x0 ss:$0x1], $0xffff;
	[tilespmem:v0+s19+$0x0 ss:$0x1] =	vst.idx.msk $0xffff, v5;
	s19 =	smov.u32 s26;
	(pc) =	sbr.rel @p2 .LBB2_6-.Ltmp6, $4  }
0x69: {  	v3 =	vld.idx.msk [tilespmem:v1+s18+$0x0 ss:$0x1], $0xffff;
	[tilespmem:v0+s20+$0x0 ss:$0x1] =	vst.idx.msk $0xffff, v6;
	s20 =	smov.u32 s28  }
0x6a: {  	v5 =	vld.idx.msk [tilespmem:v1+s19+$0x0 ss:$0x1], $0xffff;
	[tilespmem:v0+s21+$0x0 ss:$0x1] =	vst.idx.msk $0xffff, v7;
	s21 =	smov.u32 s29  }
0x6b: {  	s22 =	sadd.s32 $0x80, s22;
	[tilespmem:v0+s15+$0x0 ss:$0x1] =	vst.idx.msk $0xffff, v8;
	v6 =	vld.idx.msk [tilespmem:v1+s20+$0x0 ss:$0x1], $0xffff  }
0x6c: {  	s23 =	sadd.s32 $0xFFFFFFFF, s23;
	s15 =	sand.u32 $0x3F80, s22;
	v7 =	vld.idx.msk [tilespmem:v1+s21+$0x0 ss:$0x1], $0xffff;
	[tilespmem:v0+s24+$0x0 ss:$0x1] =	vst.idx.msk $0xffff, v9  }
.Ltmp7:
0x6d: {  	_ = 	snop;
	(pc) =	sbr.rel .LBB2_7-.Ltmp7, $1  }
0x6e: {  	_ =	sdelay $0x3  }
.LBB2_10:
0x6f: {  	_ =	sfence.sel $0x180000  }
0x70: {  	s2 =	simm.s32 $0x1;
	[bflag:$0x0] =	sbarrier.arrive $0xFFFF  }
0x71: {  	s31 =	simm.s32 $0x2;
	[sflag:s2] =	ssyncpa.u1 $0x1  }
0x72: {  	[sflag:s31] =	ssyncpa.u1 $0x1  }
0x73: {  	_ =	strace $0x90000050  }
0x74: {  	s0 =	sadd.s32 @!p0 $0x100000, s0;
	[bflag:$0x2] =	sbarrier.arrive $0xFFFF  }
0x75: {  	[sflag:s0] =	ssyncadd.tile.s32 @!p0 $0x1;
	s0 =	simm.s32 @!p0 $0x3F  }
0x76: {  	_ =	swait.ge @!p0 [sflag:s0], s1  }
0x77: {  	s1 =	ssub.s32 @!p0 $0x0, s1;
	[sflag:s0] =	ssyncset.done @!p0 $0x0  }
0x78: {  	[sflag:s0] =	ssyncadd.s32 @!p0 s1  }
0x79: {  	[bflag:$0x3] =	sbarrier.arrive $0xFFFF  }
0x7a: {  	_ =	shalt  }
.Lfunc_end2:
execute1_lowered:
.L_overlay_start_2:
0x7b: {  	(tag) =	ssettag $0x2  }
0x7c: {  	s1 =	rddreg [dreg:$0x0]  }
0x7d: {  	s2 =	rddreg [dreg:$0x1]  }
0x7e: {  	s3 =	rddreg [dreg:$0x2];
	_ =	strace $0x80000053;
	s0 =	simm.s32 $0x1  }
0x7f: {  	v0 =	vimm.s32 $0x0;
	[sflag:s0] =	ssyncpa.u1 $0x0;
	s0 =	simm.s32 $0x108  }
0x80: {  	[tilespmem:s0+$0x70] =	vst v0  }
0x81: {  	[tilespmem:s0+$0x60] =	vst v0  }
0x82: {  	[tilespmem:s0+$0x50] =	vst v0  }
0x83: {  	[tilespmem:s0+$0x40] =	vst v0  }
0x84: {  	[tilespmem:s0+$0x30] =	vst v0  }
0x85: {  	s15 =	sadd.s32 $0x2AE00, s2;
	s6 =	sadd.s32 $0x52A800, s2;
	[tilespmem:s0+$0x20] =	vst v0  }
0x86: {  	s14 =	sadd.s32 $0x34C00, s2;
	s5 =	sand.u32 $0x1, s3;
	s3 =	simm.s32 $0x40;
	[tilespmem:s0+$0x10] =	vst v0  }
.LBB3_1:
0x87: {  	s3 =	sadd.s32 $0x40, s3;
	[tilespmem:s0+$0x0] =	vst v0;
	s0 =	sadd.s32 $0x80, s0  }
0x88: {  	p0 =	slt.u32 s3, $0x3C40;
	[tilespmem:s0+$0x70] =	vst v0  }
0x89: {  	[tilespmem:s0+$0x60] =	vst v0  }
.Ltmp8:
0x8a: {  	[tilespmem:s0+$0x50] =	vst v0;
	(pc) =	sbr.rel @p0 .LBB3_1-.Ltmp8, $4  }
0x8b: {  	[tilespmem:s0+$0x40] =	vst v0  }
0x8c: {  	[tilespmem:s0+$0x30] =	vst v0  }
0x8d: {  	[tilespmem:s0+$0x20] =	vst v0  }
0x8e: {  	[tilespmem:s0+$0x10] =	vst v0  }
0x8f: {  	s9 =	stileid.u32  }
0x90: {  	s2 =	smul.u32 $0x29, s9  }
0x91: {  	s3 =	smin.u32 s9, $0xB  }
0x92: {  	s2 =	sadd.s32 s3, s2  }
0x93: {  	p0 =	slt.u32 s9, $0xB;
	s7 =	smul.u32 $0xF0, s2;
	s2 =	simm.s32 $0x2760  }
0x94: {  	s2 =	simm.s32 @!p0 $0x2670  }
0x95: {  	s2 =	sadd.s32 s2, s7  }
0x96: {  	s8 =	smin.u32 s2, $0x27100  }
0x97: {  	s2 =	ssub.s32 s8, s7  }
0x98: {  	p0 =	sgt.s32 s2, $0x0  }
0x99: {  	s29 =	simm.s32 $0x2;
	s10 =	simm.s32 $0x9;
	s2 =	simm.s32 @!p0 $0x0  }
0x9a: {  	s4 =	simm.s32 $0xA;
	s11 =	simm.s32 $0xB;
	s28 =	smulhi.u32 $0x88888889, s2  }
0x9b: {  	[dreg:$0x5] =	wrdreg s5;
	s31 =	smul.u32 $0x4E20, s5;
	s12 =	simm.s32 $0x1  }
0x9c: {  	s22 =	simm.s32 $0x0;
	s18 =	simm.s32 $0xC;
	s30 =	sshrl.u32 s28, $0x7  }
0x9d: {  	s20 =	simm.s32 $0x0;
	s21 =	simm.s32 $0x0;
	s3 =	smul.u32 $0xF0, s30  }
.Ltmp9:
0x9e: {  	[tilespmem:s0+$0x0] =	vst v0;
	v0 =	vimm.s32 $0xFFFFFFFF;
	[sflag:s29] =	ssyncpa.u1 $0x0;
	s16 =	sshll.u32 s9, $0x8;
	(pc) =	sbr.rel .LBB3_3-.Ltmp9, $4  }
0x9f: {  	[tilespmem:$0xF208] =	vst v0;
	[sflag:s10] =	ssyncpa.u1 $0x0;
	p0 =	sne.s32 s2, s3;
	s2 =	simm.s32 $0x1  }
0xa0: {  	s14 =	sadd.s32 s31, s14;
	[sflag:s4] =	ssyncpa.u1 $0x0;
	s2 =	simm.s32 @!p0 $0x0  }
0xa1: {  	s15 =	sadd.s32 s31, s15;
	[sflag:s11] =	ssyncpa.u1 $0x0;
	s13 =	sadd.s32 s2, s30  }
0xa2: {  	v0 =	vlaneseq.u32;
	s19 =	smov.u32 s7;
	p0 =	por $0x0, $0x0;
	s17 =	sadd.s32 $0x1, s13  }
.LBB3_18:
0xa3: {  	s0 =	sshrl.u32 s31, $0x2  }
.LBB3_20:
0xa4: {  	_ =	swait.ge [sflag:s18], s0  }
0xa5: {  	s31 =	ssub.s32 $0x0, s0;
	v1 =	vmov s24;
	vm0 =	veq.s32 v0, $0x0;
	[sflag:s18] =	ssyncset.done $0x0  }
0xa6: {  	vm15 =	veq.s32 v0, $0x2;
	v1 =	vsel vm0, s30, v1;
	[sflag:s18] =	ssyncadd.s32 s31  }
0xa7: {  	v1 =	vsel vm15, s22, v1;
	[sflag:s18] =	ssyncpa.u1 $0x1  }
0xa8: {  	[tilespmem:$0xF208] =	vst v1  }
.LBB3_21:
0xa9: {  	s0 =	sadd.s32 $0xF0, s19  }
0xaa: {  	s2 =	smov.u32 s7;
	p1 =	slt.s32 s0, s8  }
0xab: {  	s2 =	smov.u32 @p1 s0;
	p1 =	sne.s32 s21, s17  }
.Ltmp10:
0xac: {  	_ = 	snop;
	(pc) =	sbr.rel @!p1 .LBB3_22-.Ltmp10, $3  }
0xad: {  	_ =	sdelay $0x1  }
0xae: {  	s22 =	smov.u32 s20;
	s31 =	sadd.s32 $0x1, s21;
	s20 =	smov.u32 s19  }
0xaf: {  	p0 =	por !p0, !p0;
	s21 =	smov.u32 s31;
	s19 =	smov.u32 s2  }
.LBB3_3:
0xb0: {  	p1 =	sge.u32 s21, s13  }
0xb1: {  	s0 =	smulhi.u32 @!p1 $0xAAAAAAAB, s21  }
0xb2: {  	s2 =	smov.u32 s19;
	p2 =	sgt.s32 @!p1 s19, $0x27010  }
0xb3: {  	s3 =	sshra.s32 @!p1 s19, $0x1F;
	p2 =	por !p2, p1;
	s0 =	sshrl.u32 @!p1 s0, $0x1  }
0xb4: {  	s3 =	sand.u32 @!p1 s3, s19;
	s2 =	simm.s32 @p2 $0x27010;
	s0 =	smul.u32 @!p1 $0x3, s0  }
0xb5: {  	s2 =	ssub.s32 @!p1 s2, s3  }
0xb6: {  	s2 =	sadd.s32 @!p1 $0xFFFD8FF0, s2;
	s0 =	ssub.s32 @!p1 s21, s0  }
0xb7: {  	s3 =	sshll.u32 @!p1 s2, $0x2;
	p2 =	sgt.s32 @!p1 s2, $0xEF;
	s0 =	smul.u32 @!p1 $0x3C0, s0  }
0xb8: {  	s4 =	sand.u32 @!p1 $0x7, s19;
	s2 =	ssub.s32 @!p1 $0x3C0, s3;
	p2 =	por !p2, p1  }
0xb9: {  	s3 =	sshrl.u32 @!p1 s19, $0x3;
	s2 =	sshrl.u32 @!p1 s2, $0x2;
	s0 =	sshrl.u32 @!p1 s0, $0x2  }
0xba: {  	s3 =	sadd.s32 @!p1 s3, s14;
	s2 =	simm.s32 @!p2 $0x0;
	s0 =	sadd.s32 @!p1 $0x10248, s0  }
0xbb: {  	[tilespmem:s0], [sflag:$0xA] =	stream.linear.gather @!p1 [hbm4b:s3+s4], s2, $0x38;
	[tilespmem:$0x1F6F8] =	vst v63  }
0xbc: {  	s0 =	sadd.s32 $0xFFFFFFFF, s21  }
0xbd: {  	p1 =	sge.u32 s0, s13  }
0xbe: {  	p2 =	sgt.s32 @!p1 s20, $0x27010  }
0xbf: {  	s2 =	smov.u32 s20;
	s3 =	sshra.s32 @!p1 s20, $0x1F;
	p2 =	por !p2, p1  }
0xc0: {  	s3 =	sand.u32 @!p1 s3, s20;
	s2 =	simm.s32 @p2 $0x27010  }
0xc1: {  	s2 =	ssub.s32 @!p1 s2, s3  }
0xc2: {  	s2 =	sadd.s32 @!p1 $0xFFFD8FF0, s2  }
0xc3: {  	s4 =	sand.u32 @!p1 $0x1, s0;
	s3 =	sshll.u32 @!p1 s2, $0x2  }
0xc4: {  	p2 =	sgt.s32 @!p1 s2, $0xEF;
	s2 =	ssub.s32 @!p1 $0x3C0, s3;
	s3 =	smulhi.u32 @!p1 $0xAAAAAAAB, s0  }
0xc5: {  	s23 =	smul.u32 @!p1 $0x3C0, s4;
	p2 =	por !p2, p1;
	s2 =	sshrl.u32 @!p1 s2, $0x2  }
0xc6: {  	s5 =	simm.s32 @!p1 $0xA;
	s2 =	simm.s32 @!p2 $0x0;
	s3 =	sshrl.u32 @!p1 s3, $0x1  }
0xc7: {  	s23 =	sshrl.u32 @!p1 s23, $0x2;
	_ =	swait.ge @!p1 [sflag:s5], s2;
	s3 =	smul.u32 @!p1 $0x3, s3  }
0xc8: {  	s23 =	sadd.s32 @!p1 $0x10518, s23;
	s24 =	ssub.s32 @!p1 $0x0, s2;
	[sflag:s5] =	ssyncset.done @!p1 $0x0  }
0xc9: {  	[sflag:s5] =	ssyncadd.s32 @!p1 s24;
	s5 =	sshrl.u32 @!p1 s20, $0x3;
	s0 =	ssub.s32 @!p1 s0, s3  }
0xca: {  	s24 =	sand.u32 @!p1 $0x7, s20;
	s5 =	sadd.s32 @!p1 s5, s15;
	s0 =	smul.u32 @!p1 $0x3C0, s0  }
0xcb: {  	[tilespmem:s23], [sflag:$0xB] =	stream.linear.gather @!p1 [hbm4b:s5+s24], s2, $0x38;
	[tilespmem:$0x1F6F8] =	vst v63  }
0xcc: {  	s3 =	ssub.s32 @!p1 $0x27100, s20;
	s2 =	smul.u32 @!p1 $0x1E000, s4  }
0xcd: {  	p2 =	slt.s32 @!p1 s3, $0xF0  }
0xce: {  	p2 =	por !p2, p1;
	s0 =	sshrl.u32 @!p1 s0, $0x2;
	s2 =	sshrl.u32 @!p1 s2, $0x2  }
0xcf: {  	s3 =	simm.s32 @p2 $0xF0;
	s0 =	sadd.s32 @!p1 $0x10248, s0;
	s2 =	sor.u32 @!p1 $0x106F8, s2  }
0xd0: {  	[tilespmem:s2], [sflag:$0x9] =	stream.indirect.gather @!p1 [hbm4b:s6+s3], $0x80, s0, s3, $0xb8;
	[tilespmem:$0x1F6F8] =	vst v63  }
0xd1: {  	p1 =	slt.u32 s21, $0x2  }
.Ltmp11:
0xd2: {  	_ = 	snop;
	(pc) =	sbr.rel @p1 .LBB3_21-.Ltmp11, $1  }
0xd3: {  	_ =	sdelay $0x3  }
0xd4: {  	p1 =	sgt.s32 s22, $0x27010  }
0xd5: {  	s0 =	smov.u32 s22;
	s2 =	sshra.s32 s22, $0x1F;
	s3 =	ssub.s32 $0x27100, s22  }
0xd6: {  	s0 =	simm.s32 @!p1 $0x27010;
	s2 =	sand.u32 s2, s22;
	p1 =	slt.s32 s3, $0xF0  }
0xd7: {  	s0 =	ssub.s32 s0, s2;
	s3 =	simm.s32 @!p1 $0xF0  }
0xd8: {  	s0 =	sadd.s32 $0xFFFD8FF0, s0;
	s25 =	sshll.u32 s3, $0x7  }
0xd9: {  	s26 =	sshll.u32 s0, $0x2;
	s2 =	sand.u32 $0x3FFFFF80, s25  }
0xda: {  	p1 =	sgt.s32 s0, $0xEF;
	s29 =	ssub.s32 $0x3C0, s26;
	_ =	swait.ge [sflag:s10], s2  }
0xdb: {  	s2 =	ssub.s32 $0x0, s2;
	[sflag:s10] =	ssyncset.done $0x0;
	s0 =	sshrl.u32 s29, $0x2  }
0xdc: {  	[sflag:s10] =	ssyncadd.s32 s2;
	s0 =	simm.s32 @p1 $0x0  }
0xdd: {  	_ =	swait.ge [sflag:s11], s0  }
0xde: {  	s0 =	ssub.s32 $0x0, s0;
	[sflag:s11] =	ssyncset.done $0x0  }
0xdf: {  	[sflag:s11] =	ssyncadd.s32 s0  }
0xe0: {  	v1 =	vld [tilespmem:$0xF208];
	_ =	sdelay $0x4  }
0xe1: {  	(v2sf) =	vpush v1, $0x0  }
0xe2: {  	(v2sf) =	vpush v1, $0x1  }
0xe3: {  	(v2sf) =	vpush v1, $0x2;
	_ =	sdelay $0x3  }
0xe4: {  	s0 =	sadd.s32 $0xF0, s22  }
0xe5: {  	s2 =	ssub.s32 $0x4E200, s22;
	p1 =	slt.s32 s8, s0  }
0xe6: {  	s0 =	smov.u32 @p1 s8;
	p1 =	sgt.s32 s2, $0x0  }
0xe7: {  	s26 =	ssub.s32 s0, s22;
	s2 =	simm.s32 @!p1 $0x0  }
0xe8: {  	p1 =	slt.s32 s2, s26  }
0xe9: {  	s26 =	smov.u32 @p1 s2  }
0xea: {  	s25 =	simm.s32 $0x1;
	p1 =	slt.s32 s26, $0x1  }
.Ltmp12:
0xeb: {  	s25 =	simm.s32 @!p0 $0x0;
	(pc) =	sbr.rel @p1 .LBB3_8-.Ltmp12, $4  }
0xec: {  	s31 =	smul.u32 $0x3C0, s25  }
0xed: {  	s28 =	spop (v2sf)  }
0xee: {  	s0 =	sshrl.u32 s31, $0x2;
	s30 =	spop (v2sf)  }
0xef: {  	s23 =	sadd.s32 $0x10518, s0;
	s22 =	spop (v2sf)  }
0xf0: {  	s0 =	smin.u32 s26, $0x10  }
0xf1: {  	v1 =	vmov s0  }
0xf2: {  	p2 =	sgt.s32 s26, $0x10;
	vm1 =	vgt.u32 v1, v0  }
.Ltmp13:
0xf3: {  	_ = 	snop;
	(pc) =	sbr.rel @!p2 .LBB3_7-.Ltmp13, $2  }
0xf4: {  	_ =	sdelay $0x2  }
0xf5: {  	s4 =	simm.s32 $0x10;
	s24 =	sadd.s32 $0xFFFFFFF0, s26;
	s0 =	smov.u32 s23;
	vm0 =	vmmov vm1  }
.LBB3_6:
0xf6: {  	s2 =	smin.u32 s24, $0x10;
	s4 =	sadd.s32 $0x10, s4;
	v1 =	vld.msk [tilespmem:s0+$0x0 ss:$0x1], vm1  }
0xf7: {  	v2 =	vmov s2;
	p2 =	slt.s32 s4, s26  }
0xf8: {  	vm1 =	vgt.u32 v2, v0  }
.Ltmp14:
0xf9: {  	(pc) =	sbr.rel @p2 .LBB3_6-.Ltmp14, $3  }
0xfa: {  	_ =	sdelay $0x1  }
0xfb: {  	v1 =	vshll.u32 v1, $0x4  }
0xfc: {  	s24 =	sadd.s32 $0xFFFFFFF0, s24;
	[tilespmem:s0+$0x0] =	vst.msk vm0, v1;
	s0 =	sadd.s32 $0x10, s0;
	vm0 =	vmmov vm1  }
.LBB3_7:
0xfd: {  	_ =	sdelay $0x4  }
0xfe: {  	v1 =	vld.msk [tilespmem:s0+$0x0 ss:$0x1], vm1;
	_ =	sdelay $0x4  }
0xff: {  	v1 =	vshll.u32 v1, $0x4  }
0x100: {  	[tilespmem:s0+$0x0] =	vst.msk vm0, v1  }
.LBB3_8:
0x101: {  	s0 =	sand.u32 $0x1, s21  }
0x102: {  	s2 =	smul.u32 $0x7800, s0  }
0x103: {  	p2 =	sne.s32 s30, $0xFFFFFFFF  }
0x104: {  	v1 =	vld @!p2 [tilespmem:s2+$0x106F8];
	_ =	sdelay $0x2  }
0x105: {  	s0 =	smul.u32 $0xF0, s0;
	_ =	sdelay $0x1  }
0x106: {  	v2 =	vld.msk @!p2 [tilespmem:s0+$0x10518], $0x1;
	[tilespmem:$0x108] =	vst @!p2 v1  }
0x107: {  	v1 =	vld @!p2 [tilespmem:s2+$0x10708];
	_ =	sdelay $0x4  }
0x108: {  	[tilespmem:$0x118] =	vst @!p2 v1  }
0x109: {  	v1 =	vld @!p2 [tilespmem:s2+$0x10718];
	_ =	sdelay $0x4  }
0x10a: {  	[tilespmem:$0x128] =	vst @!p2 v1  }
0x10b: {  	v1 =	vld @!p2 [tilespmem:s2+$0x10728];
	_ =	sdelay $0x4  }
0x10c: {  	[tilespmem:$0x138] =	vst @!p2 v1  }
0x10d: {  	v1 =	vld @!p2 [tilespmem:s2+$0x10738];
	_ =	sdelay $0x4  }
0x10e: {  	[tilespmem:$0x148] =	vst @!p2 v1  }
0x10f: {  	(v2sf) =	vpush @!p2 v2, $0x0;
	v1 =	vld @!p2 [tilespmem:s2+$0x10748];
	_ =	sdelay $0x4  }
0x110: {  	[tilespmem:$0x158] =	vst @!p2 v1  }
0x111: {  	v1 =	vld @!p2 [tilespmem:s2+$0x10758];
	_ =	sdelay $0x4  }
0x112: {  	[tilespmem:$0x168] =	vst @!p2 v1  }
0x113: {  	v1 =	vld @!p2 [tilespmem:s2+$0x10768]  }
.Ltmp15:
0x114: {  	_ = 	snop;
	(pc) =	sbr.rel @p1 .LBB3_19-.Ltmp15, $4  }
0x115: {  	_ = 	snop  }
0x116: {  	s29 =	spop @!p2 (v2sf)  }
0x117: {  	s22 =	simm.s32 @!p2 $0x0;
	s24 =	smov.u32 s29  }
0x118: {  	s29 =	smov.u32 @p2 s28;
	s24 =	smov.u32 @p2 s30;
	[tilespmem:$0x178] =	vst @!p2 v1;
	[sflag:s18] =	ssyncpa.u1 $0x0  }
0x119: {  	v1 =	vld.msk [tilespmem:s23+$0x0], $0x1;
	_ =	sdelay $0x4  }
0x11a: {  	(v2sf) =	vpush v1, $0x0;
	_ =	sdelay $0xe  }
0x11b: {  	s2 =	smul.u32 $0x1E000, s25;
	s0 =	spop (v2sf)  }
0x11c: {  	s26 =	ssub.s32 $0x0, s26;
	p1 =	seq.s32 s29, s0  }
0x11d: {  	s30 =	sadd.s32 $0x1, s26;
	s2 =	sshrl.u32 s2, $0x2;
	p2 =	sgt.s32 @!p1 s29, $0x0  }
0x11e: {  	s25 =	sor.u32 $0x10738, s2;
	s2 =	smov.u32 s29;
	p2 =	por !p2, p1  }
0x11f: {  	s2 =	simm.s32 @p2 $0x0;
	p2 =	seq.s32 s30, $0x0  }
.Ltmp16:
0x120: {  	_ = 	snop;
	(pc) =	sbr.rel @p2 .LBB3_11-.Ltmp16, $4  }
0x121: {  	_ = 	snop  }
0x122: {  	s28 =	simm.s32 $0x0;
	s31 =	sadd.s32 $0x1, s23;
	s2 =	smin.u32 @!p1 s2, $0x270F0  }
0x123: {  	s4 =	simm.s32 @!p1 $0x1;
	s5 =	simm.s32 @!p1 $0x7988;
	s3 =	sand.u32 @!p1 $0x3FFF8, s2  }
0x124: {  	s4 =	smov.u32 @p1 s28;
	s2 =	sand.u32 @!p1 $0x7, s2;
	s3 =	sadd.s32 @!p1 s1, s3  }
.LBB3_10:
0x125: {  	s9 =	smov.u32 s4  }
0x126: {  	[tilespmem:s5], [sflag:$0x2] =	stream.linear.gather @!p1 [hbm4b:s3+s2], $0x80, $0x38;
	[tilespmem:$0x1F6F8] =	vst v63  }
0x127: {  	s30 =	sadd.s32 $0x1, s30;
	s2 =	smov.u32 s0;
	v1 =	vld.msk [tilespmem:s31+$0x0], $0x1  }
0x128: {  	p2 =	seq.s32 s30, $0x0;
	_ =	sdelay $0x3  }
0x129: {  	(v2sf) =	vpush v1, $0x0;
	_ =	sdelay $0xe  }
0x12a: {  	s0 =	spop (v2sf)  }
0x12b: {  	p1 =	seq.s32 s2, s0  }
0x12c: {  	p3 =	sgt.s32 @!p1 s2, $0x0;
	s3 =	sshll.u32 @!p1 s4, $0x9;
	s4 =	sadd.s32 @!p1 $0x1, s4  }
.Ltmp17:
0x12d: {  	p3 =	por !p3, p1;
	s3 =	sshra.s32 @!p1 s3, $0x2;
	(pc) =	sbr.rel @!p2 .LBB3_10-.Ltmp17, $4  }
0x12e: {  	s4 =	smov.u32 @p1 s9;
	s2 =	simm.s32 @p3 $0x0;
	s5 =	sadd.s32 @!p1 $0x7988, s3  }
0x12f: {  	s2 =	smin.u32 @!p1 s2, $0x270F0  }
0x130: {  	s3 =	sand.u32 @!p1 $0x3FFF8, s2;
	s2 =	sand.u32 @!p1 $0x7, s2  }
0x131: {  	s31 =	sadd.s32 $0x1, s31;
	s3 =	sadd.s32 @!p1 s1, s3  }
.LBB3_11:
0x132: {  	[tilespmem:s5], [sflag:$0x2] =	stream.linear.gather @!p1 [hbm4b:s3+s2], $0x80, $0x38;
	[tilespmem:$0x1F6F8] =	vst v63  }
.Ltmp18:
0x133: {  	s0 =	sshll.u32 s4, $0x7;
	(pc) =	sbr.rel .LBB3_12-.Ltmp18, $4  }
0x134: {  	s30 =	simm.s32 $0x2;
	s0 =	sand.u32 $0x3FFFFF80, s0  }
0x135: {  	_ =	swait.ge [sflag:s30], s0  }
0x136: {  	s0 =	ssub.s32 $0x0, s0;
	[sflag:s30] =	ssyncset.done $0x0  }
0x137: {  	s31 =	simm.s32 $0x0;
	[sflag:s30] =	ssyncadd.s32 s0  }
.LBB3_13:
0x138: {  	s0 =	sshra.s32 s0, $0x2;
	v1 =	vld [tilespmem:s25+$0xFFFFFFC0]  }
0x139: {  	v2 =	vld [tilespmem:s0+$0x108];
	_ =	sdelay $0x4  }
0x13a: {  	v1 =	vmax.f32 v1, v2  }
0x13b: {  	v2 =	vld [tilespmem:s0+$0x118];
	[tilespmem:s0+$0x108] =	vst v1  }
0x13c: {  	v1 =	vld [tilespmem:s25+$0xFFFFFFD0];
	_ =	sdelay $0x4  }
0x13d: {  	v1 =	vmax.f32 v1, v2  }
0x13e: {  	v2 =	vld [tilespmem:s0+$0x128];
	[tilespmem:s0+$0x118] =	vst v1  }
0x13f: {  	v1 =	vld [tilespmem:s25+$0xFFFFFFE0];
	_ =	sdelay $0x4  }
0x140: {  	v1 =	vmax.f32 v1, v2  }
0x141: {  	v2 =	vld [tilespmem:s0+$0x138];
	[tilespmem:s0+$0x128] =	vst v1  }
0x142: {  	v1 =	vld [tilespmem:s25+$0xFFFFFFF0];
	_ =	sdelay $0x4  }
0x143: {  	v1 =	vmax.f32 v1, v2  }
0x144: {  	v2 =	vld [tilespmem:s0+$0x148];
	[tilespmem:s0+$0x138] =	vst v1  }
0x145: {  	v1 =	vld [tilespmem:s25+$0x0];
	_ =	sdelay $0x4  }
0x146: {  	v1 =	vmax.f32 v1, v2  }
0x147: {  	v2 =	vld [tilespmem:s0+$0x158];
	[tilespmem:s0+$0x148] =	vst v1  }
0x148: {  	v1 =	vld [tilespmem:s25+$0x10];
	_ =	sdelay $0x4  }
0x149: {  	v1 =	vmax.f32 v1, v2  }
0x14a: {  	v2 =	vld [tilespmem:s0+$0x168];
	[tilespmem:s0+$0x158] =	vst v1  }
0x14b: {  	v1 =	vld [tilespmem:s25+$0x20];
	_ =	sdelay $0x4  }
0x14c: {  	v1 =	vmax.f32 v1, v2  }
0x14d: {  	v2 =	vld [tilespmem:s0+$0x178];
	[tilespmem:s0+$0x168] =	vst v1  }
0x14e: {  	v1 =	vld [tilespmem:s25+$0x30];
	_ =	sdelay $0x4  }
0x14f: {  	v1 =	vmax.f32 v1, v2  }
0x150: {  	[tilespmem:s0+$0x178] =	vst v1  }
.LBB3_17:
0x151: {  	s26 =	sadd.s32 $0x1, s26  }
0x152: {  	p1 =	seq.s32 s26, $0x0  }
.Ltmp19:
0x153: {  	_ = 	snop;
	(pc) =	sbr.rel @p1 .LBB3_18-.Ltmp19, $2  }
0x154: {  	_ =	sdelay $0x2  }
0x155: {  	s23 =	sadd.s32 $0x1, s23;
	s25 =	sadd.s32 $0x80, s25;
	s29 =	smov.u32 s30  }
.LBB3_12:
0x156: {  	v1 =	vld.msk [tilespmem:s23+$0x0], $0x1;
	_ =	sdelay $0x4  }
0x157: {  	(v2sf) =	vpush v1, $0x0;
	_ =	sdelay $0xe  }
0x158: {  	s30 =	spop (v2sf)  }
0x159: {  	p1 =	sne.s32 s29, s30  }
.Ltmp20:
0x15a: {  	_ = 	snop;
	(pc) =	sbr.rel @!p1 .LBB3_13-.Ltmp20, $2  }
0x15b: {  	_ =	sdelay $0x2  }
0x15c: {  	s0 =	sshll.u32 s22, $0x9  }
0x15d: {  	p1 =	seq.s32 s29, s24  }
.Ltmp21:
0x15e: {  	_ = 	snop;
	(pc) =	sbr.rel @!p1 .LBB3_15-.Ltmp21, $1  }
0x15f: {  	_ =	sdelay $0x3  }
0x160: {  	s0 =	sshra.s32 s0, $0x2  }
.Ltmp22:
0x161: {  	s0 =	sadd.s32 $0x108, s0;
	(pc) =	sbr.rel .LBB3_16-.Ltmp22, $4  }
0x162: {  	[spmem:s16] =	stream.linear.scatter [tilespmem:s0], [sflag:$0x1], $0x80, $0x38;
	[tilespmem:$0x1F6F8] =	vst v63  }
0x163: {  	_ =	swait.ge [sflag:s12], $0x80  }
0x164: {  	[sflag:s12] =	ssyncset.done $0x0  }
0x165: {  	[sflag:s12] =	ssyncadd.s32 $0xFFFFFF80  }
.LBB3_15:
0x166: {  	s2 =	sshll.u32 s28, $0x9;
	s0 =	sshra.s32 s0, $0x2  }
0x167: {  	s2 =	sshra.s32 s2, $0x2;
	v2 =	vld [tilespmem:s0+$0x108]  }
0x168: {  	v1 =	vld [tilespmem:s2+$0x7988];
	_ =	sdelay $0x4  }
0x169: {  	v1 =	vmax.f32 v1, v2  }
0x16a: {  	v2 =	vld [tilespmem:s0+$0x118];
	[tilespmem:s0+$0x108] =	vst v1  }
0x16b: {  	v1 =	vld [tilespmem:s2+$0x7998];
	_ =	sdelay $0x4  }
0x16c: {  	v1 =	vmax.f32 v1, v2  }
0x16d: {  	v2 =	vld [tilespmem:s0+$0x128];
	[tilespmem:s0+$0x118] =	vst v1  }
0x16e: {  	v1 =	vld [tilespmem:s2+$0x79A8];
	_ =	sdelay $0x4  }
0x16f: {  	v1 =	vmax.f32 v1, v2  }
0x170: {  	v2 =	vld [tilespmem:s0+$0x138];
	[tilespmem:s0+$0x128] =	vst v1  }
0x171: {  	v1 =	vld [tilespmem:s2+$0x79B8];
	_ =	sdelay $0x4  }
0x172: {  	v1 =	vmax.f32 v1, v2  }
0x173: {  	v2 =	vld [tilespmem:s0+$0x148];
	[tilespmem:s0+$0x138] =	vst v1  }
0x174: {  	v1 =	vld [tilespmem:s2+$0x79C8];
	_ =	sdelay $0x4  }
0x175: {  	v1 =	vmax.f32 v1, v2  }
0x176: {  	v2 =	vld [tilespmem:s0+$0x158];
	[tilespmem:s0+$0x148] =	vst v1  }
0x177: {  	v1 =	vld [tilespmem:s2+$0x79D8];
	_ =	sdelay $0x4  }
0x178: {  	v1 =	vmax.f32 v1, v2  }
0x179: {  	v2 =	vld [tilespmem:s0+$0x168];
	[tilespmem:s0+$0x158] =	vst v1  }
0x17a: {  	v1 =	vld [tilespmem:s2+$0x79E8];
	_ =	sdelay $0x4  }
0x17b: {  	v1 =	vmax.f32 v1, v2  }
0x17c: {  	v2 =	vld [tilespmem:s0+$0x178];
	[tilespmem:s0+$0x168] =	vst v1  }
0x17d: {  	v1 =	vld [tilespmem:s2+$0x79F8];
	_ =	sdelay $0x3  }
0x17e: {  	p1 =	sgt.u32 s29, $0x270F0  }
0x17f: {  	s2 =	sand.u32 @!p1 $0x3FFF8, s29;
	v1 =	vmax.f32 v1, v2  }
0x180: {  	s3 =	sadd.s32 $0x108, s0;
	[tilespmem:s0+$0x178] =	vst v1;
	s0 =	sadd.s32 @!p1 s1, s2;
	s2 =	sand.u32 @!p1 $0x7, s29  }
0x181: {  	[hbm4b:s0+s2] =	stream.linear.scatter @!p1 [tilespmem:s3], [sflag:$0xC], $0x80, $0x38;
	[tilespmem:$0x1F6F8] =	vst v63  }
0x182: {  	s0 =	simm.s32 $0x0  }
0x183: {  	s0 =	simm.s32 @!p1 $0x200  }
0x184: {  	s31 =	sadd.s32 s0, s31  }
.LBB3_16:
0x185: {  	s0 =	sadd.s32 $0x1, s22  }
0x186: {  	s2 =	smulhi.u32 $0x88888889, s0;
	_ =	sdelay $0x1  }
0x187: {  	v1 =	vld [tilespmem:s25+$0xFFFFFFC0];
	s2 =	sshrl.u32 s2, $0x7  }
0x188: {  	s2 =	smul.u32 $0xF0, s2;
	_ =	sdelay $0x1  }
0x189: {  	s22 =	ssub.s32 s0, s2  }
0x18a: {  	s0 =	sshll.u32 s22, $0x7  }
0x18b: {  	[tilespmem:s0+$0x108] =	vst v1  }
0x18c: {  	v1 =	vld [tilespmem:s25+$0xFFFFFFD0];
	_ =	sdelay $0x4  }
0x18d: {  	[tilespmem:s0+$0x118] =	vst v1  }
0x18e: {  	v1 =	vld [tilespmem:s25+$0xFFFFFFE0];
	_ =	sdelay $0x4  }
0x18f: {  	[tilespmem:s0+$0x128] =	vst v1  }
0x190: {  	v1 =	vld [tilespmem:s25+$0xFFFFFFF0];
	_ =	sdelay $0x4  }
0x191: {  	[tilespmem:s0+$0x138] =	vst v1  }
0x192: {  	v1 =	vld [tilespmem:s25+$0x0];
	_ =	sdelay $0x4  }
0x193: {  	[tilespmem:s0+$0x148] =	vst v1  }
0x194: {  	v1 =	vld [tilespmem:s25+$0x10];
	_ =	sdelay $0x4  }
0x195: {  	[tilespmem:s0+$0x158] =	vst v1  }
0x196: {  	v1 =	vld [tilespmem:s25+$0x20];
	_ =	sdelay $0x4  }
0x197: {  	[tilespmem:s0+$0x168] =	vst v1  }
0x198: {  	v1 =	vld [tilespmem:s25+$0x30]  }
.Ltmp23:
0x199: {  	_ = 	snop;
	(pc) =	sbr.rel .LBB3_17-.Ltmp23, $2  }
0x19a: {  	_ =	sdelay $0x2  }
0x19b: {  	s28 =	sadd.s32 $0x1, s28;
	[tilespmem:s0+$0x178] =	vst v1  }
.LBB3_19:
.Ltmp24:
0x19c: {  	(pc) =	sbr.rel .LBB3_20-.Ltmp24, $4  }
0x19d: {  	_ = 	snop  }
0x19e: {  	s0 =	simm.s32 $0x2  }
0x19f: {  	_ =	swait.ge [sflag:s0], $0x0  }
0x1a0: {  	s30 =	smov.u32 s29;
	[sflag:s0] =	ssyncset.done $0x0;
	s0 =	simm.s32 $0x0  }
.LBB3_22:
0x1a1: {  	_ =	sfence.sel $0x180000  }
0x1a2: {  	s0 =	simm.s32 $0x9;
	[bflag:$0x0] =	sbarrier.arrive $0xFFFF  }
0x1a3: {  	s24 =	simm.s32 $0xA;
	[sflag:s0] =	ssyncpa.u1 $0x1  }
0x1a4: {  	s25 =	simm.s32 $0xB;
	[sflag:s24] =	ssyncpa.u1 $0x1  }
0x1a5: {  	s26 =	simm.s32 $0x2;
	[sflag:s25] =	ssyncpa.u1 $0x1  }
0x1a6: {  	[sflag:s26] =	ssyncpa.u1 $0x1  }
0x1a7: {  	v0 =	vld [tilespmem:$0xF208];
	_ =	sdelay $0x4  }
0x1a8: {  	(v2sf) =	vpush v0, $0x0  }
0x1a9: {  	(v2sf) =	vpush v0, $0x1;
	_ =	sdelay $0x1  }
0x1aa: {  	(v2sf) =	vpush v0, $0x2;
	_ =	sdelay $0xb  }
0x1ab: {  	s0 =	spop (v2sf)  }
0x1ac: {  	s2 =	spop (v2sf)  }
0x1ad: {  	s3 =	smov.u32 s0;
	p0 =	sne.s32 s0, s2  }
0x1ae: {  	s4 =	spop (v2sf);
	s3 =	simm.s32 @!p0 $0xFFFFFFFF  }
0x1af: {  	v2 =	vimm.s32 $0x1;
	v3 =	vlaneseq.u32;
	p0 =	seq.s32 s4, $0xFFFFFFFF;
	v1 =	vmov s3  }
0x1b0: {  	s16 =	stileid.u32;
	v0 =	vperm.xlane v0, v2;
	p1 =	sne.s32 @!p0 s0, s2;
	v1 =	vperm.xlane v1, v3  }
0x1b1: {  	vm0 =	vcmask $0x3F04;
	s6 =	simm.s32 $0xF208;
	s0 =	simm.s32 @!p0 $0x1;
	p1 =	por !p1, p0  }
0x1b2: {  	s3 =	sshll.u32 s16, $0x1;
	s2 =	sshll.u32 @!p0 s4, $0x9;
	s0 =	simm.s32 @p1 $0x0;
	v0 =	vsel vm0, v1, v0  }
0x1b3: {  	s5 =	sor.u32 $0x1000, s3;
	s2 =	sshra.s32 @!p0 s2, $0x2;
	s0 =	sor.u32 @!p0 s0, s3;
	[tilespmem:$0xF208] =	vst v0  }
0x1b4: {  	[spmem:s5] =	stream.linear.scatter [tilespmem:s6], [sflag:$0x1], $0x2, $0x38;
	[tilespmem:$0x1F6F8] =	vst v63  }
0x1b5: {  	s2 =	sadd.s32 @!p0 $0x108, s2;
	s0 =	sshll.u32 @!p0 s0, $0x7  }
0x1b6: {  	[spmem:s0] =	stream.linear.scatter @!p0 [tilespmem:s2], [sflag:$0x1], $0x80, $0x38;
	[tilespmem:$0x1F6F8] =	vst v63  }
0x1b7: {  	s0 =	simm.s32 @!p0 $0x82  }
0x1b8: {  	s28 =	simm.s32 $0x1;
	s0 =	simm.s32 @p0 $0x2  }
0x1b9: {  	_ =	swait.ge [sflag:s28], s0  }
0x1ba: {  	s0 =	ssub.s32 $0x0, s0;
	[sflag:s28] =	ssyncset.done $0x0  }
0x1bb: {  	p0 =	sne.s32 s16, $0x0;
	[sflag:s28] =	ssyncadd.s32 s0  }
.Ltmp25:
0x1bc: {  	_ =	sfence.stream.spmem;
	(pc) =	sbr.rel @p0 .LBB3_39-.Ltmp25, $4  }
0x1bd: {  	s29 =	simm.s32 $0x3;
	[bflag:$0x0] =	sbarrier.arrive $0xFFFF  }
0x1be: {  	s30 =	simm.s32 $0x4;
	[sflag:s29] =	ssyncpa.u1 $0x1  }
0x1bf: {  	s31 =	simm.s32 $0x3C;
	[sflag:s30] =	ssyncpa.u1 $0x1  }
0x1c0: {  	s15 =	rddreg [dreg:$0x5];
	[sflag:s31] =	ssyncpa.u1 $0x1  }
0x1c1: {  	_ =	sfence.stream.spmem;
	s0 =	simm.s32 $0x5  }
0x1c2: {  	s2 =	simm.s32 $0x1000;
	s3 =	simm.s32 $0xF218;
	[sflag:s0] =	ssyncpa.u1 $0x0  }
0x1c3: {  	[tilespmem:s3], [sflag:$0x5] =	stream.linear.gather [spmem:s2], $0x20, $0x38;
	[tilespmem:$0x1F6F8] =	vst v63  }
0x1c4: {  	s26 =	simm.s32 $0x0;
	s28 =	simm.s32 $0xF238  }
0x1c5: {  	[tilespmem:s28], [sflag:$0x5] =	stream.linear.gather [spmem:s26], $0x1000, $0x38;
	[tilespmem:$0x1F6F8] =	vst v63  }
0x1c6: {  	_ =	swait.ge [sflag:s0], $0x1020  }
0x1c7: {  	[sflag:s0] =	ssyncset.done $0x0  }
0x1c8: {  	s29 =	simm.s32 $0x0;
	[sflag:s0] =	ssyncadd.s32 $0xFFFFEFE0  }
0x1c9: {  	v0 =	vld.msk [tilespmem:s29+$0xF218], $0x1;
	_ =	sdelay $0x1  }
0x1ca: {  	s30 =	simm.s32 $0x1  }
0x1cb: {  	v1 =	vld.msk [tilespmem:s30+$0xF218], $0x1;
	_ =	sdelay $0x1  }
0x1cc: {  	(v2sf) =	vpush v0, $0x0;
	_ =	sdelay $0x2  }
0x1cd: {  	(v2sf) =	vpush v1, $0x0;
	_ =	sdelay $0x2  }
0x1ce: {  	s31 =	simm.s32 $0x2  }
0x1cf: {  	v0 =	vld.msk [tilespmem:s31+$0xF218], $0x1;
	_ =	sdelay $0x2  }
0x1d0: {  	s4 =	simm.s32 $0xFFFFFFFF;
	s5 =	simm.s32 $0xFFFFFFFF;
	s0 =	simm.s32 $0xC  }
.LBB3_24:
0x1d1: {  	s2 =	smov.u32 s5;
	s3 =	smov.u32 s4  }
0x1d2: {  	s4 =	sshra.s32 s0, $0x2;
	p1 =	sne.s32 s0, $0x7C;
	s0 =	sadd.s32 $0x4, s0;
	(v2sf) =	vpush v0, $0x0  }
0x1d3: {  	v0 =	vld.msk [tilespmem:s4+$0xF218], $0x1  }
.Ltmp26:
0x1d4: {  	(pc) =	sbr.rel @p1 .LBB3_24-.Ltmp26, $4  }
0x1d5: {  	s5 =	spop (v2sf)  }
0x1d6: {  	p2 =	sne.s32 s3, $0xFFFFFFFF;
	s4 =	smov.u32 s5  }
0x1d7: {  	p3 =	seq.s32 s5, $0xFFFFFFFF;
	s4 =	smov.u32 @p2 s3  }
0x1d8: {  	s5 =	smov.u32 @p3 s2;
	s4 =	smov.u32 @p3 s3  }
0x1d9: {  	(v2sf) =	vpush v0, $0x0;
	_ =	sdelay $0x8  }
0x1da: {  	s0 =	spop (v2sf)  }
0x1db: {  	p1 =	sne.s32 s4, $0xFFFFFFFF;
	s2 =	smov.u32 s0  }
0x1dc: {  	s9 =	simm.s32 $0x6;
	p2 =	seq.s32 s0, $0xFFFFFFFF;
	s2 =	smov.u32 @p1 s4  }
0x1dd: {  	s6 =	simm.s32 $0x0;
	s2 =	smov.u32 @p2 s4;
	s3 =	spop (v2sf)  }
0x1de: {  	s0 =	smov.u32 @p2 s5;
	p1 =	sne.s32 s2, $0xFFFFFFFF;
	s4 =	smov.u32 s3  }
.Ltmp27:
0x1df: {  	p2 =	seq.s32 s3, $0xFFFFFFFF;
	s4 =	smov.u32 @p1 s2;
	(pc) =	sbr.rel .LBB3_26-.Ltmp27, $4  }
0x1e0: {  	s10 =	simm.s32 $0xF188;
	s4 =	smov.u32 @p2 s2;
	s7 =	spop (v2sf)  }
0x1e1: {  	s11 =	simm.s32 $0x0;
	p1 =	sne.s32 s4, $0xFFFFFFFF;
	s8 =	smov.u32 s7  }
0x1e2: {  	s3 =	smov.u32 @p2 s0;
	p2 =	seq.s32 s7, $0xFFFFFFFF;
	s8 =	smov.u32 @p1 s4  }
0x1e3: {  	[sflag:s9] =	ssyncpa.u1 $0x0;
	s7 =	smov.u32 @p2 s3;
	s8 =	smov.u32 @p2 s4  }
.LBB3_32:
0x1e4: {  	p1 =	sgt.u32 s12, $0x270F0  }
0x1e5: {  	p2 =	seq.s32 @!p1 s12, s8  }
0x1e6: {  	p1 =	por p1, p2  }
0x1e7: {  	p2 =	sne.s32 @!p1 s12, s7  }
0x1e8: {  	p1 =	por p1, !p2  }
0x1e9: {  	s0 =	sshll.u32 @p1 s11, $0x9  }
0x1ea: {  	s0 =	sand.u32 @!p1 $0x3FFF8, s12  }
0x1eb: {  	s2 =	sand.u32 @!p1 $0x7, s12;
	s0 =	sadd.s32 @!p1 s1, s0  }
0x1ec: {  	[tilespmem:s10], [sflag:$0x6] =	stream.linear.gather @!p1 [hbm4b:s0+s2], $0x80, $0x38;
	[tilespmem:$0x1F6F8] =	vst v63  }
0x1ed: {  	_ =	swait.ge @!p1 [sflag:s9], $0x80  }
0x1ee: {  	[sflag:s9] =	ssyncset.done @!p1 $0x0  }
0x1ef: {  	s0 =	sshll.u32 @!p1 s11, $0x9;
	[sflag:s9] =	ssyncadd.s32 @!p1 $0xFFFFFF80  }
0x1f0: {  	s2 =	sshrl.u32 @!p1 s0, $0x2;
	v1 =	vld @!p1 [tilespmem:$0xF188]  }
0x1f1: {  	v2 =	vld @!p1 [tilespmem:s2+$0xF238];
	_ =	sdelay $0x4  }
0x1f2: {  	v1 =	vmax.f32 @!p1 v1, v2  }
0x1f3: {  	v2 =	vld @!p1 [tilespmem:s2+$0xF248];
	[tilespmem:s2+$0xF238] =	vst @!p1 v1  }
0x1f4: {  	v1 =	vld @!p1 [tilespmem:$0xF198];
	_ =	sdelay $0x4  }
0x1f5: {  	v1 =	vmax.f32 @!p1 v1, v2  }
0x1f6: {  	v2 =	vld @!p1 [tilespmem:s2+$0xF258];
	[tilespmem:s2+$0xF248] =	vst @!p1 v1  }
0x1f7: {  	v1 =	vld @!p1 [tilespmem:$0xF1A8];
	_ =	sdelay $0x4  }
0x1f8: {  	v1 =	vmax.f32 @!p1 v1, v2  }
0x1f9: {  	v2 =	vld @!p1 [tilespmem:s2+$0xF268];
	[tilespmem:s2+$0xF258] =	vst @!p1 v1  }
0x1fa: {  	v1 =	vld @!p1 [tilespmem:$0xF1B8];
	_ =	sdelay $0x4  }
0x1fb: {  	v1 =	vmax.f32 @!p1 v1, v2  }
0x1fc: {  	v2 =	vld @!p1 [tilespmem:s2+$0xF278];
	[tilespmem:s2+$0xF268] =	vst @!p1 v1  }
0x1fd: {  	v1 =	vld @!p1 [tilespmem:$0xF1C8];
	_ =	sdelay $0x4  }
0x1fe: {  	v1 =	vmax.f32 @!p1 v1, v2  }
0x1ff: {  	v2 =	vld @!p1 [tilespmem:s2+$0xF288];
	[tilespmem:s2+$0xF278] =	vst @!p1 v1  }
0x200: {  	v1 =	vld @!p1 [tilespmem:$0xF1D8];
	_ =	sdelay $0x4  }
0x201: {  	v1 =	vmax.f32 @!p1 v1, v2  }
0x202: {  	v2 =	vld @!p1 [tilespmem:s2+$0xF298];
	[tilespmem:s2+$0xF288] =	vst @!p1 v1  }
0x203: {  	v1 =	vld @!p1 [tilespmem:$0xF1E8];
	_ =	sdelay $0x4  }
0x204: {  	v1 =	vmax.f32 @!p1 v1, v2  }
0x205: {  	v2 =	vld @!p1 [tilespmem:s2+$0xF2A8];
	[tilespmem:s2+$0xF298] =	vst @!p1 v1  }
0x206: {  	v1 =	vld @!p1 [tilespmem:$0xF1F8];
	_ =	sdelay $0x4  }
0x207: {  	v1 =	vmax.f32 @!p1 v1, v2  }
0x208: {  	[tilespmem:s2+$0xF2A8] =	vst @!p1 v1  }
0x209: {  	s0 =	sshrl.u32 s0, $0x2;
	[tilespmem:s6+$0xF218] =	vst.msk $0x1, v0  }
0x20a: {  	v0 =	vld [tilespmem:s0+$0xF238];
	_ =	sdelay $0x2  }
0x20b: {  	s31 =	sshll.u32 s6, $0x9  }
0x20c: {  	s2 =	sshra.s32 s31, $0x2  }
0x20d: {  	[tilespmem:s2+$0xF238] =	vst v0  }
0x20e: {  	v0 =	vld [tilespmem:s0+$0xF248];
	_ =	sdelay $0x4  }
0x20f: {  	[tilespmem:s2+$0xF248] =	vst v0  }
0x210: {  	v0 =	vld [tilespmem:s0+$0xF258];
	_ =	sdelay $0x4  }
0x211: {  	[tilespmem:s2+$0xF258] =	vst v0  }
0x212: {  	v0 =	vld [tilespmem:s0+$0xF268];
	_ =	sdelay $0x4  }
0x213: {  	[tilespmem:s2+$0xF268] =	vst v0  }
0x214: {  	v0 =	vld [tilespmem:s0+$0xF278];
	_ =	sdelay $0x4  }
0x215: {  	[tilespmem:s2+$0xF278] =	vst v0  }
0x216: {  	v0 =	vld [tilespmem:s0+$0xF288];
	_ =	sdelay $0x4  }
0x217: {  	[tilespmem:s2+$0xF288] =	vst v0  }
0x218: {  	v0 =	vld [tilespmem:s0+$0xF298];
	_ =	sdelay $0x4  }
0x219: {  	[tilespmem:s2+$0xF298] =	vst v0  }
0x21a: {  	v0 =	vld [tilespmem:s0+$0xF2A8];
	_ =	sdelay $0x4  }
0x21b: {  	s6 =	sadd.s32 $0x1, s6;
	[tilespmem:s2+$0xF2A8] =	vst v0  }
.LBB3_33:
0x21c: {  	s11 =	sadd.s32 $0x1, s11  }
0x21d: {  	p1 =	sne.s32 s11, $0x20  }
.Ltmp28:
0x21e: {  	_ = 	snop;
	(pc) =	sbr.rel @!p1 .LBB3_34-.Ltmp28, $1  }
0x21f: {  	_ =	sdelay $0x3  }
.LBB3_26:
0x220: {  	v0 =	vld.msk [tilespmem:s11+$0xF218], $0x1;
	_ =	sdelay $0x4  }
0x221: {  	(v2sf) =	vpush v0, $0x0;
	_ =	sdelay $0xe  }
0x222: {  	s12 =	spop (v2sf)  }
0x223: {  	p1 =	seq.s32 s12, $0xFFFFFFFF  }
.Ltmp29:
0x224: {  	_ = 	snop;
	(pc) =	sbr.rel @p1 .LBB3_33-.Ltmp29, $1  }
0x225: {  	_ =	sdelay $0x3  }
0x226: {  	p1 =	slt.s32 s6, $0x1  }
.Ltmp30:
0x227: {  	_ = 	snop;
	(pc) =	sbr.rel @p1 .LBB3_32-.Ltmp30, $1  }
0x228: {  	_ =	sdelay $0x3  }
0x229: {  	s13 =	simm.s32 $0xF218;
	p1 =	por $0x0, $0x0  }
0x22a: {  	v1 =	vld.msk @!p1 [tilespmem:s13+$0x0], $0x1;
	_ =	sdelay $0x4  }
0x22b: {  	(v2sf) =	vpush @!p1 v1, $0x0;
	_ =	sdelay $0xd  }
0x22c: {  	p3 =	sne.s32 s6, $0x1  }
.Ltmp31:
0x22d: {  	s0 =	spop @!p1 (v2sf);
	(pc) =	sbr.rel @!p3 .LBB3_30-.Ltmp31, $4  }
0x22e: {  	p2 =	seq.s32 @!p1 s12, s0  }
0x22f: {  	s14 =	simm.s32 $0x0;
	p2 =	por !p2, p1  }
0x230: {  	s2 =	simm.s32 $0xFFFFFFFF;
	s14 =	simm.s32 @p2 $0xFFFFFFFF  }
0x231: {  	s0 =	simm.s32 $0x1;
	s14 =	smov.u32 @p1 s2  }
.LBB3_29:
0x232: {  	s2 =	smov.u32 s14;
	p1 =	sne.s32 s14, $0xFFFFFFFF  }
0x233: {  	s13 =	sadd.s32 $0x1, s13;
	s14 =	smov.u32 s0;
	s0 =	sadd.s32 $0x1, s0  }
0x234: {  	p2 =	sne.s32 s6, s0;
	v1 =	vld.msk @!p1 [tilespmem:s13+$0x0], $0x1;
	_ =	sdelay $0x4  }
0x235: {  	(v2sf) =	vpush @!p1 v1, $0x0;
	_ =	sdelay $0xe  }
.Ltmp32:
0x236: {  	s3 =	spop @!p1 (v2sf);
	(pc) =	sbr.rel @p2 .LBB3_29-.Ltmp32, $4  }
0x237: {  	p3 =	seq.s32 @!p1 s12, s3  }
0x238: {  	p3 =	por !p3, p1  }
0x239: {  	s14 =	simm.s32 @p3 $0xFFFFFFFF  }
0x23a: {  	s14 =	smov.u32 @p1 s2  }
.LBB3_30:
0x23b: {  	p1 =	seq.s32 s14, $0xFFFFFFFF  }
.Ltmp33:
0x23c: {  	_ = 	snop;
	(pc) =	sbr.rel @p1 .LBB3_32-.Ltmp33, $1  }
0x23d: {  	_ =	sdelay $0x3  }
0x23e: {  	s0 =	sshll.u32 s11, $0x7  }
0x23f: {  	s2 =	sshll.u32 s14, $0x9;
	s0 =	sand.u32 $0x3FFFFF80, s0  }
0x240: {  	s2 =	sshra.s32 s2, $0x2;
	v0 =	vld [tilespmem:s0+$0xF238]  }
0x241: {  	v1 =	vld [tilespmem:s2+$0xF238];
	_ =	sdelay $0x4  }
0x242: {  	v0 =	vmax.f32 v0, v1  }
0x243: {  	v57 =	vld [tilespmem:s2+$0xF248];
	[tilespmem:s2+$0xF238] =	vst v0  }
0x244: {  	v0 =	vld [tilespmem:s0+$0xF248];
	_ =	sdelay $0x4  }
0x245: {  	v0 =	vmax.f32 v0, v57  }
0x246: {  	v58 =	vld [tilespmem:s2+$0xF258];
	[tilespmem:s2+$0xF248] =	vst v0  }
0x247: {  	v0 =	vld [tilespmem:s0+$0xF258];
	_ =	sdelay $0x4  }
0x248: {  	v0 =	vmax.f32 v0, v58  }
0x249: {  	v59 =	vld [tilespmem:s2+$0xF268];
	[tilespmem:s2+$0xF258] =	vst v0  }
0x24a: {  	v0 =	vld [tilespmem:s0+$0xF268];
	_ =	sdelay $0x4  }
0x24b: {  	v0 =	vmax.f32 v0, v59  }
0x24c: {  	v60 =	vld [tilespmem:s2+$0xF278];
	[tilespmem:s2+$0xF268] =	vst v0  }
0x24d: {  	v0 =	vld [tilespmem:s0+$0xF278];
	_ =	sdelay $0x4  }
0x24e: {  	v0 =	vmax.f32 v0, v60  }
0x24f: {  	v61 =	vld [tilespmem:s2+$0xF288];
	[tilespmem:s2+$0xF278] =	vst v0  }
0x250: {  	v0 =	vld [tilespmem:s0+$0xF288];
	_ =	sdelay $0x4  }
0x251: {  	v0 =	vmax.f32 v0, v61  }
0x252: {  	v62 =	vld [tilespmem:s2+$0xF298];
	[tilespmem:s2+$0xF288] =	vst v0  }
0x253: {  	v0 =	vld [tilespmem:s0+$0xF298];
	_ =	sdelay $0x4  }
0x254: {  	v0 =	vmax.f32 v0, v62  }
0x255: {  	v63 =	vld [tilespmem:s2+$0xF2A8];
	[tilespmem:s2+$0xF298] =	vst v0  }
0x256: {  	v0 =	vld [tilespmem:s0+$0xF2A8];
	_ =	sdelay $0x1  }
.Ltmp34:
0x257: {  	_ = 	snop;
	(pc) =	sbr.rel .LBB3_33-.Ltmp34, $3  }
0x258: {  	_ =	sdelay $0x1  }
0x259: {  	v0 =	vmax.f32 v0, v63  }
0x25a: {  	[tilespmem:s2+$0xF2A8] =	vst v0  }
.LBB3_34:
0x25b: {  	s0 =	simm.s32 $0x6;
	p1 =	seq.s32 s6, $0x0  }
0x25c: {  	[sflag:s0] =	ssyncpa.u1 $0x1;
	v0 =	vimm.s32 @p1 $0xFFFFFFFF  }
0x25d: {  	s9 =	sadd.s32 $0xFFFFFFFF, s6;
	[tilespmem:$0x10238] =	vst @p1 v0  }
0x25e: {  	v0 =	vld.msk @!p1 [tilespmem:s9+$0xF218], $0x1;
	_ =	sdelay $0x1  }
0x25f: {  	v1 =	vld.msk @!p1 [tilespmem:$0xF218], $0x1;
	_ =	sdelay $0x2  }
0x260: {  	p2 =	seq.s32 @!p1 s9, $0x0;
	v0 =	vbroadcast @!p1 v0, $0x0  }
0x261: {  	vm0 =	vmmov @!p1 $0x1;
	p2 =	por !p2, p1  }
0x262: {  	v1 =	vnsel @!p1 vm0, $0xFFFFFFFF, v1;
	vm0 =	vcmask @!p1 $0x308;
	v0 =	vpsel !p2, $0xFFFFFFFF, v0  }
0x263: {  	p2 =	sne.s32 @!p1 s8, s7;
	v0 =	vsel @!p1 vm0, v1, v0  }
0x264: {  	s0 =	simm.s32 @!p1 $0xF238;
	s2 =	simm.s32 @!p1 $0x0;
	p3 =	por !p2, p1;
	[tilespmem:$0x10238] =	vst @!p1 v0  }
0x265: {  	[spmem:s2] =	stream.linear.scatter @!p1 [tilespmem:s0], [sflag:$0x1], $0x80, $0x38;
	[tilespmem:$0x1F6F8] =	vst v63  }
0x266: {  	s0 =	sshll.u32 @!p3 s9, $0x9  }
0x267: {  	s0 =	sshra.s32 @!p3 s0, $0x2  }
0x268: {  	s2 =	simm.s32 @!p3 $0x80;
	s0 =	sadd.s32 @!p3 $0xF238, s0  }
0x269: {  	[spmem:s2] =	stream.linear.scatter @!p3 [tilespmem:s0], [sflag:$0x1], $0x80, $0x38;
	[tilespmem:$0x1F6F8] =	vst v63  }
0x26a: {  	s0 =	simm.s32 @!p3 $0x1  }
0x26b: {  	_ =	swait.ge @!p3 [sflag:s0], $0x100  }
0x26c: {  	p1 =	por p2, p1;
	[sflag:s0] =	ssyncset.done @!p3 $0x0  }
0x26d: {  	[sflag:s0] =	ssyncadd.s32 @!p3 $0xFFFFFF00;
	s0 =	simm.s32 @!p1 $0x1  }
0x26e: {  	_ =	swait.ge @!p1 [sflag:s0], $0x80  }
0x26f: {  	s29 =	simm.s32 $0x10238;
	[sflag:s0] =	ssyncset.done @!p1 $0x0  }
0x270: {  	s30 =	simm.s32 $0x1000;
	s31 =	simm.s32 $0x1;
	[sflag:s0] =	ssyncadd.s32 @!p1 $0xFFFFFF80  }
0x271: {  	[spmem:s30] =	stream.linear.scatter [tilespmem:s29], [sflag:$0x1], $0x10, $0x38;
	[tilespmem:$0x1F6F8] =	vst v63  }
0x272: {  	_ =	swait.ge [sflag:s31], $0x10  }
0x273: {  	[sflag:s31] =	ssyncset.done $0x0  }
0x274: {  	p1 =	seq.s32 s15, $0x0;
	s8 =	rddreg [dreg:$0x2];
	[sflag:s31] =	ssyncadd.s32 $0xFFFFFFF0  }
0x275: {  	s2 =	sshll.u32 @p1 s8, $0xE;
	s7 =	rddreg [dreg:$0x3]  }
0x276: {  	s0 =	sadd.s32 @p1 $0x15C3C, s2;
	s2 =	sshll.u32 @p1 s7, $0x11  }
0x277: {  	_ =	sfence.stream.spmem;
	s0 =	sor.u32 @p1 s2, s0  }
0x278: {  	[sflag:s0] =	ssyncadd.remote.s32 @p1 $0x1;
	s0 =	simm.s32 @p1 $0x4  }
0x279: {  	s3 =	simm.s32 @!p1 $0x3C;
	s2 =	sand.u32 $0xFFFFFFFE, s8;
	_ =	swait.ge @p1 [sflag:s0], $0x22  }
0x27a: {  	s4 =	simm.s32 @!p1 $0x0;
	s2 =	sadd.s32 @!p1 $0x4, s2;
	[sflag:s0] =	ssyncset.done @p1 $0x0  }
0x27b: {  	s5 =	simm.s32 @!p1 $0x100;
	[sflag:s0] =	ssyncadd.s32 @p1 $0xFFFFFFDE;
	s0 =	sshll.u32 @!p1 s2, $0x1A  }
0x27c: {  	s2 =	sshll.u32 @!p1 s2, $0xD;
	s0 =	sor.u32 @!p1 s0, s7;
	_ =	swait.eq @!p1 [sflag:s3], $0x1  }
0x27d: {  	s2 =	sor.u32 @!p1 $0x1C04, s2;
	s3 =	simm.s32 @!p1 $0x1C03;
	s0 =	sor.u32 @!p1 $0x80004000, s0  }
0x27e: {  	[spmem:s5], [sflag:s2] =	dma.general @!p1 [spmem:s4], [sflag:s3], length:$0x20, [dreg:$0x0], stride_count:$0x0, ici_dest:s0, dma_misc:DstOpCode:WRITE  }
0x27f: {  	p2 =	slt.s32 s9, $0x2;
	s4 =	simm.s32 @!p1 $0x200;
	s5 =	simm.s32 @!p1 $0x202  }
0x280: {  	[spmem:s5], [sflag:s2] =	dma.general @!p1 [spmem:s4], [sflag:s3], length:$0x2, [dreg:$0x0], stride_count:$0x0, ici_dest:s0, dma_misc:DstOpCode:WRITE  }
.Ltmp35:
0x281: {  	s0 =	simm.s32 @!p1 $0x3;
	(pc) =	sbr.rel @p2 .LBB3_38-.Ltmp35, $4  }
0x282: {  	s2 =	sshll.u32 @!p1 s8, $0xE;
	_ =	swait.ge @!p1 [sflag:s0], $0x22  }
0x283: {  	s3 =	sshll.u32 @!p1 s7, $0x11;
	s2 =	sadd.s32 @!p1 $0x11C3C, s2;
	[sflag:s0] =	ssyncset.done @!p1 $0x0  }
0x284: {  	[sflag:s0] =	ssyncadd.s32 @!p1 $0xFFFFFFDE;
	s0 =	sor.u32 @!p1 s3, s2  }
0x285: {  	[sflag:s0] =	ssyncadd.remote.s32 @!p1 $0xFFFFFFFF;
	s0 =	simm.s32 $0x0  }
0x286: {  	s0 =	simm.s32 $0xF219  }
0x287: {  	v0 =	vld.msk [tilespmem:s0+$0x0], $0x1;
	_ =	sdelay $0x4  }
0x288: {  	(v2sf) =	vpush v0, $0x0;
	_ =	sdelay $0xb  }
0x289: {  	s31 =	sadd.s32 $0xFFFFFFFE, s6  }
0x28a: {  	s0 =	sadd.s32 $0xFFFFFFFF, s31  }
0x28b: {  	p2 =	sne.s32 s0, $0x0  }
.Ltmp36:
0x28c: {  	s2 =	spop (v2sf);
	(pc) =	sbr.rel @!p2 .LBB3_37-.Ltmp36, $4  }
0x28d: {  	s4 =	simm.s32 $0xF2B8;
	s7 =	simm.s32 $0x0;
	p1 =	sgt.u32 s2, $0x270F0  }
0x28e: {  	s5 =	simm.s32 $0x0;
	s6 =	simm.s32 $0xF21A;
	s3 =	sand.u32 @!p1 $0x3FFF8, s2  }
0x28f: {  	s2 =	sand.u32 @!p1 $0x7, s2;
	s7 =	simm.s32 @!p1 $0x200;
	s3 =	sadd.s32 @!p1 s1, s3  }
0x290: {  	[hbm4b:s3+s2] =	stream.linear.scatter @!p1 [tilespmem:s4], [sflag:$0x5], $0x80, $0x38;
	[tilespmem:$0x1F6F8] =	vst v63  }
.LBB3_36:
0x291: {  	v0 =	vld.msk [tilespmem:s6+$0x0], $0x1;
	s0 =	sadd.s32 $0xFFFFFFFF, s0;
	s5 =	sadd.s32 s5, s7  }
0x292: {  	p1 =	sne.s32 s0, $0x0;
	_ =	sdelay $0x3  }
0x293: {  	(v2sf) =	vpush v0, $0x0;
	_ =	sdelay $0xe  }
.Ltmp37:
0x294: {  	s2 =	spop (v2sf);
	(pc) =	sbr.rel @p1 .LBB3_36-.Ltmp37, $4  }
0x295: {  	s7 =	simm.s32 $0x0;
	p2 =	sgt.u32 s2, $0x270F0  }
0x296: {  	s4 =	sadd.s32 $0x80, s4;
	s7 =	simm.s32 @!p2 $0x200;
	s3 =	sand.u32 @!p2 $0x3FFF8, s2  }
0x297: {  	s6 =	sadd.s32 $0x1, s6;
	s2 =	sand.u32 @!p2 $0x7, s2;
	s3 =	sadd.s32 @!p2 s1, s3  }
0x298: {  	[hbm4b:s3+s2] =	stream.linear.scatter @!p2 [tilespmem:s4], [sflag:$0x5], $0x80, $0x38;
	[tilespmem:$0x1F6F8] =	vst v63  }
.LBB3_37:
0x299: {  	s0 =	sadd.s32 s5, s7  }
0x29a: {  	s0 =	sshrl.u32 s0, $0x2  }
.LBB3_38:
0x29b: {  	s2 =	simm.s32 $0x5  }
0x29c: {  	_ =	swait.ge [sflag:s2], s0  }
0x29d: {  	s31 =	ssub.s32 $0x0, s0;
	[sflag:s2] =	ssyncset.done $0x0  }
0x29e: {  	[sflag:s2] =	ssyncadd.s32 s31  }
0x29f: {  	[sflag:s2] =	ssyncpa.u1 $0x1  }
.LBB3_39:
0x2a0: {  	s0 =	sor.u32 s15, s16  }
0x2a1: {  	p1 =	sne.s32 s0, $0x0  }
.Ltmp38:
0x2a2: {  	_ = 	snop;
	(pc) =	sbr.rel @p1 .LBB3_54-.Ltmp38, $3  }
0x2a3: {  	_ =	sdelay $0x1  }
0x2a4: {  	[bflag:$0x0] =	sbarrier.arrive $0xFFFF  }
0x2a5: {  	_ =	sfence  }
0x2a6: {  	s0 =	simm.s32 $0x7  }
0x2a7: {  	s2 =	simm.s32 $0x1000;
	s3 =	simm.s32 $0xF218;
	[sflag:s0] =	ssyncpa.u1 $0x0  }
0x2a8: {  	[tilespmem:s3], [sflag:$0x7] =	stream.linear.gather [spmem:s2], $0x20, $0x38;
	[tilespmem:$0x1F6F8] =	vst v63  }
0x2a9: {  	s30 =	simm.s32 $0xF238;
	s2 =	simm.s32 $0x0  }
0x2aa: {  	[tilespmem:s30], [sflag:$0x7] =	stream.linear.gather [spmem:s2], $0x1000, $0x38;
	[tilespmem:$0x1F6F8] =	vst v63  }
.Ltmp39:
0x2ab: {  	_ = 	snop;
	(pc) =	sbr.rel .LBB3_41-.Ltmp39, $4  }
0x2ac: {  	_ =	swait.ge [sflag:s0], $0x1020  }
0x2ad: {  	[sflag:s0] =	ssyncset.done $0x0  }
0x2ae: {  	s31 =	simm.s32 $0x8;
	[sflag:s0] =	ssyncadd.s32 $0xFFFFEFE0  }
0x2af: {  	s3 =	simm.s32 $0x0;
	[sflag:s31] =	ssyncpa.u1 $0x0  }
.LBB3_47:
0x2b0: {  	p1 =	slt.u32 s4, $0x270F1  }
0x2b1: {  	s0 =	sand.u32 @p1 $0x3FFF8, s4  }
0x2b2: {  	s4 =	sand.u32 @p1 $0x7, s4;
	s5 =	simm.s32 @p1 $0xF188;
	s0 =	sadd.s32 @p1 s1, s0  }
0x2b3: {  	[tilespmem:s5], [sflag:$0x8] =	stream.linear.gather @p1 [hbm4b:s0+s4], $0x80, $0x38;
	[tilespmem:$0x1F6F8] =	vst v63  }
0x2b4: {  	s0 =	simm.s32 @p1 $0x8  }
0x2b5: {  	_ =	swait.ge @p1 [sflag:s0], $0x80  }
0x2b6: {  	[sflag:s0] =	ssyncset.done @p1 $0x0  }
0x2b7: {  	[sflag:s0] =	ssyncadd.s32 @p1 $0xFFFFFF80;
	s0 =	sshll.u32 @p1 s3, $0x9  }
0x2b8: {  	s4 =	sshrl.u32 @p1 s0, $0x2;
	v1 =	vld @p1 [tilespmem:$0xF188]  }
0x2b9: {  	v2 =	vld @p1 [tilespmem:s4+$0xF238];
	_ =	sdelay $0x4  }
0x2ba: {  	v1 =	vmax.f32 @p1 v1, v2  }
0x2bb: {  	v2 =	vld @p1 [tilespmem:s4+$0xF248];
	[tilespmem:s4+$0xF238] =	vst @p1 v1  }
0x2bc: {  	v1 =	vld @p1 [tilespmem:$0xF198];
	_ =	sdelay $0x4  }
0x2bd: {  	v1 =	vmax.f32 @p1 v1, v2  }
0x2be: {  	v2 =	vld @p1 [tilespmem:s4+$0xF258];
	[tilespmem:s4+$0xF248] =	vst @p1 v1  }
0x2bf: {  	v1 =	vld @p1 [tilespmem:$0xF1A8];
	_ =	sdelay $0x4  }
0x2c0: {  	v1 =	vmax.f32 @p1 v1, v2  }
0x2c1: {  	v2 =	vld @p1 [tilespmem:s4+$0xF268];
	[tilespmem:s4+$0xF258] =	vst @p1 v1  }
0x2c2: {  	v1 =	vld @p1 [tilespmem:$0xF1B8];
	_ =	sdelay $0x4  }
0x2c3: {  	v1 =	vmax.f32 @p1 v1, v2  }
0x2c4: {  	v2 =	vld @p1 [tilespmem:s4+$0xF278];
	[tilespmem:s4+$0xF268] =	vst @p1 v1  }
0x2c5: {  	v1 =	vld @p1 [tilespmem:$0xF1C8];
	_ =	sdelay $0x4  }
0x2c6: {  	v1 =	vmax.f32 @p1 v1, v2  }
0x2c7: {  	v2 =	vld @p1 [tilespmem:s4+$0xF288];
	[tilespmem:s4+$0xF278] =	vst @p1 v1  }
0x2c8: {  	v1 =	vld @p1 [tilespmem:$0xF1D8];
	_ =	sdelay $0x4  }
0x2c9: {  	v1 =	vmax.f32 @p1 v1, v2  }
0x2ca: {  	v2 =	vld @p1 [tilespmem:s4+$0xF298];
	[tilespmem:s4+$0xF288] =	vst @p1 v1  }
0x2cb: {  	v1 =	vld @p1 [tilespmem:$0xF1E8];
	_ =	sdelay $0x4  }
0x2cc: {  	v1 =	vmax.f32 @p1 v1, v2  }
0x2cd: {  	v2 =	vld @p1 [tilespmem:s4+$0xF2A8];
	[tilespmem:s4+$0xF298] =	vst @p1 v1  }
0x2ce: {  	v1 =	vld @p1 [tilespmem:$0xF1F8];
	_ =	sdelay $0x4  }
0x2cf: {  	s5 =	sshll.u32 @!p1 s3, $0x9;
	v1 =	vmax.f32 @p1 v1, v2  }
0x2d0: {  	s5 =	smov.u32 @p1 s0;
	[tilespmem:s4+$0xF2A8] =	vst @p1 v1  }
0x2d1: {  	s0 =	sshrl.u32 s5, $0x2;
	[tilespmem:s2+$0xF218] =	vst.msk $0x1, v0  }
0x2d2: {  	v0 =	vld [tilespmem:s0+$0xF238];
	_ =	sdelay $0x2  }
0x2d3: {  	s31 =	sshll.u32 s2, $0x9  }
0x2d4: {  	s4 =	sshra.s32 s31, $0x2  }
0x2d5: {  	[tilespmem:s4+$0xF238] =	vst v0  }
0x2d6: {  	v0 =	vld [tilespmem:s0+$0xF248];
	_ =	sdelay $0x4  }
0x2d7: {  	[tilespmem:s4+$0xF248] =	vst v0  }
0x2d8: {  	v0 =	vld [tilespmem:s0+$0xF258];
	_ =	sdelay $0x4  }
0x2d9: {  	[tilespmem:s4+$0xF258] =	vst v0  }
0x2da: {  	v0 =	vld [tilespmem:s0+$0xF268];
	_ =	sdelay $0x4  }
0x2db: {  	[tilespmem:s4+$0xF268] =	vst v0  }
0x2dc: {  	v0 =	vld [tilespmem:s0+$0xF278];
	_ =	sdelay $0x4  }
0x2dd: {  	[tilespmem:s4+$0xF278] =	vst v0  }
0x2de: {  	v0 =	vld [tilespmem:s0+$0xF288];
	_ =	sdelay $0x4  }
0x2df: {  	[tilespmem:s4+$0xF288] =	vst v0  }
0x2e0: {  	v0 =	vld [tilespmem:s0+$0xF298];
	_ =	sdelay $0x4  }
0x2e1: {  	[tilespmem:s4+$0xF298] =	vst v0  }
0x2e2: {  	v0 =	vld [tilespmem:s0+$0xF2A8];
	_ =	sdelay $0x4  }
0x2e3: {  	s2 =	sadd.s32 $0x1, s2;
	[tilespmem:s4+$0xF2A8] =	vst v0  }
.LBB3_48:
0x2e4: {  	s3 =	sadd.s32 $0x1, s3  }
0x2e5: {  	p1 =	sne.s32 s3, $0x20  }
.Ltmp40:
0x2e6: {  	_ = 	snop;
	(pc) =	sbr.rel @!p1 .LBB3_49-.Ltmp40, $1  }
0x2e7: {  	_ =	sdelay $0x3  }
.LBB3_41:
0x2e8: {  	v0 =	vld.msk [tilespmem:s3+$0xF218], $0x1;
	_ =	sdelay $0x4  }
0x2e9: {  	(v2sf) =	vpush v0, $0x0;
	_ =	sdelay $0xe  }
0x2ea: {  	s4 =	spop (v2sf)  }
0x2eb: {  	p1 =	seq.s32 s4, $0xFFFFFFFF  }
.Ltmp41:
0x2ec: {  	_ = 	snop;
	(pc) =	sbr.rel @p1 .LBB3_48-.Ltmp41, $1  }
0x2ed: {  	_ =	sdelay $0x3  }
0x2ee: {  	p1 =	slt.s32 s2, $0x1  }
.Ltmp42:
0x2ef: {  	_ = 	snop;
	(pc) =	sbr.rel @p1 .LBB3_47-.Ltmp42, $1  }
0x2f0: {  	_ =	sdelay $0x3  }
0x2f1: {  	s5 =	simm.s32 $0xF218;
	p1 =	por $0x0, $0x0  }
0x2f2: {  	v1 =	vld.msk @!p1 [tilespmem:s5+$0x0], $0x1;
	_ =	sdelay $0x4  }
0x2f3: {  	(v2sf) =	vpush @!p1 v1, $0x0;
	_ =	sdelay $0xd  }
0x2f4: {  	p3 =	sne.s32 s2, $0x1  }
.Ltmp43:
0x2f5: {  	s0 =	spop @!p1 (v2sf);
	(pc) =	sbr.rel @!p3 .LBB3_45-.Ltmp43, $4  }
0x2f6: {  	p2 =	seq.s32 @!p1 s4, s0  }
0x2f7: {  	s6 =	simm.s32 $0x0;
	p2 =	por !p2, p1  }
0x2f8: {  	s7 =	simm.s32 $0xFFFFFFFF;
	s6 =	simm.s32 @p2 $0xFFFFFFFF  }
0x2f9: {  	s0 =	simm.s32 $0x1;
	s6 =	smov.u32 @p1 s7  }
.LBB3_44:
0x2fa: {  	s7 =	smov.u32 s6;
	p1 =	sne.s32 s6, $0xFFFFFFFF  }
0x2fb: {  	s5 =	sadd.s32 $0x1, s5;
	s6 =	smov.u32 s0;
	s0 =	sadd.s32 $0x1, s0  }
0x2fc: {  	p2 =	sne.s32 s2, s0;
	v1 =	vld.msk @!p1 [tilespmem:s5+$0x0], $0x1;
	_ =	sdelay $0x4  }
0x2fd: {  	(v2sf) =	vpush @!p1 v1, $0x0;
	_ =	sdelay $0xe  }
.Ltmp44:
0x2fe: {  	s8 =	spop @!p1 (v2sf);
	(pc) =	sbr.rel @p2 .LBB3_44-.Ltmp44, $4  }
0x2ff: {  	p3 =	seq.s32 @!p1 s4, s8  }
0x300: {  	p3 =	por !p3, p1  }
0x301: {  	s6 =	simm.s32 @p3 $0xFFFFFFFF  }
0x302: {  	s6 =	smov.u32 @p1 s7  }
.LBB3_45:
0x303: {  	p1 =	seq.s32 s6, $0xFFFFFFFF  }
.Ltmp45:
0x304: {  	_ = 	snop;
	(pc) =	sbr.rel @p1 .LBB3_47-.Ltmp45, $1  }
0x305: {  	_ =	sdelay $0x3  }
0x306: {  	s0 =	sshll.u32 s3, $0x7  }
0x307: {  	s4 =	sshll.u32 s6, $0x9;
	s0 =	sand.u32 $0x3FFFFF80, s0  }
0x308: {  	s4 =	sshra.s32 s4, $0x2;
	v0 =	vld [tilespmem:s0+$0xF238]  }
0x309: {  	v1 =	vld [tilespmem:s4+$0xF238];
	_ =	sdelay $0x4  }
0x30a: {  	v0 =	vmax.f32 v0, v1  }
0x30b: {  	v57 =	vld [tilespmem:s4+$0xF248];
	[tilespmem:s4+$0xF238] =	vst v0  }
0x30c: {  	v0 =	vld [tilespmem:s0+$0xF248];
	_ =	sdelay $0x4  }
0x30d: {  	v0 =	vmax.f32 v0, v57  }
0x30e: {  	v58 =	vld [tilespmem:s4+$0xF258];
	[tilespmem:s4+$0xF248] =	vst v0  }
0x30f: {  	v0 =	vld [tilespmem:s0+$0xF258];
	_ =	sdelay $0x4  }
0x310: {  	v0 =	vmax.f32 v0, v58  }
0x311: {  	v59 =	vld [tilespmem:s4+$0xF268];
	[tilespmem:s4+$0xF258] =	vst v0  }
0x312: {  	v0 =	vld [tilespmem:s0+$0xF268];
	_ =	sdelay $0x4  }
0x313: {  	v0 =	vmax.f32 v0, v59  }
0x314: {  	v60 =	vld [tilespmem:s4+$0xF278];
	[tilespmem:s4+$0xF268] =	vst v0  }
0x315: {  	v0 =	vld [tilespmem:s0+$0xF278];
	_ =	sdelay $0x4  }
0x316: {  	v0 =	vmax.f32 v0, v60  }
0x317: {  	v61 =	vld [tilespmem:s4+$0xF288];
	[tilespmem:s4+$0xF278] =	vst v0  }
0x318: {  	v0 =	vld [tilespmem:s0+$0xF288];
	_ =	sdelay $0x4  }
0x319: {  	v0 =	vmax.f32 v0, v61  }
0x31a: {  	v62 =	vld [tilespmem:s4+$0xF298];
	[tilespmem:s4+$0xF288] =	vst v0  }
0x31b: {  	v0 =	vld [tilespmem:s0+$0xF298];
	_ =	sdelay $0x4  }
0x31c: {  	v0 =	vmax.f32 v0, v62  }
0x31d: {  	v63 =	vld [tilespmem:s4+$0xF2A8];
	[tilespmem:s4+$0xF298] =	vst v0  }
0x31e: {  	v0 =	vld [tilespmem:s0+$0xF2A8];
	_ =	sdelay $0x1  }
.Ltmp46:
0x31f: {  	_ = 	snop;
	(pc) =	sbr.rel .LBB3_48-.Ltmp46, $3  }
0x320: {  	_ =	sdelay $0x1  }
0x321: {  	v0 =	vmax.f32 v0, v63  }
0x322: {  	[tilespmem:s4+$0xF2A8] =	vst v0  }
.LBB3_49:
0x323: {  	p1 =	slt.s32 s2, $0x1  }
.Ltmp47:
0x324: {  	_ = 	snop;
	(pc) =	sbr.rel @p1 .LBB3_53-.Ltmp47, $3  }
0x325: {  	_ =	sdelay $0x1  }
0x326: {  	s0 =	simm.s32 $0x8  }
0x327: {  	s3 =	simm.s32 $0x0;
	[sflag:s0] =	ssyncpa.u1 $0x1  }
0x328: {  	s0 =	simm.s32 $0xF218  }
0x329: {  	v0 =	vld.msk [tilespmem:s0+$0x0], $0x1;
	_ =	sdelay $0x4  }
0x32a: {  	(v2sf) =	vpush v0, $0x0;
	_ =	sdelay $0xe  }
0x32b: {  	s0 =	sadd.s32 $0xFFFFFFFF, s2;
	s5 =	spop (v2sf)  }
0x32c: {  	p2 =	sne.s32 s0, $0x0;
	p1 =	sgt.u32 s5, $0x270F0  }
.Ltmp48:
0x32d: {  	s6 =	sand.u32 @!p1 $0x3FFF8, s5;
	(pc) =	sbr.rel @!p2 .LBB3_52-.Ltmp48, $4  }
0x32e: {  	s4 =	simm.s32 $0xF238;
	s5 =	sand.u32 @!p1 $0x7, s5;
	s2 =	sadd.s32 @!p1 s1, s6  }
0x32f: {  	[hbm4b:s2+s5] =	stream.linear.scatter @!p1 [tilespmem:s4], [sflag:$0x7], $0x80, $0x38;
	[tilespmem:$0x1F6F8] =	vst v63  }
0x330: {  	s5 =	simm.s32 $0x0  }
0x331: {  	s2 =	simm.s32 $0xF219;
	s5 =	simm.s32 @!p1 $0x200  }
.LBB3_51:
0x332: {  	v0 =	vld.msk [tilespmem:s2+$0x0], $0x1;
	s0 =	sadd.s32 $0xFFFFFFFF, s0;
	s3 =	sadd.s32 s3, s5  }
0x333: {  	p1 =	sne.s32 s0, $0x0;
	_ =	sdelay $0x3  }
0x334: {  	(v2sf) =	vpush v0, $0x0;
	_ =	sdelay $0xe  }
.Ltmp49:
0x335: {  	s6 =	spop (v2sf);
	(pc) =	sbr.rel @p1 .LBB3_51-.Ltmp49, $4  }
0x336: {  	s5 =	simm.s32 $0x0;
	p2 =	sgt.u32 s6, $0x270F0  }
0x337: {  	s4 =	sadd.s32 $0x80, s4;
	s5 =	simm.s32 @!p2 $0x200;
	s7 =	sand.u32 @!p2 $0x3FFF8, s6  }
0x338: {  	s2 =	sadd.s32 $0x1, s2;
	s6 =	sand.u32 @!p2 $0x7, s6;
	s7 =	sadd.s32 @!p2 s1, s7  }
0x339: {  	[hbm4b:s7+s6] =	stream.linear.scatter @!p2 [tilespmem:s4], [sflag:$0x7], $0x80, $0x38;
	[tilespmem:$0x1F6F8] =	vst v63  }
.LBB3_52:
0x33a: {  	s0 =	sadd.s32 s3, s5  }
0x33b: {  	s3 =	sshrl.u32 s0, $0x2  }
.LBB3_53:
0x33c: {  	s0 =	simm.s32 $0x7  }
0x33d: {  	_ =	swait.ge [sflag:s0], s3  }
0x33e: {  	s1 =	ssub.s32 $0x0, s3;
	[sflag:s0] =	ssyncset.done $0x0  }
0x33f: {  	[sflag:s0] =	ssyncadd.s32 s1  }
0x340: {  	[sflag:s0] =	ssyncpa.u1 $0x1  }
.LBB3_54:
0x341: {  	_ =	sfence;
	s0 =	simm.s32 $0x1  }
0x342: {  	[sflag:s0] =	ssyncpa.u1 $0x1  }
0x343: {  	_ =	strace $0x90000053  }
0x344: {  	[bflag:$0x2] =	sbarrier.arrive $0xFFFF  }
0x345: {  	s0 =	rddreg [dreg:$0x4]  }
0x346: {  	s0 =	sadd.s32 @!p0 $0x100000, s0  }
0x347: {  	[sflag:s0] =	ssyncadd.tile.s32 @!p0 $0x1;
	_ =	shalt  }
.Lfunc_end3:
_tile_overlayer_lowered:
.L_overlay_start_3:
0x348: {  	(tag) =	ssettag $0x3  }
0x349: {  	s0 =	rddreg [dreg:$0x0];
	s2 =	stileid.u32  }
0x34a: {  	s1 =	rddreg [dreg:$0x1];
	p0 =	sne.s32 s2, $0x0  }
0x34b: {  	s3 =	rddreg [dreg:$0x2];
	[bflag:$0x3] =	sbarrier.arrive $0xFFFF;
	s2 =	simm.s32 @!p0 $0x1C01  }
0x34c: {  	[timem:s3], [sflag:s2] =	dma.local @!p0 [hbm:s0], s1  }
0x34d: {  	s0 =	simm.s32 @!p0 $0x1  }
0x34e: {  	_ =	swait.ge @!p0 [sflag:s0], s1  }
0x34f: {  	s1 =	ssub.s32 @!p0 $0x0, s1;
	[sflag:s0] =	ssyncset.done @!p0 $0x0  }
0x350: {  	[sflag:s0] =	ssyncadd.s32 @!p0 s1  }
0x351: {  	[bflag:$0x3] =	sbarrier.arrive $0xFFFF  }
0x352: {  	_ =	shalt  }

// kernel: scatter_offload_async_start.2
scs
__scs_entry_jumppad:
0x0: {  	(pc) =	sbr.rel $0x88, $3  }
0x1: {  	(tag) =	ssettag $0x0;
	lr =	simm.s32 $0x1  }
0x2: {  	[smem:$0x3F8F] =	sst lr;
	_ =	strace $0xD0000000  }
0x3: {  	_ = 	snop  }
0x4: {  	_ = 	snop  }
0x5: {  	_ = 	snop  }
0x6: {  	_ = 	snop  }
0x7: {  	_ = 	snop  }
__scs_overlays_trampoline_lowered:
0x8: {  	[smem:$0x3F9E] =	sst s0  }
0x9: {  	[smem:$0x3F9F] =	sst s1  }
0xa: {  	[smem:$0x3FA0] =	sst s2  }
0xb: {  	[smem:$0x3FA1] =	sst s3  }
0xc: {  	[smem:$0x3FA2] =	sst s4  }
0xd: {  	[smem:$0x3FA3] =	sst s5  }
0xe: {  	[smem:$0x3FA4] =	sst s6  }
0xf: {  	[smem:$0x3FA5] =	sst s7  }
0x10: {  	[smem:$0x3FA6] =	sst s8  }
0x11: {  	[smem:$0x3FA7] =	sst s9;
	s0 =	simm.s32 @!p0 $0x0  }
0x12: {  	s1 =	sld [smem:$0x3F8D];
	s0 =	simm.s32 @p0 $0x1  }
0x13: {  	[smem:$0x3FA8] =	sst s0;
	s0 =	simm.s32 @!p1 $0x0  }
0x14: {  	s2 =	sld [smem:$0x3F8C];
	s0 =	simm.s32 @p1 $0x1  }
0x15: {  	[smem:$0x3FA9] =	sst s0;
	s0 =	simm.s32 @!p2 $0x0  }
0x16: {  	s3 =	sld [smem:$0x3FDB];
	s0 =	simm.s32 @p2 $0x1  }
0x17: {  	s4 =	simm.s32 $0x1BF5;
	[smem:$0x3FAB] =	sst s0  }
0x18: {  	s0 =	sld [smem:$0x3F8E];
	_ =	swait.ge [sflag:s4], $0x0  }
0x19: {  	s7 =	sld [smem:$0x3F8F]  }
0x1a: {  	s8 =	sadd.s32 $0xFFFFE003, lr  }
0x1b: {  	s9 =	sadd.s32 $0xFFFFFEF7, lr;
	s5 =	simm.s32 $0xFFFFFFFF;
	p2 =	slt.u32 s8, $0xFFFFF086  }
0x1c: {  	p1 =	slt.u32 s9, $0xF7A;
	s5 =	simm.s32 @!p2 $0x0  }
0x1d: {  	s5 =	simm.s32 @p1 $0x1;
	p0 =	seq.s32 s7, s2  }
0x1e: {  	s7 =	smul.u32 @!p0 $0xF7A, s2;
	p2 =	seq.s32 @!p0 s5, $0x0  }
0x1f: {  	s9 =	smul.u32 $0xF7A, s1;
	s8 =	simm.s32 @!p0 $0x1BF5;
	p2 =	por !p2, p0  }
0x20: {  	[sflag:s8] =	ssyncset.s32 @!p0 $0xFFFFF086;
	s6 =	sadd.s32 @!p0 s3, s7;
	s7 =	simm.s32 @!p0 $0x108  }
0x21: {  	s3 =	sadd.s32 s3, s9;
	s6 =	sadd.s32 @!p0 $0x88, s6;
	s7 =	simm.s32 @p2 $0x1082  }
0x22: {  	[simem:s7], [sflag:s8] =	dma.local @!p0 [hbm:s6], $0xF7A  }
0x23: {  	s9 =	sor.u32 $0xD0000000, s2;
	s6 =	simm.s32 $0x108;
	_ =	swait.ge @!p0 [sflag:s8], $0x0  }
0x24: {  	s3 =	sadd.s32 $0x88, s3;
	s6 =	simm.s32 @!p1 $0x1082;
	[sflag:s4] =	ssyncset.s32 $0xFFFFF086  }
0x25: {  	[simem:s6], [sflag:s4] =	dma.local [hbm:s3], $0xF7A  }
0x26: {  	[smem:$0x3F8F] =	sst s1;
	(tag) =	ssettag s2;
	_ =	strace s9  }
0x27: {  	s1 =	sld [smem:$0x3F9F]  }
0x28: {  	s2 =	sld [smem:$0x3FA0]  }
0x29: {  	s4 =	sld [smem:$0x3FA2]  }
0x2a: {  	p0 =	seq.s32 s5, $0x0;
	s5 =	sld [smem:$0x3FA3]  }
0x2b: {  	s6 =	sld [smem:$0x3FA4]  }
0x2c: {  	s7 =	sld [smem:$0x3FA5]  }
0x2d: {  	s3 =	simm.s32 $0x108;
	s8 =	sld [smem:$0x3FA6]  }
0x2e: {  	s3 =	simm.s32 @!p0 $0x1082;
	s9 =	sld [smem:$0x3FA7]  }
0x2f: {  	lr =	sadd.s32 s0, s3;
	s0 =	sld [smem:$0x3F9E]  }
0x30: {  	s3 =	sld [smem:$0x3FA1]  }
0x31: {  	[smem:$0x3FAA] =	sst s10  }
0x32: {  	s10 =	sld [smem:$0x3FA8];
	_ =	sdelay $0x3  }
0x33: {  	p0 =	seq.s32 s10, $0x1;
	s10 =	sld [smem:$0x3FAA];
	_ =	sdelay $0x3  }
0x34: {  	[smem:$0x3FAA] =	sst s10  }
0x35: {  	s10 =	sld [smem:$0x3FA9];
	_ =	sdelay $0x3  }
0x36: {  	p1 =	seq.s32 s10, $0x1;
	s10 =	sld [smem:$0x3FAA];
	_ =	sdelay $0x3  }
0x37: {  	[smem:$0x3FAA] =	sst s10  }
0x38: {  	s10 =	sld [smem:$0x3FAB]  }
0x39: {  	_ = 	snop;
	(pc) =	sbr.ind lr, $3  }
0x3a: {  	_ = 	snop  }
0x3b: {  	_ = 	snop  }
0x3c: {  	p2 =	seq.s32 s10, $0x1;
	s10 =	sld [smem:$0x3FAA]  }
0x3d: {  	_ =	shalt  }
0x3e: {  	_ =	shalt  }
0x3f: {  	_ =	shalt  }
0x40: {  	_ =	shalt  }
0x41: {  	_ =	shalt  }
0x42: {  	_ =	shalt  }
0x43: {  	_ =	shalt  }
0x44: {  	_ =	shalt  }
0x45: {  	_ =	shalt  }
0x46: {  	_ =	shalt  }
0x47: {  	_ =	shalt  }
0x48: {  	_ =	shalt  }
0x49: {  	_ =	shalt  }
0x4a: {  	_ =	shalt  }
0x4b: {  	_ =	shalt  }
0x4c: {  	_ =	shalt  }
0x4d: {  	_ =	shalt  }
0x4e: {  	_ =	shalt  }
0x4f: {  	_ =	shalt  }
0x50: {  	_ =	shalt  }
0x51: {  	_ =	shalt  }
0x52: {  	_ =	shalt  }
0x53: {  	_ =	shalt  }
0x54: {  	_ =	shalt  }
0x55: {  	_ =	shalt  }
0x56: {  	_ =	shalt  }
0x57: {  	_ =	shalt  }
0x58: {  	_ =	shalt  }
0x59: {  	_ =	shalt  }
0x5a: {  	_ =	shalt  }
0x5b: {  	_ =	shalt  }
0x5c: {  	_ =	shalt  }
0x5d: {  	_ =	shalt  }
0x5e: {  	_ =	shalt  }
0x5f: {  	_ =	shalt  }
0x60: {  	_ =	shalt  }
0x61: {  	_ =	shalt  }
0x62: {  	_ =	shalt  }
0x63: {  	_ =	shalt  }
0x64: {  	_ =	shalt  }
0x65: {  	_ =	shalt  }
0x66: {  	_ =	shalt  }
0x67: {  	_ =	shalt  }
0x68: {  	_ =	shalt  }
0x69: {  	_ =	shalt  }
0x6a: {  	_ =	shalt  }
0x6b: {  	_ =	shalt  }
0x6c: {  	_ =	shalt  }
0x6d: {  	_ =	shalt  }
0x6e: {  	_ =	shalt  }
0x6f: {  	_ =	shalt  }
0x70: {  	_ =	shalt  }
0x71: {  	_ =	shalt  }
0x72: {  	_ =	shalt  }
0x73: {  	_ =	shalt  }
0x74: {  	_ =	shalt  }
0x75: {  	_ =	shalt  }
0x76: {  	_ =	shalt  }
0x77: {  	_ =	shalt  }
0x78: {  	_ =	shalt  }
0x79: {  	_ =	shalt  }
0x7a: {  	_ =	shalt  }
0x7b: {  	_ =	shalt  }
0x7c: {  	_ =	shalt  }
0x7d: {  	_ =	shalt  }
0x7e: {  	_ =	shalt  }
0x7f: {  	_ =	shalt  }
0x80: {  	_ =	shalt  }
0x81: {  	_ =	shalt  }
0x82: {  	_ =	shalt  }
0x83: {  	_ =	shalt  }
0x84: {  	_ =	shalt  }
0x85: {  	_ =	shalt  }
0x86: {  	_ =	shalt  }
0x87: {  	_ =	shalt  }
.Lfunc_end0:
.L_simem_size_0:
called_computation.2_lowered:
.L_overlay_start_0:
0x88: {  	s2 =	sld [smem:$0x3FD9]  }
0x89: {  	s3 =	sld [smem:$0x3FFE];
	_ =	sdelay $0x1  }
0x8a: {  	s1 =	srdreg.scid  }
0x8b: {  	s0 =	sand.u32 $0x1, s1  }
0x8c: {  	s11 =	sshll.u32 s0, $0xA;
	s2 =	sadd.s32 s3, s2  }
0x8d: {  	s2 =	sadd.s32 s2, s11  }
0x8e: {  	[smem:$0x3FB6] =	sst s2  }
0x8f: {  	_ = 	snop  }
0x90: {  	s2 =	sld [smem:$0x3FD0];
	_ =	sdelay $0x2  }
0x91: {  	s12 =	simm.s32 $0x10  }
0x92: {  	[smem:s12], [sflag:s12] =	dma.local [hbm:s2], $0x1  }
0x93: {  	_ =	swait.eq [sflag:s12], $0x1  }
0x94: {  	[sflag:s12] =	ssyncset.done $0x0  }
0x95: {  	[sflag:s12] =	ssyncadd.s32 $0xFFFFFFFF  }
0x96: {  	s4 =	sld [smem:$0x11];
	(tm) =	ssettm $0x1  }
0x97: {  	s13 =	sld [smem:$0x3FFB];
	_ =	sdelay $0x3  }
0x98: {  	_ =	strace s13  }
0x99: {  	s2 =	sld [smem:$0x3FFC];
	_ =	sdelay $0x3  }
0x9a: {  	_ =	strace s2  }
0x9b: {  	s2 =	sld [smem:$0x3FFD];
	_ =	sdelay $0x3  }
0x9c: {  	_ =	strace s2  }
0x9d: {  	_ =	strace $0x8FFFFFFF  }
0x9e: {  	s14 =	sld [smem:$0x3FDB];
	_ =	sdelay $0x1  }
0x9f: {  	s15 =	simm.s32 $_scs_section_size  }
0xa0: {  	s5 =	simm.s32 $_size__tile_overlayer_lowered;
	s6 =	simm.s32 $_tile_overlayer_lowered  }
0xa1: {  	s19 =	simm.s32 $0x1BFF;
	s17 =	sshll.u32 s6, $0x1;
	s7 =	sadd.s32 s15, s14  }
0xa2: {  	s20 =	simm.s32 $0x0;
	s16 =	sshll.u32 s5, $0x1;
	s18 =	sadd.s32 s17, s7  }
0xa3: {  	[timem:s20], [sflag:s19] =	dma.local [hbm:s18], s16  }
0xa4: {  	_ =	swait.ge [sflag:s19], s16  }
0xa5: {  	s3 =	ssub.s32 $0x0, s16;
	[sflag:s19] =	ssyncset.done $0x0  }
0xa6: {  	[sflag:s19] =	ssyncadd.s32 s3;
	_ =	sdelay $0x1  }
0xa7: {  	s21 =	simm.s32 $0x1B8B  }
0xa8: {  	_ =	swait.ge [sflag:s21], $0x1  }
0xa9: {  	[sflag:s21] =	ssyncset.done $0x0  }
0xaa: {  	[sflag:s21] =	ssyncadd.s32 $0xFFFFFFFF  }
0xab: {  	s3 =	sld [smem:$0x0]  }
0xac: {  	s5 =	sand.u32 $0xFFFFFFFE, s1  }
0xad: {  	p0 =	sne.s32 s1, s5  }
0xae: {  	s5 =	sshll.u32 @p0 s5, $0xE  }
0xaf: {  	s6 =	sadd.s32 @p0 $0x11B8D, s5;
	s8 =	sshll.u32 @p0 s3, $0x11  }
0xb0: {  	s6 =	sor.u32 @p0 s8, s6  }
0xb1: {  	[sflag:s6] =	ssyncadd.remote.s32 @p0 $0x1;
	_ =	sdelay $0x1  }
0xb2: {  	s6 =	simm.s32 @p0 $0x1B8D  }
0xb3: {  	_ =	swait.eq @p0 [sflag:s6], $0x1  }
0xb4: {  	[sflag:s6] =	ssyncadd.s32 @p0 $0xFFFFFFFF  }
0xb5: {  	s8 =	sshll.u32 @!p0 s1, $0xE  }
0xb6: {  	s8 =	sor.u32 @!p0 $0x4000, s8;
	s6 =	simm.s32 @!p0 $0x1B8D  }
0xb7: {  	s10 =	sshll.u32 @!p0 s3, $0x11;
	s9 =	sadd.s32 @!p0 $0x11B8D, s8;
	_ =	swait.eq @!p0 [sflag:s6], $0x1  }
0xb8: {  	[sflag:s6] =	ssyncadd.s32 @!p0 $0xFFFFFFFF;
	s6 =	sor.u32 @!p0 s10, s9  }
0xb9: {  	s23 =	simm.s32 $0x1B8E;
	s22 =	sld [smem:$0x3FFE];
	[sflag:s6] =	ssyncadd.remote.s32 @!p0 $0x1  }
0xba: {  	s24 =	simm.s32 $execute0_lowered;
	[smem:$0x3FD2] =	sst s23  }
0xbb: {  	s9 =	sshll.u32 s24, $0x1;
	_ =	strace $0x80000049;
	[dreg:$0x1] =	wrdreg $0xFFFFFFFF  }
0xbc: {  	s25 =	simm.s32 $_size_execute0_lowered;
	s9 =	sadd.s32 s7, s9;
	[dreg:$0x0] =	wrdreg $0x0  }
0xbd: {  	s10 =	sshll.u32 s25, $0x1;
	[dreg:$0x2] =	wrdreg s9  }
0xbe: {  	[dreg:$0x3] =	wrdreg s10  }
0xbf: {  	[dreg:$0x4] =	wrdreg $0xC0  }
0xc0: {  	s26 =	simm.s32 $execute1_lowered;
	_ =	task [dreg:s20], $0x5FFFF  }
0xc1: {  	s9 =	sshll.u32 s26, $0x1;
	[dreg:$0x1] =	wrdreg $0xFFFFFFFF  }
0xc2: {  	s7 =	sadd.s32 s7, s9;
	[dreg:$0x0] =	wrdreg $0x60  }
0xc3: {  	[dreg:$0x2] =	wrdreg s7  }
0xc4: {  	[dreg:$0x3] =	wrdreg s4  }
0xc5: {  	[dreg:$0x4] =	wrdreg s22  }
0xc6: {  	[dreg:$0x5] =	wrdreg $0xC  }
0xc7: {  	_ =	task.clear_ibuf [dreg:s20], $0x6FFFF;
	_ =	strace $0x90000049  }
0xc8: {  	s28 =	simm.s32 $0xC;
	_ =	strace $0x8000004B  }
0xc9: {  	_ =	swait.ge [sflag:s28], $0x1  }
0xca: {  	[sflag:s28] =	ssyncadd.s32 $0xFFFFFFFF  }
0xcb: {  	_ =	strace $0x9000004B  }
0xcc: {  	s4 =	sld [smem:$0x0];
	_ =	sdelay $0x3  }
0xcd: {  	s5 =	sadd.s32 @p0 $0x11BF3, s5;
	s7 =	sshll.u32 @p0 s4, $0x11  }
0xce: {  	s5 =	sor.u32 @p0 s7, s5  }
0xcf: {  	[sflag:s5] =	ssyncadd.remote.s32 @p0 $0x1;
	_ =	sdelay $0x1  }
0xd0: {  	s5 =	simm.s32 @p0 $0x1BF3  }
0xd1: {  	_ =	swait.eq @p0 [sflag:s5], $0x1  }
0xd2: {  	[sflag:s5] =	ssyncadd.s32 @p0 $0xFFFFFFFF;
	_ =	sdelay $0x1  }
0xd3: {  	s5 =	simm.s32 @!p0 $0x1BF3  }
0xd4: {  	s4 =	sshll.u32 @!p0 s4, $0x11;
	s7 =	sadd.s32 @!p0 $0x11BF3, s8;
	_ =	swait.eq @!p0 [sflag:s5], $0x1  }
0xd5: {  	s4 =	sor.u32 @!p0 s4, s7;
	[sflag:s5] =	ssyncadd.s32 @!p0 $0xFFFFFFFF  }
0xd6: {  	[sflag:s4] =	ssyncadd.remote.s32 @!p0 $0x1  }
0xd7: {  	_ =	strace $0x8000004C;
	[dreg:$0x1] =	wrdreg $0xFFFFFFFF  }
0xd8: {  	[dreg:$0x0] =	wrdreg $0x2030  }
0xd9: {  	[dreg:$0x2] =	wrdreg s22  }
0xda: {  	[dreg:$0x3] =	wrdreg s1  }
0xdb: {  	[dreg:$0x4] =	wrdreg s3  }
0xdc: {  	[dreg:$0x5] =	wrdreg $0xD  }
0xdd: {  	_ =	task.clear_ibuf [dreg:s20], $0x6FFFF;
	_ =	strace $0x9000004C  }
0xde: {  	s29 =	simm.s32 $0xD;
	_ =	strace $0x8000004E  }
0xdf: {  	_ =	swait.ge [sflag:s29], $0x1  }
0xe0: {  	[sflag:s29] =	ssyncadd.s32 $0xFFFFFFFF  }
0xe1: {  	_ =	strace $0x9000004E  }
0xe2: {  	_ =	sfence  }
0xe3: {  	s30 =	sld [smem:$0x0];
	_ =	sdelay $0x2  }
0xe4: {  	s31 =	sshll.u32 s1, $0xD;
	s1 =	sshrl.u32 s1, $0x2  }
0xe5: {  	s4 =	sand.u32 $0x4000, s31;
	s1 =	sadd.s32 s1, s30  }
0xe6: {  	s0 =	sor.u32 s4, s0;
	s1 =	sshll.u32 s1, $0x11  }
0xe7: {  	s0 =	sor.u32 s1, s0  }
0xe8: {  	s0 =	sadd.s32 $0x8F2B, s0  }
0xe9: {  	[sflag:s0] =	ssyncadd.remote.s32 $0x1  }
0xea: {  	_ =	sfence.sel $0xFFFF  }
0xeb: {  	[dreg:$0x0] =	wrdreg $0xFFFFFFFF;
	(pc) =	sbr.abs _section_cstart, $3  }
0xec: {  	[dreg:$0x1] =	wrdreg $0xFFFFFFFF  }
0xed: {  	_ =	task.clear_ibuf [dreg:s20], $0x2FFFF;
	_ =	strace $0x9FFFFFFF  }
0xee: {  	(tm) =	ssettm $0x7FFFFFFF  }
0xef: {  	_ =	shalt  }
tec
execute0_lowered:
.L_overlay_start_1:
0x0: {  	(tag) =	ssettag $0x1  }
0x1: {  	s3 =	rddreg [dreg:$0x0]  }
0x2: {  	s2 =	rddreg [dreg:$0x1]  }
0x3: {  	s4 =	rddreg [dreg:$0x2]  }
0x4: {  	s0 =	rddreg [dreg:$0x3]  }
0x5: {  	s5 =	stileid.u32;
	[bflag:$0x3] =	sbarrier.arrive $0xFFFF;
	s1 =	simm.s32 $_size_execute1_lowered  }
0x6: {  	s29 =	srdreg.scid;
	s31 =	simm.s32 $0x2;
	p0 =	sne.s32 s5, $0x0  }
0x7: {  	s1 =	sshll.u32 s1, $0x1;
	s6 =	simm.s32 @!p0 $0x1C3F;
	s7 =	simm.s32 @!p0 $0x4060  }
0x8: {  	[timem:s7], [sflag:s6] =	dma.local @!p0 [hbm:s3], s1  }
0x9: {  	s8 =	simm.s32 $0x0;
	s12 =	simm.s32 $0x0;
	s3 =	sshll.u32 s29, $0x7  }
.Ltmp0:
0xa: {  	s5 =	sshll.u32 s5, $0x8;
	s3 =	sand.u32 $0x80, s3;
	(pc) =	sbr.rel .LBB2_1-.Ltmp0, $4  }
0xb: {  	s10 =	simm.s32 $0x0;
	s11 =	simm.s32 $0x0;
	s3 =	sor.u32 s5, s3  }
0xc: {  	_ =	strace $0x8000004A;
	s5 =	simm.s32 $0x1;
	s30 =	ssub.s32 $0x2700, s3  }
0xd: {  	s4 =	sadd.s32 $0xEEE800, s4;
	[sflag:s5] =	ssyncpa.u1 $0x0;
	s6 =	sshrl.u32 s30, $0xC  }
0xe: {  	s9 =	smov.u32 s3;
	[sflag:s31] =	ssyncpa.u1 $0x0;
	s7 =	sadd.s32 $0x2, s6  }
.LBB2_4:
0xf: {  	_ = 	snop  }
.LBB2_7:
0x10: {  	_ =	sdelay $0x3  }
0x11: {  	[tilespmem:v0+s16+$0x0 ss:$0x1] =	vst.idx.msk @p1 $0xffff, v2  }
0x12: {  	v56 =	vld.idx.msk [tilespmem:v1+s15+$0x0 ss:$0x1], $0xffff;
	s24 =	sor.u32 $0x70, s15;
	[tilespmem:v0+s17+$0x0 ss:$0x1] =	vst.idx.msk @p1 $0xffff, v4  }
0x13: {  	s25 =	sor.u32 $0x10, s15;
	[tilespmem:v0+s18+$0x0 ss:$0x1] =	vst.idx.msk @p1 $0xffff, v3;
	v57 =	vld.idx.msk [tilespmem:v1+s24+$0x0 ss:$0x1], $0xffff  }
0x14: {  	s26 =	sor.u32 $0x20, s15;
	[tilespmem:v0+s19+$0x0 ss:$0x1] =	vst.idx.msk @p1 $0xffff, v5;
	v58 =	vld.idx.msk [tilespmem:v1+s25+$0x0 ss:$0x1], $0xffff  }
0x15: {  	s28 =	sor.u32 $0x30, s15;
	[tilespmem:v0+s20+$0x0 ss:$0x1] =	vst.idx.msk @p1 $0xffff, v6;
	v59 =	vld.idx.msk [tilespmem:v1+s26+$0x0 ss:$0x1], $0xffff  }
0x16: {  	s29 =	sor.u32 $0x40, s15;
	[tilespmem:v0+s21+$0x0 ss:$0x1] =	vst.idx.msk @p1 $0xffff, v7;
	v60 =	vld.idx.msk [tilespmem:v1+s28+$0x0 ss:$0x1], $0xffff  }
0x17: {  	s30 =	sor.u32 $0x50, s15;
	v61 =	vld.idx.msk [tilespmem:v1+s29+$0x0 ss:$0x1], $0xffff;
	[tilespmem:v0+s15+$0x0 ss:$0x1] =	vst.idx.msk $0xffff, v56  }
0x18: {  	s31 =	sor.u32 $0x60, s15;
	v62 =	vld.idx.msk [tilespmem:v1+s30+$0x0 ss:$0x1], $0xffff;
	[tilespmem:v0+s24+$0x0 ss:$0x1] =	vst.idx.msk $0xffff, v57  }
0x19: {  	v63 =	vld.idx.msk [tilespmem:v1+s31+$0x0 ss:$0x1], $0xffff;
	[tilespmem:v0+s25+$0x0 ss:$0x1] =	vst.idx.msk $0xffff, v58  }
0x1a: {  	[tilespmem:v0+s26+$0x0 ss:$0x1] =	vst.idx.msk $0xffff, v59  }
0x1b: {  	[tilespmem:v0+s28+$0x0 ss:$0x1] =	vst.idx.msk $0xffff, v60  }
0x1c: {  	[tilespmem:v0+s29+$0x0 ss:$0x1] =	vst.idx.msk $0xffff, v61  }
0x1d: {  	[tilespmem:v0+s30+$0x0 ss:$0x1] =	vst.idx.msk $0xffff, v62  }
0x1e: {  	[tilespmem:v0+s31+$0x0 ss:$0x1] =	vst.idx.msk $0xffff, v63  }
.LBB2_8:
0x1f: {  	s15 =	sand.u32 $0x1FFFFFF, s10  }
0x20: {  	s16 =	smulhi.u32 $0x1A36E2F, s15;
	_ =	sdelay $0x1  }
0x21: {  	s16 =	sshrl.u32 s16, $0x6  }
0x22: {  	s16 =	smul.u32 $0x2710, s16;
	_ =	sdelay $0x1  }
0x23: {  	s15 =	ssub.s32 s15, s16  }
0x24: {  	s15 =	sshll.u32 s15, $0x4  }
0x25: {  	s15 =	sadd.s32 s4, s15  }
0x26: {  	[hbm4b:s15+s8] =	stream.linear.scatter [tilespmem:s14], [sflag:$0x2], s13, $0x38;
	[tilespmem:$0x10000] =	vst v63  }
.LBB2_9:
0x27: {  	p1 =	slt.u32 s11, $0x2  }
0x28: {  	p2 =	sgt.s32 @!p1 s12, $0x2690  }
0x29: {  	s13 =	smov.u32 s12;
	s14 =	sshra.s32 @!p1 s12, $0x1F;
	p2 =	por !p2, p1  }
0x2a: {  	s12 =	sand.u32 @!p1 s14, s12;
	s13 =	simm.s32 @p2 $0x2690  }
0x2b: {  	s12 =	ssub.s32 @!p1 s13, s12  }
0x2c: {  	s12 =	sadd.s32 @!p1 $0xFFFFD970, s12  }
0x2d: {  	s13 =	sshll.u32 @!p1 s12, $0x9  }
0x2e: {  	p2 =	sgt.s32 @!p1 s12, $0x7F;
	s12 =	ssub.s32 @!p1 $0x10000, s13  }
0x2f: {  	s14 =	sadd.s32 $0x1000, s9;
	p2 =	por !p2, p1;
	s12 =	sshrl.u32 @!p1 s12, $0x2  }
0x30: {  	s12 =	simm.s32 @!p2 $0x0;
	p2 =	sgt.s32 s14, $0x270F  }
0x31: {  	s14 =	smov.u32 @p2 s3;
	p2 =	sne.s32 s11, s7  }
.Ltmp1:
0x32: {  	_ = 	snop;
	(pc) =	sbr.rel @!p2 .LBB2_10-.Ltmp1, $4  }
0x33: {  	s13 =	simm.s32 @!p1 $0x2  }
0x34: {  	_ =	swait.ge @!p1 [sflag:s13], s12;
	s15 =	ssub.s32 @!p1 $0x0, s12  }
0x35: {  	s12 =	smov.u32 s10;
	s11 =	sadd.s32 $0x1, s11;
	[sflag:s13] =	ssyncset.done @!p1 $0x0  }
0x36: {  	s10 =	smov.u32 s9;
	s9 =	smov.u32 s14;
	[sflag:s13] =	ssyncadd.s32 @!p1 s15  }
.LBB2_1:
0x37: {  	p1 =	sgt.u32 s11, s6  }
0x38: {  	s13 =	sand.u32 @!p1 $0x1FFFFFF, s9  }
0x39: {  	p2 =	sgt.s32 @!p1 s9, $0x2690;
	s14 =	smulhi.u32 @!p1 $0x1A36E2F, s13  }
0x3a: {  	s15 =	smov.u32 s9;
	s16 =	sshra.s32 @!p1 s9, $0x1F;
	p2 =	por !p2, p1  }
0x3b: {  	s16 =	sand.u32 @!p1 s16, s9;
	s15 =	simm.s32 @p2 $0x2690;
	s14 =	sshrl.u32 @!p1 s14, $0x6  }
0x3c: {  	s15 =	ssub.s32 @!p1 s15, s16;
	s14 =	smul.u32 @!p1 $0x2710, s14  }
0x3d: {  	s16 =	sxor.u32 @!p1 $0xFFFFFFFF, s11;
	s15 =	sadd.s32 @!p1 $0xFFFFD970, s15  }
0x3e: {  	s16 =	sshll.u32 @!p1 s16, $0xE;
	s13 =	ssub.s32 @!p1 s13, s14;
	s14 =	sshll.u32 @!p1 s15, $0x9  }
0x3f: {  	s16 =	sand.u32 @!p1 $0x4000, s16;
	p2 =	sgt.s32 @!p1 s15, $0x7F;
	s14 =	ssub.s32 @!p1 $0x10000, s14  }
0x40: {  	p2 =	por !p2, p1;
	s13 =	sshll.u32 @!p1 s13, $0x4;
	s14 =	sshrl.u32 @!p1 s14, $0x2  }
0x41: {  	s15 =	simm.s32 @!p1 $0x0;
	s13 =	sadd.s32 @!p1 s2, s13;
	s14 =	simm.s32 @!p2 $0x0  }
0x42: {  	[tilespmem:s16], [sflag:$0x1] =	stream.linear.gather @!p1 [hbm4b:s13+s15], s14, $0x38;
	[tilespmem:$0x10000] =	vst v63  }
0x43: {  	p1 =	seq.s32 s11, $0x0  }
0x44: {  	p2 =	sge.u32 @!p1 s11, s7  }
0x45: {  	p1 =	por p1, p2  }
.Ltmp2:
0x46: {  	_ = 	snop;
	(pc) =	sbr.rel @p1 .LBB2_9-.Ltmp2, $1  }
0x47: {  	_ =	sdelay $0x3  }
0x48: {  	p1 =	sgt.s32 s10, $0x2690;
	s13 =	smov.u32 s10;
	s14 =	sshra.s32 s10, $0x1F  }
0x49: {  	s13 =	simm.s32 @!p1 $0x2690;
	s14 =	sand.u32 s14, s10  }
0x4a: {  	s13 =	ssub.s32 s13, s14  }
0x4b: {  	s13 =	sadd.s32 $0xFFFFD970, s13  }
0x4c: {  	s31 =	sshll.u32 s13, $0x9  }
0x4d: {  	s14 =	ssub.s32 $0x10000, s31  }
0x4e: {  	p1 =	sgt.s32 s13, $0x7F;
	s13 =	sshrl.u32 s14, $0x2;
	s14 =	sadd.s32 $0x80, s10  }
0x4f: {  	s13 =	simm.s32 @p1 $0x0;
	p1 =	slt.s32 s14, $0x2710  }
0x50: {  	s14 =	simm.s32 @!p1 $0x2710  }
0x51: {  	s16 =	ssub.s32 s14, s10  }
0x52: {  	p1 =	slt.s32 s16, $0x1  }
.Ltmp3:
0x53: {  	_ = 	snop;
	(pc) =	sbr.rel @p1 .LBB2_8-.Ltmp3, $4  }
0x54: {  	_ = 	snop  }
0x55: {  	s15 =	sshll.u32 s11, $0xE;
	_ =	swait.ge [sflag:s5], s13  }
0x56: {  	s15 =	sand.u32 $0x4000, s15;
	s17 =	ssub.s32 $0x0, s13;
	[sflag:s5] =	ssyncset.done $0x0  }
0x57: {  	s14 =	sor.u32 $0x8000, s15;
	[sflag:s5] =	ssyncadd.s32 s17  }
0x58: {  	p2 =	sne.s32 s16, $0x1  }
.Ltmp4:
0x59: {  	v1 =	vmov s15;
	v0 =	vmov s14;
	(pc) =	sbr.rel @!p2 .LBB2_4-.Ltmp4, $3  }
0x5a: {  	_ =	sdelay $0x1  }
0x5b: {  	s17 =	simm.s32 $0x0  }
0x5c: {  	s23 =	sadd.s32 $0xFFFFFFFF, s16;
	p1 =	por $0x0, $0x0;
	s15 =	sand.u32 $0x3F80, s17  }
0x5d: {  	_ =	sdelay $0x3  }
0x5e: {  	v6 =	vld.idx.msk [tilespmem:v1+s15+$0x0 ss:$0x1], $0xffff;
	s24 =	sor.u32 $0x70, s15  }
0x5f: {  	s16 =	sor.u32 $0x10, s15;
	v8 =	vld.idx.msk [tilespmem:v1+s24+$0x0 ss:$0x1], $0xffff  }
0x60: {  	s17 =	sor.u32 $0x20, s15;
	p2 =	sne.s32 s23, $0x1;
	v2 =	vld.idx.msk [tilespmem:v1+s16+$0x0 ss:$0x1], $0xffff  }
.Ltmp5:
0x61: {  	s18 =	sor.u32 $0x30, s15;
	v4 =	vld.idx.msk [tilespmem:v1+s17+$0x0 ss:$0x1], $0xffff;
	(pc) =	sbr.rel @!p2 .LBB2_7-.Ltmp5, $4  }
0x62: {  	s19 =	sor.u32 $0x40, s15;
	v3 =	vld.idx.msk [tilespmem:v1+s18+$0x0 ss:$0x1], $0xffff  }
0x63: {  	s21 =	sor.u32 $0x60, s15;
	v5 =	vld.idx.msk [tilespmem:v1+s19+$0x0 ss:$0x1], $0xffff  }
0x64: {  	s20 =	sor.u32 $0x50, s15;
	s22 =	simm.s32 $0x80;
	v7 =	vld.idx.msk [tilespmem:v1+s21+$0x0 ss:$0x1], $0xffff;
	[tilespmem:v0+s15+$0x0 ss:$0x1] =	vst.idx.msk $0xffff, v6  }
0x65: {  	s23 =	sadd.s32 $0xFFFFFFFF, s23;
	p1 =	por $0x1, $0x1;
	v6 =	vld.idx.msk [tilespmem:v1+s20+$0x0 ss:$0x1], $0xffff;
	s15 =	sand.u32 $0x3F80, s22;
	[tilespmem:v0+s24+$0x0 ss:$0x1] =	vst.idx.msk $0xffff, v8  }
.LBB2_6:
0x66: {  	p2 =	sne.s32 s23, $0x1;
	v8 =	vld.idx.msk [tilespmem:v1+s15+$0x0 ss:$0x1], $0xffff;
	s24 =	sor.u32 $0x70, s15;
	[tilespmem:v0+s16+$0x0 ss:$0x1] =	vst.idx.msk $0xffff, v2;
	s16 =	sor.u32 $0x10, s15  }
0x67: {  	s25 =	sor.u32 $0x30, s15;
	s26 =	sor.u32 $0x40, s15;
	v9 =	vld.idx.msk [tilespmem:v1+s24+$0x0 ss:$0x1], $0xffff;
	[tilespmem:v0+s17+$0x0 ss:$0x1] =	vst.idx.msk $0xffff, v4;
	s17 =	sor.u32 $0x20, s15  }
0x68: {  	s28 =	sor.u32 $0x50, s15;
	s29 =	sor.u32 $0x60, s15;
	v2 =	vld.idx.msk [tilespmem:v1+s16+$0x0 ss:$0x1], $0xffff;
	[tilespmem:v0+s18+$0x0 ss:$0x1] =	vst.idx.msk $0xffff, v3;
	s18 =	smov.u32 s25  }
.Ltmp6:
0x69: {  	v4 =	vld.idx.msk [tilespmem:v1+s17+$0x0 ss:$0x1], $0xffff;
	[tilespmem:v0+s19+$0x0 ss:$0x1] =	vst.idx.msk $0xffff, v5;
	s19 =	smov.u32 s26;
	(pc) =	sbr.rel @p2 .LBB2_6-.Ltmp6, $4  }
0x6a: {  	v3 =	vld.idx.msk [tilespmem:v1+s18+$0x0 ss:$0x1], $0xffff;
	[tilespmem:v0+s20+$0x0 ss:$0x1] =	vst.idx.msk $0xffff, v6;
	s20 =	smov.u32 s28  }
0x6b: {  	v5 =	vld.idx.msk [tilespmem:v1+s19+$0x0 ss:$0x1], $0xffff;
	[tilespmem:v0+s21+$0x0 ss:$0x1] =	vst.idx.msk $0xffff, v7;
	s21 =	smov.u32 s29  }
0x6c: {  	s22 =	sadd.s32 $0x80, s22;
	[tilespmem:v0+s15+$0x0 ss:$0x1] =	vst.idx.msk $0xffff, v8;
	v6 =	vld.idx.msk [tilespmem:v1+s20+$0x0 ss:$0x1], $0xffff  }
0x6d: {  	s23 =	sadd.s32 $0xFFFFFFFF, s23;
	s15 =	sand.u32 $0x3F80, s22;
	v7 =	vld.idx.msk [tilespmem:v1+s21+$0x0 ss:$0x1], $0xffff;
	[tilespmem:v0+s24+$0x0 ss:$0x1] =	vst.idx.msk $0xffff, v9  }
.Ltmp7:
0x6e: {  	_ = 	snop;
	(pc) =	sbr.rel .LBB2_7-.Ltmp7, $1  }
0x6f: {  	_ =	sdelay $0x3  }
.LBB2_10:
0x70: {  	_ =	sfence.sel $0x180000  }
0x71: {  	s2 =	simm.s32 $0x1;
	[bflag:$0x0] =	sbarrier.arrive $0xFFFF  }
0x72: {  	s31 =	simm.s32 $0x2;
	[sflag:s2] =	ssyncpa.u1 $0x1  }
0x73: {  	[sflag:s31] =	ssyncpa.u1 $0x1  }
0x74: {  	_ =	strace $0x9000004A  }
0x75: {  	s0 =	sadd.s32 @!p0 $0x100000, s0;
	[bflag:$0x2] =	sbarrier.arrive $0xFFFF  }
0x76: {  	[sflag:s0] =	ssyncadd.tile.s32 @!p0 $0x1;
	s0 =	simm.s32 @!p0 $0x3F  }
0x77: {  	_ =	swait.ge @!p0 [sflag:s0], s1  }
0x78: {  	s1 =	ssub.s32 @!p0 $0x0, s1;
	[sflag:s0] =	ssyncset.done @!p0 $0x0  }
0x79: {  	[sflag:s0] =	ssyncadd.s32 @!p0 s1  }
0x7a: {  	[bflag:$0x3] =	sbarrier.arrive $0xFFFF  }
0x7b: {  	_ =	shalt  }
.Lfunc_end2:
execute1_lowered:
.L_overlay_start_2:
0x7c: {  	(tag) =	ssettag $0x2  }
0x7d: {  	s2 =	rddreg [dreg:$0x0]  }
0x7e: {  	s3 =	rddreg [dreg:$0x1];
	_ =	strace $0x8000004D;
	s0 =	simm.s32 $0x1  }
0x7f: {  	v0 =	vimm.s32 $0x0;
	[sflag:s0] =	ssyncpa.u1 $0x0;
	s0 =	simm.s32 $0x108  }
0x80: {  	[tilespmem:s0+$0x70] =	vst v0  }
0x81: {  	[tilespmem:s0+$0x60] =	vst v0  }
0x82: {  	[tilespmem:s0+$0x50] =	vst v0  }
0x83: {  	[tilespmem:s0+$0x40] =	vst v0  }
0x84: {  	s1 =	sadd.s32 $0xEEE800, s2;
	[tilespmem:s0+$0x30] =	vst v0  }
0x85: {  	s15 =	sadd.s32 $0x2AE00, s2;
	s6 =	sadd.s32 $0xA0C800, s2;
	[tilespmem:s0+$0x20] =	vst v0  }
0x86: {  	s14 =	sadd.s32 $0x34C00, s2;
	s5 =	sand.u32 $0x1, s3;
	s3 =	simm.s32 $0x40;
	[tilespmem:s0+$0x10] =	vst v0  }
.LBB3_1:
0x87: {  	s3 =	sadd.s32 $0x40, s3;
	[tilespmem:s0+$0x0] =	vst v0;
	s0 =	sadd.s32 $0x80, s0  }
0x88: {  	p0 =	slt.u32 s3, $0x3C40;
	[tilespmem:s0+$0x70] =	vst v0  }
0x89: {  	[tilespmem:s0+$0x60] =	vst v0  }
.Ltmp8:
0x8a: {  	[tilespmem:s0+$0x50] =	vst v0;
	(pc) =	sbr.rel @p0 .LBB3_1-.Ltmp8, $4  }
0x8b: {  	[tilespmem:s0+$0x40] =	vst v0  }
0x8c: {  	[tilespmem:s0+$0x30] =	vst v0  }
0x8d: {  	[tilespmem:s0+$0x20] =	vst v0  }
0x8e: {  	[tilespmem:s0+$0x10] =	vst v0  }
0x8f: {  	s9 =	stileid.u32  }
0x90: {  	s2 =	smul.u32 $0x29, s9  }
0x91: {  	s3 =	smin.u32 s9, $0xB  }
0x92: {  	s2 =	sadd.s32 s3, s2  }
0x93: {  	p0 =	slt.u32 s9, $0xB;
	s7 =	smul.u32 $0xF0, s2;
	s2 =	simm.s32 $0x2760  }
0x94: {  	s2 =	simm.s32 @!p0 $0x2670  }
0x95: {  	s2 =	sadd.s32 s2, s7  }
0x96: {  	s8 =	smin.u32 s2, $0x27100  }
0x97: {  	s2 =	ssub.s32 s8, s7  }
0x98: {  	p0 =	sgt.s32 s2, $0x0  }
0x99: {  	s29 =	simm.s32 $0x2;
	s10 =	simm.s32 $0x9;
	s2 =	simm.s32 @!p0 $0x0  }
0x9a: {  	s4 =	simm.s32 $0xA;
	s11 =	simm.s32 $0xB;
	s28 =	smulhi.u32 $0x88888889, s2  }
0x9b: {  	[dreg:$0x4] =	wrdreg s5;
	s31 =	smul.u32 $0x4E20, s5;
	s12 =	simm.s32 $0x1  }
0x9c: {  	s22 =	simm.s32 $0x0;
	s18 =	simm.s32 $0xC;
	s30 =	sshrl.u32 s28, $0x7  }
0x9d: {  	s20 =	simm.s32 $0x0;
	s21 =	simm.s32 $0x0;
	s3 =	smul.u32 $0xF0, s30  }
.Ltmp9:
0x9e: {  	[tilespmem:s0+$0x0] =	vst v0;
	v0 =	vimm.s32 $0xFFFFFFFF;
	[sflag:s29] =	ssyncpa.u1 $0x0;
	s16 =	sshll.u32 s9, $0x8;
	(pc) =	sbr.rel .LBB3_3-.Ltmp9, $4  }
0x9f: {  	[tilespmem:$0xF208] =	vst v0;
	[sflag:s10] =	ssyncpa.u1 $0x0;
	p0 =	sne.s32 s2, s3;
	s2 =	simm.s32 $0x1  }
0xa0: {  	s14 =	sadd.s32 s31, s14;
	[sflag:s4] =	ssyncpa.u1 $0x0;
	s2 =	simm.s32 @!p0 $0x0  }
0xa1: {  	s15 =	sadd.s32 s31, s15;
	[sflag:s11] =	ssyncpa.u1 $0x0;
	s13 =	sadd.s32 s2, s30  }
0xa2: {  	v0 =	vlaneseq.u32;
	s19 =	smov.u32 s7;
	p0 =	por $0x0, $0x0;
	s17 =	sadd.s32 $0x1, s13  }
.LBB3_18:
0xa3: {  	s0 =	sshrl.u32 s31, $0x2  }
.LBB3_20:
0xa4: {  	_ =	swait.ge [sflag:s18], s0  }
0xa5: {  	s31 =	ssub.s32 $0x0, s0;
	v1 =	vmov s24;
	vm0 =	veq.s32 v0, $0x0;
	[sflag:s18] =	ssyncset.done $0x0  }
0xa6: {  	vm15 =	veq.s32 v0, $0x2;
	v1 =	vsel vm0, s30, v1;
	[sflag:s18] =	ssyncadd.s32 s31  }
0xa7: {  	v1 =	vsel vm15, s22, v1;
	[sflag:s18] =	ssyncpa.u1 $0x1  }
0xa8: {  	[tilespmem:$0xF208] =	vst v1  }
.LBB3_21:
0xa9: {  	s0 =	sadd.s32 $0xF0, s19  }
0xaa: {  	s2 =	smov.u32 s7;
	p1 =	slt.s32 s0, s8  }
0xab: {  	s2 =	smov.u32 @p1 s0;
	p1 =	sne.s32 s21, s17  }
.Ltmp10:
0xac: {  	_ = 	snop;
	(pc) =	sbr.rel @!p1 .LBB3_22-.Ltmp10, $3  }
0xad: {  	_ =	sdelay $0x1  }
0xae: {  	s22 =	smov.u32 s20;
	s31 =	sadd.s32 $0x1, s21;
	s20 =	smov.u32 s19  }
0xaf: {  	p0 =	por !p0, !p0;
	s21 =	smov.u32 s31;
	s19 =	smov.u32 s2  }
.LBB3_3:
0xb0: {  	p1 =	sge.u32 s21, s13  }
0xb1: {  	s0 =	smulhi.u32 @!p1 $0xAAAAAAAB, s21  }
0xb2: {  	s2 =	smov.u32 s19;
	p2 =	sgt.s32 @!p1 s19, $0x27010  }
0xb3: {  	s3 =	sshra.s32 @!p1 s19, $0x1F;
	p2 =	por !p2, p1;
	s0 =	sshrl.u32 @!p1 s0, $0x1  }
0xb4: {  	s3 =	sand.u32 @!p1 s3, s19;
	s2 =	simm.s32 @p2 $0x27010;
	s0 =	smul.u32 @!p1 $0x3, s0  }
0xb5: {  	s2 =	ssub.s32 @!p1 s2, s3  }
0xb6: {  	s2 =	sadd.s32 @!p1 $0xFFFD8FF0, s2;
	s0 =	ssub.s32 @!p1 s21, s0  }
0xb7: {  	s3 =	sshll.u32 @!p1 s2, $0x2;
	p2 =	sgt.s32 @!p1 s2, $0xEF;
	s0 =	smul.u32 @!p1 $0x3C0, s0  }
0xb8: {  	s4 =	sand.u32 @!p1 $0x7, s19;
	s2 =	ssub.s32 @!p1 $0x3C0, s3;
	p2 =	por !p2, p1  }
0xb9: {  	s3 =	sshrl.u32 @!p1 s19, $0x3;
	s2 =	sshrl.u32 @!p1 s2, $0x2;
	s0 =	sshrl.u32 @!p1 s0, $0x2  }
0xba: {  	s3 =	sadd.s32 @!p1 s3, s14;
	s2 =	simm.s32 @!p2 $0x0;
	s0 =	sadd.s32 @!p1 $0x10248, s0  }
0xbb: {  	[tilespmem:s0], [sflag:$0xA] =	stream.linear.gather @!p1 [hbm4b:s3+s4], s2, $0x38;
	[tilespmem:$0x1F6F8] =	vst v63  }
0xbc: {  	s0 =	sadd.s32 $0xFFFFFFFF, s21  }
0xbd: {  	p1 =	sge.u32 s0, s13  }
0xbe: {  	p2 =	sgt.s32 @!p1 s20, $0x27010  }
0xbf: {  	s2 =	smov.u32 s20;
	s3 =	sshra.s32 @!p1 s20, $0x1F;
	p2 =	por !p2, p1  }
0xc0: {  	s3 =	sand.u32 @!p1 s3, s20;
	s2 =	simm.s32 @p2 $0x27010  }
0xc1: {  	s2 =	ssub.s32 @!p1 s2, s3  }
0xc2: {  	s2 =	sadd.s32 @!p1 $0xFFFD8FF0, s2  }
0xc3: {  	s4 =	sand.u32 @!p1 $0x1, s0;
	s3 =	sshll.u32 @!p1 s2, $0x2  }
0xc4: {  	p2 =	sgt.s32 @!p1 s2, $0xEF;
	s2 =	ssub.s32 @!p1 $0x3C0, s3;
	s3 =	smulhi.u32 @!p1 $0xAAAAAAAB, s0  }
0xc5: {  	s23 =	smul.u32 @!p1 $0x3C0, s4;
	p2 =	por !p2, p1;
	s2 =	sshrl.u32 @!p1 s2, $0x2  }
0xc6: {  	s5 =	simm.s32 @!p1 $0xA;
	s2 =	simm.s32 @!p2 $0x0;
	s3 =	sshrl.u32 @!p1 s3, $0x1  }
0xc7: {  	s23 =	sshrl.u32 @!p1 s23, $0x2;
	_ =	swait.ge @!p1 [sflag:s5], s2;
	s3 =	smul.u32 @!p1 $0x3, s3  }
0xc8: {  	s23 =	sadd.s32 @!p1 $0x10518, s23;
	s24 =	ssub.s32 @!p1 $0x0, s2;
	[sflag:s5] =	ssyncset.done @!p1 $0x0  }
0xc9: {  	[sflag:s5] =	ssyncadd.s32 @!p1 s24;
	s5 =	sshrl.u32 @!p1 s20, $0x3;
	s0 =	ssub.s32 @!p1 s0, s3  }
0xca: {  	s24 =	sand.u32 @!p1 $0x7, s20;
	s5 =	sadd.s32 @!p1 s5, s15;
	s0 =	smul.u32 @!p1 $0x3C0, s0  }
0xcb: {  	[tilespmem:s23], [sflag:$0xB] =	stream.linear.gather @!p1 [hbm4b:s5+s24], s2, $0x38;
	[tilespmem:$0x1F6F8] =	vst v63  }
0xcc: {  	s3 =	ssub.s32 @!p1 $0x27100, s20;
	s2 =	smul.u32 @!p1 $0x1E000, s4  }
0xcd: {  	p2 =	slt.s32 @!p1 s3, $0xF0  }
0xce: {  	p2 =	por !p2, p1;
	s0 =	sshrl.u32 @!p1 s0, $0x2;
	s2 =	sshrl.u32 @!p1 s2, $0x2  }
0xcf: {  	s3 =	simm.s32 @p2 $0xF0;
	s0 =	sadd.s32 @!p1 $0x10248, s0;
	s2 =	sor.u32 @!p1 $0x106F8, s2  }
0xd0: {  	[tilespmem:s2], [sflag:$0x9] =	stream.indirect.gather @!p1 [hbm4b:s6+s3], $0x80, s0, s3, $0xb8;
	[tilespmem:$0x1F6F8] =	vst v63  }
0xd1: {  	p1 =	slt.u32 s21, $0x2  }
.Ltmp11:
0xd2: {  	_ = 	snop;
	(pc) =	sbr.rel @p1 .LBB3_21-.Ltmp11, $1  }
0xd3: {  	_ =	sdelay $0x3  }
0xd4: {  	p1 =	sgt.s32 s22, $0x27010  }
0xd5: {  	s0 =	smov.u32 s22;
	s2 =	sshra.s32 s22, $0x1F;
	s3 =	ssub.s32 $0x27100, s22  }
0xd6: {  	s0 =	simm.s32 @!p1 $0x27010;
	s2 =	sand.u32 s2, s22;
	p1 =	slt.s32 s3, $0xF0  }
0xd7: {  	s0 =	ssub.s32 s0, s2;
	s3 =	simm.s32 @!p1 $0xF0  }
0xd8: {  	s0 =	sadd.s32 $0xFFFD8FF0, s0;
	s25 =	sshll.u32 s3, $0x7  }
0xd9: {  	s26 =	sshll.u32 s0, $0x2;
	s2 =	sand.u32 $0x3FFFFF80, s25  }
0xda: {  	p1 =	sgt.s32 s0, $0xEF;
	s29 =	ssub.s32 $0x3C0, s26;
	_ =	swait.ge [sflag:s10], s2  }
0xdb: {  	s2 =	ssub.s32 $0x0, s2;
	[sflag:s10] =	ssyncset.done $0x0;
	s0 =	sshrl.u32 s29, $0x2  }
0xdc: {  	[sflag:s10] =	ssyncadd.s32 s2;
	s0 =	simm.s32 @p1 $0x0  }
0xdd: {  	_ =	swait.ge [sflag:s11], s0  }
0xde: {  	s0 =	ssub.s32 $0x0, s0;
	[sflag:s11] =	ssyncset.done $0x0  }
0xdf: {  	[sflag:s11] =	ssyncadd.s32 s0  }
0xe0: {  	v1 =	vld [tilespmem:$0xF208];
	_ =	sdelay $0x4  }
0xe1: {  	(v2sf) =	vpush v1, $0x0  }
0xe2: {  	(v2sf) =	vpush v1, $0x1  }
0xe3: {  	(v2sf) =	vpush v1, $0x2;
	_ =	sdelay $0x3  }
0xe4: {  	s0 =	sadd.s32 $0xF0, s22  }
0xe5: {  	s2 =	ssub.s32 $0x4E200, s22;
	p1 =	slt.s32 s8, s0  }
0xe6: {  	s0 =	smov.u32 @p1 s8;
	p1 =	sgt.s32 s2, $0x0  }
0xe7: {  	s26 =	ssub.s32 s0, s22;
	s2 =	simm.s32 @!p1 $0x0  }
0xe8: {  	p1 =	slt.s32 s2, s26  }
0xe9: {  	s26 =	smov.u32 @p1 s2  }
0xea: {  	s25 =	simm.s32 $0x1;
	p1 =	slt.s32 s26, $0x1  }
.Ltmp12:
0xeb: {  	s25 =	simm.s32 @!p0 $0x0;
	(pc) =	sbr.rel @p1 .LBB3_8-.Ltmp12, $4  }
0xec: {  	s31 =	smul.u32 $0x3C0, s25  }
0xed: {  	s28 =	spop (v2sf)  }
0xee: {  	s0 =	sshrl.u32 s31, $0x2;
	s30 =	spop (v2sf)  }
0xef: {  	s23 =	sadd.s32 $0x10518, s0;
	s22 =	spop (v2sf)  }
0xf0: {  	s0 =	smin.u32 s26, $0x10  }
0xf1: {  	v1 =	vmov s0  }
0xf2: {  	p2 =	sgt.s32 s26, $0x10;
	vm1 =	vgt.u32 v1, v0  }
.Ltmp13:
0xf3: {  	_ = 	snop;
	(pc) =	sbr.rel @!p2 .LBB3_7-.Ltmp13, $2  }
0xf4: {  	_ =	sdelay $0x2  }
0xf5: {  	s4 =	simm.s32 $0x10;
	s24 =	sadd.s32 $0xFFFFFFF0, s26;
	s0 =	smov.u32 s23;
	vm0 =	vmmov vm1  }
.LBB3_6:
0xf6: {  	s2 =	smin.u32 s24, $0x10;
	s4 =	sadd.s32 $0x10, s4;
	v1 =	vld.msk [tilespmem:s0+$0x0 ss:$0x1], vm1  }
0xf7: {  	v2 =	vmov s2;
	p2 =	slt.s32 s4, s26  }
0xf8: {  	vm1 =	vgt.u32 v2, v0  }
.Ltmp14:
0xf9: {  	(pc) =	sbr.rel @p2 .LBB3_6-.Ltmp14, $3  }
0xfa: {  	_ =	sdelay $0x1  }
0xfb: {  	v1 =	vshll.u32 v1, $0x4  }
0xfc: {  	s24 =	sadd.s32 $0xFFFFFFF0, s24;
	[tilespmem:s0+$0x0] =	vst.msk vm0, v1;
	s0 =	sadd.s32 $0x10, s0;
	vm0 =	vmmov vm1  }
.LBB3_7:
0xfd: {  	_ =	sdelay $0x4  }
0xfe: {  	v1 =	vld.msk [tilespmem:s0+$0x0 ss:$0x1], vm1;
	_ =	sdelay $0x4  }
0xff: {  	v1 =	vshll.u32 v1, $0x4  }
0x100: {  	[tilespmem:s0+$0x0] =	vst.msk vm0, v1  }
.LBB3_8:
0x101: {  	s0 =	sand.u32 $0x1, s21  }
0x102: {  	s2 =	smul.u32 $0x7800, s0  }
0x103: {  	p2 =	sne.s32 s30, $0xFFFFFFFF  }
0x104: {  	v1 =	vld @!p2 [tilespmem:s2+$0x106F8];
	_ =	sdelay $0x2  }
0x105: {  	s0 =	smul.u32 $0xF0, s0;
	_ =	sdelay $0x1  }
0x106: {  	v2 =	vld.msk @!p2 [tilespmem:s0+$0x10518], $0x1;
	[tilespmem:$0x108] =	vst @!p2 v1  }
0x107: {  	v1 =	vld @!p2 [tilespmem:s2+$0x10708];
	_ =	sdelay $0x4  }
0x108: {  	[tilespmem:$0x118] =	vst @!p2 v1  }
0x109: {  	v1 =	vld @!p2 [tilespmem:s2+$0x10718];
	_ =	sdelay $0x4  }
0x10a: {  	[tilespmem:$0x128] =	vst @!p2 v1  }
0x10b: {  	v1 =	vld @!p2 [tilespmem:s2+$0x10728];
	_ =	sdelay $0x4  }
0x10c: {  	[tilespmem:$0x138] =	vst @!p2 v1  }
0x10d: {  	v1 =	vld @!p2 [tilespmem:s2+$0x10738];
	_ =	sdelay $0x4  }
0x10e: {  	[tilespmem:$0x148] =	vst @!p2 v1  }
0x10f: {  	(v2sf) =	vpush @!p2 v2, $0x0;
	v1 =	vld @!p2 [tilespmem:s2+$0x10748];
	_ =	sdelay $0x4  }
0x110: {  	[tilespmem:$0x158] =	vst @!p2 v1  }
0x111: {  	v1 =	vld @!p2 [tilespmem:s2+$0x10758];
	_ =	sdelay $0x4  }
0x112: {  	[tilespmem:$0x168] =	vst @!p2 v1  }
0x113: {  	v1 =	vld @!p2 [tilespmem:s2+$0x10768]  }
.Ltmp15:
0x114: {  	_ = 	snop;
	(pc) =	sbr.rel @p1 .LBB3_19-.Ltmp15, $4  }
0x115: {  	_ = 	snop  }
0x116: {  	s29 =	spop @!p2 (v2sf)  }
0x117: {  	s22 =	simm.s32 @!p2 $0x0;
	s24 =	smov.u32 s29  }
0x118: {  	s29 =	smov.u32 @p2 s28;
	s24 =	smov.u32 @p2 s30;
	[tilespmem:$0x178] =	vst @!p2 v1;
	[sflag:s18] =	ssyncpa.u1 $0x0  }
0x119: {  	v1 =	vld.msk [tilespmem:s23+$0x0], $0x1;
	_ =	sdelay $0x4  }
0x11a: {  	(v2sf) =	vpush v1, $0x0;
	_ =	sdelay $0xe  }
0x11b: {  	s2 =	smul.u32 $0x1E000, s25;
	s0 =	spop (v2sf)  }
0x11c: {  	s26 =	ssub.s32 $0x0, s26;
	p1 =	seq.s32 s29, s0  }
0x11d: {  	s30 =	sadd.s32 $0x1, s26;
	s2 =	sshrl.u32 s2, $0x2;
	p2 =	sgt.s32 @!p1 s29, $0x0  }
0x11e: {  	s25 =	sor.u32 $0x10738, s2;
	s2 =	smov.u32 s29;
	p2 =	por !p2, p1  }
0x11f: {  	s2 =	simm.s32 @p2 $0x0;
	p2 =	seq.s32 s30, $0x0  }
.Ltmp16:
0x120: {  	_ = 	snop;
	(pc) =	sbr.rel @p2 .LBB3_11-.Ltmp16, $4  }
0x121: {  	_ = 	snop  }
0x122: {  	s28 =	simm.s32 $0x0;
	s31 =	sadd.s32 $0x1, s23;
	s2 =	smin.u32 @!p1 s2, $0x270F0  }
0x123: {  	s4 =	simm.s32 @!p1 $0x1;
	s5 =	simm.s32 @!p1 $0x7988;
	s3 =	sand.u32 @!p1 $0x3FFF8, s2  }
0x124: {  	s4 =	smov.u32 @p1 s28;
	s2 =	sand.u32 @!p1 $0x7, s2;
	s3 =	sadd.s32 @!p1 s1, s3  }
.LBB3_10:
0x125: {  	s9 =	smov.u32 s4  }
0x126: {  	[tilespmem:s5], [sflag:$0x2] =	stream.linear.gather @!p1 [hbm4b:s3+s2], $0x80, $0x38;
	[tilespmem:$0x1F6F8] =	vst v63  }
0x127: {  	s30 =	sadd.s32 $0x1, s30;
	s2 =	smov.u32 s0;
	v1 =	vld.msk [tilespmem:s31+$0x0], $0x1  }
0x128: {  	p2 =	seq.s32 s30, $0x0;
	_ =	sdelay $0x3  }
0x129: {  	(v2sf) =	vpush v1, $0x0;
	_ =	sdelay $0xe  }
0x12a: {  	s0 =	spop (v2sf)  }
0x12b: {  	p1 =	seq.s32 s2, s0  }
0x12c: {  	p3 =	sgt.s32 @!p1 s2, $0x0;
	s3 =	sshll.u32 @!p1 s4, $0x9;
	s4 =	sadd.s32 @!p1 $0x1, s4  }
.Ltmp17:
0x12d: {  	p3 =	por !p3, p1;
	s3 =	sshra.s32 @!p1 s3, $0x2;
	(pc) =	sbr.rel @!p2 .LBB3_10-.Ltmp17, $4  }
0x12e: {  	s4 =	smov.u32 @p1 s9;
	s2 =	simm.s32 @p3 $0x0;
	s5 =	sadd.s32 @!p1 $0x7988, s3  }
0x12f: {  	s2 =	smin.u32 @!p1 s2, $0x270F0  }
0x130: {  	s3 =	sand.u32 @!p1 $0x3FFF8, s2;
	s2 =	sand.u32 @!p1 $0x7, s2  }
0x131: {  	s31 =	sadd.s32 $0x1, s31;
	s3 =	sadd.s32 @!p1 s1, s3  }
.LBB3_11:
0x132: {  	[tilespmem:s5], [sflag:$0x2] =	stream.linear.gather @!p1 [hbm4b:s3+s2], $0x80, $0x38;
	[tilespmem:$0x1F6F8] =	vst v63  }
.Ltmp18:
0x133: {  	s0 =	sshll.u32 s4, $0x7;
	(pc) =	sbr.rel .LBB3_12-.Ltmp18, $4  }
0x134: {  	s30 =	simm.s32 $0x2;
	s0 =	sand.u32 $0x3FFFFF80, s0  }
0x135: {  	_ =	swait.ge [sflag:s30], s0  }
0x136: {  	s0 =	ssub.s32 $0x0, s0;
	[sflag:s30] =	ssyncset.done $0x0  }
0x137: {  	s31 =	simm.s32 $0x0;
	[sflag:s30] =	ssyncadd.s32 s0  }
.LBB3_13:
0x138: {  	s0 =	sshra.s32 s0, $0x2;
	v1 =	vld [tilespmem:s25+$0xFFFFFFC0]  }
0x139: {  	v2 =	vld [tilespmem:s0+$0x108];
	_ =	sdelay $0x4  }
0x13a: {  	v1 =	vmax.f32 v1, v2  }
0x13b: {  	v2 =	vld [tilespmem:s0+$0x118];
	[tilespmem:s0+$0x108] =	vst v1  }
0x13c: {  	v1 =	vld [tilespmem:s25+$0xFFFFFFD0];
	_ =	sdelay $0x4  }
0x13d: {  	v1 =	vmax.f32 v1, v2  }
0x13e: {  	v2 =	vld [tilespmem:s0+$0x128];
	[tilespmem:s0+$0x118] =	vst v1  }
0x13f: {  	v1 =	vld [tilespmem:s25+$0xFFFFFFE0];
	_ =	sdelay $0x4  }
0x140: {  	v1 =	vmax.f32 v1, v2  }
0x141: {  	v2 =	vld [tilespmem:s0+$0x138];
	[tilespmem:s0+$0x128] =	vst v1  }
0x142: {  	v1 =	vld [tilespmem:s25+$0xFFFFFFF0];
	_ =	sdelay $0x4  }
0x143: {  	v1 =	vmax.f32 v1, v2  }
0x144: {  	v2 =	vld [tilespmem:s0+$0x148];
	[tilespmem:s0+$0x138] =	vst v1  }
0x145: {  	v1 =	vld [tilespmem:s25+$0x0];
	_ =	sdelay $0x4  }
0x146: {  	v1 =	vmax.f32 v1, v2  }
0x147: {  	v2 =	vld [tilespmem:s0+$0x158];
	[tilespmem:s0+$0x148] =	vst v1  }
0x148: {  	v1 =	vld [tilespmem:s25+$0x10];
	_ =	sdelay $0x4  }
0x149: {  	v1 =	vmax.f32 v1, v2  }
0x14a: {  	v2 =	vld [tilespmem:s0+$0x168];
	[tilespmem:s0+$0x158] =	vst v1  }
0x14b: {  	v1 =	vld [tilespmem:s25+$0x20];
	_ =	sdelay $0x4  }
0x14c: {  	v1 =	vmax.f32 v1, v2  }
0x14d: {  	v2 =	vld [tilespmem:s0+$0x178];
	[tilespmem:s0+$0x168] =	vst v1  }
0x14e: {  	v1 =	vld [tilespmem:s25+$0x30];
	_ =	sdelay $0x4  }
0x14f: {  	v1 =	vmax.f32 v1, v2  }
0x150: {  	[tilespmem:s0+$0x178] =	vst v1  }
.LBB3_17:
0x151: {  	s26 =	sadd.s32 $0x1, s26  }
0x152: {  	p1 =	seq.s32 s26, $0x0  }
.Ltmp19:
0x153: {  	_ = 	snop;
	(pc) =	sbr.rel @p1 .LBB3_18-.Ltmp19, $2  }
0x154: {  	_ =	sdelay $0x2  }
0x155: {  	s23 =	sadd.s32 $0x1, s23;
	s25 =	sadd.s32 $0x80, s25;
	s29 =	smov.u32 s30  }
.LBB3_12:
0x156: {  	v1 =	vld.msk [tilespmem:s23+$0x0], $0x1;
	_ =	sdelay $0x4  }
0x157: {  	(v2sf) =	vpush v1, $0x0;
	_ =	sdelay $0xe  }
0x158: {  	s30 =	spop (v2sf)  }
0x159: {  	p1 =	sne.s32 s29, s30  }
.Ltmp20:
0x15a: {  	_ = 	snop;
	(pc) =	sbr.rel @!p1 .LBB3_13-.Ltmp20, $2  }
0x15b: {  	_ =	sdelay $0x2  }
0x15c: {  	s0 =	sshll.u32 s22, $0x9  }
0x15d: {  	p1 =	seq.s32 s29, s24  }
.Ltmp21:
0x15e: {  	_ = 	snop;
	(pc) =	sbr.rel @!p1 .LBB3_15-.Ltmp21, $1  }
0x15f: {  	_ =	sdelay $0x3  }
0x160: {  	s0 =	sshra.s32 s0, $0x2  }
.Ltmp22:
0x161: {  	s0 =	sadd.s32 $0x108, s0;
	(pc) =	sbr.rel .LBB3_16-.Ltmp22, $4  }
0x162: {  	[spmem:s16] =	stream.linear.scatter [tilespmem:s0], [sflag:$0x1], $0x80, $0x38;
	[tilespmem:$0x1F6F8] =	vst v63  }
0x163: {  	_ =	swait.ge [sflag:s12], $0x80  }
0x164: {  	[sflag:s12] =	ssyncset.done $0x0  }
0x165: {  	[sflag:s12] =	ssyncadd.s32 $0xFFFFFF80  }
.LBB3_15:
0x166: {  	s2 =	sshll.u32 s28, $0x9;
	s0 =	sshra.s32 s0, $0x2  }
0x167: {  	s2 =	sshra.s32 s2, $0x2;
	v2 =	vld [tilespmem:s0+$0x108]  }
0x168: {  	v1 =	vld [tilespmem:s2+$0x7988];
	_ =	sdelay $0x4  }
0x169: {  	v1 =	vmax.f32 v1, v2  }
0x16a: {  	v2 =	vld [tilespmem:s0+$0x118];
	[tilespmem:s0+$0x108] =	vst v1  }
0x16b: {  	v1 =	vld [tilespmem:s2+$0x7998];
	_ =	sdelay $0x4  }
0x16c: {  	v1 =	vmax.f32 v1, v2  }
0x16d: {  	v2 =	vld [tilespmem:s0+$0x128];
	[tilespmem:s0+$0x118] =	vst v1  }
0x16e: {  	v1 =	vld [tilespmem:s2+$0x79A8];
	_ =	sdelay $0x4  }
0x16f: {  	v1 =	vmax.f32 v1, v2  }
0x170: {  	v2 =	vld [tilespmem:s0+$0x138];
	[tilespmem:s0+$0x128] =	vst v1  }
0x171: {  	v1 =	vld [tilespmem:s2+$0x79B8];
	_ =	sdelay $0x4  }
0x172: {  	v1 =	vmax.f32 v1, v2  }
0x173: {  	v2 =	vld [tilespmem:s0+$0x148];
	[tilespmem:s0+$0x138] =	vst v1  }
0x174: {  	v1 =	vld [tilespmem:s2+$0x79C8];
	_ =	sdelay $0x4  }
0x175: {  	v1 =	vmax.f32 v1, v2  }
0x176: {  	v2 =	vld [tilespmem:s0+$0x158];
	[tilespmem:s0+$0x148] =	vst v1  }
0x177: {  	v1 =	vld [tilespmem:s2+$0x79D8];
	_ =	sdelay $0x4  }
0x178: {  	v1 =	vmax.f32 v1, v2  }
0x179: {  	v2 =	vld [tilespmem:s0+$0x168];
	[tilespmem:s0+$0x158] =	vst v1  }
0x17a: {  	v1 =	vld [tilespmem:s2+$0x79E8];
	_ =	sdelay $0x4  }
0x17b: {  	v1 =	vmax.f32 v1, v2  }
0x17c: {  	v2 =	vld [tilespmem:s0+$0x178];
	[tilespmem:s0+$0x168] =	vst v1  }
0x17d: {  	v1 =	vld [tilespmem:s2+$0x79F8];
	_ =	sdelay $0x3  }
0x17e: {  	p1 =	sgt.u32 s29, $0x270F0  }
0x17f: {  	s2 =	sand.u32 @!p1 $0x3FFF8, s29;
	v1 =	vmax.f32 v1, v2  }
0x180: {  	s3 =	sadd.s32 $0x108, s0;
	[tilespmem:s0+$0x178] =	vst v1;
	s0 =	sadd.s32 @!p1 s1, s2;
	s2 =	sand.u32 @!p1 $0x7, s29  }
0x181: {  	[hbm4b:s0+s2] =	stream.linear.scatter @!p1 [tilespmem:s3], [sflag:$0xC], $0x80, $0x38;
	[tilespmem:$0x1F6F8] =	vst v63  }
0x182: {  	s0 =	simm.s32 $0x0  }
0x183: {  	s0 =	simm.s32 @!p1 $0x200  }
0x184: {  	s31 =	sadd.s32 s0, s31  }
.LBB3_16:
0x185: {  	s0 =	sadd.s32 $0x1, s22  }
0x186: {  	s2 =	smulhi.u32 $0x88888889, s0;
	_ =	sdelay $0x1  }
0x187: {  	v1 =	vld [tilespmem:s25+$0xFFFFFFC0];
	s2 =	sshrl.u32 s2, $0x7  }
0x188: {  	s2 =	smul.u32 $0xF0, s2;
	_ =	sdelay $0x1  }
0x189: {  	s22 =	ssub.s32 s0, s2  }
0x18a: {  	s0 =	sshll.u32 s22, $0x7  }
0x18b: {  	[tilespmem:s0+$0x108] =	vst v1  }
0x18c: {  	v1 =	vld [tilespmem:s25+$0xFFFFFFD0];
	_ =	sdelay $0x4  }
0x18d: {  	[tilespmem:s0+$0x118] =	vst v1  }
0x18e: {  	v1 =	vld [tilespmem:s25+$0xFFFFFFE0];
	_ =	sdelay $0x4  }
0x18f: {  	[tilespmem:s0+$0x128] =	vst v1  }
0x190: {  	v1 =	vld [tilespmem:s25+$0xFFFFFFF0];
	_ =	sdelay $0x4  }
0x191: {  	[tilespmem:s0+$0x138] =	vst v1  }
0x192: {  	v1 =	vld [tilespmem:s25+$0x0];
	_ =	sdelay $0x4  }
0x193: {  	[tilespmem:s0+$0x148] =	vst v1  }
0x194: {  	v1 =	vld [tilespmem:s25+$0x10];
	_ =	sdelay $0x4  }
0x195: {  	[tilespmem:s0+$0x158] =	vst v1  }
0x196: {  	v1 =	vld [tilespmem:s25+$0x20];
	_ =	sdelay $0x4  }
0x197: {  	[tilespmem:s0+$0x168] =	vst v1  }
0x198: {  	v1 =	vld [tilespmem:s25+$0x30]  }
.Ltmp23:
0x199: {  	_ = 	snop;
	(pc) =	sbr.rel .LBB3_17-.Ltmp23, $2  }
0x19a: {  	_ =	sdelay $0x2  }
0x19b: {  	s28 =	sadd.s32 $0x1, s28;
	[tilespmem:s0+$0x178] =	vst v1  }
.LBB3_19:
.Ltmp24:
0x19c: {  	(pc) =	sbr.rel .LBB3_20-.Ltmp24, $4  }
0x19d: {  	_ = 	snop  }
0x19e: {  	s0 =	simm.s32 $0x2  }
0x19f: {  	_ =	swait.ge [sflag:s0], $0x0  }
0x1a0: {  	s30 =	smov.u32 s29;
	[sflag:s0] =	ssyncset.done $0x0;
	s0 =	simm.s32 $0x0  }
.LBB3_22:
0x1a1: {  	_ =	sfence.sel $0x180000  }
0x1a2: {  	s0 =	simm.s32 $0x9;
	[bflag:$0x0] =	sbarrier.arrive $0xFFFF  }
0x1a3: {  	s24 =	simm.s32 $0xA;
	[sflag:s0] =	ssyncpa.u1 $0x1  }
0x1a4: {  	s25 =	simm.s32 $0xB;
	[sflag:s24] =	ssyncpa.u1 $0x1  }
0x1a5: {  	s26 =	simm.s32 $0x2;
	[sflag:s25] =	ssyncpa.u1 $0x1  }
0x1a6: {  	[sflag:s26] =	ssyncpa.u1 $0x1  }
0x1a7: {  	v0 =	vld [tilespmem:$0xF208];
	_ =	sdelay $0x4  }
0x1a8: {  	(v2sf) =	vpush v0, $0x0  }
0x1a9: {  	(v2sf) =	vpush v0, $0x1;
	_ =	sdelay $0x1  }
0x1aa: {  	(v2sf) =	vpush v0, $0x2;
	_ =	sdelay $0xb  }
0x1ab: {  	s0 =	spop (v2sf)  }
0x1ac: {  	s2 =	spop (v2sf)  }
0x1ad: {  	s3 =	smov.u32 s0;
	p0 =	sne.s32 s0, s2  }
0x1ae: {  	s4 =	spop (v2sf);
	s3 =	simm.s32 @!p0 $0xFFFFFFFF  }
0x1af: {  	v2 =	vimm.s32 $0x1;
	v3 =	vlaneseq.u32;
	p0 =	seq.s32 s4, $0xFFFFFFFF;
	v1 =	vmov s3  }
0x1b0: {  	s16 =	stileid.u32;
	v0 =	vperm.xlane v0, v2;
	p1 =	sne.s32 @!p0 s0, s2;
	v1 =	vperm.xlane v1, v3  }
0x1b1: {  	vm0 =	vcmask $0x3F04;
	s6 =	simm.s32 $0xF208;
	s0 =	simm.s32 @!p0 $0x1;
	p1 =	por !p1, p0  }
0x1b2: {  	s3 =	sshll.u32 s16, $0x1;
	s2 =	sshll.u32 @!p0 s4, $0x9;
	s0 =	simm.s32 @p1 $0x0;
	v0 =	vsel vm0, v1, v0  }
0x1b3: {  	s5 =	sor.u32 $0x1000, s3;
	s2 =	sshra.s32 @!p0 s2, $0x2;
	s0 =	sor.u32 @!p0 s0, s3;
	[tilespmem:$0xF208] =	vst v0  }
0x1b4: {  	[spmem:s5] =	stream.linear.scatter [tilespmem:s6], [sflag:$0x1], $0x2, $0x38;
	[tilespmem:$0x1F6F8] =	vst v63  }
0x1b5: {  	s2 =	sadd.s32 @!p0 $0x108, s2;
	s0 =	sshll.u32 @!p0 s0, $0x7  }
0x1b6: {  	[spmem:s0] =	stream.linear.scatter @!p0 [tilespmem:s2], [sflag:$0x1], $0x80, $0x38;
	[tilespmem:$0x1F6F8] =	vst v63  }
0x1b7: {  	s0 =	simm.s32 @!p0 $0x82  }
0x1b8: {  	s28 =	simm.s32 $0x1;
	s0 =	simm.s32 @p0 $0x2  }
0x1b9: {  	_ =	swait.ge [sflag:s28], s0  }
0x1ba: {  	s0 =	ssub.s32 $0x0, s0;
	[sflag:s28] =	ssyncset.done $0x0  }
0x1bb: {  	p0 =	sne.s32 s16, $0x0;
	[sflag:s28] =	ssyncadd.s32 s0  }
.Ltmp25:
0x1bc: {  	_ =	sfence.stream.spmem;
	(pc) =	sbr.rel @p0 .LBB3_39-.Ltmp25, $4  }
0x1bd: {  	s29 =	simm.s32 $0x3;
	[bflag:$0x0] =	sbarrier.arrive $0xFFFF  }
0x1be: {  	s30 =	simm.s32 $0x4;
	[sflag:s29] =	ssyncpa.u1 $0x1  }
0x1bf: {  	s31 =	simm.s32 $0x3C;
	[sflag:s30] =	ssyncpa.u1 $0x1  }
0x1c0: {  	s15 =	rddreg [dreg:$0x4];
	[sflag:s31] =	ssyncpa.u1 $0x1  }
0x1c1: {  	_ =	sfence.stream.spmem;
	s0 =	simm.s32 $0x5  }
0x1c2: {  	s2 =	simm.s32 $0x1000;
	s3 =	simm.s32 $0xF218;
	[sflag:s0] =	ssyncpa.u1 $0x0  }
0x1c3: {  	[tilespmem:s3], [sflag:$0x5] =	stream.linear.gather [spmem:s2], $0x20, $0x38;
	[tilespmem:$0x1F6F8] =	vst v63  }
0x1c4: {  	s26 =	simm.s32 $0x0;
	s28 =	simm.s32 $0xF238  }
0x1c5: {  	[tilespmem:s28], [sflag:$0x5] =	stream.linear.gather [spmem:s26], $0x1000, $0x38;
	[tilespmem:$0x1F6F8] =	vst v63  }
0x1c6: {  	_ =	swait.ge [sflag:s0], $0x1020  }
0x1c7: {  	[sflag:s0] =	ssyncset.done $0x0  }
0x1c8: {  	s29 =	simm.s32 $0x0;
	[sflag:s0] =	ssyncadd.s32 $0xFFFFEFE0  }
0x1c9: {  	v0 =	vld.msk [tilespmem:s29+$0xF218], $0x1;
	_ =	sdelay $0x1  }
0x1ca: {  	s30 =	simm.s32 $0x1  }
0x1cb: {  	v1 =	vld.msk [tilespmem:s30+$0xF218], $0x1;
	_ =	sdelay $0x1  }
0x1cc: {  	(v2sf) =	vpush v0, $0x0;
	_ =	sdelay $0x2  }
0x1cd: {  	(v2sf) =	vpush v1, $0x0;
	_ =	sdelay $0x2  }
0x1ce: {  	s31 =	simm.s32 $0x2  }
0x1cf: {  	v0 =	vld.msk [tilespmem:s31+$0xF218], $0x1;
	_ =	sdelay $0x2  }
0x1d0: {  	s4 =	simm.s32 $0xFFFFFFFF;
	s5 =	simm.s32 $0xFFFFFFFF;
	s0 =	simm.s32 $0xC  }
.LBB3_24:
0x1d1: {  	s2 =	smov.u32 s5;
	s3 =	smov.u32 s4  }
0x1d2: {  	s4 =	sshra.s32 s0, $0x2;
	p1 =	sne.s32 s0, $0x7C;
	s0 =	sadd.s32 $0x4, s0;
	(v2sf) =	vpush v0, $0x0  }
0x1d3: {  	v0 =	vld.msk [tilespmem:s4+$0xF218], $0x1  }
.Ltmp26:
0x1d4: {  	(pc) =	sbr.rel @p1 .LBB3_24-.Ltmp26, $4  }
0x1d5: {  	s5 =	spop (v2sf)  }
0x1d6: {  	p2 =	sne.s32 s3, $0xFFFFFFFF;
	s4 =	smov.u32 s5  }
0x1d7: {  	p3 =	seq.s32 s5, $0xFFFFFFFF;
	s4 =	smov.u32 @p2 s3  }
0x1d8: {  	s5 =	smov.u32 @p3 s2;
	s4 =	smov.u32 @p3 s3  }
0x1d9: {  	(v2sf) =	vpush v0, $0x0;
	_ =	sdelay $0x8  }
0x1da: {  	s0 =	spop (v2sf)  }
0x1db: {  	p1 =	sne.s32 s4, $0xFFFFFFFF;
	s2 =	smov.u32 s0  }
0x1dc: {  	s9 =	simm.s32 $0x6;
	p2 =	seq.s32 s0, $0xFFFFFFFF;
	s2 =	smov.u32 @p1 s4  }
0x1dd: {  	s6 =	simm.s32 $0x0;
	s2 =	smov.u32 @p2 s4;
	s3 =	spop (v2sf)  }
0x1de: {  	s0 =	smov.u32 @p2 s5;
	p1 =	sne.s32 s2, $0xFFFFFFFF;
	s4 =	smov.u32 s3  }
.Ltmp27:
0x1df: {  	p2 =	seq.s32 s3, $0xFFFFFFFF;
	s4 =	smov.u32 @p1 s2;
	(pc) =	sbr.rel .LBB3_26-.Ltmp27, $4  }
0x1e0: {  	s10 =	simm.s32 $0xF188;
	s4 =	smov.u32 @p2 s2;
	s7 =	spop (v2sf)  }
0x1e1: {  	s11 =	simm.s32 $0x0;
	p1 =	sne.s32 s4, $0xFFFFFFFF;
	s8 =	smov.u32 s7  }
0x1e2: {  	s3 =	smov.u32 @p2 s0;
	p2 =	seq.s32 s7, $0xFFFFFFFF;
	s8 =	smov.u32 @p1 s4  }
0x1e3: {  	[sflag:s9] =	ssyncpa.u1 $0x0;
	s7 =	smov.u32 @p2 s3;
	s8 =	smov.u32 @p2 s4  }
.LBB3_32:
0x1e4: {  	p1 =	sgt.u32 s12, $0x270F0  }
0x1e5: {  	p2 =	seq.s32 @!p1 s12, s8  }
0x1e6: {  	p1 =	por p1, p2  }
0x1e7: {  	p2 =	sne.s32 @!p1 s12, s7  }
0x1e8: {  	p1 =	por p1, !p2  }
0x1e9: {  	s0 =	sshll.u32 @p1 s11, $0x9  }
0x1ea: {  	s0 =	sand.u32 @!p1 $0x3FFF8, s12  }
0x1eb: {  	s2 =	sand.u32 @!p1 $0x7, s12;
	s0 =	sadd.s32 @!p1 s1, s0  }
0x1ec: {  	[tilespmem:s10], [sflag:$0x6] =	stream.linear.gather @!p1 [hbm4b:s0+s2], $0x80, $0x38;
	[tilespmem:$0x1F6F8] =	vst v63  }
0x1ed: {  	_ =	swait.ge @!p1 [sflag:s9], $0x80  }
0x1ee: {  	[sflag:s9] =	ssyncset.done @!p1 $0x0  }
0x1ef: {  	s0 =	sshll.u32 @!p1 s11, $0x9;
	[sflag:s9] =	ssyncadd.s32 @!p1 $0xFFFFFF80  }
0x1f0: {  	s2 =	sshrl.u32 @!p1 s0, $0x2;
	v1 =	vld @!p1 [tilespmem:$0xF188]  }
0x1f1: {  	v2 =	vld @!p1 [tilespmem:s2+$0xF238];
	_ =	sdelay $0x4  }
0x1f2: {  	v1 =	vmax.f32 @!p1 v1, v2  }
0x1f3: {  	v2 =	vld @!p1 [tilespmem:s2+$0xF248];
	[tilespmem:s2+$0xF238] =	vst @!p1 v1  }
0x1f4: {  	v1 =	vld @!p1 [tilespmem:$0xF198];
	_ =	sdelay $0x4  }
0x1f5: {  	v1 =	vmax.f32 @!p1 v1, v2  }
0x1f6: {  	v2 =	vld @!p1 [tilespmem:s2+$0xF258];
	[tilespmem:s2+$0xF248] =	vst @!p1 v1  }
0x1f7: {  	v1 =	vld @!p1 [tilespmem:$0xF1A8];
	_ =	sdelay $0x4  }
0x1f8: {  	v1 =	vmax.f32 @!p1 v1, v2  }
0x1f9: {  	v2 =	vld @!p1 [tilespmem:s2+$0xF268];
	[tilespmem:s2+$0xF258] =	vst @!p1 v1  }
0x1fa: {  	v1 =	vld @!p1 [tilespmem:$0xF1B8];
	_ =	sdelay $0x4  }
0x1fb: {  	v1 =	vmax.f32 @!p1 v1, v2  }
0x1fc: {  	v2 =	vld @!p1 [tilespmem:s2+$0xF278];
	[tilespmem:s2+$0xF268] =	vst @!p1 v1  }
0x1fd: {  	v1 =	vld @!p1 [tilespmem:$0xF1C8];
	_ =	sdelay $0x4  }
0x1fe: {  	v1 =	vmax.f32 @!p1 v1, v2  }
0x1ff: {  	v2 =	vld @!p1 [tilespmem:s2+$0xF288];
	[tilespmem:s2+$0xF278] =	vst @!p1 v1  }
0x200: {  	v1 =	vld @!p1 [tilespmem:$0xF1D8];
	_ =	sdelay $0x4  }
0x201: {  	v1 =	vmax.f32 @!p1 v1, v2  }
0x202: {  	v2 =	vld @!p1 [tilespmem:s2+$0xF298];
	[tilespmem:s2+$0xF288] =	vst @!p1 v1  }
0x203: {  	v1 =	vld @!p1 [tilespmem:$0xF1E8];
	_ =	sdelay $0x4  }
0x204: {  	v1 =	vmax.f32 @!p1 v1, v2  }
0x205: {  	v2 =	vld @!p1 [tilespmem:s2+$0xF2A8];
	[tilespmem:s2+$0xF298] =	vst @!p1 v1  }
0x206: {  	v1 =	vld @!p1 [tilespmem:$0xF1F8];
	_ =	sdelay $0x4  }
0x207: {  	v1 =	vmax.f32 @!p1 v1, v2  }
0x208: {  	[tilespmem:s2+$0xF2A8] =	vst @!p1 v1  }
0x209: {  	s0 =	sshrl.u32 s0, $0x2;
	[tilespmem:s6+$0xF218] =	vst.msk $0x1, v0  }
0x20a: {  	v0 =	vld [tilespmem:s0+$0xF238];
	_ =	sdelay $0x2  }
0x20b: {  	s31 =	sshll.u32 s6, $0x9  }
0x20c: {  	s2 =	sshra.s32 s31, $0x2  }
0x20d: {  	[tilespmem:s2+$0xF238] =	vst v0  }
0x20e: {  	v0 =	vld [tilespmem:s0+$0xF248];
	_ =	sdelay $0x4  }
0x20f: {  	[tilespmem:s2+$0xF248] =	vst v0  }
0x210: {  	v0 =	vld [tilespmem:s0+$0xF258];
	_ =	sdelay $0x4  }
0x211: {  	[tilespmem:s2+$0xF258] =	vst v0  }
0x212: {  	v0 =	vld [tilespmem:s0+$0xF268];
	_ =	sdelay $0x4  }
0x213: {  	[tilespmem:s2+$0xF268] =	vst v0  }
0x214: {  	v0 =	vld [tilespmem:s0+$0xF278];
	_ =	sdelay $0x4  }
0x215: {  	[tilespmem:s2+$0xF278] =	vst v0  }
0x216: {  	v0 =	vld [tilespmem:s0+$0xF288];
	_ =	sdelay $0x4  }
0x217: {  	[tilespmem:s2+$0xF288] =	vst v0  }
0x218: {  	v0 =	vld [tilespmem:s0+$0xF298];
	_ =	sdelay $0x4  }
0x219: {  	[tilespmem:s2+$0xF298] =	vst v0  }
0x21a: {  	v0 =	vld [tilespmem:s0+$0xF2A8];
	_ =	sdelay $0x4  }
0x21b: {  	s6 =	sadd.s32 $0x1, s6;
	[tilespmem:s2+$0xF2A8] =	vst v0  }
.LBB3_33:
0x21c: {  	s11 =	sadd.s32 $0x1, s11  }
0x21d: {  	p1 =	sne.s32 s11, $0x20  }
.Ltmp28:
0x21e: {  	_ = 	snop;
	(pc) =	sbr.rel @!p1 .LBB3_34-.Ltmp28, $1  }
0x21f: {  	_ =	sdelay $0x3  }
.LBB3_26:
0x220: {  	v0 =	vld.msk [tilespmem:s11+$0xF218], $0x1;
	_ =	sdelay $0x4  }
0x221: {  	(v2sf) =	vpush v0, $0x0;
	_ =	sdelay $0xe  }
0x222: {  	s12 =	spop (v2sf)  }
0x223: {  	p1 =	seq.s32 s12, $0xFFFFFFFF  }
.Ltmp29:
0x224: {  	_ = 	snop;
	(pc) =	sbr.rel @p1 .LBB3_33-.Ltmp29, $1  }
0x225: {  	_ =	sdelay $0x3  }
0x226: {  	p1 =	slt.s32 s6, $0x1  }
.Ltmp30:
0x227: {  	_ = 	snop;
	(pc) =	sbr.rel @p1 .LBB3_32-.Ltmp30, $1  }
0x228: {  	_ =	sdelay $0x3  }
0x229: {  	s13 =	simm.s32 $0xF218;
	p1 =	por $0x0, $0x0  }
0x22a: {  	v1 =	vld.msk @!p1 [tilespmem:s13+$0x0], $0x1;
	_ =	sdelay $0x4  }
0x22b: {  	(v2sf) =	vpush @!p1 v1, $0x0;
	_ =	sdelay $0xd  }
0x22c: {  	p3 =	sne.s32 s6, $0x1  }
.Ltmp31:
0x22d: {  	s0 =	spop @!p1 (v2sf);
	(pc) =	sbr.rel @!p3 .LBB3_30-.Ltmp31, $4  }
0x22e: {  	p2 =	seq.s32 @!p1 s12, s0  }
0x22f: {  	s14 =	simm.s32 $0x0;
	p2 =	por !p2, p1  }
0x230: {  	s2 =	simm.s32 $0xFFFFFFFF;
	s14 =	simm.s32 @p2 $0xFFFFFFFF  }
0x231: {  	s0 =	simm.s32 $0x1;
	s14 =	smov.u32 @p1 s2  }
.LBB3_29:
0x232: {  	s2 =	smov.u32 s14;
	p1 =	sne.s32 s14, $0xFFFFFFFF  }
0x233: {  	s13 =	sadd.s32 $0x1, s13;
	s14 =	smov.u32 s0;
	s0 =	sadd.s32 $0x1, s0  }
0x234: {  	p2 =	sne.s32 s6, s0;
	v1 =	vld.msk @!p1 [tilespmem:s13+$0x0], $0x1;
	_ =	sdelay $0x4  }
0x235: {  	(v2sf) =	vpush @!p1 v1, $0x0;
	_ =	sdelay $0xe  }
.Ltmp32:
0x236: {  	s3 =	spop @!p1 (v2sf);
	(pc) =	sbr.rel @p2 .LBB3_29-.Ltmp32, $4  }
0x237: {  	p3 =	seq.s32 @!p1 s12, s3  }
0x238: {  	p3 =	por !p3, p1  }
0x239: {  	s14 =	simm.s32 @p3 $0xFFFFFFFF  }
0x23a: {  	s14 =	smov.u32 @p1 s2  }
.LBB3_30:
0x23b: {  	p1 =	seq.s32 s14, $0xFFFFFFFF  }
.Ltmp33:
0x23c: {  	_ = 	snop;
	(pc) =	sbr.rel @p1 .LBB3_32-.Ltmp33, $1  }
0x23d: {  	_ =	sdelay $0x3  }
0x23e: {  	s0 =	sshll.u32 s11, $0x7  }
0x23f: {  	s2 =	sshll.u32 s14, $0x9;
	s0 =	sand.u32 $0x3FFFFF80, s0  }
0x240: {  	s2 =	sshra.s32 s2, $0x2;
	v0 =	vld [tilespmem:s0+$0xF238]  }
0x241: {  	v1 =	vld [tilespmem:s2+$0xF238];
	_ =	sdelay $0x4  }
0x242: {  	v0 =	vmax.f32 v0, v1  }
0x243: {  	v57 =	vld [tilespmem:s2+$0xF248];
	[tilespmem:s2+$0xF238] =	vst v0  }
0x244: {  	v0 =	vld [tilespmem:s0+$0xF248];
	_ =	sdelay $0x4  }
0x245: {  	v0 =	vmax.f32 v0, v57  }
0x246: {  	v58 =	vld [tilespmem:s2+$0xF258];
	[tilespmem:s2+$0xF248] =	vst v0  }
0x247: {  	v0 =	vld [tilespmem:s0+$0xF258];
	_ =	sdelay $0x4  }
0x248: {  	v0 =	vmax.f32 v0, v58  }
0x249: {  	v59 =	vld [tilespmem:s2+$0xF268];
	[tilespmem:s2+$0xF258] =	vst v0  }
0x24a: {  	v0 =	vld [tilespmem:s0+$0xF268];
	_ =	sdelay $0x4  }
0x24b: {  	v0 =	vmax.f32 v0, v59  }
0x24c: {  	v60 =	vld [tilespmem:s2+$0xF278];
	[tilespmem:s2+$0xF268] =	vst v0  }
0x24d: {  	v0 =	vld [tilespmem:s0+$0xF278];
	_ =	sdelay $0x4  }
0x24e: {  	v0 =	vmax.f32 v0, v60  }
0x24f: {  	v61 =	vld [tilespmem:s2+$0xF288];
	[tilespmem:s2+$0xF278] =	vst v0  }
0x250: {  	v0 =	vld [tilespmem:s0+$0xF288];
	_ =	sdelay $0x4  }
0x251: {  	v0 =	vmax.f32 v0, v61  }
0x252: {  	v62 =	vld [tilespmem:s2+$0xF298];
	[tilespmem:s2+$0xF288] =	vst v0  }
0x253: {  	v0 =	vld [tilespmem:s0+$0xF298];
	_ =	sdelay $0x4  }
0x254: {  	v0 =	vmax.f32 v0, v62  }
0x255: {  	v63 =	vld [tilespmem:s2+$0xF2A8];
	[tilespmem:s2+$0xF298] =	vst v0  }
0x256: {  	v0 =	vld [tilespmem:s0+$0xF2A8];
	_ =	sdelay $0x1  }
.Ltmp34:
0x257: {  	_ = 	snop;
	(pc) =	sbr.rel .LBB3_33-.Ltmp34, $3  }
0x258: {  	_ =	sdelay $0x1  }
0x259: {  	v0 =	vmax.f32 v0, v63  }
0x25a: {  	[tilespmem:s2+$0xF2A8] =	vst v0  }
.LBB3_34:
0x25b: {  	s0 =	simm.s32 $0x6;
	p1 =	seq.s32 s6, $0x0  }
0x25c: {  	[sflag:s0] =	ssyncpa.u1 $0x1;
	v0 =	vimm.s32 @p1 $0xFFFFFFFF  }
0x25d: {  	s9 =	sadd.s32 $0xFFFFFFFF, s6;
	[tilespmem:$0x10238] =	vst @p1 v0  }
0x25e: {  	v0 =	vld.msk @!p1 [tilespmem:s9+$0xF218], $0x1;
	_ =	sdelay $0x1  }
0x25f: {  	v1 =	vld.msk @!p1 [tilespmem:$0xF218], $0x1;
	_ =	sdelay $0x2  }
0x260: {  	p2 =	seq.s32 @!p1 s9, $0x0;
	v0 =	vbroadcast @!p1 v0, $0x0  }
0x261: {  	vm0 =	vmmov @!p1 $0x1;
	p2 =	por !p2, p1  }
0x262: {  	v1 =	vnsel @!p1 vm0, $0xFFFFFFFF, v1;
	vm0 =	vcmask @!p1 $0x308;
	v0 =	vpsel !p2, $0xFFFFFFFF, v0  }
0x263: {  	p2 =	sne.s32 @!p1 s8, s7;
	v0 =	vsel @!p1 vm0, v1, v0  }
0x264: {  	s0 =	simm.s32 @!p1 $0xF238;
	s2 =	simm.s32 @!p1 $0x0;
	p3 =	por !p2, p1;
	[tilespmem:$0x10238] =	vst @!p1 v0  }
0x265: {  	[spmem:s2] =	stream.linear.scatter @!p1 [tilespmem:s0], [sflag:$0x1], $0x80, $0x38;
	[tilespmem:$0x1F6F8] =	vst v63  }
0x266: {  	s0 =	sshll.u32 @!p3 s9, $0x9  }
0x267: {  	s0 =	sshra.s32 @!p3 s0, $0x2  }
0x268: {  	s2 =	simm.s32 @!p3 $0x80;
	s0 =	sadd.s32 @!p3 $0xF238, s0  }
0x269: {  	[spmem:s2] =	stream.linear.scatter @!p3 [tilespmem:s0], [sflag:$0x1], $0x80, $0x38;
	[tilespmem:$0x1F6F8] =	vst v63  }
0x26a: {  	s0 =	simm.s32 @!p3 $0x1  }
0x26b: {  	_ =	swait.ge @!p3 [sflag:s0], $0x100  }
0x26c: {  	p1 =	por p2, p1;
	[sflag:s0] =	ssyncset.done @!p3 $0x0  }
0x26d: {  	[sflag:s0] =	ssyncadd.s32 @!p3 $0xFFFFFF00;
	s0 =	simm.s32 @!p1 $0x1  }
0x26e: {  	_ =	swait.ge @!p1 [sflag:s0], $0x80  }
0x26f: {  	s29 =	simm.s32 $0x10238;
	[sflag:s0] =	ssyncset.done @!p1 $0x0  }
0x270: {  	s30 =	simm.s32 $0x1000;
	s31 =	simm.s32 $0x1;
	[sflag:s0] =	ssyncadd.s32 @!p1 $0xFFFFFF80  }
0x271: {  	[spmem:s30] =	stream.linear.scatter [tilespmem:s29], [sflag:$0x1], $0x10, $0x38;
	[tilespmem:$0x1F6F8] =	vst v63  }
0x272: {  	_ =	swait.ge [sflag:s31], $0x10  }
0x273: {  	[sflag:s31] =	ssyncset.done $0x0  }
0x274: {  	p1 =	seq.s32 s15, $0x0;
	s8 =	rddreg [dreg:$0x1];
	[sflag:s31] =	ssyncadd.s32 $0xFFFFFFF0  }
0x275: {  	s2 =	sshll.u32 @p1 s8, $0xE;
	s7 =	rddreg [dreg:$0x2]  }
0x276: {  	s0 =	sadd.s32 @p1 $0x15C3C, s2;
	s2 =	sshll.u32 @p1 s7, $0x11  }
0x277: {  	_ =	sfence.stream.spmem;
	s0 =	sor.u32 @p1 s2, s0  }
0x278: {  	[sflag:s0] =	ssyncadd.remote.s32 @p1 $0x1;
	s0 =	simm.s32 @p1 $0x4  }
0x279: {  	s3 =	simm.s32 @!p1 $0x3C;
	s2 =	sand.u32 $0xFFFFFFFE, s8;
	_ =	swait.ge @p1 [sflag:s0], $0x22  }
0x27a: {  	s4 =	simm.s32 @!p1 $0x0;
	s2 =	sadd.s32 @!p1 $0x4, s2;
	[sflag:s0] =	ssyncset.done @p1 $0x0  }
0x27b: {  	s5 =	simm.s32 @!p1 $0x100;
	[sflag:s0] =	ssyncadd.s32 @p1 $0xFFFFFFDE;
	s0 =	sshll.u32 @!p1 s2, $0x1A  }
0x27c: {  	s2 =	sshll.u32 @!p1 s2, $0xD;
	s0 =	sor.u32 @!p1 s0, s7;
	_ =	swait.eq @!p1 [sflag:s3], $0x1  }
0x27d: {  	s2 =	sor.u32 @!p1 $0x1C04, s2;
	s3 =	simm.s32 @!p1 $0x1C03;
	s0 =	sor.u32 @!p1 $0x80004000, s0  }
0x27e: {  	[spmem:s5], [sflag:s2] =	dma.general @!p1 [spmem:s4], [sflag:s3], length:$0x20, [dreg:$0x0], stride_count:$0x0, ici_dest:s0, dma_misc:DstOpCode:WRITE  }
0x27f: {  	p2 =	slt.s32 s9, $0x2;
	s4 =	simm.s32 @!p1 $0x200;
	s5 =	simm.s32 @!p1 $0x202  }
0x280: {  	[spmem:s5], [sflag:s2] =	dma.general @!p1 [spmem:s4], [sflag:s3], length:$0x2, [dreg:$0x0], stride_count:$0x0, ici_dest:s0, dma_misc:DstOpCode:WRITE  }
.Ltmp35:
0x281: {  	s0 =	simm.s32 @!p1 $0x3;
	(pc) =	sbr.rel @p2 .LBB3_38-.Ltmp35, $4  }
0x282: {  	s2 =	sshll.u32 @!p1 s8, $0xE;
	_ =	swait.ge @!p1 [sflag:s0], $0x22  }
0x283: {  	s3 =	sshll.u32 @!p1 s7, $0x11;
	s2 =	sadd.s32 @!p1 $0x11C3C, s2;
	[sflag:s0] =	ssyncset.done @!p1 $0x0  }
0x284: {  	[sflag:s0] =	ssyncadd.s32 @!p1 $0xFFFFFFDE;
	s0 =	sor.u32 @!p1 s3, s2  }
0x285: {  	[sflag:s0] =	ssyncadd.remote.s32 @!p1 $0xFFFFFFFF;
	s0 =	simm.s32 $0x0  }
0x286: {  	s0 =	simm.s32 $0xF219  }
0x287: {  	v0 =	vld.msk [tilespmem:s0+$0x0], $0x1;
	_ =	sdelay $0x4  }
0x288: {  	(v2sf) =	vpush v0, $0x0;
	_ =	sdelay $0xb  }
0x289: {  	s31 =	sadd.s32 $0xFFFFFFFE, s6  }
0x28a: {  	s0 =	sadd.s32 $0xFFFFFFFF, s31  }
0x28b: {  	p2 =	sne.s32 s0, $0x0  }
.Ltmp36:
0x28c: {  	s2 =	spop (v2sf);
	(pc) =	sbr.rel @!p2 .LBB3_37-.Ltmp36, $4  }
0x28d: {  	s4 =	simm.s32 $0xF2B8;
	s7 =	simm.s32 $0x0;
	p1 =	sgt.u32 s2, $0x270F0  }
0x28e: {  	s5 =	simm.s32 $0x0;
	s6 =	simm.s32 $0xF21A;
	s3 =	sand.u32 @!p1 $0x3FFF8, s2  }
0x28f: {  	s2 =	sand.u32 @!p1 $0x7, s2;
	s7 =	simm.s32 @!p1 $0x200;
	s3 =	sadd.s32 @!p1 s1, s3  }
0x290: {  	[hbm4b:s3+s2] =	stream.linear.scatter @!p1 [tilespmem:s4], [sflag:$0x5], $0x80, $0x38;
	[tilespmem:$0x1F6F8] =	vst v63  }
.LBB3_36:
0x291: {  	v0 =	vld.msk [tilespmem:s6+$0x0], $0x1;
	s0 =	sadd.s32 $0xFFFFFFFF, s0;
	s5 =	sadd.s32 s5, s7  }
0x292: {  	p1 =	sne.s32 s0, $0x0;
	_ =	sdelay $0x3  }
0x293: {  	(v2sf) =	vpush v0, $0x0;
	_ =	sdelay $0xe  }
.Ltmp37:
0x294: {  	s2 =	spop (v2sf);
	(pc) =	sbr.rel @p1 .LBB3_36-.Ltmp37, $4  }
0x295: {  	s7 =	simm.s32 $0x0;
	p2 =	sgt.u32 s2, $0x270F0  }
0x296: {  	s4 =	sadd.s32 $0x80, s4;
	s7 =	simm.s32 @!p2 $0x200;
	s3 =	sand.u32 @!p2 $0x3FFF8, s2  }
0x297: {  	s6 =	sadd.s32 $0x1, s6;
	s2 =	sand.u32 @!p2 $0x7, s2;
	s3 =	sadd.s32 @!p2 s1, s3  }
0x298: {  	[hbm4b:s3+s2] =	stream.linear.scatter @!p2 [tilespmem:s4], [sflag:$0x5], $0x80, $0x38;
	[tilespmem:$0x1F6F8] =	vst v63  }
.LBB3_37:
0x299: {  	s0 =	sadd.s32 s5, s7  }
0x29a: {  	s0 =	sshrl.u32 s0, $0x2  }
.LBB3_38:
0x29b: {  	s2 =	simm.s32 $0x5  }
0x29c: {  	_ =	swait.ge [sflag:s2], s0  }
0x29d: {  	s31 =	ssub.s32 $0x0, s0;
	[sflag:s2] =	ssyncset.done $0x0  }
0x29e: {  	[sflag:s2] =	ssyncadd.s32 s31  }
0x29f: {  	[sflag:s2] =	ssyncpa.u1 $0x1  }
.LBB3_39:
0x2a0: {  	s0 =	sor.u32 s15, s16  }
0x2a1: {  	p1 =	sne.s32 s0, $0x0  }
.Ltmp38:
0x2a2: {  	_ = 	snop;
	(pc) =	sbr.rel @p1 .LBB3_54-.Ltmp38, $3  }
0x2a3: {  	_ =	sdelay $0x1  }
0x2a4: {  	[bflag:$0x0] =	sbarrier.arrive $0xFFFF  }
0x2a5: {  	_ =	sfence  }
0x2a6: {  	s0 =	simm.s32 $0x7  }
0x2a7: {  	s2 =	simm.s32 $0x1000;
	s3 =	simm.s32 $0xF218;
	[sflag:s0] =	ssyncpa.u1 $0x0  }
0x2a8: {  	[tilespmem:s3], [sflag:$0x7] =	stream.linear.gather [spmem:s2], $0x20, $0x38;
	[tilespmem:$0x1F6F8] =	vst v63  }
0x2a9: {  	s30 =	simm.s32 $0xF238;
	s2 =	simm.s32 $0x0  }
0x2aa: {  	[tilespmem:s30], [sflag:$0x7] =	stream.linear.gather [spmem:s2], $0x1000, $0x38;
	[tilespmem:$0x1F6F8] =	vst v63  }
.Ltmp39:
0x2ab: {  	_ = 	snop;
	(pc) =	sbr.rel .LBB3_41-.Ltmp39, $4  }
0x2ac: {  	_ =	swait.ge [sflag:s0], $0x1020  }
0x2ad: {  	[sflag:s0] =	ssyncset.done $0x0  }
0x2ae: {  	s31 =	simm.s32 $0x8;
	[sflag:s0] =	ssyncadd.s32 $0xFFFFEFE0  }
0x2af: {  	s3 =	simm.s32 $0x0;
	[sflag:s31] =	ssyncpa.u1 $0x0  }
.LBB3_47:
0x2b0: {  	p1 =	slt.u32 s4, $0x270F1  }
0x2b1: {  	s0 =	sand.u32 @p1 $0x3FFF8, s4  }
0x2b2: {  	s4 =	sand.u32 @p1 $0x7, s4;
	s5 =	simm.s32 @p1 $0xF188;
	s0 =	sadd.s32 @p1 s1, s0  }
0x2b3: {  	[tilespmem:s5], [sflag:$0x8] =	stream.linear.gather @p1 [hbm4b:s0+s4], $0x80, $0x38;
	[tilespmem:$0x1F6F8] =	vst v63  }
0x2b4: {  	s0 =	simm.s32 @p1 $0x8  }
0x2b5: {  	_ =	swait.ge @p1 [sflag:s0], $0x80  }
0x2b6: {  	[sflag:s0] =	ssyncset.done @p1 $0x0  }
0x2b7: {  	[sflag:s0] =	ssyncadd.s32 @p1 $0xFFFFFF80;
	s0 =	sshll.u32 @p1 s3, $0x9  }
0x2b8: {  	s4 =	sshrl.u32 @p1 s0, $0x2;
	v1 =	vld @p1 [tilespmem:$0xF188]  }
0x2b9: {  	v2 =	vld @p1 [tilespmem:s4+$0xF238];
	_ =	sdelay $0x4  }
0x2ba: {  	v1 =	vmax.f32 @p1 v1, v2  }
0x2bb: {  	v2 =	vld @p1 [tilespmem:s4+$0xF248];
	[tilespmem:s4+$0xF238] =	vst @p1 v1  }
0x2bc: {  	v1 =	vld @p1 [tilespmem:$0xF198];
	_ =	sdelay $0x4  }
0x2bd: {  	v1 =	vmax.f32 @p1 v1, v2  }
0x2be: {  	v2 =	vld @p1 [tilespmem:s4+$0xF258];
	[tilespmem:s4+$0xF248] =	vst @p1 v1  }
0x2bf: {  	v1 =	vld @p1 [tilespmem:$0xF1A8];
	_ =	sdelay $0x4  }
0x2c0: {  	v1 =	vmax.f32 @p1 v1, v2  }
0x2c1: {  	v2 =	vld @p1 [tilespmem:s4+$0xF268];
	[tilespmem:s4+$0xF258] =	vst @p1 v1  }
0x2c2: {  	v1 =	vld @p1 [tilespmem:$0xF1B8];
	_ =	sdelay $0x4  }
0x2c3: {  	v1 =	vmax.f32 @p1 v1, v2  }
0x2c4: {  	v2 =	vld @p1 [tilespmem:s4+$0xF278];
	[tilespmem:s4+$0xF268] =	vst @p1 v1  }
0x2c5: {  	v1 =	vld @p1 [tilespmem:$0xF1C8];
	_ =	sdelay $0x4  }
0x2c6: {  	v1 =	vmax.f32 @p1 v1, v2  }
0x2c7: {  	v2 =	vld @p1 [tilespmem:s4+$0xF288];
	[tilespmem:s4+$0xF278] =	vst @p1 v1  }
0x2c8: {  	v1 =	vld @p1 [tilespmem:$0xF1D8];
	_ =	sdelay $0x4  }
0x2c9: {  	v1 =	vmax.f32 @p1 v1, v2  }
0x2ca: {  	v2 =	vld @p1 [tilespmem:s4+$0xF298];
	[tilespmem:s4+$0xF288] =	vst @p1 v1  }
0x2cb: {  	v1 =	vld @p1 [tilespmem:$0xF1E8];
	_ =	sdelay $0x4  }
0x2cc: {  	v1 =	vmax.f32 @p1 v1, v2  }
0x2cd: {  	v2 =	vld @p1 [tilespmem:s4+$0xF2A8];
	[tilespmem:s4+$0xF298] =	vst @p1 v1  }
0x2ce: {  	v1 =	vld @p1 [tilespmem:$0xF1F8];
	_ =	sdelay $0x4  }
0x2cf: {  	s5 =	sshll.u32 @!p1 s3, $0x9;
	v1 =	vmax.f32 @p1 v1, v2  }
0x2d0: {  	s5 =	smov.u32 @p1 s0;
	[tilespmem:s4+$0xF2A8] =	vst @p1 v1  }
0x2d1: {  	s0 =	sshrl.u32 s5, $0x2;
	[tilespmem:s2+$0xF218] =	vst.msk $0x1, v0  }
0x2d2: {  	v0 =	vld [tilespmem:s0+$0xF238];
	_ =	sdelay $0x2  }
0x2d3: {  	s31 =	sshll.u32 s2, $0x9  }
0x2d4: {  	s4 =	sshra.s32 s31, $0x2  }
0x2d5: {  	[tilespmem:s4+$0xF238] =	vst v0  }
0x2d6: {  	v0 =	vld [tilespmem:s0+$0xF248];
	_ =	sdelay $0x4  }
0x2d7: {  	[tilespmem:s4+$0xF248] =	vst v0  }
0x2d8: {  	v0 =	vld [tilespmem:s0+$0xF258];
	_ =	sdelay $0x4  }
0x2d9: {  	[tilespmem:s4+$0xF258] =	vst v0  }
0x2da: {  	v0 =	vld [tilespmem:s0+$0xF268];
	_ =	sdelay $0x4  }
0x2db: {  	[tilespmem:s4+$0xF268] =	vst v0  }
0x2dc: {  	v0 =	vld [tilespmem:s0+$0xF278];
	_ =	sdelay $0x4  }
0x2dd: {  	[tilespmem:s4+$0xF278] =	vst v0  }
0x2de: {  	v0 =	vld [tilespmem:s0+$0xF288];
	_ =	sdelay $0x4  }
0x2df: {  	[tilespmem:s4+$0xF288] =	vst v0  }
0x2e0: {  	v0 =	vld [tilespmem:s0+$0xF298];
	_ =	sdelay $0x4  }
0x2e1: {  	[tilespmem:s4+$0xF298] =	vst v0  }
0x2e2: {  	v0 =	vld [tilespmem:s0+$0xF2A8];
	_ =	sdelay $0x4  }
0x2e3: {  	s2 =	sadd.s32 $0x1, s2;
	[tilespmem:s4+$0xF2A8] =	vst v0  }
.LBB3_48:
0x2e4: {  	s3 =	sadd.s32 $0x1, s3  }
0x2e5: {  	p1 =	sne.s32 s3, $0x20  }
.Ltmp40:
0x2e6: {  	_ = 	snop;
	(pc) =	sbr.rel @!p1 .LBB3_49-.Ltmp40, $1  }
0x2e7: {  	_ =	sdelay $0x3  }
.LBB3_41:
0x2e8: {  	v0 =	vld.msk [tilespmem:s3+$0xF218], $0x1;
	_ =	sdelay $0x4  }
0x2e9: {  	(v2sf) =	vpush v0, $0x0;
	_ =	sdelay $0xe  }
0x2ea: {  	s4 =	spop (v2sf)  }
0x2eb: {  	p1 =	seq.s32 s4, $0xFFFFFFFF  }
.Ltmp41:
0x2ec: {  	_ = 	snop;
	(pc) =	sbr.rel @p1 .LBB3_48-.Ltmp41, $1  }
0x2ed: {  	_ =	sdelay $0x3  }
0x2ee: {  	p1 =	slt.s32 s2, $0x1  }
.Ltmp42:
0x2ef: {  	_ = 	snop;
	(pc) =	sbr.rel @p1 .LBB3_47-.Ltmp42, $1  }
0x2f0: {  	_ =	sdelay $0x3  }
0x2f1: {  	s5 =	simm.s32 $0xF218;
	p1 =	por $0x0, $0x0  }
0x2f2: {  	v1 =	vld.msk @!p1 [tilespmem:s5+$0x0], $0x1;
	_ =	sdelay $0x4  }
0x2f3: {  	(v2sf) =	vpush @!p1 v1, $0x0;
	_ =	sdelay $0xd  }
0x2f4: {  	p3 =	sne.s32 s2, $0x1  }
.Ltmp43:
0x2f5: {  	s0 =	spop @!p1 (v2sf);
	(pc) =	sbr.rel @!p3 .LBB3_45-.Ltmp43, $4  }
0x2f6: {  	p2 =	seq.s32 @!p1 s4, s0  }
0x2f7: {  	s6 =	simm.s32 $0x0;
	p2 =	por !p2, p1  }
0x2f8: {  	s7 =	simm.s32 $0xFFFFFFFF;
	s6 =	simm.s32 @p2 $0xFFFFFFFF  }
0x2f9: {  	s0 =	simm.s32 $0x1;
	s6 =	smov.u32 @p1 s7  }
.LBB3_44:
0x2fa: {  	s7 =	smov.u32 s6;
	p1 =	sne.s32 s6, $0xFFFFFFFF  }
0x2fb: {  	s5 =	sadd.s32 $0x1, s5;
	s6 =	smov.u32 s0;
	s0 =	sadd.s32 $0x1, s0  }
0x2fc: {  	p2 =	sne.s32 s2, s0;
	v1 =	vld.msk @!p1 [tilespmem:s5+$0x0], $0x1;
	_ =	sdelay $0x4  }
0x2fd: {  	(v2sf) =	vpush @!p1 v1, $0x0;
	_ =	sdelay $0xe  }
.Ltmp44:
0x2fe: {  	s8 =	spop @!p1 (v2sf);
	(pc) =	sbr.rel @p2 .LBB3_44-.Ltmp44, $4  }
0x2ff: {  	p3 =	seq.s32 @!p1 s4, s8  }
0x300: {  	p3 =	por !p3, p1  }
0x301: {  	s6 =	simm.s32 @p3 $0xFFFFFFFF  }
0x302: {  	s6 =	smov.u32 @p1 s7  }
.LBB3_45:
0x303: {  	p1 =	seq.s32 s6, $0xFFFFFFFF  }
.Ltmp45:
0x304: {  	_ = 	snop;
	(pc) =	sbr.rel @p1 .LBB3_47-.Ltmp45, $1  }
0x305: {  	_ =	sdelay $0x3  }
0x306: {  	s0 =	sshll.u32 s3, $0x7  }
0x307: {  	s4 =	sshll.u32 s6, $0x9;
	s0 =	sand.u32 $0x3FFFFF80, s0  }
0x308: {  	s4 =	sshra.s32 s4, $0x2;
	v0 =	vld [tilespmem:s0+$0xF238]  }
0x309: {  	v1 =	vld [tilespmem:s4+$0xF238];
	_ =	sdelay $0x4  }
0x30a: {  	v0 =	vmax.f32 v0, v1  }
0x30b: {  	v57 =	vld [tilespmem:s4+$0xF248];
	[tilespmem:s4+$0xF238] =	vst v0  }
0x30c: {  	v0 =	vld [tilespmem:s0+$0xF248];
	_ =	sdelay $0x4  }
0x30d: {  	v0 =	vmax.f32 v0, v57  }
0x30e: {  	v58 =	vld [tilespmem:s4+$0xF258];
	[tilespmem:s4+$0xF248] =	vst v0  }
0x30f: {  	v0 =	vld [tilespmem:s0+$0xF258];
	_ =	sdelay $0x4  }
0x310: {  	v0 =	vmax.f32 v0, v58  }
0x311: {  	v59 =	vld [tilespmem:s4+$0xF268];
	[tilespmem:s4+$0xF258] =	vst v0  }
0x312: {  	v0 =	vld [tilespmem:s0+$0xF268];
	_ =	sdelay $0x4  }
0x313: {  	v0 =	vmax.f32 v0, v59  }
0x314: {  	v60 =	vld [tilespmem:s4+$0xF278];
	[tilespmem:s4+$0xF268] =	vst v0  }
0x315: {  	v0 =	vld [tilespmem:s0+$0xF278];
	_ =	sdelay $0x4  }
0x316: {  	v0 =	vmax.f32 v0, v60  }
0x317: {  	v61 =	vld [tilespmem:s4+$0xF288];
	[tilespmem:s4+$0xF278] =	vst v0  }
0x318: {  	v0 =	vld [tilespmem:s0+$0xF288];
	_ =	sdelay $0x4  }
0x319: {  	v0 =	vmax.f32 v0, v61  }
0x31a: {  	v62 =	vld [tilespmem:s4+$0xF298];
	[tilespmem:s4+$0xF288] =	vst v0  }
0x31b: {  	v0 =	vld [tilespmem:s0+$0xF298];
	_ =	sdelay $0x4  }
0x31c: {  	v0 =	vmax.f32 v0, v62  }
0x31d: {  	v63 =	vld [tilespmem:s4+$0xF2A8];
	[tilespmem:s4+$0xF298] =	vst v0  }
0x31e: {  	v0 =	vld [tilespmem:s0+$0xF2A8];
	_ =	sdelay $0x1  }
.Ltmp46:
0x31f: {  	_ = 	snop;
	(pc) =	sbr.rel .LBB3_48-.Ltmp46, $3  }
0x320: {  	_ =	sdelay $0x1  }
0x321: {  	v0 =	vmax.f32 v0, v63  }
0x322: {  	[tilespmem:s4+$0xF2A8] =	vst v0  }
.LBB3_49:
0x323: {  	p1 =	slt.s32 s2, $0x1  }
.Ltmp47:
0x324: {  	_ = 	snop;
	(pc) =	sbr.rel @p1 .LBB3_53-.Ltmp47, $3  }
0x325: {  	_ =	sdelay $0x1  }
0x326: {  	s0 =	simm.s32 $0x8  }
0x327: {  	s3 =	simm.s32 $0x0;
	[sflag:s0] =	ssyncpa.u1 $0x1  }
0x328: {  	s0 =	simm.s32 $0xF218  }
0x329: {  	v0 =	vld.msk [tilespmem:s0+$0x0], $0x1;
	_ =	sdelay $0x4  }
0x32a: {  	(v2sf) =	vpush v0, $0x0;
	_ =	sdelay $0xe  }
0x32b: {  	s0 =	sadd.s32 $0xFFFFFFFF, s2;
	s5 =	spop (v2sf)  }
0x32c: {  	p2 =	sne.s32 s0, $0x0;
	p1 =	sgt.u32 s5, $0x270F0  }
.Ltmp48:
0x32d: {  	s6 =	sand.u32 @!p1 $0x3FFF8, s5;
	(pc) =	sbr.rel @!p2 .LBB3_52-.Ltmp48, $4  }
0x32e: {  	s4 =	simm.s32 $0xF238;
	s5 =	sand.u32 @!p1 $0x7, s5;
	s2 =	sadd.s32 @!p1 s1, s6  }
0x32f: {  	[hbm4b:s2+s5] =	stream.linear.scatter @!p1 [tilespmem:s4], [sflag:$0x7], $0x80, $0x38;
	[tilespmem:$0x1F6F8] =	vst v63  }
0x330: {  	s5 =	simm.s32 $0x0  }
0x331: {  	s2 =	simm.s32 $0xF219;
	s5 =	simm.s32 @!p1 $0x200  }
.LBB3_51:
0x332: {  	v0 =	vld.msk [tilespmem:s2+$0x0], $0x1;
	s0 =	sadd.s32 $0xFFFFFFFF, s0;
	s3 =	sadd.s32 s3, s5  }
0x333: {  	p1 =	sne.s32 s0, $0x0;
	_ =	sdelay $0x3  }
0x334: {  	(v2sf) =	vpush v0, $0x0;
	_ =	sdelay $0xe  }
.Ltmp49:
0x335: {  	s6 =	spop (v2sf);
	(pc) =	sbr.rel @p1 .LBB3_51-.Ltmp49, $4  }
0x336: {  	s5 =	simm.s32 $0x0;
	p2 =	sgt.u32 s6, $0x270F0  }
0x337: {  	s4 =	sadd.s32 $0x80, s4;
	s5 =	simm.s32 @!p2 $0x200;
	s7 =	sand.u32 @!p2 $0x3FFF8, s6  }
0x338: {  	s2 =	sadd.s32 $0x1, s2;
	s6 =	sand.u32 @!p2 $0x7, s6;
	s7 =	sadd.s32 @!p2 s1, s7  }
0x339: {  	[hbm4b:s7+s6] =	stream.linear.scatter @!p2 [tilespmem:s4], [sflag:$0x7], $0x80, $0x38;
	[tilespmem:$0x1F6F8] =	vst v63  }
.LBB3_52:
0x33a: {  	s0 =	sadd.s32 s3, s5  }
0x33b: {  	s3 =	sshrl.u32 s0, $0x2  }
.LBB3_53:
0x33c: {  	s0 =	simm.s32 $0x7  }
0x33d: {  	_ =	swait.ge [sflag:s0], s3  }
0x33e: {  	s1 =	ssub.s32 $0x0, s3;
	[sflag:s0] =	ssyncset.done $0x0  }
0x33f: {  	[sflag:s0] =	ssyncadd.s32 s1  }
0x340: {  	[sflag:s0] =	ssyncpa.u1 $0x1  }
.LBB3_54:
0x341: {  	_ =	sfence;
	s0 =	simm.s32 $0x1  }
0x342: {  	[sflag:s0] =	ssyncpa.u1 $0x1  }
0x343: {  	_ =	strace $0x9000004D  }
0x344: {  	[bflag:$0x2] =	sbarrier.arrive $0xFFFF  }
0x345: {  	s0 =	rddreg [dreg:$0x3]  }
0x346: {  	s0 =	sadd.s32 @!p0 $0x100000, s0  }
0x347: {  	[sflag:s0] =	ssyncadd.tile.s32 @!p0 $0x1;
	_ =	shalt  }
.Lfunc_end3:
_tile_overlayer_lowered:
.L_overlay_start_3:
0x348: {  	(tag) =	ssettag $0x3  }
0x349: {  	s0 =	rddreg [dreg:$0x0];
	s2 =	stileid.u32  }
0x34a: {  	s1 =	rddreg [dreg:$0x1];
	p0 =	sne.s32 s2, $0x0  }
0x34b: {  	s3 =	rddreg [dreg:$0x2];
	[bflag:$0x3] =	sbarrier.arrive $0xFFFF;
	s2 =	simm.s32 @!p0 $0x1C01  }
0x34c: {  	[timem:s3], [sflag:s2] =	dma.local @!p0 [hbm:s0], s1  }
0x34d: {  	s0 =	simm.s32 @!p0 $0x1  }
0x34e: {  	_ =	swait.ge @!p0 [sflag:s0], s1  }
0x34f: {  	s1 =	ssub.s32 @!p0 $0x0, s1;
	[sflag:s0] =	ssyncset.done @!p0 $0x0  }
0x350: {  	[sflag:s0] =	ssyncadd.s32 @!p0 s1  }
0x351: {  	[bflag:$0x3] =	sbarrier.arrive $0xFFFF  }
0x352: {  	_ =	shalt  }

// kernel: scatter_offload_async_start
scs
__scs_entry_jumppad:
0x0: {  	(pc) =	sbr.rel $0x88, $3  }
0x1: {  	(tag) =	ssettag $0x0;
	lr =	simm.s32 $0x1  }
0x2: {  	[smem:$0x3F8F] =	sst lr;
	_ =	strace $0xD0000000  }
0x3: {  	_ = 	snop  }
0x4: {  	_ = 	snop  }
0x5: {  	_ = 	snop  }
0x6: {  	_ = 	snop  }
0x7: {  	_ = 	snop  }
__scs_overlays_trampoline_lowered:
0x8: {  	[smem:$0x3F9E] =	sst s0  }
0x9: {  	[smem:$0x3F9F] =	sst s1  }
0xa: {  	[smem:$0x3FA0] =	sst s2  }
0xb: {  	[smem:$0x3FA1] =	sst s3  }
0xc: {  	[smem:$0x3FA2] =	sst s4  }
0xd: {  	[smem:$0x3FA3] =	sst s5  }
0xe: {  	[smem:$0x3FA4] =	sst s6  }
0xf: {  	[smem:$0x3FA5] =	sst s7  }
0x10: {  	[smem:$0x3FA6] =	sst s8  }
0x11: {  	[smem:$0x3FA7] =	sst s9;
	s0 =	simm.s32 @!p0 $0x0  }
0x12: {  	s1 =	sld [smem:$0x3F8D];
	s0 =	simm.s32 @p0 $0x1  }
0x13: {  	[smem:$0x3FA8] =	sst s0;
	s0 =	simm.s32 @!p1 $0x0  }
0x14: {  	s2 =	sld [smem:$0x3F8C];
	s0 =	simm.s32 @p1 $0x1  }
0x15: {  	[smem:$0x3FA9] =	sst s0;
	s0 =	simm.s32 @!p2 $0x0  }
0x16: {  	s3 =	sld [smem:$0x3FDB];
	s0 =	simm.s32 @p2 $0x1  }
0x17: {  	s4 =	simm.s32 $0x1BF5;
	[smem:$0x3FAB] =	sst s0  }
0x18: {  	s0 =	sld [smem:$0x3F8E];
	_ =	swait.ge [sflag:s4], $0x0  }
0x19: {  	s7 =	sld [smem:$0x3F8F]  }
0x1a: {  	s8 =	sadd.s32 $0xFFFFE003, lr  }
0x1b: {  	s9 =	sadd.s32 $0xFFFFFEF7, lr;
	s5 =	simm.s32 $0xFFFFFFFF;
	p2 =	slt.u32 s8, $0xFFFFF086  }
0x1c: {  	p1 =	slt.u32 s9, $0xF7A;
	s5 =	simm.s32 @!p2 $0x0  }
0x1d: {  	s5 =	simm.s32 @p1 $0x1;
	p0 =	seq.s32 s7, s2  }
0x1e: {  	s7 =	smul.u32 @!p0 $0xF7A, s2;
	p2 =	seq.s32 @!p0 s5, $0x0  }
0x1f: {  	s9 =	smul.u32 $0xF7A, s1;
	s8 =	simm.s32 @!p0 $0x1BF5;
	p2 =	por !p2, p0  }
0x20: {  	[sflag:s8] =	ssyncset.s32 @!p0 $0xFFFFF086;
	s6 =	sadd.s32 @!p0 s3, s7;
	s7 =	simm.s32 @!p0 $0x108  }
0x21: {  	s3 =	sadd.s32 s3, s9;
	s6 =	sadd.s32 @!p0 $0x88, s6;
	s7 =	simm.s32 @p2 $0x1082  }
0x22: {  	[simem:s7], [sflag:s8] =	dma.local @!p0 [hbm:s6], $0xF7A  }
0x23: {  	s9 =	sor.u32 $0xD0000000, s2;
	s6 =	simm.s32 $0x108;
	_ =	swait.ge @!p0 [sflag:s8], $0x0  }
0x24: {  	s3 =	sadd.s32 $0x88, s3;
	s6 =	simm.s32 @!p1 $0x1082;
	[sflag:s4] =	ssyncset.s32 $0xFFFFF086  }
0x25: {  	[simem:s6], [sflag:s4] =	dma.local [hbm:s3], $0xF7A  }
0x26: {  	[smem:$0x3F8F] =	sst s1;
	(tag) =	ssettag s2;
	_ =	strace s9  }
0x27: {  	s1 =	sld [smem:$0x3F9F]  }
0x28: {  	s2 =	sld [smem:$0x3FA0]  }
0x29: {  	s4 =	sld [smem:$0x3FA2]  }
0x2a: {  	p0 =	seq.s32 s5, $0x0;
	s5 =	sld [smem:$0x3FA3]  }
0x2b: {  	s6 =	sld [smem:$0x3FA4]  }
0x2c: {  	s7 =	sld [smem:$0x3FA5]  }
0x2d: {  	s3 =	simm.s32 $0x108;
	s8 =	sld [smem:$0x3FA6]  }
0x2e: {  	s3 =	simm.s32 @!p0 $0x1082;
	s9 =	sld [smem:$0x3FA7]  }
0x2f: {  	lr =	sadd.s32 s0, s3;
	s0 =	sld [smem:$0x3F9E]  }
0x30: {  	s3 =	sld [smem:$0x3FA1]  }
0x31: {  	[smem:$0x3FAA] =	sst s10  }
0x32: {  	s10 =	sld [smem:$0x3FA8];
	_ =	sdelay $0x3  }
0x33: {  	p0 =	seq.s32 s10, $0x1;
	s10 =	sld [smem:$0x3FAA];
	_ =	sdelay $0x3  }
0x34: {  	[smem:$0x3FAA] =	sst s10  }
0x35: {  	s10 =	sld [smem:$0x3FA9];
	_ =	sdelay $0x3  }
0x36: {  	p1 =	seq.s32 s10, $0x1;
	s10 =	sld [smem:$0x3FAA];
	_ =	sdelay $0x3  }
0x37: {  	[smem:$0x3FAA] =	sst s10  }
0x38: {  	s10 =	sld [smem:$0x3FAB]  }
0x39: {  	_ = 	snop;
	(pc) =	sbr.ind lr, $3  }
0x3a: {  	_ = 	snop  }
0x3b: {  	_ = 	snop  }
0x3c: {  	p2 =	seq.s32 s10, $0x1;
	s10 =	sld [smem:$0x3FAA]  }
0x3d: {  	_ =	shalt  }
0x3e: {  	_ =	shalt  }
0x3f: {  	_ =	shalt  }
0x40: {  	_ =	shalt  }
0x41: {  	_ =	shalt  }
0x42: {  	_ =	shalt  }
0x43: {  	_ =	shalt  }
0x44: {  	_ =	shalt  }
0x45: {  	_ =	shalt  }
0x46: {  	_ =	shalt  }
0x47: {  	_ =	shalt  }
0x48: {  	_ =	shalt  }
0x49: {  	_ =	shalt  }
0x4a: {  	_ =	shalt  }
0x4b: {  	_ =	shalt  }
0x4c: {  	_ =	shalt  }
0x4d: {  	_ =	shalt  }
0x4e: {  	_ =	shalt  }
0x4f: {  	_ =	shalt  }
0x50: {  	_ =	shalt  }
0x51: {  	_ =	shalt  }
0x52: {  	_ =	shalt  }
0x53: {  	_ =	shalt  }
0x54: {  	_ =	shalt  }
0x55: {  	_ =	shalt  }
0x56: {  	_ =	shalt  }
0x57: {  	_ =	shalt  }
0x58: {  	_ =	shalt  }
0x59: {  	_ =	shalt  }
0x5a: {  	_ =	shalt  }
0x5b: {  	_ =	shalt  }
0x5c: {  	_ =	shalt  }
0x5d: {  	_ =	shalt  }
0x5e: {  	_ =	shalt  }
0x5f: {  	_ =	shalt  }
0x60: {  	_ =	shalt  }
0x61: {  	_ =	shalt  }
0x62: {  	_ =	shalt  }
0x63: {  	_ =	shalt  }
0x64: {  	_ =	shalt  }
0x65: {  	_ =	shalt  }
0x66: {  	_ =	shalt  }
0x67: {  	_ =	shalt  }
0x68: {  	_ =	shalt  }
0x69: {  	_ =	shalt  }
0x6a: {  	_ =	shalt  }
0x6b: {  	_ =	shalt  }
0x6c: {  	_ =	shalt  }
0x6d: {  	_ =	shalt  }
0x6e: {  	_ =	shalt  }
0x6f: {  	_ =	shalt  }
0x70: {  	_ =	shalt  }
0x71: {  	_ =	shalt  }
0x72: {  	_ =	shalt  }
0x73: {  	_ =	shalt  }
0x74: {  	_ =	shalt  }
0x75: {  	_ =	shalt  }
0x76: {  	_ =	shalt  }
0x77: {  	_ =	shalt  }
0x78: {  	_ =	shalt  }
0x79: {  	_ =	shalt  }
0x7a: {  	_ =	shalt  }
0x7b: {  	_ =	shalt  }
0x7c: {  	_ =	shalt  }
0x7d: {  	_ =	shalt  }
0x7e: {  	_ =	shalt  }
0x7f: {  	_ =	shalt  }
0x80: {  	_ =	shalt  }
0x81: {  	_ =	shalt  }
0x82: {  	_ =	shalt  }
0x83: {  	_ =	shalt  }
0x84: {  	_ =	shalt  }
0x85: {  	_ =	shalt  }
0x86: {  	_ =	shalt  }
0x87: {  	_ =	shalt  }
.Lfunc_end0:
.L_simem_size_0:
called_computation_lowered:
.L_overlay_start_0:
0x88: {  	s0 =	sld [smem:$0x3FD9]  }
0x89: {  	s1 =	sld [smem:$0x3FFE];
	_ =	sdelay $0x3  }
0x8a: {  	s0 =	sadd.s32 s1, s0  }
0x8b: {  	[smem:$0x3FB6] =	sst s0  }
0x8c: {  	_ = 	snop  }
0x8d: {  	(tm) =	ssettm $0x1  }
0x8e: {  	s15 =	sld [smem:$0x3FFB];
	_ =	sdelay $0x3  }
0x8f: {  	_ =	strace s15  }
0x90: {  	s0 =	sld [smem:$0x3FFC];
	_ =	sdelay $0x3  }
0x91: {  	_ =	strace s0  }
0x92: {  	s0 =	sld [smem:$0x3FFD];
	_ =	sdelay $0x3  }
0x93: {  	_ =	strace s0  }
0x94: {  	_ =	strace $0x8FFFFFFF  }
0x95: {  	s16 =	sld [smem:$0x3FDB];
	_ =	sdelay $0x1  }
0x96: {  	s17 =	simm.s32 $_scs_section_size  }
0x97: {  	s2 =	simm.s32 $_size__tile_overlayer_lowered;
	s3 =	simm.s32 $_tile_overlayer_lowered  }
0x98: {  	s20 =	simm.s32 $0x1BFF;
	s19 =	sshll.u32 s3, $0x1;
	s0 =	sadd.s32 s17, s16  }
0x99: {  	s4 =	simm.s32 $0x0;
	s18 =	sshll.u32 s2, $0x1;
	s2 =	sadd.s32 s19, s0  }
0x9a: {  	[timem:s4], [sflag:s20] =	dma.local [hbm:s2], s18  }
0x9b: {  	_ =	swait.ge [sflag:s20], s18  }
0x9c: {  	s1 =	ssub.s32 $0x0, s18;
	[sflag:s20] =	ssyncset.done $0x0  }
0x9d: {  	[sflag:s20] =	ssyncadd.s32 s1;
	_ =	sdelay $0x1  }
0x9e: {  	s21 =	simm.s32 $0x1B8B  }
0x9f: {  	_ =	swait.ge [sflag:s21], $0x1  }
0xa0: {  	[sflag:s21] =	ssyncset.done $0x0  }
0xa1: {  	s23 =	simm.s32 $0x1B8E;
	s22 =	sld [smem:$0x3FFE];
	[sflag:s21] =	ssyncadd.s32 $0xFFFFFFFF  }
0xa2: {  	s24 =	simm.s32 $execute0_lowered;
	[smem:$0x3FD2] =	sst s23  }
0xa3: {  	s2 =	sshll.u32 s24, $0x1;
	_ =	strace $0x80000046;
	[dreg:$0x1] =	wrdreg $0xFFFFFFFF  }
0xa4: {  	s25 =	simm.s32 $_size_execute0_lowered;
	s0 =	sadd.s32 s0, s2;
	[dreg:$0x0] =	wrdreg $0x0  }
0xa5: {  	s2 =	sshll.u32 s25, $0x1;
	[dreg:$0x2] =	wrdreg s0  }
0xa6: {  	[dreg:$0x3] =	wrdreg s2  }
0xa7: {  	[dreg:$0x4] =	wrdreg $0xC0  }
0xa8: {  	_ =	task [dreg:s4], $0x5FFFF  }
0xa9: {  	[dreg:$0x1] =	wrdreg $0xFFFFFFFF  }
0xaa: {  	[dreg:$0x0] =	wrdreg $0x60  }
0xab: {  	[dreg:$0x2] =	wrdreg s22  }
0xac: {  	[dreg:$0x3] =	wrdreg $0x9  }
0xad: {  	_ =	task.clear_ibuf [dreg:s4], $0x4FFFF;
	_ =	strace $0x90000046  }
0xae: {  	s26 =	simm.s32 $0x9;
	_ =	strace $0x80000048  }
0xaf: {  	_ =	swait.ge [sflag:s26], $0x1  }
0xb0: {  	[sflag:s26] =	ssyncadd.s32 $0xFFFFFFFF  }
0xb1: {  	_ =	strace $0x90000048  }
0xb2: {  	_ =	sfence  }
0xb3: {  	s28 =	sld [smem:$0x0];
	_ =	sdelay $0x1  }
0xb4: {  	s29 =	srdreg.scid  }
0xb5: {  	s30 =	sshll.u32 s29, $0xD;
	s31 =	sshrl.u32 s29, $0x2  }
0xb6: {  	s1 =	sand.u32 $0x1, s29;
	s2 =	sand.u32 $0x4000, s30;
	s0 =	sadd.s32 s31, s28  }
0xb7: {  	s1 =	sor.u32 s2, s1;
	s0 =	sshll.u32 s0, $0x11  }
0xb8: {  	s0 =	sor.u32 s0, s1  }
0xb9: {  	s0 =	sadd.s32 $0x8F2B, s0  }
0xba: {  	[sflag:s0] =	ssyncadd.remote.s32 $0x1  }
0xbb: {  	_ =	sfence.sel $0xFFFF  }
0xbc: {  	[dreg:$0x0] =	wrdreg $0xFFFFFFFF;
	(pc) =	sbr.abs _section_cstart, $3  }
0xbd: {  	[dreg:$0x1] =	wrdreg $0xFFFFFFFF  }
0xbe: {  	_ =	task.clear_ibuf [dreg:s4], $0x2FFFF;
	_ =	strace $0x9FFFFFFF  }
0xbf: {  	(tm) =	ssettm $0x7FFFFFFF  }
tec
execute0_lowered:
.L_overlay_start_1:
0x0: {  	(tag) =	ssettag $0x1  }
0x1: {  	s0 =	rddreg [dreg:$0x0];
	_ =	strace $0x80000047;
	s15 =	stileid.u32  }
0x2: {  	s2 =	simm.s32 $0x1;
	s1 =	smin.u32 s15, $0x8;
	s3 =	sshll.u32 s15, $0x1  }
0x3: {  	v1 =	vimm.s32 $0xFFFFFFFF;
	[sflag:s2] =	ssyncpa.u1 $0x0;
	s1 =	sadd.s32 s1, s3  }
0x4: {  	p0 =	slt.u32 s15, $0x8;
	[tilespmem:$0x10] =	vst v1;
	s4 =	smul.u32 $0x1F40, s1;
	s1 =	simm.s32 $0x5DC0  }
0x5: {  	v0 =	vimm.f32 $0.0e+00;
	[tilespmem:$0x20] =	vst v1;
	s1 =	simm.s32 @!p0 $0x3E80  }
0x6: {  	[tilespmem:$0x30] =	vst v0;
	s1 =	sadd.s32 s1, s4  }
0x7: {  	[tilespmem:$0x40] =	vst v0;
	s5 =	smin.u32 s1, $0x4E200  }
0x8: {  	s7 =	simm.s32 $0x2;
	s8 =	simm.s32 $0x8;
	[tilespmem:$0x50] =	vst v0;
	s9 =	ssub.s32 s5, s4  }
0x9: {  	s31 =	simm.s32 $0x9;
	s16 =	simm.s32 $0x0;
	[tilespmem:$0x60] =	vst v1;
	p0 =	sgt.s32 s9, $0x0  }
0xa: {  	s17 =	simm.s32 $0xF0;
	s18 =	simm.s32 $0xFFFFFFFF;
	[tilespmem:$0x70] =	vst v1;
	s9 =	simm.s32 @!p0 $0x0  }
0xb: {  	s19 =	simm.s32 $0xFFFFC280;
	s20 =	simm.s32 $0xFFFFFFFE;
	[tilespmem:$0x80] =	vst v1;
	s30 =	smulhi.u32 $0x10624DD3, s9  }
0xc: {  	s21 =	simm.s32 $0xF;
	s25 =	simm.s32 $0x0;
	s24 =	simm.s32 $0x0;
	v1 =	vimm.s32 $0x0;
	[tilespmem:$0xB0] =	vst v0  }
0xd: {  	s6 =	sadd.s32 $0x17200, s0;
	s15 =	sshllo.u32 s15, $0x1;
	[tilespmem:$0x90] =	vst v1;
	s10 =	sshrl.u32 s30, $0x9  }
0xe: {  	[tilespmem:$0xA0] =	vst v1;
	[sflag:s7] =	ssyncpa.u1 $0x0;
	s7 =	simm.s32 $0x7;
	s11 =	smul.u32 $0x1F40, s10  }
.Ltmp0:
0xf: {  	s13 =	sor.u32 $0x80, s3;
	[sflag:s7] =	ssyncpa.u1 $0x0;
	(pc) =	sbr.rel .LBB2_1-.Ltmp0, $4  }
0x10: {  	s14 =	sor.u32 $0x81, s3;
	[sflag:s8] =	ssyncpa.u1 $0x0;
	p0 =	sne.s32 s9, s11  }
0x11: {  	s23 =	smov.u32 s4;
	s1 =	sadd.s32 $0x2C00, s0;
	s2 =	simm.s32 @!p0 $0x0  }
0x12: {  	vm0 =	vmmov $0xffff;
	v2 =	vlaneseq.u32;
	[sflag:s31] =	ssyncpa.u1 $0x0;
	s9 =	sadd.s32 $0x21000, s0;
	s10 =	sadd.s32 s2, s10  }
0x13: {  	vm1 =	vmxor vm1, vm1;
	vm2 =	vmmov $0x1;
	vm3 =	vcmask $0x3F3C;
	p0 =	por $0x0, $0x0;
	s11 =	sadd.s32 $0x1, s10;
	s12 =	sadd.s32 $0x2, s10  }
.LBB2_9:
0x14: {  	p1 =	slt.u32 s24, $0x3  }
0x15: {  	s0 =	simm.s32 @!p1 $0x2  }
0x16: {  	_ =	swait.ge @!p1 [sflag:s0], $0x1F40  }
0x17: {  	[sflag:s0] =	ssyncset.done @!p1 $0x0  }
0x18: {  	[sflag:s0] =	ssyncadd.s32 @!p1 $0xFFFFE0C0;
	s0 =	simm.s32 @!p1 $0x9  }
0x19: {  	_ =	swait.ge @!p1 [sflag:s0], $0x10  }
0x1a: {  	[sflag:s0] =	ssyncset.done @!p1 $0x0  }
0x1b: {  	[sflag:s0] =	ssyncadd.s32 @!p1 $0xFFFFFFF0;
	p1 =	sne.s32 s24, s12  }
.Ltmp1:
0x1c: {  	s2 =	sadd.s32 $0x1F40, s23;
	(pc) =	sbr.rel @!p1 .LBB2_10-.Ltmp1, $4  }
0x1d: {  	s22 =	smov.u32 s4;
	s31 =	sadd.s32 $0x1, s24;
	s17 =	sadd.s32 $0x1F40, s17  }
0x1e: {  	s18 =	sadd.s32 $0x1, s18;
	s25 =	smov.u32 s23;
	p2 =	slt.s32 s2, s5  }
0x1f: {  	p0 =	por !p0, !p0;
	s19 =	sadd.s32 $0x1F40, s19;
	s22 =	smov.u32 @p2 s2  }
0x20: {  	s20 =	sadd.s32 $0x1, s20;
	s23 =	smov.u32 s22;
	s24 =	smov.u32 s31  }
.LBB2_1:
0x21: {  	p1 =	sge.u32 s24, s10  }
0x22: {  	s0 =	smulhi.u32 @!p1 $0xAAAAAAAB, s24;
	_ =	sdelay $0x1  }
0x23: {  	s0 =	sshrl.u32 @!p1 s0, $0x1  }
0x24: {  	s0 =	smul.u32 @!p1 $0x3, s0;
	_ =	sdelay $0x1  }
0x25: {  	s0 =	ssub.s32 @!p1 s24, s0  }
0x26: {  	s0 =	smul.u32 @!p1 $0x7D00, s0;
	_ =	sdelay $0x1  }
0x27: {  	s2 =	sshrl.u32 @!p1 s23, $0x3;
	s0 =	sshrl.u32 @!p1 s0, $0x2  }
0x28: {  	s22 =	sand.u32 @!p1 $0x7, s23;
	s2 =	sadd.s32 @!p1 s6, s2;
	s0 =	sadd.s32 @!p1 $0x100, s0  }
0x29: {  	[tilespmem:s0], [sflag:$0x7] =	stream.linear.gather @!p1 [hbm4b:s2+s22], $0x1F40, $0x38;
	[tilespmem:$0x11A60] =	vst v63  }
0x2a: {  	s0 =	sadd.s32 $0xFFFFFFFF, s24  }
0x2b: {  	p1 =	sge.u32 s0, s10  }
.Ltmp2:
0x2c: {  	_ = 	snop;
	(pc) =	sbr.rel @p1 .LBB2_5-.Ltmp2, $1  }
0x2d: {  	_ =	sdelay $0x3  }
0x2e: {  	s2 =	smulhi.u32 $0xAAAAAAAB, s0;
	_ =	sdelay $0x1  }
0x2f: {  	s2 =	sshrl.u32 s2, $0x1  }
0x30: {  	s2 =	smul.u32 $0x3, s2;
	_ =	sdelay $0x1  }
0x31: {  	s2 =	ssub.s32 s0, s2  }
0x32: {  	s2 =	smul.u32 $0x7D00, s2  }
0x33: {  	_ =	swait.ge [sflag:s7], $0x1F40  }
0x34: {  	[sflag:s7] =	ssyncset.done $0x0;
	s2 =	sshrl.u32 s2, $0x2  }
0x35: {  	[sflag:s7] =	ssyncadd.s32 $0xFFFFE0C0;
	(ifvalue) =	ssetifvalue $0xFFFFFFFF;
	v3 =	vld.msk [tilespmem:s2+$0x100 ss:$0x1], $0xffff;
	_ =	sdelay $0x2  }
0x36: {  	s30 =	smulhi.u32 $0xAAAAAAAB, s18;
	p1 =	sne.s32 s24, $0x1  }
0x37: {  	v4 =	vimm.s32 @!p1 $0x0  }
0x38: {  	s2 =	sshrl.u32 s30, $0x1;
	v4 =	vperm.xlane @!p1 v3, v4  }
0x39: {  	s22 =	sshll.u32 s24, $0x4;
	s2 =	smul.u32 $0xFFFE8900, s2;
	vm4 =	vlt.u32 v3, $0x2800  }
0x3a: {  	s22 =	sand.u32 $0x10, s22;
	v3 =	vnsel vm4, $0xFFFFFFFE, v3;
	vm4 =	vlt.u32 @!p1 v4, $0x2800  }
0x3b: {  	s2 =	sshra.s32 s2, $0x2;
	[tilespmem:s22+$0x60] =	vst v3;
	v3 =	vnsel @!p1 vm4, $0xFFFFFFFE, v4  }
0x3c: {  	s28 =	sadd.s32 s2, s17;
	[tilespmem:$0x80] =	vst @!p1 v3  }
0x3d: {  	v3 =	vld.msk [tilespmem:s28+$0x0 ss:$0x1], $0xffff;
	_ =	sdelay $0x4  }
0x3e: {  	(xrf1) =	vunique.msk.u32 $0xffff, v3;
	_ =	sdelay $0xd  }
0x3f: {  	v4 =	vimm.s32 $0xFFFFFFFF;
	v5, _, _ =	vpop (xrf1)  }
0x40: {  	vm5 =	vne.s32 v3, v4;
	vm4 =	veq.s32 v5, v2  }
0x41: {  	vm6 =	vlt.u32 v3, $0x2800;
	vm4 =	vmand vm5, vm4  }
0x42: {  	vm4 =	vmand vm6, vm4  }
0x43: {  	v4 =	vnsel vm4, $0xFFFFFFFF, v3  }
0x44: {  	s31 =	sand.u32 $0x1, s0  }
0x45: {  	s0 =	simm.s32 $0x1F40;
	p1 =	seq.s32 s31, $0x1  }
0x46: {  	s0 =	simm.s32 @!p1 $0x0  }
0x47: {  	s26 =	sadd.s32 $0x7DF0, s0;
	(ifvalue) =	ssetifvalue $0xFFFFFFFF  }
0x48: {  	v3 =	vperm.xlane v3, v1;
	[tilespmem:s26], [sflag:$0x8] =	stream.indirect_vreg.gather [hbm4b:s1+s16], $0x1, v4, vm0, $0x4038;
	v4 =	vnsel vm6, $0xFFFFFFFE, v4;
	[tilespmem:$0x11A60] =	vst v63  }
0x49: {  	s2 =	simm.s32 $0x0;
	s22 =	sadd.s32 $0xFFFFFFF0, s28;
	[tilespmem:s28+$0x0] =	vst v4  }
.LBB2_3:
0x4a: {  	v4 =	vld.msk [tilespmem:s22+$0x0 ss:$0x1], $0xffff;
	s2 =	sadd.s32 $0x10, s2;
	v5 =	vmov v3;
	s28 =	smov.u32 s22  }
0x4b: {  	p1 =	slt.u32 s2, $0x1F30;
	_ =	sdelay $0x4  }
0x4c: {  	v3 =	vperm.xlane v4, v1;
	(xrf1) =	vunique.msk.u32 $0xffff, v4;
	_ =	sdelay $0xd  }
0x4d: {  	v6, _, _ =	vpop (xrf1)  }
0x4e: {  	vm5 =	vne.s32 v4, v5;
	vm4 =	veq.s32 v6, v2  }
0x4f: {  	vm6 =	vlt.u32 v4, $0x2800;
	vm4 =	vmand vm5, vm4  }
0x50: {  	vm4 =	vmand vm6, vm4  }
0x51: {  	v4 =	vnsel vm4, $0xFFFFFFFF, v4  }
.Ltmp3:
0x52: {  	v5 =	vnsel vm6, $0xFFFFFFFE, v4;
	(pc) =	sbr.rel @p1 .LBB2_3-.Ltmp3, $3  }
0x53: {  	_ =	sdelay $0x1  }
0x54: {  	s22 =	sadd.s32 $0xFFFFFFF0, s22;
	s26 =	sadd.s32 $0xFFFFFFF0, s26;
	(ifvalue) =	ssetifvalue $0xFFFFFFFF  }
0x55: {  	[tilespmem:s26], [sflag:$0x8] =	stream.indirect_vreg.gather [hbm4b:s1+s16], $0x1, v4, vm0, $0x4038;
	[tilespmem:s28+$0x0] =	vst v5  }
0x56: {  	s2 =	sshrl.u32 s25, $0x3  }
0x57: {  	s0 =	sadd.s32 $0x9D40, s0;
	s2 =	sadd.s32 s9, s2  }
0x58: {  	[tilespmem:s0], [sflag:$0x8] =	stream.linear.gather [hbm:s2], $0x1F40, $0x38;
	[tilespmem:$0x11A60] =	vst v63  }
.LBB2_5:
0x59: {  	p1 =	slt.u32 s24, $0x2  }
0x5a: {  	p2 =	sge.u32 @!p1 s24, s12  }
0x5b: {  	p1 =	por p1, p2  }
.Ltmp4:
0x5c: {  	_ = 	snop;
	(pc) =	sbr.rel @p1 .LBB2_9-.Ltmp4, $1  }
0x5d: {  	_ =	sdelay $0x3  }
0x5e: {  	s0 =	sadd.s32 $0xFFFFFFFE, s24  }
0x5f: {  	s2 =	smulhi.u32 $0xAAAAAAAB, s0;
	_ =	sdelay $0x1  }
0x60: {  	s2 =	sshrl.u32 s2, $0x1  }
0x61: {  	s2 =	smul.u32 $0x3, s2;
	_ =	sdelay $0x1  }
0x62: {  	s0 =	ssub.s32 s0, s2  }
0x63: {  	_ =	swait.ge [sflag:s8], $0x3E80;
	s0 =	smul.u32 $0x1F40, s0  }
0x64: {  	p1 =	sne.s32 s24, s11;
	[sflag:s8] =	ssyncset.done $0x0  }
0x65: {  	[sflag:s8] =	ssyncadd.s32 $0xFFFFC180;
	s2 =	sadd.s32 @!p1 $0x203F, s0  }
0x66: {  	[spmem:s14] =	stream.linear.scatter @!p1 [tilespmem:s2], [sflag:$0x1], $0x1, $0x38;
	[tilespmem:$0x11A60] =	vst v63  }
0x67: {  	s2 =	simm.s32 @!p1 $0x1  }
0x68: {  	_ =	swait.ge @!p1 [sflag:s2], $0x1  }
0x69: {  	s22 =	sshll.u32 s24, $0x4;
	[sflag:s2] =	ssyncset.done @!p1 $0x0  }
0x6a: {  	s25 =	sand.u32 $0x10, s22;
	[sflag:s2] =	ssyncadd.s32 @!p1 $0xFFFFFFFF  }
0x6b: {  	s2 =	sxor.u32 $0x10, s25;
	v4 =	vld [tilespmem:s25+$0x10]  }
0x6c: {  	v5 =	vld [tilespmem:s2+$0x60]  }
0x6d: {  	v3 =	vld [tilespmem:$0x80];
	_ =	sdelay $0x2  }
0x6e: {  	(v2sf) =	vpush v4, $0x0  }
0x6f: {  	(v2sf) =	vpush v5, $0x0  }
0x70: {  	(v2sf) =	vpush v3, $0x0;
	_ =	sdelay $0xc  }
0x71: {  	s22 =	spop (v2sf)  }
0x72: {  	s26 =	spop (v2sf)  }
0x73: {  	s28 =	spop (v2sf)  }
0x74: {  	p2 =	seq.s32 s22, s26;
	p3 =	seq.s32 s28, s22  }
0x75: {  	p3 =	por p2, p3  }
0x76: {  	s26 =	sand.u32 $0x1, s24;
	v4 =	vpsel p3, $0xFFFFFFFF, v4  }
0x77: {  	s29 =	smul.u32 $0x1F40, s26;
	[tilespmem:s25+$0x10] =	vst.msk $0x1, v4  }
0x78: {  	v4 =	vld [tilespmem:$0x30]  }
0x79: {  	v5 =	vld [tilespmem:s29+$0x9D40]  }
0x7a: {  	v6 =	vld [tilespmem:s25+$0x40];
	_ =	sdelay $0x3  }
0x7b: {  	vm4 =	vmmov vm1;
	v5 =	vadd.f32 v5, v4  }
0x7c: {  	vm5 =	vmmov vm2;
	vm4 =	vmmov @p2 vm2;
	s22 =	sshll.u32 s26, $0x4;
	v4 =	vadd.f32 v6, v4  }
0x7d: {  	s26 =	sor.u32 $0x11A40, s22;
	vm5 =	vmmov @p3 vm1;
	[tilespmem:s29+$0x9D40] =	vst.msk vm4, v5  }
0x7e: {  	[tilespmem:s26+$0x0] =	vst.msk vm5, v4  }
0x7f: {  	v4 =	vld [tilespmem:s29+$0x7DF0];
	_ =	sdelay $0x3  }
0x80: {  	v5 =	vimm.f32 $0.0e+00  }
0x81: {  	v4 =	vshift.insert v4, v5, s21  }
0x82: {  	s22 =	sor.u32 $0x40, s2  }
0x83: {  	[tilespmem:s22+$0x0] =	vst.msk $0x1, v4  }
0x84: {  	[tilespmem:s29+$0x7DFF] =	vst.msk $0x1, v5  }
0x85: {  	v4 =	vld [tilespmem:s0+$0x2030];
	_ =	sdelay $0x1  }
0x86: {  	s22 =	smulhi.u32 $0xAAAAAAAB, s20;
	s0 =	simm.s32 $0x1  }
0x87: {  	s0 =	simm.s32 @!p0 $0x0  }
0x88: {  	s22 =	sshrl.u32 s22, $0x1;
	s0 =	smul.u32 $0x7D00, s0  }
0x89: {  	s22 =	smul.u32 $0xFFFE8900, s22;
	v4 =	vshift.insert v4, v1, s21  }
0x8a: {  	s0 =	sshrl.u32 s0, $0x2  }
0x8b: {  	s22 =	sshra.s32 s22, $0x2;
	s30 =	sadd.s32 $0x9D40, s0;
	[tilespmem:s2+$0x10] =	vst.msk $0x1, v4  }
0x8c: {  	s22 =	sadd.s32 s22, s19;
	v6 =	vld [tilespmem:s30+$0x0]  }
0x8d: {  	v7 =	vld [tilespmem:s22+$0x0];
	_ =	sdelay $0x3  }
0x8e: {  	v5 =	vadd.f32 v6, v5  }
0x8f: {  	vm4 =	vne.s32 v7, $0xFFFFFFFF  }
0x90: {  	(xrf2) =	vadd.seg.scan.f32 vm4, v5;
	_ =	sdelay $0x3  }
0x91: {  	s31 =	sadd.s32 $0x5EC0, s0;
	v5 =	vperm.xlane v4, v1  }
0x92: {  	v6 =	vld [tilespmem:s31+$0x0]  }
0x93: {  	vm5 =	veq.s32 v7, v3;
	vm6 =	veq.s32 v7, v5  }
0x94: {  	vm7 =	vgt.u32 v7, $0xFFFFFFFD;
	vm6 =	vmor vm6, vm5  }
0x95: {  	vm6 =	vmor vm6, vm7  }
0x96: {  	v9 =	vld [tilespmem:$0xA0];
	v7 =	vsel vm6, $0xFFFFFFFF, v7  }
0x97: {  	v10 =	vld [tilespmem:$0x90];
	v6 =	vsel vm5, $0x0, v6;
	v8, _, _ =	vpop (xrf2)  }
0x98: {  	v6 =	vadd.f32 v8, v6  }
0x99: {  	s0 =	sadd.s32 $0xDBC0, s0  }
0x9a: {  	vm4 =	vmand vm4, vm3;
	[tilespmem:s0+$0x0] =	vst v6;
	(ifvalue) =	ssetifvalue $0xFFFFFFFF  }
0x9b: {  	vm6 =	veq.s32 v9, $0x1;
	[hbm4b:s1+s16] =	stream.indirect_vreg.scatter [tilespmem:s0], [sflag:$0x2], $0x1, v7, vm0, $0x4038;
	v7 =	vsel vm4, $0x0, v8;
	[tilespmem:$0x11A60] =	vst v63  }
0x9c: {  	s2 =	simm.s32 $0x0;
	s22 =	sadd.s32 $0x10, s22;
	vm4 =	vmor vm6, vm5;
	v6 =	vsel vm5, v8, v10;
	v7 =	vshift.insert v7, v0, s21  }
.LBB2_7:
0x9d: {  	v8 =	vld [tilespmem:s22+$0x0];
	s30 =	sadd.s32 $0x10, s30  }
0x9e: {  	s31 =	sadd.s32 $0x10, s31;
	v9 =	vld [tilespmem:s30+$0x0]  }
0x9f: {  	s2 =	sadd.s32 $0x10, s2;
	v10 =	vld [tilespmem:s31+$0x0]  }
0xa0: {  	p2 =	slt.u32 s2, $0x1F30;
	_ =	sdelay $0x2  }
0xa1: {  	v7 =	vadd.f32 v9, v7  }
0xa2: {  	vm5 =	vne.s32 v8, $0xFFFFFFFF  }
0xa3: {  	vm6 =	vmand vm5, vm3;
	(xrf2) =	vadd.seg.scan.f32 vm5, v7;
	_ =	sdelay $0x5  }
0xa4: {  	vm7 =	veq.s32 v8, v5;
	vm5 =	veq.s32 v8, v3  }
0xa5: {  	vm8 =	vgt.u32 v8, $0xFFFFFFFD;
	vm4 =	vmor vm4, vm5;
	vm7 =	vmor vm7, vm5  }
0xa6: {  	vm7 =	vmor vm7, vm8  }
0xa7: {  	v8 =	vsel vm7, $0xFFFFFFFF, v8  }
.Ltmp5:
0xa8: {  	v7 =	vsel vm5, $0x0, v10;
	v9, _, _ =	vpop (xrf2);
	(pc) =	sbr.rel @p2 .LBB2_7-.Ltmp5, $4  }
0xa9: {  	v6 =	vsel vm5, v9, v6;
	v10 =	vadd.f32 v9, v7;
	v7 =	vsel vm6, $0x0, v9  }
0xaa: {  	s0 =	sadd.s32 $0x10, s0;
	v7 =	vshift.insert v7, v0, s21  }
0xab: {  	s22 =	sadd.s32 $0x10, s22;
	[tilespmem:s0+$0x0] =	vst v10;
	(ifvalue) =	ssetifvalue $0xFFFFFFFF  }
0xac: {  	[hbm4b:s1+s16] =	stream.indirect_vreg.scatter [tilespmem:s0], [sflag:$0x2], $0x1, v8, vm0, $0x4038;
	[tilespmem:$0x11A60] =	vst v63  }
0xad: {  	v3 =	vld [tilespmem:s29+$0xFAF0];
	_ =	sdelay $0x4  }
0xae: {  	v3 =	vshift.insert v3, v0, s21  }
0xaf: {  	s0 =	simm.s32 $0x30  }
0xb0: {  	[tilespmem:s0+$0x0] =	vst.msk $0x1, v3  }
0xb1: {  	v3 =	vsel vm4, $0x1, v1;
	[tilespmem:$0x90] =	vst v6  }
0xb2: {  	s0 =	sadd.s32 @!p1 $0xFAFF, s29;
	[tilespmem:$0xA0] =	vst v3  }
0xb3: {  	[spmem:s15] =	stream.linear.scatter @!p1 [tilespmem:s0], [sflag:$0x1], $0x1, $0x38;
	[tilespmem:$0x11A60] =	vst v63  }
0xb4: {  	s0 =	simm.s32 @!p1 $0x1  }
0xb5: {  	v3 =	vmctz.xlane @!p1 vm4;
	_ =	swait.ge @!p1 [sflag:s0], $0x1  }
0xb6: {  	(v2sf) =	vpush @!p1 v4, $0x0  }
0xb7: {  	(v2sf) =	vpush @!p1 v3, $0x0;
	_ =	sdelay $0xd  }
0xb8: {  	s2 =	spop @!p1 (v2sf)  }
0xb9: {  	s22 =	spop @!p1 (v2sf)  }
0xba: {  	p2 =	sne.s32 @!p1 s28, s2;
	p3 =	slt.s32 @!p1 s22, $0xF  }
0xbb: {  	[sflag:s0] =	ssyncset.done @!p1 $0x0;
	p2 =	por p2, p1;
	p3 =	por !p3, p1  }
0xbc: {  	[sflag:s0] =	ssyncadd.s32 @!p1 $0xFFFFFFFF;
	v3 =	vimm.s32 @!p2 $0xFFFFFFFF;
	s22 =	simm.s32 @p3 $0xF  }
0xbd: {  	[tilespmem:$0x80] =	vst @!p2 v3;
	s2 =	sadd.s32 @!p1 $0x90, s22  }
0xbe: {  	[spmem:s3] =	stream.linear.scatter @!p1 [tilespmem:s2], [sflag:$0x1], $0x1, $0x38;
	[tilespmem:$0x11A60] =	vst v63  }
0xbf: {  	_ =	swait.ge @!p1 [sflag:s0], $0x1  }
0xc0: {  	[sflag:s0] =	ssyncset.done @!p1 $0x0  }
0xc1: {  	s2 =	simm.s32 @!p1 $0x80;
	[sflag:s0] =	ssyncadd.s32 @!p1 $0xFFFFFFFF  }
0xc2: {  	[spmem:s13] =	stream.linear.scatter @!p1 [tilespmem:s2], [sflag:$0x1], $0x1, $0x38;
	[tilespmem:$0x11A60] =	vst v63  }
0xc3: {  	_ =	swait.ge @!p1 [sflag:s0], $0x1  }
0xc4: {  	[sflag:s0] =	ssyncset.done @!p1 $0x0  }
0xc5: {  	[sflag:s0] =	ssyncadd.s32 @!p1 $0xFFFFFFFF;
	(ifvalue) =	ssetifvalue $0xFFFFFFFF;
	v3 =	vld [tilespmem:s25+$0x10];
	_ =	sdelay $0x3  }
.Ltmp6:
0xc6: {  	_ = 	snop;
	(pc) =	sbr.rel .LBB2_9-.Ltmp6, $3  }
0xc7: {  	_ =	sdelay $0x1  }
0xc8: {  	(ifvalue) =	ssetifvalue $0xFFFFFFFF  }
0xc9: {  	[hbm4b:s1+s16] =	stream.indirect_vreg.scatter [tilespmem:s26], [sflag:$0x9], $0x1, v3, vm0, $0x4038;
	[tilespmem:$0x11A60] =	vst v63  }
.LBB2_10:
0xca: {  	_ =	sfence.sel $0x180000  }
0xcb: {  	s0 =	simm.s32 $0x7;
	[bflag:$0x0] =	sbarrier.arrive $0xFFFF  }
0xcc: {  	s26 =	simm.s32 $0x8;
	[sflag:s0] =	ssyncpa.u1 $0x1  }
0xcd: {  	s28 =	simm.s32 $0x9;
	[sflag:s26] =	ssyncpa.u1 $0x1  }
0xce: {  	[sflag:s28] =	ssyncpa.u1 $0x1  }
0xcf: {  	_ =	sfence.stream.spmem  }
0xd0: {  	s29 =	simm.s32 $0x3;
	[bflag:$0x0] =	sbarrier.arrive $0xFFFF  }
0xd1: {  	s30 =	simm.s32 $0x4;
	[sflag:s29] =	ssyncpa.u1 $0x1  }
0xd2: {  	s31 =	simm.s32 $0x3C;
	s2 =	stileid.u32;
	[sflag:s30] =	ssyncpa.u1 $0x1  }
0xd3: {  	p0 =	sne.s32 s2, $0x0;
	[sflag:s31] =	ssyncpa.u1 $0x1  }
0xd4: {  	s0 =	simm.s32 @p0 $0x1;
	_ =	sfence @p0  }
0xd5: {  	[sflag:s0] =	ssyncpa.u1 @p0 $0x1;
	s0 =	simm.s32 @p0 $0x2  }
0xd6: {  	[sflag:s0] =	ssyncpa.u1 @p0 $0x1  }
0xd7: {  	_ =	strace @p0 $0x90000047  }
0xd8: {  	[bflag:$0x2] =	sbarrier.arrive @p0 $0xFFFF  }
0xd9: {  	_ =	shalt @p0  }
.LBB2_11:
0xda: {  	_ =	sfence.stream.spmem;
	s0 =	simm.s32 $0x5  }
0xdb: {  	s2 =	simm.s32 $0x80;
	s3 =	simm.s32 $0xC0;
	[sflag:s0] =	ssyncpa.u1 $0x0  }
0xdc: {  	[tilespmem:s3], [sflag:$0x5] =	stream.linear.gather [spmem:s2], $0x20, $0x38;
	[tilespmem:$0x11A60] =	vst v63  }
0xdd: {  	s2 =	simm.s32 $0x0;
	s3 =	simm.s32 $0xE0  }
0xde: {  	[tilespmem:s3], [sflag:$0x5] =	stream.linear.gather [spmem:s2], $0x20, $0x38;
	[tilespmem:$0x11A60] =	vst v63  }
.Ltmp7:
0xdf: {  	_ = 	snop;
	(pc) =	sbr.rel .LBB2_12-.Ltmp7, $4  }
0xe0: {  	_ =	swait.ge [sflag:s0], $0x40  }
0xe1: {  	[sflag:s0] =	ssyncset.done $0x0  }
0xe2: {  	s31 =	simm.s32 $0x6;
	[sflag:s0] =	ssyncadd.s32 $0xFFFFFFC0  }
0xe3: {  	s4 =	simm.s32 $0x0;
	[sflag:s31] =	ssyncpa.u1 $0x0  }
.LBB2_17:
0xe4: {  	p0 =	sgt.u32 s5, $0x27FF  }
0xe5: {  	s0 =	sshrl.u32 @!p0 s5, $0x3  }
0xe6: {  	s5 =	sand.u32 @!p0 $0x7, s5;
	s6 =	simm.s32 @!p0 $0xB0;
	s0 =	sadd.s32 @!p0 s1, s0  }
0xe7: {  	[tilespmem:s6], [sflag:$0x6] =	stream.linear.gather @!p0 [hbm4b:s0+s5], $0x1, $0x38;
	[tilespmem:$0x11A60] =	vst v63  }
0xe8: {  	s0 =	simm.s32 @!p0 $0x6  }
0xe9: {  	_ =	swait.ge @!p0 [sflag:s0], $0x1  }
0xea: {  	[sflag:s0] =	ssyncset.done @!p0 $0x0  }
0xeb: {  	[sflag:s0] =	ssyncadd.s32 @!p0 $0xFFFFFFFF  }
0xec: {  	v2 =	vmov @!p0 s4;
	v1 =	vld.msk @!p0 [tilespmem:$0xB0], $0x1;
	_ =	sdelay $0x3  }
0xed: {  	s0 =	simm.s32 @!p0 $0xE0  }
0xee: {  	[tilespmem:v2+s0+$0x0], v1 =	vst.idx.ret.add.f32.msk @!p0 $0x1, v1  }
0xef: {  	[tilespmem:s2+$0xC0] =	vst.msk $0x1, v0  }
0xf0: {  	v0 =	vld.msk [tilespmem:s4+$0xE0], $0x1;
	_ =	sdelay $0x4  }
0xf1: {  	[tilespmem:s2+$0xE0] =	vst.msk $0x1, v0;
	s2 =	sadd.s32 $0x1, s2  }
.LBB2_19:
0xf2: {  	s4 =	sadd.s32 $0x1, s4  }
0xf3: {  	p0 =	sne.s32 s4, $0x20  }
.Ltmp8:
0xf4: {  	_ = 	snop;
	(pc) =	sbr.rel @!p0 .LBB2_20-.Ltmp8, $1  }
0xf5: {  	_ =	sdelay $0x3  }
.LBB2_12:
0xf6: {  	v0 =	vld.msk [tilespmem:s4+$0xC0], $0x1;
	_ =	sdelay $0x4  }
0xf7: {  	(v2sf) =	vpush v0, $0x0;
	_ =	sdelay $0xe  }
0xf8: {  	s5 =	spop (v2sf)  }
0xf9: {  	p0 =	seq.s32 s5, $0xFFFFFFFF  }
.Ltmp9:
0xfa: {  	_ = 	snop;
	(pc) =	sbr.rel @p0 .LBB2_19-.Ltmp9, $1  }
0xfb: {  	_ =	sdelay $0x3  }
0xfc: {  	p0 =	slt.s32 s2, $0x1  }
.Ltmp10:
0xfd: {  	_ = 	snop;
	(pc) =	sbr.rel @p0 .LBB2_17-.Ltmp10, $1  }
0xfe: {  	_ =	sdelay $0x3  }
0xff: {  	s0 =	simm.s32 $0xC0;
	p0 =	por $0x0, $0x0  }
0x100: {  	v1 =	vld.msk @!p0 [tilespmem:s0+$0x0], $0x1;
	_ =	sdelay $0x4  }
0x101: {  	(v2sf) =	vpush @!p0 v1, $0x0;
	_ =	sdelay $0xd  }
0x102: {  	p2 =	sne.s32 s2, $0x1  }
.Ltmp11:
0x103: {  	s6 =	spop @!p0 (v2sf);
	(pc) =	sbr.rel @!p2 .LBB2_16-.Ltmp11, $4  }
0x104: {  	p1 =	seq.s32 @!p0 s5, s6  }
0x105: {  	s6 =	simm.s32 $0x0;
	p1 =	por !p1, p0  }
0x106: {  	s8 =	simm.s32 $0xFFFFFFFF;
	s6 =	simm.s32 @p1 $0xFFFFFFFF  }
0x107: {  	s7 =	simm.s32 $0x1;
	s6 =	smov.u32 @p0 s8  }
.LBB2_15:
0x108: {  	s8 =	smov.u32 s6;
	p0 =	sne.s32 s6, $0xFFFFFFFF  }
0x109: {  	s0 =	sadd.s32 $0x1, s0;
	s6 =	smov.u32 s7;
	s7 =	sadd.s32 $0x1, s7  }
0x10a: {  	p1 =	sne.s32 s2, s7;
	v1 =	vld.msk @!p0 [tilespmem:s0+$0x0], $0x1;
	_ =	sdelay $0x4  }
0x10b: {  	(v2sf) =	vpush @!p0 v1, $0x0;
	_ =	sdelay $0xe  }
.Ltmp12:
0x10c: {  	s9 =	spop @!p0 (v2sf);
	(pc) =	sbr.rel @p1 .LBB2_15-.Ltmp12, $4  }
0x10d: {  	p2 =	seq.s32 @!p0 s5, s9  }
0x10e: {  	p2 =	por !p2, p0  }
0x10f: {  	s6 =	simm.s32 @p2 $0xFFFFFFFF  }
0x110: {  	s6 =	smov.u32 @p0 s8  }
.LBB2_16:
0x111: {  	p0 =	sne.s32 s6, $0xFFFFFFFF  }
.Ltmp13:
0x112: {  	_ = 	snop;
	(pc) =	sbr.rel @!p0 .LBB2_17-.Ltmp13, $1  }
0x113: {  	_ =	sdelay $0x3  }
0x114: {  	v0 =	vld.msk [tilespmem:s4+$0xE0], $0x1;
	v1 =	vmov s6  }
.Ltmp14:
0x115: {  	_ = 	snop;
	(pc) =	sbr.rel .LBB2_19-.Ltmp14, $2  }
0x116: {  	_ =	sdelay $0x2  }
0x117: {  	[tilespmem:v1+s3+$0x0], v0 =	vst.idx.ret.add.f32.msk $0x1, v0  }
.LBB2_20:
0x118: {  	p0 =	slt.s32 s2, $0x1  }
.Ltmp15:
0x119: {  	_ = 	snop;
	(pc) =	sbr.rel @p0 .LBB2_24-.Ltmp15, $3  }
0x11a: {  	_ =	sdelay $0x1  }
0x11b: {  	s0 =	simm.s32 $0x6  }
0x11c: {  	s3 =	simm.s32 $0x0;
	[sflag:s0] =	ssyncpa.u1 $0x1  }
0x11d: {  	s0 =	simm.s32 $0xC0  }
0x11e: {  	v0 =	vld.msk [tilespmem:s0+$0x0], $0x1;
	_ =	sdelay $0x4  }
0x11f: {  	(v2sf) =	vpush v0, $0x0;
	_ =	sdelay $0xe  }
0x120: {  	s2 =	sadd.s32 $0xFFFFFFFF, s2;
	s4 =	spop (v2sf)  }
0x121: {  	p1 =	sne.s32 s2, $0x0;
	p0 =	sgt.u32 s4, $0x27FF  }
.Ltmp16:
0x122: {  	s5 =	sshrl.u32 @!p0 s4, $0x3;
	(pc) =	sbr.rel @!p1 .LBB2_23-.Ltmp16, $4  }
0x123: {  	s0 =	simm.s32 $0xE0;
	s4 =	sand.u32 @!p0 $0x7, s4;
	s5 =	sadd.s32 @!p0 s1, s5  }
0x124: {  	[hbm4b:s5+s4] =	stream.linear.scatter @!p0 [tilespmem:s0], [sflag:$0x5], $0x1, $0x38;
	[tilespmem:$0x11A60] =	vst v63  }
0x125: {  	s5 =	simm.s32 $0x0  }
0x126: {  	s4 =	simm.s32 $0xC1;
	s5 =	simm.s32 @!p0 $0x4  }
.LBB2_22:
0x127: {  	v0 =	vld.msk [tilespmem:s4+$0x0], $0x1;
	s2 =	sadd.s32 $0xFFFFFFFF, s2;
	s3 =	sadd.s32 s3, s5  }
0x128: {  	p0 =	sne.s32 s2, $0x0;
	_ =	sdelay $0x3  }
0x129: {  	(v2sf) =	vpush v0, $0x0;
	_ =	sdelay $0xe  }
.Ltmp17:
0x12a: {  	s6 =	spop (v2sf);
	(pc) =	sbr.rel @p0 .LBB2_22-.Ltmp17, $4  }
0x12b: {  	s5 =	simm.s32 $0x0;
	p1 =	sgt.u32 s6, $0x27FF  }
0x12c: {  	s0 =	sadd.s32 $0x1, s0;
	s5 =	simm.s32 @!p1 $0x4;
	s7 =	sshrl.u32 @!p1 s6, $0x3  }
0x12d: {  	s4 =	sadd.s32 $0x1, s4;
	s6 =	sand.u32 @!p1 $0x7, s6;
	s7 =	sadd.s32 @!p1 s1, s7  }
0x12e: {  	[hbm4b:s7+s6] =	stream.linear.scatter @!p1 [tilespmem:s0], [sflag:$0x5], $0x1, $0x38;
	[tilespmem:$0x11A60] =	vst v63  }
.LBB2_23:
0x12f: {  	s0 =	sadd.s32 s3, s5  }
0x130: {  	s3 =	sshrl.u32 s0, $0x2  }
.LBB2_24:
0x131: {  	s0 =	simm.s32 $0x5  }
0x132: {  	_ =	swait.ge [sflag:s0], s3  }
0x133: {  	s1 =	ssub.s32 $0x0, s3;
	[sflag:s0] =	ssyncset.done $0x0  }
0x134: {  	[sflag:s0] =	ssyncadd.s32 s1  }
0x135: {  	[sflag:s0] =	ssyncpa.u1 $0x1  }
0x136: {  	s29 =	simm.s32 $0x1;
	_ =	sfence  }
0x137: {  	s30 =	simm.s32 $0x2;
	[sflag:s29] =	ssyncpa.u1 $0x1  }
0x138: {  	[sflag:s30] =	ssyncpa.u1 $0x1  }
0x139: {  	_ =	strace $0x90000047  }
0x13a: {  	[bflag:$0x2] =	sbarrier.arrive $0xFFFF  }
0x13b: {  	s31 =	rddreg [dreg:$0x1]  }
0x13c: {  	s0 =	sadd.s32 $0x100000, s31  }
0x13d: {  	[sflag:s0] =	ssyncadd.tile.s32 $0x1;
	_ =	shalt  }
.Lfunc_end2:
_tile_overlayer_lowered:
.L_overlay_start_2:
0x13e: {  	(tag) =	ssettag $0x2  }
0x13f: {  	s0 =	rddreg [dreg:$0x0];
	s2 =	stileid.u32  }
0x140: {  	s1 =	rddreg [dreg:$0x1];
	p0 =	sne.s32 s2, $0x0  }
0x141: {  	s3 =	rddreg [dreg:$0x2];
	[bflag:$0x3] =	sbarrier.arrive $0xFFFF;
	s2 =	simm.s32 @!p0 $0x1C01  }
0x142: {  	[timem:s3], [sflag:s2] =	dma.local @!p0 [hbm:s0], s1  }
0x143: {  	s0 =	simm.s32 @!p0 $0x1  }
0x144: {  	_ =	swait.ge @!p0 [sflag:s0], s1  }
0x145: {  	s1 =	ssub.s32 @!p0 $0x0, s1;
	[sflag:s0] =	ssyncset.done @!p0 $0x0  }
0x146: {  	[sflag:s0] =	ssyncadd.s32 @!p0 s1  }
0x147: {  	[bflag:$0x3] =	sbarrier.arrive $0xFFFF  }
0x148: {  	_ =	shalt  }

</sc_bundles>
